<compile_context>
chip_gen: v7x
topology: tpu7x:2x2x1
jax: 0.10.2.dev20260603
libtpu: 0.0.44.dev20260713+nightly
codegen_flags: <defaults>
</compile_context>

<pallas_src>
import jax
import jax.numpy as jnp
from jax import lax
from jax.experimental import pallas as pl
from jax.experimental.pallas import tpu as pltpu
from jax.experimental.pallas import tpu_sc as plsc

N = 10000
E = 320000
NFEAT = 128
NHID = 128
NHEADS = 4
DH = 32
ALPHA = 0.2

NC = 2
NS = 16
NW = NC * NS
EPW = E // NW
CH = 80
NCHUNK = EPW // CH
NP = 10240
RPT = NP // NS
WEXT = NHID + 16



def _proj_body(x_ref, wt_ref, b_ref, a_ref, ab_ref, wh_ref, ssrc_ref, sdst_ref):
    wh = jnp.dot(x_ref[...], wt_ref[...], preferred_element_type=jnp.float32)
    wh = wh + b_ref[...]
    s = jnp.dot(wh, a_ref[...], preferred_element_type=jnp.float32) + ab_ref[...]
    z = jnp.zeros((s.shape[0], 12), jnp.float32)
    wh_ref[...] = wh
    ssrc_ref[...] = jnp.concatenate([s[:, 0:4], z], axis=1)
    sdst_ref[...] = jnp.concatenate([s[:, 4:8], z], axis=1)


def _projection(x, wt, bvec, amat, abvec):
    blk = 400
    grid = (N // blk,)
    return pl.pallas_call(
        _proj_body,
        grid=grid,
        in_specs=[
            pl.BlockSpec((blk, NFEAT), lambda i: (i, 0)),
            pl.BlockSpec((NFEAT, NHID), lambda i: (0, 0)),
            pl.BlockSpec((1, NHID), lambda i: (0, 0)),
            pl.BlockSpec((NHID, 8), lambda i: (0, 0)),
            pl.BlockSpec((1, 8), lambda i: (0, 0)),
        ],
        out_specs=[
            pl.BlockSpec((blk, NHID), lambda i: (i, 0)),
            pl.BlockSpec((blk, 16), lambda i: (i, 0)),
            pl.BlockSpec((blk, 16), lambda i: (i, 0)),
        ],
        out_shape=[
            jax.ShapeDtypeStruct((N, NHID), jnp.float32),
            jax.ShapeDtypeStruct((N, 16), jnp.float32),
            jax.ShapeDtypeStruct((N, 16), jnp.float32),
        ],
    )(x, wt, bvec, amat, abvec)



def _lane_bcast(pv, h):
    return lax.gather(
        pv,
        jnp.full((16, 1), h, jnp.int32),
        lax.GatherDimensionNumbers(
            offset_dims=(), collapsed_slice_dims=(0,), start_index_map=(0,)
        ),
        slice_sizes=(1,),
        mode=lax.GatherScatterMode.PROMISE_IN_BOUNDS,
    )


def _edge_body(ei_hbm, wh_hbm, ssrc_hbm, sdst_hbm, outp_hbm, denp_hbm,
               isb0, isb1, isb2, isb3, idb0, idb1, idb2, idb3,
               ss0, ss1, sd0, sd1, rows0, rows1, p,
               out_sh, den_sh,
               isem0, isem1, isem2, isem3, gsem0, gsem1, ssem0, ssem1):
    c = lax.axis_index("c")
    s = lax.axis_index("s")
    wid = s * NC + c
    isb = (isb0, isb1, isb2, isb3)
    idb = (idb0, idb1, idb2, idb3)
    sd = (sd0, sd1)
    rows = (rows0, rows1)
    ss = (ss0, ss1)
    isem = (isem0, isem1, isem2, isem3)
    gsem = (gsem0, gsem1)
    ssem = (ssem0, ssem1)

    def zr(i, carry):
        for jj in range(NHID // 16):
            rows0[i, pl.ds(jj * 16, 16)] = jnp.zeros((16,), jnp.float32)
        p[i, :] = jnp.zeros((16,), jnp.float32)
        return carry

    lax.fori_loop(0, CH, zr, 0)
    for t in range(RPT // CH):
        pltpu.sync_copy(rows0, out_sh.at[pl.ds(s * RPT + t * CH, CH)])
        pltpu.sync_copy(p, den_sh.at[pl.ds(s * RPT + t * CH, CH)])
    plsc.subcore_barrier()

    def issue_idx(ci, ib):
        base = wid * EPW + ci * CH
        pltpu.async_copy(ei_hbm.at[0].at[pl.ds(base, CH)], isb[ib], isem[ib])
        pltpu.async_copy(ei_hbm.at[1].at[pl.ds(base, CH)], idb[ib], isem[ib])

    def wait_idx(ib):
        pltpu.make_async_copy(ei_hbm.at[0].at[pl.ds(0, CH)], isb[ib], isem[ib]).wait()
        pltpu.make_async_copy(ei_hbm.at[1].at[pl.ds(0, CH)], idb[ib], isem[ib]).wait()

    def issue_gathers(db, ib):
        pltpu.async_copy(wh_hbm.at[isb[ib]], rows[db], gsem[db])
        pltpu.async_copy(ssrc_hbm.at[isb[ib]], ss[db], gsem[db])
        pltpu.async_copy(sdst_hbm.at[idb[ib]], sd[db], gsem[db])

    def wait_gathers(db, ib):
        pltpu.make_async_copy(wh_hbm.at[isb[ib]], rows[db], gsem[db]).wait()
        pltpu.make_async_copy(ssrc_hbm.at[isb[ib]], ss[db], gsem[db]).wait()
        pltpu.make_async_copy(sdst_hbm.at[idb[ib]], sd[db], gsem[db]).wait()

    def compute(db):
        @plsc.parallel_loop(0, CH, unroll=2)
        def body(e):
            sv = ss[db][e, :] + sd[db][e, :]
            ev = jnp.maximum(sv, ALPHA * sv)
            pv = jnp.exp(ev)
            p[e, :] = pv
            for j in range(8):
                w = _lane_bcast(pv, j // 2)
                js = pl.ds(j * 16, 16)
                rows[db][e, js] = rows[db][e, js] * w

    def wait_scatter(db, ib):
        pltpu.make_async_copy(rows[db], out_sh.at[idb[ib]], ssem[db]).wait()

    def process(ci, k, ws, pg, pi):
        db = k & 1
        ib_next = (k + 1) % 4
        ib_nn = (k + 2) % 4
        wait_gathers(db, k)
        if ws:
            wait_scatter(1 - db, (k + 3) % 4)
        if pg:
            wait_idx(ib_next)
            issue_gathers(1 - db, ib_next)
        compute(db)
        pltpu.sync_copy(p, den_sh.at[idb[k]], add=True)
        pltpu.async_copy(rows[db], out_sh.at[idb[k]], ssem[db], add=True)
        if pi:
            issue_idx(ci + 2, ib_nn)

    issue_idx(0, 0)
    issue_idx(1, 1)
    wait_idx(0)
    issue_gathers(0, 0)
    process(0, 0, False, True, True)
    process(1, 1, True, True, True)
    process(2, 2, True, True, True)
    process(3, 3, True, True, True)

    def outer(i, carry):
        c0 = 4 * i
        for k in range(4):
            process(c0 + k, k, True, True, True)
        return carry

    lax.fori_loop(1, NCHUNK // 4, outer, 0)
    process(NCHUNK - 1, 0, True, False, False)
    wait_scatter(0, 0)
    plsc.subcore_barrier()

    sl = pl.ds(s * RPT, RPT)
    pltpu.sync_copy(out_sh.at[sl], outp_hbm.at[c].at[sl])
    pltpu.sync_copy(den_sh.at[sl], denp_hbm.at[c].at[sl])


def _edge_pass(ei, wh, ssrc, sdst):
    mesh = plsc.VectorSubcoreMesh(
        core_axis_name="c", subcore_axis_name="s", num_cores=NC, num_subcores=NS
    )
    f = pl.kernel(
        _edge_body,
        out_type=[
            jax.ShapeDtypeStruct((NC, NP, NHID), jnp.float32),
            jax.ShapeDtypeStruct((NC, NP, 16), jnp.float32),
        ],
        mesh=mesh,
        compiler_params=pltpu.CompilerParams(use_tc_tiling_on_sc=False),
        scratch_types=(
            [pltpu.VMEM((CH,), jnp.int32)] * 8
            + [pltpu.VMEM((CH, 16), jnp.float32)] * 4
            + [pltpu.VMEM((CH, NHID), jnp.float32)] * 2
            + [pltpu.VMEM((CH, 16), jnp.float32)]
            + [
                pltpu.VMEM_SHARED((NP, NHID), jnp.float32),
                pltpu.VMEM_SHARED((NP, 16), jnp.float32),
            ]
            + [pltpu.SemaphoreType.DMA] * 8
        ),
    )
    return f(ei, wh, ssrc, sdst)



def _combine_body(outp_ref, denp_ref, o_ref):
    num = outp_ref[0] + outp_ref[1]
    d = denp_ref[0][:, 0:4] + denp_ref[1][:, 0:4]
    d = jnp.where(d > 0.0, d, 1.0)
    dfull = jnp.concatenate(
        [jnp.broadcast_to(d[:, h:h + 1], (num.shape[0], DH)) for h in range(NHEADS)],
        axis=1,
    )
    o_ref[...] = num / dfull


def _combine(outp, denp):
    blk = 400
    grid = (N // blk,)
    return pl.pallas_call(
        _combine_body,
        grid=grid,
        in_specs=[
            pl.BlockSpec((NC, blk, NHID), lambda i: (0, i, 0)),
            pl.BlockSpec((NC, blk, 16), lambda i: (0, i, 0)),
        ],
        out_specs=pl.BlockSpec((blk, NHID), lambda i: (i, 0)),
        out_shape=jax.ShapeDtypeStruct((N, NHID), jnp.float32),
    )(outp, denp)



@jax.jit
def kernel(x, edge_index, W_w, W_b, a_w, a_b):
    ei = edge_index.astype(jnp.int32)

    wt = jnp.transpose(W_w, (2, 0, 1)).reshape(NFEAT, NHID)
    bvec = W_b.reshape(1, NHID)
    amat = jnp.zeros((NHID, 8), jnp.float32)
    for h in range(NHEADS):
        amat = amat.at[h * DH:(h + 1) * DH, h].set(a_w[h, 0, :DH])
        amat = amat.at[h * DH:(h + 1) * DH, 4 + h].set(a_w[h, 0, DH:])
    abvec = jnp.concatenate([jnp.zeros((4,), jnp.float32), a_b[:, 0]]).reshape(1, 8)

    wh, ssrc, sdst = _projection(x, wt, bvec, amat, abvec)
    outp, denp = _edge_pass(ei, wh, ssrc, sdst)
    return _combine(outp, denp)

# --- scband reference (transcript-rebuilt; emitter-appended) ---
"""Pipeline reference for scband-gat-36009005809883 (READ-ONLY COPY).

The authoritative reference and input builder live on the scoring server;
editing this copy changes nothing except your own understanding.
"""

import jax, jax.numpy as jnp
import numpy as np

N = 10000
E = 320000
NFEAT = 128
NHID = 128
NHEADS = 4
DH = NHID // NHEADS  # 32 per head
ALPHA = 0.2


def _xavier(key, shape, gain=1.414):
    fan_in, fan_out = shape[1], shape[0]
    a = gain * np.sqrt(6.0 / (fan_in + fan_out))
    return jax.random.uniform(key, shape, dtype=jnp.float32, minval=-a, maxval=a)


def setup_inputs(seed: int = 0) -> dict:
    key = jax.random.key(seed)
    k_x, k_e, k_w, k_wb, k_a, k_ab = jax.random.split(key, 6)
    x = jax.random.normal(k_x, (N, NFEAT), dtype=jnp.float32)
    edge_index = jax.random.randint(k_e, (2, E), 0, N, dtype=jnp.int64)
    # per-head Linear W: weight [DH, NFEAT], bias [DH]  (xavier_uniform gain=1.414 per module)
    W_w = jnp.stack([_xavier(jax.random.fold_in(k_w, i), (DH, NFEAT)) for i in range(NHEADS)])
    W_b = jnp.zeros((NHEADS, DH), dtype=jnp.float32)
    # per-head attention a: weight [1, 2*DH], bias [1]
    a_w = jnp.stack([_xavier(jax.random.fold_in(k_a, i), (1, 2 * DH)) for i in range(NHEADS)])
    a_b = jnp.zeros((NHEADS, 1), dtype=jnp.float32)
    return {"x": x, "edge_index": edge_index, "W_w": W_w, "W_b": W_b, "a_w": a_w, "a_b": a_b}


def reference(x, edge_index, W_w, W_b, a_w, a_b):
    # Faithful GAT forward (single layer, nheads heads, concat), dropout=0 (eval).
    src = edge_index[0]
    dst = edge_index[1]
    outs = []
    for h in range(NHEADS):
        Wh = x @ W_w[h].T + W_b[h]                       # [N, DH]  (nn.Linear)
        Wh_src = jnp.take(Wh, src, axis=0)               # gather   [E, DH]
        Wh_dst = jnp.take(Wh, dst, axis=0)               # gather   [E, DH]
        cat = jnp.concatenate([Wh_src, Wh_dst], axis=1)  # [E, 2*DH]
        e = cat @ a_w[h].T + a_b[h]                      # [E, 1]
        e = jax.nn.leaky_relu(e, negative_slope=ALPHA)[:, 0]  # [E]
        # softmax over incoming edges per destination node (mailbox softmax)
        m = jax.ops.segment_max(e, dst, num_segments=N)
        m = jax.lax.stop_gradient(m)
        exp_e = jnp.exp(e - jnp.take(m, dst))
        denom = jax.ops.segment_sum(exp_e, dst, num_segments=N)
        attn = exp_e / jnp.take(denom, dst)              # [E]
        h_prime = jax.ops.segment_sum(attn[:, None] * Wh_src, dst, num_segments=N)  # scatter-add [N, DH]
        outs.append(h_prime)
    return jnp.concatenate(outs, axis=1)                 # [N, NHID]

if __name__ == "__main__":
    import jax
    _d = setup_inputs()
    print(jax.jit(kernel)(*tuple(_d.values())))

</pallas_src>

<mosaic_0001>
#map = affine_map<(d0, d1) -> (0, 0)>
#map1 = affine_map<(d0, d1) -> (0, 0, 0)>
module attributes {stable_mosaic.version = 14 : i64} {
  func.func @_edge_body(%arg0: i32, %arg1: i32, %arg2: memref<2x320000xi32, #tpu.memory_space<hbm>>, %arg3: memref<10000x128xf32, #tpu.memory_space<hbm>>, %arg4: memref<10000x16xf32, #tpu.memory_space<hbm>>, %arg5: memref<10000x16xf32, #tpu.memory_space<hbm>>, %arg6: memref<2x10240x128xf32, #tpu.memory_space<hbm>>, %arg7: memref<2x10240x16xf32, #tpu.memory_space<hbm>>, %arg8: memref<80xi32, #tpu.memory_space<vmem>>, %arg9: memref<80xi32, #tpu.memory_space<vmem>>, %arg10: memref<80xi32, #tpu.memory_space<vmem>>, %arg11: memref<80xi32, #tpu.memory_space<vmem>>, %arg12: memref<80xi32, #tpu.memory_space<vmem>>, %arg13: memref<80xi32, #tpu.memory_space<vmem>>, %arg14: memref<80xi32, #tpu.memory_space<vmem>>, %arg15: memref<80xi32, #tpu.memory_space<vmem>>, %arg16: memref<80x16xf32, #tpu.memory_space<vmem>>, %arg17: memref<80x16xf32, #tpu.memory_space<vmem>>, %arg18: memref<80x16xf32, #tpu.memory_space<vmem>>, %arg19: memref<80x16xf32, #tpu.memory_space<vmem>>, %arg20: memref<80x128xf32, #tpu.memory_space<vmem>>, %arg21: memref<80x128xf32, #tpu.memory_space<vmem>>, %arg22: memref<80x16xf32, #tpu.memory_space<vmem>>, %arg23: memref<10240x128xf32, #tpu.memory_space<vmem_shared>>, %arg24: memref<10240x16xf32, #tpu.memory_space<vmem_shared>>, %arg25: memref<!tpu.dma_semaphore, #tpu.memory_space<semaphore_mem>>, %arg26: memref<!tpu.dma_semaphore, #tpu.memory_space<semaphore_mem>>, %arg27: memref<!tpu.dma_semaphore, #tpu.memory_space<semaphore_mem>>, %arg28: memref<!tpu.dma_semaphore, #tpu.memory_space<semaphore_mem>>, %arg29: memref<!tpu.dma_semaphore, #tpu.memory_space<semaphore_mem>>, %arg30: memref<!tpu.dma_semaphore, #tpu.memory_space<semaphore_mem>>, %arg31: memref<!tpu.dma_semaphore, #tpu.memory_space<semaphore_mem>>, %arg32: memref<!tpu.dma_semaphore, #tpu.memory_space<semaphore_mem>>) attributes {dimension_semantics = [#tpu.dimension_semantics<core_parallel>, #tpu.dimension_semantics<subcore_parallel>], iteration_bounds = array<i64: 2, 16>, scalar_prefetch = 0 : i64, scratch_operands = 25 : i64, tpu.core_type = #tpu.core_type<sc_vector_subcore>, window_params = [{transform_indices = #map}, {transform_indices = #map}, {transform_indices = #map}, {transform_indices = #map}, {transform_indices = #map1}, {transform_indices = #map1}]} {
    %mul3A = arith.constant 2 : i32
    %mul3A_0 = arith.muli %arg1, %mul3A : i32
    %add3A = arith.addi %mul3A_0, %arg0 : i32
    %scan3A = arith.constant 0 : i32
    %scan3A_1 = arith.constant 0 : i32
    %scan3A_2 = arith.constant 80 : i32
    %scan3A_3 = arith.addi %scan3A_1, %scan3A_2 : i32
    %scan3A_4 = arith.constant 1 : i32
    scf.for %scan3A_453 = %scan3A_1 to %scan3A_3 step %scan3A_4  : i32 {
      %broadcast_in_dim3A = arith.constant 0.000000e+00 : f32
      %broadcast_in_dim3A_454 = vector.broadcast %broadcast_in_dim3A : f32 to vector<16xf32>
      %swap3A = arith.index_cast %scan3A_453 : i32 to index
      %swap3A_455 = arith.constant 0 : index
      %swap3A_456 = tpu.vector_load %arg20[%swap3A, %swap3A_455] {strides = array<i32>} : memref<80x128xf32, #tpu.memory_space<vmem>>, vector<1x16xf32>,
      %swap3A_457 = vector.shape_cast %swap3A_456 : vector<1x16xf32> to vector<16xf32>
      %swap3A_458 = vector.shape_cast %broadcast_in_dim3A_454 : vector<16xf32> to vector<1x16xf32>
      tpu.vector_store %arg20[%swap3A, %swap3A_455], %swap3A_458 {strides = array<i32>} : memref<80x128xf32, #tpu.memory_space<vmem>>, vector<1x16xf32>,
      %broadcast_in_dim3A_459 = arith.constant 0.000000e+00 : f32
      %broadcast_in_dim3A_460 = vector.broadcast %broadcast_in_dim3A_459 : f32 to vector<16xf32>
      %swap3A_461 = arith.index_cast %scan3A_453 : i32 to index
      %swap3A_462 = arith.constant 16 : index
      %swap3A_463 = tpu.vector_load %arg20[%swap3A_461, %swap3A_462] {strides = array<i32>} : memref<80x128xf32, #tpu.memory_space<vmem>>, vector<1x16xf32>,
      %swap3A_464 = vector.shape_cast %swap3A_463 : vector<1x16xf32> to vector<16xf32>
      %swap3A_465 = vector.shape_cast %broadcast_in_dim3A_460 : vector<16xf32> to vector<1x16xf32>
      tpu.vector_store %arg20[%swap3A_461, %swap3A_462], %swap3A_465 {strides = array<i32>} : memref<80x128xf32, #tpu.memory_space<vmem>>, vector<1x16xf32>,
      %broadcast_in_dim3A_466 = arith.constant 0.000000e+00 : f32
      %broadcast_in_dim3A_467 = vector.broadcast %broadcast_in_dim3A_466 : f32 to vector<16xf32>
      %swap3A_468 = arith.index_cast %scan3A_453 : i32 to index
      %swap3A_469 = arith.constant 32 : index
      %swap3A_470 = tpu.vector_load %arg20[%swap3A_468, %swap3A_469] {strides = array<i32>} : memref<80x128xf32, #tpu.memory_space<vmem>>, vector<1x16xf32>,
      %swap3A_471 = vector.shape_cast %swap3A_470 : vector<1x16xf32> to vector<16xf32>
      %swap3A_472 = vector.shape_cast %broadcast_in_dim3A_467 : vector<16xf32> to vector<1x16xf32>
      tpu.vector_store %arg20[%swap3A_468, %swap3A_469], %swap3A_472 {strides = array<i32>} : memref<80x128xf32, #tpu.memory_space<vmem>>, vector<1x16xf32>,
      %broadcast_in_dim3A_473 = arith.constant 0.000000e+00 : f32
      %broadcast_in_dim3A_474 = vector.broadcast %broadcast_in_dim3A_473 : f32 to vector<16xf32>
      %swap3A_475 = arith.index_cast %scan3A_453 : i32 to index
      %swap3A_476 = arith.constant 48 : index
      %swap3A_477 = tpu.vector_load %arg20[%swap3A_475, %swap3A_476] {strides = array<i32>} : memref<80x128xf32, #tpu.memory_space<vmem>>, vector<1x16xf32>,
      %swap3A_478 = vector.shape_cast %swap3A_477 : vector<1x16xf32> to vector<16xf32>
      %swap3A_479 = vector.shape_cast %broadcast_in_dim3A_474 : vector<16xf32> to vector<1x16xf32>
      tpu.vector_store %arg20[%swap3A_475, %swap3A_476], %swap3A_479 {strides = array<i32>} : memref<80x128xf32, #tpu.memory_space<vmem>>, vector<1x16xf32>,
      %broadcast_in_dim3A_480 = arith.constant 0.000000e+00 : f32
      %broadcast_in_dim3A_481 = vector.broadcast %broadcast_in_dim3A_480 : f32 to vector<16xf32>
      %swap3A_482 = arith.index_cast %scan3A_453 : i32 to index
      %swap3A_483 = arith.constant 64 : index
      %swap3A_484 = tpu.vector_load %arg20[%swap3A_482, %swap3A_483] {strides = array<i32>} : memref<80x128xf32, #tpu.memory_space<vmem>>, vector<1x16xf32>,
      %swap3A_485 = vector.shape_cast %swap3A_484 : vector<1x16xf32> to vector<16xf32>
      %swap3A_486 = vector.shape_cast %broadcast_in_dim3A_481 : vector<16xf32> to vector<1x16xf32>
      tpu.vector_store %arg20[%swap3A_482, %swap3A_483], %swap3A_486 {strides = array<i32>} : memref<80x128xf32, #tpu.memory_space<vmem>>, vector<1x16xf32>,
      %broadcast_in_dim3A_487 = arith.constant 0.000000e+00 : f32
      %broadcast_in_dim3A_488 = vector.broadcast %broadcast_in_dim3A_487 : f32 to vector<16xf32>
      %swap3A_489 = arith.index_cast %scan3A_453 : i32 to index
      %swap3A_490 = arith.constant 80 : index
      %swap3A_491 = tpu.vector_load %arg20[%swap3A_489, %swap3A_490] {strides = array<i32>} : memref<80x128xf32, #tpu.memory_space<vmem>>, vector<1x16xf32>,
      %swap3A_492 = vector.shape_cast %swap3A_491 : vector<1x16xf32> to vector<16xf32>
      %swap3A_493 = vector.shape_cast %broadcast_in_dim3A_488 : vector<16xf32> to vector<1x16xf32>
      tpu.vector_store %arg20[%swap3A_489, %swap3A_490], %swap3A_493 {strides = array<i32>} : memref<80x128xf32, #tpu.memory_space<vmem>>, vector<1x16xf32>,
      %broadcast_in_dim3A_494 = arith.constant 0.000000e+00 : f32
      %broadcast_in_dim3A_495 = vector.broadcast %broadcast_in_dim3A_494 : f32 to vector<16xf32>
      %swap3A_496 = arith.index_cast %scan3A_453 : i32 to index
      %swap3A_497 = arith.constant 96 : index
      %swap3A_498 = tpu.vector_load %arg20[%swap3A_496, %swap3A_497] {strides = array<i32>} : memref<80x128xf32, #tpu.memory_space<vmem>>, vector<1x16xf32>,
      %swap3A_499 = vector.shape_cast %swap3A_498 : vector<1x16xf32> to vector<16xf32>
      %swap3A_500 = vector.shape_cast %broadcast_in_dim3A_495 : vector<16xf32> to vector<1x16xf32>
      tpu.vector_store %arg20[%swap3A_496, %swap3A_497], %swap3A_500 {strides = array<i32>} : memref<80x128xf32, #tpu.memory_space<vmem>>, vector<1x16xf32>,
      %broadcast_in_dim3A_501 = arith.constant 0.000000e+00 : f32
      %broadcast_in_dim3A_502 = vector.broadcast %broadcast_in_dim3A_501 : f32 to vector<16xf32>
      %swap3A_503 = arith.index_cast %scan3A_453 : i32 to index
      %swap3A_504 = arith.constant 112 : index
      %swap3A_505 = tpu.vector_load %arg20[%swap3A_503, %swap3A_504] {strides = array<i32>} : memref<80x128xf32, #tpu.memory_space<vmem>>, vector<1x16xf32>,
      %swap3A_506 = vector.shape_cast %swap3A_505 : vector<1x16xf32> to vector<16xf32>
      %swap3A_507 = vector.shape_cast %broadcast_in_dim3A_502 : vector<16xf32> to vector<1x16xf32>
      tpu.vector_store %arg20[%swap3A_503, %swap3A_504], %swap3A_507 {strides = array<i32>} : memref<80x128xf32, #tpu.memory_space<vmem>>, vector<1x16xf32>,
      %broadcast_in_dim3A_508 = arith.constant 0.000000e+00 : f32
      %broadcast_in_dim3A_509 = vector.broadcast %broadcast_in_dim3A_508 : f32 to vector<16xf32>
      %swap3A_510 = arith.index_cast %scan3A_453 : i32 to index
      %swap3A_511 = arith.constant 0 : index
      %swap3A_512 = tpu.vector_load %arg22[%swap3A_510, %swap3A_511] {strides = array<i32>} : memref<80x16xf32, #tpu.memory_space<vmem>>, vector<1x16xf32>,
      %swap3A_513 = vector.shape_cast %swap3A_512 : vector<1x16xf32> to vector<16xf32>
      %swap3A_514 = vector.shape_cast %broadcast_in_dim3A_509 : vector<16xf32> to vector<1x16xf32>
      tpu.vector_store %arg22[%swap3A_510, %swap3A_511], %swap3A_514 {strides = array<i32>} : memref<80x16xf32, #tpu.memory_space<vmem>>, vector<1x16xf32>,
    }
    %scan3A_5 = arith.constant 80 : i32
    %mul3A_6 = arith.constant 640 : i32
    %mul3A_7 = arith.muli %arg1, %mul3A_6 : i32
    %add3A_8 = arith.constant 0 : i32
    %add3A_9 = arith.addi %mul3A_7, %add3A_8 : i32
    "tpu.region"() ({
      %run_scoped3A = tpu.sem_alloc : memref<!tpu.dma_semaphore, #tpu.memory_space<semaphore_mem>>
      %dma_start3A_453 = arith.constant 0 : i32
      %dma_start3A_454 = tpu.memref_slice %arg23[%add3A_9, %dma_start3A_453] : memref<10240x128xf32, #tpu.memory_space<vmem_shared>> -> memref<80x128xf32, #tpu.memory_space<vmem_shared>>
      %dma_start3A_455 = arith.constant 0 : i32
      %dma_start3A_456 = tpu.memref_slice %arg23[%add3A_9, %dma_start3A_455] : memref<10240x128xf32, #tpu.memory_space<vmem_shared>> -> memref<80x128xf32, #tpu.memory_space<vmem_shared>>
      tpu.enqueue_dma source(%arg20 : memref<80x128xf32, #tpu.memory_space<vmem>>) target(%dma_start3A_456 : memref<80x128xf32, #tpu.memory_space<vmem_shared>>) target_semaphore(%run_scoped3A : memref<!tpu.dma_semaphore, #tpu.memory_space<semaphore_mem>>)
      %dma_wait3A_457 = arith.constant 0 : i32
      %dma_wait3A_458 = tpu.memref_slice %arg23[%add3A_9, %dma_wait3A_457] : memref<10240x128xf32, #tpu.memory_space<vmem_shared>> -> memref<80x128xf32, #tpu.memory_space<vmem_shared>>
      %dma_wait3A_459 = arith.constant 0 : i32
      %dma_wait3A_460 = tpu.memref_slice %arg23[%add3A_9, %dma_wait3A_459] : memref<10240x128xf32, #tpu.memory_space<vmem_shared>> -> memref<80x128xf32, #tpu.memory_space<vmem_shared>>
      tpu.wait_dma2 semaphore(%run_scoped3A : memref<!tpu.dma_semaphore, #tpu.memory_space<semaphore_mem>>) src(%arg20 : memref<80x128xf32, #tpu.memory_space<vmem>>) dst(%dma_wait3A_460 : memref<80x128xf32, #tpu.memory_space<vmem_shared>>)
      tpu.yield
    }) : () -> ()
    %mul3A_10 = arith.constant 640 : i32
    %mul3A_11 = arith.muli %arg1, %mul3A_10 : i32
    %add3A_12 = arith.constant 0 : i32
    %add3A_13 = arith.addi %mul3A_11, %add3A_12 : i32
    "tpu.region"() ({
      %run_scoped3A = tpu.sem_alloc : memref<!tpu.dma_semaphore, #tpu.memory_space<semaphore_mem>>
      %dma_start3A_453 = arith.constant 0 : i32
      %dma_start3A_454 = tpu.memref_slice %arg24[%add3A_13, %dma_start3A_453] : memref<10240x16xf32, #tpu.memory_space<vmem_shared>> -> memref<80x16xf32, #tpu.memory_space<vmem_shared>>
      %dma_start3A_455 = arith.constant 0 : i32
      %dma_start3A_456 = tpu.memref_slice %arg24[%add3A_13, %dma_start3A_455] : memref<10240x16xf32, #tpu.memory_space<vmem_shared>> -> memref<80x16xf32, #tpu.memory_space<vmem_shared>>
      tpu.enqueue_dma source(%arg22 : memref<80x16xf32, #tpu.memory_space<vmem>>) target(%dma_start3A_456 : memref<80x16xf32, #tpu.memory_space<vmem_shared>>) target_semaphore(%run_scoped3A : memref<!tpu.dma_semaphore, #tpu.memory_space<semaphore_mem>>)
      %dma_wait3A_457 = arith.constant 0 : i32
      %dma_wait3A_458 = tpu.memref_slice %arg24[%add3A_13, %dma_wait3A_457] : memref<10240x16xf32, #tpu.memory_space<vmem_shared>> -> memref<80x16xf32, #tpu.memory_space<vmem_shared>>
      %dma_wait3A_459 = arith.constant 0 : i32
      %dma_wait3A_460 = tpu.memref_slice %arg24[%add3A_13, %dma_wait3A_459] : memref<10240x16xf32, #tpu.memory_space<vmem_shared>> -> memref<80x16xf32, #tpu.memory_space<vmem_shared>>
      tpu.wait_dma2 semaphore(%run_scoped3A : memref<!tpu.dma_semaphore, #tpu.memory_space<semaphore_mem>>) src(%arg22 : memref<80x16xf32, #tpu.memory_space<vmem>>) dst(%dma_wait3A_460 : memref<80x16xf32, #tpu.memory_space<vmem_shared>>)
      tpu.yield
    }) : () -> ()
    %mul3A_14 = arith.constant 640 : i32
    %mul3A_15 = arith.muli %arg1, %mul3A_14 : i32
    %add3A_16 = arith.constant 80 : i32
    %add3A_17 = arith.addi %mul3A_15, %add3A_16 : i32
    "tpu.region"() ({
      %run_scoped3A = tpu.sem_alloc : memref<!tpu.dma_semaphore, #tpu.memory_space<semaphore_mem>>
      %dma_start3A_453 = arith.constant 0 : i32
      %dma_start3A_454 = tpu.memref_slice %arg23[%add3A_17, %dma_start3A_453] : memref<10240x128xf32, #tpu.memory_space<vmem_shared>> -> memref<80x128xf32, #tpu.memory_space<vmem_shared>>
      %dma_start3A_455 = arith.constant 0 : i32
      %dma_start3A_456 = tpu.memref_slice %arg23[%add3A_17, %dma_start3A_455] : memref<10240x128xf32, #tpu.memory_space<vmem_shared>> -> memref<80x128xf32, #tpu.memory_space<vmem_shared>>
      tpu.enqueue_dma source(%arg20 : memref<80x128xf32, #tpu.memory_space<vmem>>) target(%dma_start3A_456 : memref<80x128xf32, #tpu.memory_space<vmem_shared>>) target_semaphore(%run_scoped3A : memref<!tpu.dma_semaphore, #tpu.memory_space<semaphore_mem>>)
      %dma_wait3A_457 = arith.constant 0 : i32
      %dma_wait3A_458 = tpu.memref_slice %arg23[%add3A_17, %dma_wait3A_457] : memref<10240x128xf32, #tpu.memory_space<vmem_shared>> -> memref<80x128xf32, #tpu.memory_space<vmem_shared>>
      %dma_wait3A_459 = arith.constant 0 : i32
      %dma_wait3A_460 = tpu.memref_slice %arg23[%add3A_17, %dma_wait3A_459] : memref<10240x128xf32, #tpu.memory_space<vmem_shared>> -> memref<80x128xf32, #tpu.memory_space<vmem_shared>>
      tpu.wait_dma2 semaphore(%run_scoped3A : memref<!tpu.dma_semaphore, #tpu.memory_space<semaphore_mem>>) src(%arg20 : memref<80x128xf32, #tpu.memory_space<vmem>>) dst(%dma_wait3A_460 : memref<80x128xf32, #tpu.memory_space<vmem_shared>>)
      tpu.yield
    }) : () -> ()
    %mul3A_18 = arith.constant 640 : i32
    %mul3A_19 = arith.muli %arg1, %mul3A_18 : i32
    %add3A_20 = arith.constant 80 : i32
    %add3A_21 = arith.addi %mul3A_19, %add3A_20 : i32
    "tpu.region"() ({
      %run_scoped3A = tpu.sem_alloc : memref<!tpu.dma_semaphore, #tpu.memory_space<semaphore_mem>>
      %dma_start3A_453 = arith.constant 0 : i32
      %dma_start3A_454 = tpu.memref_slice %arg24[%add3A_21, %dma_start3A_453] : memref<10240x16xf32, #tpu.memory_space<vmem_shared>> -> memref<80x16xf32, #tpu.memory_space<vmem_shared>>
      %dma_start3A_455 = arith.constant 0 : i32
      %dma_start3A_456 = tpu.memref_slice %arg24[%add3A_21, %dma_start3A_455] : memref<10240x16xf32, #tpu.memory_space<vmem_shared>> -> memref<80x16xf32, #tpu.memory_space<vmem_shared>>
      tpu.enqueue_dma source(%arg22 : memref<80x16xf32, #tpu.memory_space<vmem>>) target(%dma_start3A_456 : memref<80x16xf32, #tpu.memory_space<vmem_shared>>) target_semaphore(%run_scoped3A : memref<!tpu.dma_semaphore, #tpu.memory_space<semaphore_mem>>)
      %dma_wait3A_457 = arith.constant 0 : i32
      %dma_wait3A_458 = tpu.memref_slice %arg24[%add3A_21, %dma_wait3A_457] : memref<10240x16xf32, #tpu.memory_space<vmem_shared>> -> memref<80x16xf32, #tpu.memory_space<vmem_shared>>
      %dma_wait3A_459 = arith.constant 0 : i32
      %dma_wait3A_460 = tpu.memref_slice %arg24[%add3A_21, %dma_wait3A_459] : memref<10240x16xf32, #tpu.memory_space<vmem_shared>> -> memref<80x16xf32, #tpu.memory_space<vmem_shared>>
      tpu.wait_dma2 semaphore(%run_scoped3A : memref<!tpu.dma_semaphore, #tpu.memory_space<semaphore_mem>>) src(%arg22 : memref<80x16xf32, #tpu.memory_space<vmem>>) dst(%dma_wait3A_460 : memref<80x16xf32, #tpu.memory_space<vmem_shared>>)
      tpu.yield
    }) : () -> ()
    %mul3A_22 = arith.constant 640 : i32
    %mul3A_23 = arith.muli %arg1, %mul3A_22 : i32
    %add3A_24 = arith.constant 160 : i32
    %add3A_25 = arith.addi %mul3A_23, %add3A_24 : i32
    "tpu.region"() ({
      %run_scoped3A = tpu.sem_alloc : memref<!tpu.dma_semaphore, #tpu.memory_space<semaphore_mem>>
      %dma_start3A_453 = arith.constant 0 : i32
      %dma_start3A_454 = tpu.memref_slice %arg23[%add3A_25, %dma_start3A_453] : memref<10240x128xf32, #tpu.memory_space<vmem_shared>> -> memref<80x128xf32, #tpu.memory_space<vmem_shared>>
      %dma_start3A_455 = arith.constant 0 : i32
      %dma_start3A_456 = tpu.memref_slice %arg23[%add3A_25, %dma_start3A_455] : memref<10240x128xf32, #tpu.memory_space<vmem_shared>> -> memref<80x128xf32, #tpu.memory_space<vmem_shared>>
      tpu.enqueue_dma source(%arg20 : memref<80x128xf32, #tpu.memory_space<vmem>>) target(%dma_start3A_456 : memref<80x128xf32, #tpu.memory_space<vmem_shared>>) target_semaphore(%run_scoped3A : memref<!tpu.dma_semaphore, #tpu.memory_space<semaphore_mem>>)
      %dma_wait3A_457 = arith.constant 0 : i32
      %dma_wait3A_458 = tpu.memref_slice %arg23[%add3A_25, %dma_wait3A_457] : memref<10240x128xf32, #tpu.memory_space<vmem_shared>> -> memref<80x128xf32, #tpu.memory_space<vmem_shared>>
      %dma_wait3A_459 = arith.constant 0 : i32
      %dma_wait3A_460 = tpu.memref_slice %arg23[%add3A_25, %dma_wait3A_459] : memref<10240x128xf32, #tpu.memory_space<vmem_shared>> -> memref<80x128xf32, #tpu.memory_space<vmem_shared>>
      tpu.wait_dma2 semaphore(%run_scoped3A : memref<!tpu.dma_semaphore, #tpu.memory_space<semaphore_mem>>) src(%arg20 : memref<80x128xf32, #tpu.memory_space<vmem>>) dst(%dma_wait3A_460 : memref<80x128xf32, #tpu.memory_space<vmem_shared>>)
      tpu.yield
    }) : () -> ()
    %mul3A_26 = arith.constant 640 : i32
    %mul3A_27 = arith.muli %arg1, %mul3A_26 : i32
    %add3A_28 = arith.constant 160 : i32
    %add3A_29 = arith.addi %mul3A_27, %add3A_28 : i32
    "tpu.region"() ({
      %run_scoped3A = tpu.sem_alloc : memref<!tpu.dma_semaphore, #tpu.memory_space<semaphore_mem>>
      %dma_start3A_453 = arith.constant 0 : i32
      %dma_start3A_454 = tpu.memref_slice %arg24[%add3A_29, %dma_start3A_453] : memref<10240x16xf32, #tpu.memory_space<vmem_shared>> -> memref<80x16xf32, #tpu.memory_space<vmem_shared>>
      %dma_start3A_455 = arith.constant 0 : i32
      %dma_start3A_456 = tpu.memref_slice %arg24[%add3A_29, %dma_start3A_455] : memref<10240x16xf32, #tpu.memory_space<vmem_shared>> -> memref<80x16xf32, #tpu.memory_space<vmem_shared>>
      tpu.enqueue_dma source(%arg22 : memref<80x16xf32, #tpu.memory_space<vmem>>) target(%dma_start3A_456 : memref<80x16xf32, #tpu.memory_space<vmem_shared>>) target_semaphore(%run_scoped3A : memref<!tpu.dma_semaphore, #tpu.memory_space<semaphore_mem>>)
      %dma_wait3A_457 = arith.constant 0 : i32
      %dma_wait3A_458 = tpu.memref_slice %arg24[%add3A_29, %dma_wait3A_457] : memref<10240x16xf32, #tpu.memory_space<vmem_shared>> -> memref<80x16xf32, #tpu.memory_space<vmem_shared>>
      %dma_wait3A_459 = arith.constant 0 : i32
      %dma_wait3A_460 = tpu.memref_slice %arg24[%add3A_29, %dma_wait3A_459] : memref<10240x16xf32, #tpu.memory_space<vmem_shared>> -> memref<80x16xf32, #tpu.memory_space<vmem_shared>>
      tpu.wait_dma2 semaphore(%run_scoped3A : memref<!tpu.dma_semaphore, #tpu.memory_space<semaphore_mem>>) src(%arg22 : memref<80x16xf32, #tpu.memory_space<vmem>>) dst(%dma_wait3A_460 : memref<80x16xf32, #tpu.memory_space<vmem_shared>>)
      tpu.yield
    }) : () -> ()
    %mul3A_30 = arith.constant 640 : i32
    %mul3A_31 = arith.muli %arg1, %mul3A_30 : i32
    %add3A_32 = arith.constant 240 : i32
    %add3A_33 = arith.addi %mul3A_31, %add3A_32 : i32
    "tpu.region"() ({
      %run_scoped3A = tpu.sem_alloc : memref<!tpu.dma_semaphore, #tpu.memory_space<semaphore_mem>>
      %dma_start3A_453 = arith.constant 0 : i32
      %dma_start3A_454 = tpu.memref_slice %arg23[%add3A_33, %dma_start3A_453] : memref<10240x128xf32, #tpu.memory_space<vmem_shared>> -> memref<80x128xf32, #tpu.memory_space<vmem_shared>>
      %dma_start3A_455 = arith.constant 0 : i32
      %dma_start3A_456 = tpu.memref_slice %arg23[%add3A_33, %dma_start3A_455] : memref<10240x128xf32, #tpu.memory_space<vmem_shared>> -> memref<80x128xf32, #tpu.memory_space<vmem_shared>>
      tpu.enqueue_dma source(%arg20 : memref<80x128xf32, #tpu.memory_space<vmem>>) target(%dma_start3A_456 : memref<80x128xf32, #tpu.memory_space<vmem_shared>>) target_semaphore(%run_scoped3A : memref<!tpu.dma_semaphore, #tpu.memory_space<semaphore_mem>>)
      %dma_wait3A_457 = arith.constant 0 : i32
      %dma_wait3A_458 = tpu.memref_slice %arg23[%add3A_33, %dma_wait3A_457] : memref<10240x128xf32, #tpu.memory_space<vmem_shared>> -> memref<80x128xf32, #tpu.memory_space<vmem_shared>>
      %dma_wait3A_459 = arith.constant 0 : i32
      %dma_wait3A_460 = tpu.memref_slice %arg23[%add3A_33, %dma_wait3A_459] : memref<10240x128xf32, #tpu.memory_space<vmem_shared>> -> memref<80x128xf32, #tpu.memory_space<vmem_shared>>
      tpu.wait_dma2 semaphore(%run_scoped3A : memref<!tpu.dma_semaphore, #tpu.memory_space<semaphore_mem>>) src(%arg20 : memref<80x128xf32, #tpu.memory_space<vmem>>) dst(%dma_wait3A_460 : memref<80x128xf32, #tpu.memory_space<vmem_shared>>)
      tpu.yield
    }) : () -> ()
    %mul3A_34 = arith.constant 640 : i32
    %mul3A_35 = arith.muli %arg1, %mul3A_34 : i32
    %add3A_36 = arith.constant 240 : i32
    %add3A_37 = arith.addi %mul3A_35, %add3A_36 : i32
    "tpu.region"() ({
      %run_scoped3A = tpu.sem_alloc : memref<!tpu.dma_semaphore, #tpu.memory_space<semaphore_mem>>
      %dma_start3A_453 = arith.constant 0 : i32
      %dma_start3A_454 = tpu.memref_slice %arg24[%add3A_37, %dma_start3A_453] : memref<10240x16xf32, #tpu.memory_space<vmem_shared>> -> memref<80x16xf32, #tpu.memory_space<vmem_shared>>
      %dma_start3A_455 = arith.constant 0 : i32
      %dma_start3A_456 = tpu.memref_slice %arg24[%add3A_37, %dma_start3A_455] : memref<10240x16xf32, #tpu.memory_space<vmem_shared>> -> memref<80x16xf32, #tpu.memory_space<vmem_shared>>
      tpu.enqueue_dma source(%arg22 : memref<80x16xf32, #tpu.memory_space<vmem>>) target(%dma_start3A_456 : memref<80x16xf32, #tpu.memory_space<vmem_shared>>) target_semaphore(%run_scoped3A : memref<!tpu.dma_semaphore, #tpu.memory_space<semaphore_mem>>)
      %dma_wait3A_457 = arith.constant 0 : i32
      %dma_wait3A_458 = tpu.memref_slice %arg24[%add3A_37, %dma_wait3A_457] : memref<10240x16xf32, #tpu.memory_space<vmem_shared>> -> memref<80x16xf32, #tpu.memory_space<vmem_shared>>
      %dma_wait3A_459 = arith.constant 0 : i32
      %dma_wait3A_460 = tpu.memref_slice %arg24[%add3A_37, %dma_wait3A_459] : memref<10240x16xf32, #tpu.memory_space<vmem_shared>> -> memref<80x16xf32, #tpu.memory_space<vmem_shared>>
      tpu.wait_dma2 semaphore(%run_scoped3A : memref<!tpu.dma_semaphore, #tpu.memory_space<semaphore_mem>>) src(%arg22 : memref<80x16xf32, #tpu.memory_space<vmem>>) dst(%dma_wait3A_460 : memref<80x16xf32, #tpu.memory_space<vmem_shared>>)
      tpu.yield
    }) : () -> ()
    %mul3A_38 = arith.constant 640 : i32
    %mul3A_39 = arith.muli %arg1, %mul3A_38 : i32
    %add3A_40 = arith.constant 320 : i32
    %add3A_41 = arith.addi %mul3A_39, %add3A_40 : i32
    "tpu.region"() ({
      %run_scoped3A = tpu.sem_alloc : memref<!tpu.dma_semaphore, #tpu.memory_space<semaphore_mem>>
      %dma_start3A_453 = arith.constant 0 : i32
      %dma_start3A_454 = tpu.memref_slice %arg23[%add3A_41, %dma_start3A_453] : memref<10240x128xf32, #tpu.memory_space<vmem_shared>> -> memref<80x128xf32, #tpu.memory_space<vmem_shared>>
      %dma_start3A_455 = arith.constant 0 : i32
      %dma_start3A_456 = tpu.memref_slice %arg23[%add3A_41, %dma_start3A_455] : memref<10240x128xf32, #tpu.memory_space<vmem_shared>> -> memref<80x128xf32, #tpu.memory_space<vmem_shared>>
      tpu.enqueue_dma source(%arg20 : memref<80x128xf32, #tpu.memory_space<vmem>>) target(%dma_start3A_456 : memref<80x128xf32, #tpu.memory_space<vmem_shared>>) target_semaphore(%run_scoped3A : memref<!tpu.dma_semaphore, #tpu.memory_space<semaphore_mem>>)
      %dma_wait3A_457 = arith.constant 0 : i32
      %dma_wait3A_458 = tpu.memref_slice %arg23[%add3A_41, %dma_wait3A_457] : memref<10240x128xf32, #tpu.memory_space<vmem_shared>> -> memref<80x128xf32, #tpu.memory_space<vmem_shared>>
      %dma_wait3A_459 = arith.constant 0 : i32
      %dma_wait3A_460 = tpu.memref_slice %arg23[%add3A_41, %dma_wait3A_459] : memref<10240x128xf32, #tpu.memory_space<vmem_shared>> -> memref<80x128xf32, #tpu.memory_space<vmem_shared>>
      tpu.wait_dma2 semaphore(%run_scoped3A : memref<!tpu.dma_semaphore, #tpu.memory_space<semaphore_mem>>) src(%arg20 : memref<80x128xf32, #tpu.memory_space<vmem>>) dst(%dma_wait3A_460 : memref<80x128xf32, #tpu.memory_space<vmem_shared>>)
      tpu.yield
    }) : () -> ()
    %mul3A_42 = arith.constant 640 : i32
    %mul3A_43 = arith.muli %arg1, %mul3A_42 : i32
    %add3A_44 = arith.constant 320 : i32
    %add3A_45 = arith.addi %mul3A_43, %add3A_44 : i32
    "tpu.region"() ({
      %run_scoped3A = tpu.sem_alloc : memref<!tpu.dma_semaphore, #tpu.memory_space<semaphore_mem>>
      %dma_start3A_453 = arith.constant 0 : i32
      %dma_start3A_454 = tpu.memref_slice %arg24[%add3A_45, %dma_start3A_453] : memref<10240x16xf32, #tpu.memory_space<vmem_shared>> -> memref<80x16xf32, #tpu.memory_space<vmem_shared>>
      %dma_start3A_455 = arith.constant 0 : i32
      %dma_start3A_456 = tpu.memref_slice %arg24[%add3A_45, %dma_start3A_455] : memref<10240x16xf32, #tpu.memory_space<vmem_shared>> -> memref<80x16xf32, #tpu.memory_space<vmem_shared>>
      tpu.enqueue_dma source(%arg22 : memref<80x16xf32, #tpu.memory_space<vmem>>) target(%dma_start3A_456 : memref<80x16xf32, #tpu.memory_space<vmem_shared>>) target_semaphore(%run_scoped3A : memref<!tpu.dma_semaphore, #tpu.memory_space<semaphore_mem>>)
      %dma_wait3A_457 = arith.constant 0 : i32
      %dma_wait3A_458 = tpu.memref_slice %arg24[%add3A_45, %dma_wait3A_457] : memref<10240x16xf32, #tpu.memory_space<vmem_shared>> -> memref<80x16xf32, #tpu.memory_space<vmem_shared>>
      %dma_wait3A_459 = arith.constant 0 : i32
      %dma_wait3A_460 = tpu.memref_slice %arg24[%add3A_45, %dma_wait3A_459] : memref<10240x16xf32, #tpu.memory_space<vmem_shared>> -> memref<80x16xf32, #tpu.memory_space<vmem_shared>>
      tpu.wait_dma2 semaphore(%run_scoped3A : memref<!tpu.dma_semaphore, #tpu.memory_space<semaphore_mem>>) src(%arg22 : memref<80x16xf32, #tpu.memory_space<vmem>>) dst(%dma_wait3A_460 : memref<80x16xf32, #tpu.memory_space<vmem_shared>>)
      tpu.yield
    }) : () -> ()
    %mul3A_46 = arith.constant 640 : i32
    %mul3A_47 = arith.muli %arg1, %mul3A_46 : i32
    %add3A_48 = arith.constant 400 : i32
    %add3A_49 = arith.addi %mul3A_47, %add3A_48 : i32
    "tpu.region"() ({
      %run_scoped3A = tpu.sem_alloc : memref<!tpu.dma_semaphore, #tpu.memory_space<semaphore_mem>>
      %dma_start3A_453 = arith.constant 0 : i32
      %dma_start3A_454 = tpu.memref_slice %arg23[%add3A_49, %dma_start3A_453] : memref<10240x128xf32, #tpu.memory_space<vmem_shared>> -> memref<80x128xf32, #tpu.memory_space<vmem_shared>>
      %dma_start3A_455 = arith.constant 0 : i32
      %dma_start3A_456 = tpu.memref_slice %arg23[%add3A_49, %dma_start3A_455] : memref<10240x128xf32, #tpu.memory_space<vmem_shared>> -> memref<80x128xf32, #tpu.memory_space<vmem_shared>>
      tpu.enqueue_dma source(%arg20 : memref<80x128xf32, #tpu.memory_space<vmem>>) target(%dma_start3A_456 : memref<80x128xf32, #tpu.memory_space<vmem_shared>>) target_semaphore(%run_scoped3A : memref<!tpu.dma_semaphore, #tpu.memory_space<semaphore_mem>>)
      %dma_wait3A_457 = arith.constant 0 : i32
      %dma_wait3A_458 = tpu.memref_slice %arg23[%add3A_49, %dma_wait3A_457] : memref<10240x128xf32, #tpu.memory_space<vmem_shared>> -> memref<80x128xf32, #tpu.memory_space<vmem_shared>>
      %dma_wait3A_459 = arith.constant 0 : i32
      %dma_wait3A_460 = tpu.memref_slice %arg23[%add3A_49, %dma_wait3A_459] : memref<10240x128xf32, #tpu.memory_space<vmem_shared>> -> memref<80x128xf32, #tpu.memory_space<vmem_shared>>
      tpu.wait_dma2 semaphore(%run_scoped3A : memref<!tpu.dma_semaphore, #tpu.memory_space<semaphore_mem>>) src(%arg20 : memref<80x128xf32, #tpu.memory_space<vmem>>) dst(%dma_wait3A_460 : memref<80x128xf32, #tpu.memory_space<vmem_shared>>)
      tpu.yield
    }) : () -> ()
    %mul3A_50 = arith.constant 640 : i32
    %mul3A_51 = arith.muli %arg1, %mul3A_50 : i32
    %add3A_52 = arith.constant 400 : i32
    %add3A_53 = arith.addi %mul3A_51, %add3A_52 : i32
    "tpu.region"() ({
      %run_scoped3A = tpu.sem_alloc : memref<!tpu.dma_semaphore, #tpu.memory_space<semaphore_mem>>
      %dma_start3A_453 = arith.constant 0 : i32
      %dma_start3A_454 = tpu.memref_slice %arg24[%add3A_53, %dma_start3A_453] : memref<10240x16xf32, #tpu.memory_space<vmem_shared>> -> memref<80x16xf32, #tpu.memory_space<vmem_shared>>
      %dma_start3A_455 = arith.constant 0 : i32
      %dma_start3A_456 = tpu.memref_slice %arg24[%add3A_53, %dma_start3A_455] : memref<10240x16xf32, #tpu.memory_space<vmem_shared>> -> memref<80x16xf32, #tpu.memory_space<vmem_shared>>
      tpu.enqueue_dma source(%arg22 : memref<80x16xf32, #tpu.memory_space<vmem>>) target(%dma_start3A_456 : memref<80x16xf32, #tpu.memory_space<vmem_shared>>) target_semaphore(%run_scoped3A : memref<!tpu.dma_semaphore, #tpu.memory_space<semaphore_mem>>)
      %dma_wait3A_457 = arith.constant 0 : i32
      %dma_wait3A_458 = tpu.memref_slice %arg24[%add3A_53, %dma_wait3A_457] : memref<10240x16xf32, #tpu.memory_space<vmem_shared>> -> memref<80x16xf32, #tpu.memory_space<vmem_shared>>
      %dma_wait3A_459 = arith.constant 0 : i32
      %dma_wait3A_460 = tpu.memref_slice %arg24[%add3A_53, %dma_wait3A_459] : memref<10240x16xf32, #tpu.memory_space<vmem_shared>> -> memref<80x16xf32, #tpu.memory_space<vmem_shared>>
      tpu.wait_dma2 semaphore(%run_scoped3A : memref<!tpu.dma_semaphore, #tpu.memory_space<semaphore_mem>>) src(%arg22 : memref<80x16xf32, #tpu.memory_space<vmem>>) dst(%dma_wait3A_460 : memref<80x16xf32, #tpu.memory_space<vmem_shared>>)
      tpu.yield
    }) : () -> ()
    %mul3A_54 = arith.constant 640 : i32
    %mul3A_55 = arith.muli %arg1, %mul3A_54 : i32
    %add3A_56 = arith.constant 480 : i32
    %add3A_57 = arith.addi %mul3A_55, %add3A_56 : i32
    "tpu.region"() ({
      %run_scoped3A = tpu.sem_alloc : memref<!tpu.dma_semaphore, #tpu.memory_space<semaphore_mem>>
      %dma_start3A_453 = arith.constant 0 : i32
      %dma_start3A_454 = tpu.memref_slice %arg23[%add3A_57, %dma_start3A_453] : memref<10240x128xf32, #tpu.memory_space<vmem_shared>> -> memref<80x128xf32, #tpu.memory_space<vmem_shared>>
      %dma_start3A_455 = arith.constant 0 : i32
      %dma_start3A_456 = tpu.memref_slice %arg23[%add3A_57, %dma_start3A_455] : memref<10240x128xf32, #tpu.memory_space<vmem_shared>> -> memref<80x128xf32, #tpu.memory_space<vmem_shared>>
      tpu.enqueue_dma source(%arg20 : memref<80x128xf32, #tpu.memory_space<vmem>>) target(%dma_start3A_456 : memref<80x128xf32, #tpu.memory_space<vmem_shared>>) target_semaphore(%run_scoped3A : memref<!tpu.dma_semaphore, #tpu.memory_space<semaphore_mem>>)
      %dma_wait3A_457 = arith.constant 0 : i32
      %dma_wait3A_458 = tpu.memref_slice %arg23[%add3A_57, %dma_wait3A_457] : memref<10240x128xf32, #tpu.memory_space<vmem_shared>> -> memref<80x128xf32, #tpu.memory_space<vmem_shared>>
      %dma_wait3A_459 = arith.constant 0 : i32
      %dma_wait3A_460 = tpu.memref_slice %arg23[%add3A_57, %dma_wait3A_459] : memref<10240x128xf32, #tpu.memory_space<vmem_shared>> -> memref<80x128xf32, #tpu.memory_space<vmem_shared>>
      tpu.wait_dma2 semaphore(%run_scoped3A : memref<!tpu.dma_semaphore, #tpu.memory_space<semaphore_mem>>) src(%arg20 : memref<80x128xf32, #tpu.memory_space<vmem>>) dst(%dma_wait3A_460 : memref<80x128xf32, #tpu.memory_space<vmem_shared>>)
      tpu.yield
    }) : () -> ()
    %mul3A_58 = arith.constant 640 : i32
    %mul3A_59 = arith.muli %arg1, %mul3A_58 : i32
    %add3A_60 = arith.constant 480 : i32
    %add3A_61 = arith.addi %mul3A_59, %add3A_60 : i32
    "tpu.region"() ({
      %run_scoped3A = tpu.sem_alloc : memref<!tpu.dma_semaphore, #tpu.memory_space<semaphore_mem>>
      %dma_start3A_453 = arith.constant 0 : i32
      %dma_start3A_454 = tpu.memref_slice %arg24[%add3A_61, %dma_start3A_453] : memref<10240x16xf32, #tpu.memory_space<vmem_shared>> -> memref<80x16xf32, #tpu.memory_space<vmem_shared>>
      %dma_start3A_455 = arith.constant 0 : i32
      %dma_start3A_456 = tpu.memref_slice %arg24[%add3A_61, %dma_start3A_455] : memref<10240x16xf32, #tpu.memory_space<vmem_shared>> -> memref<80x16xf32, #tpu.memory_space<vmem_shared>>
      tpu.enqueue_dma source(%arg22 : memref<80x16xf32, #tpu.memory_space<vmem>>) target(%dma_start3A_456 : memref<80x16xf32, #tpu.memory_space<vmem_shared>>) target_semaphore(%run_scoped3A : memref<!tpu.dma_semaphore, #tpu.memory_space<semaphore_mem>>)
      %dma_wait3A_457 = arith.constant 0 : i32
      %dma_wait3A_458 = tpu.memref_slice %arg24[%add3A_61, %dma_wait3A_457] : memref<10240x16xf32, #tpu.memory_space<vmem_shared>> -> memref<80x16xf32, #tpu.memory_space<vmem_shared>>
      %dma_wait3A_459 = arith.constant 0 : i32
      %dma_wait3A_460 = tpu.memref_slice %arg24[%add3A_61, %dma_wait3A_459] : memref<10240x16xf32, #tpu.memory_space<vmem_shared>> -> memref<80x16xf32, #tpu.memory_space<vmem_shared>>
      tpu.wait_dma2 semaphore(%run_scoped3A : memref<!tpu.dma_semaphore, #tpu.memory_space<semaphore_mem>>) src(%arg22 : memref<80x16xf32, #tpu.memory_space<vmem>>) dst(%dma_wait3A_460 : memref<80x16xf32, #tpu.memory_space<vmem_shared>>)
      tpu.yield
    }) : () -> ()
    %mul3A_62 = arith.constant 640 : i32
    %mul3A_63 = arith.muli %arg1, %mul3A_62 : i32
    %add3A_64 = arith.constant 560 : i32
    %add3A_65 = arith.addi %mul3A_63, %add3A_64 : i32
    "tpu.region"() ({
      %run_scoped3A = tpu.sem_alloc : memref<!tpu.dma_semaphore, #tpu.memory_space<semaphore_mem>>
      %dma_start3A_453 = arith.constant 0 : i32
      %dma_start3A_454 = tpu.memref_slice %arg23[%add3A_65, %dma_start3A_453] : memref<10240x128xf32, #tpu.memory_space<vmem_shared>> -> memref<80x128xf32, #tpu.memory_space<vmem_shared>>
      %dma_start3A_455 = arith.constant 0 : i32
      %dma_start3A_456 = tpu.memref_slice %arg23[%add3A_65, %dma_start3A_455] : memref<10240x128xf32, #tpu.memory_space<vmem_shared>> -> memref<80x128xf32, #tpu.memory_space<vmem_shared>>
      tpu.enqueue_dma source(%arg20 : memref<80x128xf32, #tpu.memory_space<vmem>>) target(%dma_start3A_456 : memref<80x128xf32, #tpu.memory_space<vmem_shared>>) target_semaphore(%run_scoped3A : memref<!tpu.dma_semaphore, #tpu.memory_space<semaphore_mem>>)
      %dma_wait3A_457 = arith.constant 0 : i32
      %dma_wait3A_458 = tpu.memref_slice %arg23[%add3A_65, %dma_wait3A_457] : memref<10240x128xf32, #tpu.memory_space<vmem_shared>> -> memref<80x128xf32, #tpu.memory_space<vmem_shared>>
      %dma_wait3A_459 = arith.constant 0 : i32
      %dma_wait3A_460 = tpu.memref_slice %arg23[%add3A_65, %dma_wait3A_459] : memref<10240x128xf32, #tpu.memory_space<vmem_shared>> -> memref<80x128xf32, #tpu.memory_space<vmem_shared>>
      tpu.wait_dma2 semaphore(%run_scoped3A : memref<!tpu.dma_semaphore, #tpu.memory_space<semaphore_mem>>) src(%arg20 : memref<80x128xf32, #tpu.memory_space<vmem>>) dst(%dma_wait3A_460 : memref<80x128xf32, #tpu.memory_space<vmem_shared>>)
      tpu.yield
    }) : () -> ()
    %mul3A_66 = arith.constant 640 : i32
    %mul3A_67 = arith.muli %arg1, %mul3A_66 : i32
    %add3A_68 = arith.constant 560 : i32
    %add3A_69 = arith.addi %mul3A_67, %add3A_68 : i32
    "tpu.region"() ({
      %run_scoped3A = tpu.sem_alloc : memref<!tpu.dma_semaphore, #tpu.memory_space<semaphore_mem>>
      %dma_start3A_453 = arith.constant 0 : i32
      %dma_start3A_454 = tpu.memref_slice %arg24[%add3A_69, %dma_start3A_453] : memref<10240x16xf32, #tpu.memory_space<vmem_shared>> -> memref<80x16xf32, #tpu.memory_space<vmem_shared>>
      %dma_start3A_455 = arith.constant 0 : i32
      %dma_start3A_456 = tpu.memref_slice %arg24[%add3A_69, %dma_start3A_455] : memref<10240x16xf32, #tpu.memory_space<vmem_shared>> -> memref<80x16xf32, #tpu.memory_space<vmem_shared>>
      tpu.enqueue_dma source(%arg22 : memref<80x16xf32, #tpu.memory_space<vmem>>) target(%dma_start3A_456 : memref<80x16xf32, #tpu.memory_space<vmem_shared>>) target_semaphore(%run_scoped3A : memref<!tpu.dma_semaphore, #tpu.memory_space<semaphore_mem>>)
      %dma_wait3A_457 = arith.constant 0 : i32
      %dma_wait3A_458 = tpu.memref_slice %arg24[%add3A_69, %dma_wait3A_457] : memref<10240x16xf32, #tpu.memory_space<vmem_shared>> -> memref<80x16xf32, #tpu.memory_space<vmem_shared>>
      %dma_wait3A_459 = arith.constant 0 : i32
      %dma_wait3A_460 = tpu.memref_slice %arg24[%add3A_69, %dma_wait3A_459] : memref<10240x16xf32, #tpu.memory_space<vmem_shared>> -> memref<80x16xf32, #tpu.memory_space<vmem_shared>>
      tpu.wait_dma2 semaphore(%run_scoped3A : memref<!tpu.dma_semaphore, #tpu.memory_space<semaphore_mem>>) src(%arg22 : memref<80x16xf32, #tpu.memory_space<vmem>>) dst(%dma_wait3A_460 : memref<80x16xf32, #tpu.memory_space<vmem_shared>>)
      tpu.yield
    }) : () -> ()
    %barrier3A = arith.constant 0 : index
    tpu.barrier barrier_id(%barrier3A)
    %mul3A_70 = arith.constant 10000 : i32
    %mul3A_71 = arith.muli %add3A, %mul3A_70 : i32
    %add3A_72 = arith.constant 0 : i32
    %add3A_73 = arith.addi %mul3A_71, %add3A_72 : i32
    %dma_start3A = arith.constant 0 : i32
    %dma_start3A_74 = arith.constant 0 : i32
    %dma_start3A_75 = tpu.memref_slice %arg2[%dma_start3A, %dma_start3A_74] : memref<2x320000xi32, #tpu.memory_space<hbm>> -> memref<1x320000xi32, #tpu.memory_space<hbm>>
    %dma_start3A_76 = tpu.memref_squeeze %dma_start3A_75 : memref<1x320000xi32, #tpu.memory_space<hbm>> -> memref<320000xi32, #tpu.memory_space<hbm>>
    %dma_start3A_77 = tpu.memref_slice %dma_start3A_76[%add3A_73] : memref<320000xi32, #tpu.memory_space<hbm>> -> memref<80xi32, #tpu.memory_space<hbm>>
    %dma_start3A_78 = arith.constant 0 : i32
    %dma_start3A_79 = tpu.memref_slice %arg2[%dma_start3A, %dma_start3A_78] : memref<2x320000xi32, #tpu.memory_space<hbm>> -> memref<1x320000xi32, #tpu.memory_space<hbm>>
    %dma_start3A_80 = tpu.memref_squeeze %dma_start3A_79 : memref<1x320000xi32, #tpu.memory_space<hbm>> -> memref<320000xi32, #tpu.memory_space<hbm>>
    %dma_start3A_81 = tpu.memref_slice %dma_start3A_80[%add3A_73] : memref<320000xi32, #tpu.memory_space<hbm>> -> memref<80xi32, #tpu.memory_space<hbm>>
    tpu.enqueue_dma source(%dma_start3A_81 : memref<80xi32, #tpu.memory_space<hbm>>) target(%arg8 : memref<80xi32, #tpu.memory_space<vmem>>) target_semaphore(%arg25 : memref<!tpu.dma_semaphore, #tpu.memory_space<semaphore_mem>>)
    %dma_start3A_82 = arith.constant 1 : i32
    %dma_start3A_83 = arith.constant 0 : i32
    %dma_start3A_84 = tpu.memref_slice %arg2[%dma_start3A_82, %dma_start3A_83] : memref<2x320000xi32, #tpu.memory_space<hbm>> -> memref<1x320000xi32, #tpu.memory_space<hbm>>
    %dma_start3A_85 = tpu.memref_squeeze %dma_start3A_84 : memref<1x320000xi32, #tpu.memory_space<hbm>> -> memref<320000xi32, #tpu.memory_space<hbm>>
    %dma_start3A_86 = tpu.memref_slice %dma_start3A_85[%add3A_73] : memref<320000xi32, #tpu.memory_space<hbm>> -> memref<80xi32, #tpu.memory_space<hbm>>
    %dma_start3A_87 = arith.constant 0 : i32
    %dma_start3A_88 = tpu.memref_slice %arg2[%dma_start3A_82, %dma_start3A_87] : memref<2x320000xi32, #tpu.memory_space<hbm>> -> memref<1x320000xi32, #tpu.memory_space<hbm>>
    %dma_start3A_89 = tpu.memref_squeeze %dma_start3A_88 : memref<1x320000xi32, #tpu.memory_space<hbm>> -> memref<320000xi32, #tpu.memory_space<hbm>>
    %dma_start3A_90 = tpu.memref_slice %dma_start3A_89[%add3A_73] : memref<320000xi32, #tpu.memory_space<hbm>> -> memref<80xi32, #tpu.memory_space<hbm>>
    tpu.enqueue_dma source(%dma_start3A_90 : memref<80xi32, #tpu.memory_space<hbm>>) target(%arg12 : memref<80xi32, #tpu.memory_space<vmem>>) target_semaphore(%arg25 : memref<!tpu.dma_semaphore, #tpu.memory_space<semaphore_mem>>)
    %mul3A_91 = arith.constant 10000 : i32
    %mul3A_92 = arith.muli %add3A, %mul3A_91 : i32
    %add3A_93 = arith.constant 80 : i32
    %add3A_94 = arith.addi %mul3A_92, %add3A_93 : i32
    %dma_start3A_95 = arith.constant 0 : i32
    %dma_start3A_96 = arith.constant 0 : i32
    %dma_start3A_97 = tpu.memref_slice %arg2[%dma_start3A_95, %dma_start3A_96] : memref<2x320000xi32, #tpu.memory_space<hbm>> -> memref<1x320000xi32, #tpu.memory_space<hbm>>
    %dma_start3A_98 = tpu.memref_squeeze %dma_start3A_97 : memref<1x320000xi32, #tpu.memory_space<hbm>> -> memref<320000xi32, #tpu.memory_space<hbm>>
    %dma_start3A_99 = tpu.memref_slice %dma_start3A_98[%add3A_94] : memref<320000xi32, #tpu.memory_space<hbm>> -> memref<80xi32, #tpu.memory_space<hbm>>
    %dma_start3A_100 = arith.constant 0 : i32
    %dma_start3A_101 = tpu.memref_slice %arg2[%dma_start3A_95, %dma_start3A_100] : memref<2x320000xi32, #tpu.memory_space<hbm>> -> memref<1x320000xi32, #tpu.memory_space<hbm>>
    %dma_start3A_102 = tpu.memref_squeeze %dma_start3A_101 : memref<1x320000xi32, #tpu.memory_space<hbm>> -> memref<320000xi32, #tpu.memory_space<hbm>>
    %dma_start3A_103 = tpu.memref_slice %dma_start3A_102[%add3A_94] : memref<320000xi32, #tpu.memory_space<hbm>> -> memref<80xi32, #tpu.memory_space<hbm>>
    tpu.enqueue_dma source(%dma_start3A_103 : memref<80xi32, #tpu.memory_space<hbm>>) target(%arg9 : memref<80xi32, #tpu.memory_space<vmem>>) target_semaphore(%arg26 : memref<!tpu.dma_semaphore, #tpu.memory_space<semaphore_mem>>)
    %dma_start3A_104 = arith.constant 1 : i32
    %dma_start3A_105 = arith.constant 0 : i32
    %dma_start3A_106 = tpu.memref_slice %arg2[%dma_start3A_104, %dma_start3A_105] : memref<2x320000xi32, #tpu.memory_space<hbm>> -> memref<1x320000xi32, #tpu.memory_space<hbm>>
    %dma_start3A_107 = tpu.memref_squeeze %dma_start3A_106 : memref<1x320000xi32, #tpu.memory_space<hbm>> -> memref<320000xi32, #tpu.memory_space<hbm>>
    %dma_start3A_108 = tpu.memref_slice %dma_start3A_107[%add3A_94] : memref<320000xi32, #tpu.memory_space<hbm>> -> memref<80xi32, #tpu.memory_space<hbm>>
    %dma_start3A_109 = arith.constant 0 : i32
    %dma_start3A_110 = tpu.memref_slice %arg2[%dma_start3A_104, %dma_start3A_109] : memref<2x320000xi32, #tpu.memory_space<hbm>> -> memref<1x320000xi32, #tpu.memory_space<hbm>>
    %dma_start3A_111 = tpu.memref_squeeze %dma_start3A_110 : memref<1x320000xi32, #tpu.memory_space<hbm>> -> memref<320000xi32, #tpu.memory_space<hbm>>
    %dma_start3A_112 = tpu.memref_slice %dma_start3A_111[%add3A_94] : memref<320000xi32, #tpu.memory_space<hbm>> -> memref<80xi32, #tpu.memory_space<hbm>>
    tpu.enqueue_dma source(%dma_start3A_112 : memref<80xi32, #tpu.memory_space<hbm>>) target(%arg13 : memref<80xi32, #tpu.memory_space<vmem>>) target_semaphore(%arg26 : memref<!tpu.dma_semaphore, #tpu.memory_space<semaphore_mem>>)
    %dma_wait3A = arith.constant 0 : i32
    %dma_wait3A_113 = arith.constant 0 : i32
    %dma_wait3A_114 = tpu.memref_slice %arg2[%dma_wait3A, %dma_wait3A_113] : memref<2x320000xi32, #tpu.memory_space<hbm>> -> memref<1x320000xi32, #tpu.memory_space<hbm>>
    %dma_wait3A_115 = tpu.memref_squeeze %dma_wait3A_114 : memref<1x320000xi32, #tpu.memory_space<hbm>> -> memref<320000xi32, #tpu.memory_space<hbm>>
    %dma_wait3A_116 = arith.constant 0 : i32
    %dma_wait3A_117 = tpu.memref_slice %dma_wait3A_115[%dma_wait3A_116] : memref<320000xi32, #tpu.memory_space<hbm>> -> memref<80xi32, #tpu.memory_space<hbm>>
    %dma_wait3A_118 = arith.constant 0 : i32
    %dma_wait3A_119 = tpu.memref_slice %arg2[%dma_wait3A, %dma_wait3A_118] : memref<2x320000xi32, #tpu.memory_space<hbm>> -> memref<1x320000xi32, #tpu.memory_space<hbm>>
    %dma_wait3A_120 = tpu.memref_squeeze %dma_wait3A_119 : memref<1x320000xi32, #tpu.memory_space<hbm>> -> memref<320000xi32, #tpu.memory_space<hbm>>
    %dma_wait3A_121 = arith.constant 0 : i32
    %dma_wait3A_122 = tpu.memref_slice %dma_wait3A_120[%dma_wait3A_121] : memref<320000xi32, #tpu.memory_space<hbm>> -> memref<80xi32, #tpu.memory_space<hbm>>
    tpu.wait_dma2 semaphore(%arg25 : memref<!tpu.dma_semaphore, #tpu.memory_space<semaphore_mem>>) src(%dma_wait3A_122 : memref<80xi32, #tpu.memory_space<hbm>>) dst(%arg8 : memref<80xi32, #tpu.memory_space<vmem>>)
    %dma_wait3A_123 = arith.constant 1 : i32
    %dma_wait3A_124 = arith.constant 0 : i32
    %dma_wait3A_125 = tpu.memref_slice %arg2[%dma_wait3A_123, %dma_wait3A_124] : memref<2x320000xi32, #tpu.memory_space<hbm>> -> memref<1x320000xi32, #tpu.memory_space<hbm>>
    %dma_wait3A_126 = tpu.memref_squeeze %dma_wait3A_125 : memref<1x320000xi32, #tpu.memory_space<hbm>> -> memref<320000xi32, #tpu.memory_space<hbm>>
    %dma_wait3A_127 = arith.constant 0 : i32
    %dma_wait3A_128 = tpu.memref_slice %dma_wait3A_126[%dma_wait3A_127] : memref<320000xi32, #tpu.memory_space<hbm>> -> memref<80xi32, #tpu.memory_space<hbm>>
    %dma_wait3A_129 = arith.constant 0 : i32
    %dma_wait3A_130 = tpu.memref_slice %arg2[%dma_wait3A_123, %dma_wait3A_129] : memref<2x320000xi32, #tpu.memory_space<hbm>> -> memref<1x320000xi32, #tpu.memory_space<hbm>>
    %dma_wait3A_131 = tpu.memref_squeeze %dma_wait3A_130 : memref<1x320000xi32, #tpu.memory_space<hbm>> -> memref<320000xi32, #tpu.memory_space<hbm>>
    %dma_wait3A_132 = arith.constant 0 : i32
    %dma_wait3A_133 = tpu.memref_slice %dma_wait3A_131[%dma_wait3A_132] : memref<320000xi32, #tpu.memory_space<hbm>> -> memref<80xi32, #tpu.memory_space<hbm>>
    tpu.wait_dma2 semaphore(%arg25 : memref<!tpu.dma_semaphore, #tpu.memory_space<semaphore_mem>>) src(%dma_wait3A_133 : memref<80xi32, #tpu.memory_space<hbm>>) dst(%arg12 : memref<80xi32, #tpu.memory_space<vmem>>)
    %dma_start3A_134 = arith.constant 0 : i32
    %dma_start3A_135 = arith.constant 0 : i32
    %dma_start3A_136 = tpu.memref_slice %arg3[%dma_start3A_134, %dma_start3A_135] : memref<10000x128xf32, #tpu.memory_space<hbm>> -> memref<10000x128xf32, #tpu.memory_space<hbm>>
    tpu.enqueue_indirect_dma source(%dma_start3A_136 : memref<10000x128xf32, #tpu.memory_space<hbm>>) target(%arg20 : memref<80x128xf32, #tpu.memory_space<vmem>>) offsets(%arg8 : memref<80xi32, #tpu.memory_space<vmem>>) semaphore(%arg29 : memref<!tpu.dma_semaphore, #tpu.memory_space<semaphore_mem>>)
    %dma_start3A_137 = arith.constant 0 : i32
    %dma_start3A_138 = arith.constant 0 : i32
    %dma_start3A_139 = tpu.memref_slice %arg4[%dma_start3A_137, %dma_start3A_138] : memref<10000x16xf32, #tpu.memory_space<hbm>> -> memref<10000x16xf32, #tpu.memory_space<hbm>>
    tpu.enqueue_indirect_dma source(%dma_start3A_139 : memref<10000x16xf32, #tpu.memory_space<hbm>>) target(%arg16 : memref<80x16xf32, #tpu.memory_space<vmem>>) offsets(%arg8 : memref<80xi32, #tpu.memory_space<vmem>>) semaphore(%arg29 : memref<!tpu.dma_semaphore, #tpu.memory_space<semaphore_mem>>)
    %dma_start3A_140 = arith.constant 0 : i32
    %dma_start3A_141 = arith.constant 0 : i32
    %dma_start3A_142 = tpu.memref_slice %arg5[%dma_start3A_140, %dma_start3A_141] : memref<10000x16xf32, #tpu.memory_space<hbm>> -> memref<10000x16xf32, #tpu.memory_space<hbm>>
    tpu.enqueue_indirect_dma source(%dma_start3A_142 : memref<10000x16xf32, #tpu.memory_space<hbm>>) target(%arg18 : memref<80x16xf32, #tpu.memory_space<vmem>>) offsets(%arg12 : memref<80xi32, #tpu.memory_space<vmem>>) semaphore(%arg29 : memref<!tpu.dma_semaphore, #tpu.memory_space<semaphore_mem>>)
    %dma_wait3A_143 = arith.constant 0 : i32
    %dma_wait3A_144 = arith.constant 0 : i32
    %dma_wait3A_145 = tpu.memref_slice %arg3[%dma_wait3A_143, %dma_wait3A_144] : memref<10000x128xf32, #tpu.memory_space<hbm>> -> memref<10000x128xf32, #tpu.memory_space<hbm>>
    tpu.wait_indirect_dma semaphore(%arg29 : memref<!tpu.dma_semaphore, #tpu.memory_space<semaphore_mem>>) src(%dma_wait3A_145 : memref<10000x128xf32, #tpu.memory_space<hbm>>) dst(%arg20 : memref<80x128xf32, #tpu.memory_space<vmem>>)
    %dma_wait3A_146 = arith.constant 0 : i32
    %dma_wait3A_147 = arith.constant 0 : i32
    %dma_wait3A_148 = tpu.memref_slice %arg4[%dma_wait3A_146, %dma_wait3A_147] : memref<10000x16xf32, #tpu.memory_space<hbm>> -> memref<10000x16xf32, #tpu.memory_space<hbm>>
    tpu.wait_indirect_dma semaphore(%arg29 : memref<!tpu.dma_semaphore, #tpu.memory_space<semaphore_mem>>) src(%dma_wait3A_148 : memref<10000x16xf32, #tpu.memory_space<hbm>>) dst(%arg16 : memref<80x16xf32, #tpu.memory_space<vmem>>)
    %dma_wait3A_149 = arith.constant 0 : i32
    %dma_wait3A_150 = arith.constant 0 : i32
    %dma_wait3A_151 = tpu.memref_slice %arg5[%dma_wait3A_149, %dma_wait3A_150] : memref<10000x16xf32, #tpu.memory_space<hbm>> -> memref<10000x16xf32, #tpu.memory_space<hbm>>
    tpu.wait_indirect_dma semaphore(%arg29 : memref<!tpu.dma_semaphore, #tpu.memory_space<semaphore_mem>>) src(%dma_wait3A_151 : memref<10000x16xf32, #tpu.memory_space<hbm>>) dst(%arg18 : memref<80x16xf32, #tpu.memory_space<vmem>>)
    %dma_wait3A_152 = arith.constant 0 : i32
    %dma_wait3A_153 = arith.constant 0 : i32
    %dma_wait3A_154 = tpu.memref_slice %arg2[%dma_wait3A_152, %dma_wait3A_153] : memref<2x320000xi32, #tpu.memory_space<hbm>> -> memref<1x320000xi32, #tpu.memory_space<hbm>>
    %dma_wait3A_155 = tpu.memref_squeeze %dma_wait3A_154 : memref<1x320000xi32, #tpu.memory_space<hbm>> -> memref<320000xi32, #tpu.memory_space<hbm>>
    %dma_wait3A_156 = arith.constant 0 : i32
    %dma_wait3A_157 = tpu.memref_slice %dma_wait3A_155[%dma_wait3A_156] : memref<320000xi32, #tpu.memory_space<hbm>> -> memref<80xi32, #tpu.memory_space<hbm>>
    %dma_wait3A_158 = arith.constant 0 : i32
    %dma_wait3A_159 = tpu.memref_slice %arg2[%dma_wait3A_152, %dma_wait3A_158] : memref<2x320000xi32, #tpu.memory_space<hbm>> -> memref<1x320000xi32, #tpu.memory_space<hbm>>
    %dma_wait3A_160 = tpu.memref_squeeze %dma_wait3A_159 : memref<1x320000xi32, #tpu.memory_space<hbm>> -> memref<320000xi32, #tpu.memory_space<hbm>>
    %dma_wait3A_161 = arith.constant 0 : i32
    %dma_wait3A_162 = tpu.memref_slice %dma_wait3A_160[%dma_wait3A_161] : memref<320000xi32, #tpu.memory_space<hbm>> -> memref<80xi32, #tpu.memory_space<hbm>>
    tpu.wait_dma2 semaphore(%arg26 : memref<!tpu.dma_semaphore, #tpu.memory_space<semaphore_mem>>) src(%dma_wait3A_162 : memref<80xi32, #tpu.memory_space<hbm>>) dst(%arg9 : memref<80xi32, #tpu.memory_space<vmem>>)
    %dma_wait3A_163 = arith.constant 1 : i32
    %dma_wait3A_164 = arith.constant 0 : i32
    %dma_wait3A_165 = tpu.memref_slice %arg2[%dma_wait3A_163, %dma_wait3A_164] : memref<2x320000xi32, #tpu.memory_space<hbm>> -> memref<1x320000xi32, #tpu.memory_space<hbm>>
    %dma_wait3A_166 = tpu.memref_squeeze %dma_wait3A_165 : memref<1x320000xi32, #tpu.memory_space<hbm>> -> memref<320000xi32, #tpu.memory_space<hbm>>
    %dma_wait3A_167 = arith.constant 0 : i32
    %dma_wait3A_168 = tpu.memref_slice %dma_wait3A_166[%dma_wait3A_167] : memref<320000xi32, #tpu.memory_space<hbm>> -> memref<80xi32, #tpu.memory_space<hbm>>
    %dma_wait3A_169 = arith.constant 0 : i32
    %dma_wait3A_170 = tpu.memref_slice %arg2[%dma_wait3A_163, %dma_wait3A_169] : memref<2x320000xi32, #tpu.memory_space<hbm>> -> memref<1x320000xi32, #tpu.memory_space<hbm>>
    %dma_wait3A_171 = tpu.memref_squeeze %dma_wait3A_170 : memref<1x320000xi32, #tpu.memory_space<hbm>> -> memref<320000xi32, #tpu.memory_space<hbm>>
    %dma_wait3A_172 = arith.constant 0 : i32
    %dma_wait3A_173 = tpu.memref_slice %dma_wait3A_171[%dma_wait3A_172] : memref<320000xi32, #tpu.memory_space<hbm>> -> memref<80xi32, #tpu.memory_space<hbm>>
    tpu.wait_dma2 semaphore(%arg26 : memref<!tpu.dma_semaphore, #tpu.memory_space<semaphore_mem>>) src(%dma_wait3A_173 : memref<80xi32, #tpu.memory_space<hbm>>) dst(%arg13 : memref<80xi32, #tpu.memory_space<vmem>>)
    %dma_start3A_174 = arith.constant 0 : i32
    %dma_start3A_175 = arith.constant 0 : i32
    %dma_start3A_176 = tpu.memref_slice %arg3[%dma_start3A_174, %dma_start3A_175] : memref<10000x128xf32, #tpu.memory_space<hbm>> -> memref<10000x128xf32, #tpu.memory_space<hbm>>
    tpu.enqueue_indirect_dma source(%dma_start3A_176 : memref<10000x128xf32, #tpu.memory_space<hbm>>) target(%arg21 : memref<80x128xf32, #tpu.memory_space<vmem>>) offsets(%arg9 : memref<80xi32, #tpu.memory_space<vmem>>) semaphore(%arg30 : memref<!tpu.dma_semaphore, #tpu.memory_space<semaphore_mem>>)
    %dma_start3A_177 = arith.constant 0 : i32
    %dma_start3A_178 = arith.constant 0 : i32
    %dma_start3A_179 = tpu.memref_slice %arg4[%dma_start3A_177, %dma_start3A_178] : memref<10000x16xf32, #tpu.memory_space<hbm>> -> memref<10000x16xf32, #tpu.memory_space<hbm>>
    tpu.enqueue_indirect_dma source(%dma_start3A_179 : memref<10000x16xf32, #tpu.memory_space<hbm>>) target(%arg17 : memref<80x16xf32, #tpu.memory_space<vmem>>) offsets(%arg9 : memref<80xi32, #tpu.memory_space<vmem>>) semaphore(%arg30 : memref<!tpu.dma_semaphore, #tpu.memory_space<semaphore_mem>>)
    %dma_start3A_180 = arith.constant 0 : i32
    %dma_start3A_181 = arith.constant 0 : i32
    %dma_start3A_182 = tpu.memref_slice %arg5[%dma_start3A_180, %dma_start3A_181] : memref<10000x16xf32, #tpu.memory_space<hbm>> -> memref<10000x16xf32, #tpu.memory_space<hbm>>
    tpu.enqueue_indirect_dma source(%dma_start3A_182 : memref<10000x16xf32, #tpu.memory_space<hbm>>) target(%arg19 : memref<80x16xf32, #tpu.memory_space<vmem>>) offsets(%arg13 : memref<80xi32, #tpu.memory_space<vmem>>) semaphore(%arg30 : memref<!tpu.dma_semaphore, #tpu.memory_space<semaphore_mem>>)
    %parallel_loop3A = arith.constant 0 : i32
    %parallel_loop3A_183 = arith.constant 80 : i32
    %parallel_loop3A_184 = arith.constant 1 : i32
    scf.for %parallel_loop3A_453 = %parallel_loop3A to %parallel_loop3A_183 step %parallel_loop3A_184  : i32 {
      %parallel_loop3A_454 = arith.index_cast %parallel_loop3A_453 : i32 to index
      %parallel_loop3A_455 = arith.constant 0 : index
      %parallel_loop3A_456 = tpu.vector_load %arg16[%parallel_loop3A_454, %parallel_loop3A_455] {strides = array<i32>} : memref<80x16xf32, #tpu.memory_space<vmem>>, vector<1x16xf32>,
      %parallel_loop3A_457 = vector.shape_cast %parallel_loop3A_456 : vector<1x16xf32> to vector<16xf32>
      %parallel_loop3A_458 = arith.index_cast %parallel_loop3A_453 : i32 to index
      %parallel_loop3A_459 = arith.constant 0 : index
      %parallel_loop3A_460 = tpu.vector_load %arg18[%parallel_loop3A_458, %parallel_loop3A_459] {strides = array<i32>} : memref<80x16xf32, #tpu.memory_space<vmem>>, vector<1x16xf32>,
      %parallel_loop3A_461 = vector.shape_cast %parallel_loop3A_460 : vector<1x16xf32> to vector<16xf32>
      %parallel_loop3A_462 = arith.addf %parallel_loop3A_457, %parallel_loop3A_461 : vector<16xf32>
      %parallel_loop3A_463 = arith.constant 2.000000e-01 : f32
      %parallel_loop3A_464 = vector.broadcast %parallel_loop3A_463 : f32 to vector<16xf32>
      %parallel_loop3A_465 = arith.mulf %parallel_loop3A_464, %parallel_loop3A_462 : vector<16xf32>
      %parallel_loop3A_466 = arith.maximumf %parallel_loop3A_462, %parallel_loop3A_465 : vector<16xf32>
      %parallel_loop3A_467 = math.exp %parallel_loop3A_466 : vector<16xf32>
      %parallel_loop3A_468 = arith.index_cast %parallel_loop3A_453 : i32 to index
      %parallel_loop3A_469 = arith.constant 0 : index
      %parallel_loop3A_470 = tpu.vector_load %arg22[%parallel_loop3A_468, %parallel_loop3A_469] {strides = array<i32>} : memref<80x16xf32, #tpu.memory_space<vmem>>, vector<1x16xf32>,
      %parallel_loop3A_471 = vector.shape_cast %parallel_loop3A_470 : vector<1x16xf32> to vector<16xf32>
      %parallel_loop3A_472 = vector.shape_cast %parallel_loop3A_467 : vector<16xf32> to vector<1x16xf32>
      tpu.vector_store %arg22[%parallel_loop3A_468, %parallel_loop3A_469], %parallel_loop3A_472 {strides = array<i32>} : memref<80x16xf32, #tpu.memory_space<vmem>>, vector<1x16xf32>,
      %parallel_loop3A_473 = arith.constant 0 : i32
      %parallel_loop3A_474 = vector.broadcast %parallel_loop3A_473 : i32 to vector<16x1xi32>
      %parallel_loop3A_475 = vector.shape_cast %parallel_loop3A_474 : vector<16x1xi32> to vector<16xi32>
      %parallel_loop3A_476 = tpu.dynamic_gather %parallel_loop3A_467[%parallel_loop3A_475] in [0] : vector<16xf32>, vector<16xi32> -> vector<16xf32>
      %parallel_loop3A_477 = arith.index_cast %parallel_loop3A_453 : i32 to index
      %parallel_loop3A_478 = arith.constant 0 : index
      %parallel_loop3A_479 = tpu.vector_load %arg20[%parallel_loop3A_477, %parallel_loop3A_478] {strides = array<i32>} : memref<80x128xf32, #tpu.memory_space<vmem>>, vector<1x16xf32>,
      %parallel_loop3A_480 = vector.shape_cast %parallel_loop3A_479 : vector<1x16xf32> to vector<16xf32>
      %parallel_loop3A_481 = arith.mulf %parallel_loop3A_480, %parallel_loop3A_476 : vector<16xf32>
      %parallel_loop3A_482 = arith.index_cast %parallel_loop3A_453 : i32 to index
      %parallel_loop3A_483 = arith.constant 0 : index
      %parallel_loop3A_484 = tpu.vector_load %arg20[%parallel_loop3A_482, %parallel_loop3A_483] {strides = array<i32>} : memref<80x128xf32, #tpu.memory_space<vmem>>, vector<1x16xf32>,
      %parallel_loop3A_485 = vector.shape_cast %parallel_loop3A_484 : vector<1x16xf32> to vector<16xf32>
      %parallel_loop3A_486 = vector.shape_cast %parallel_loop3A_481 : vector<16xf32> to vector<1x16xf32>
      tpu.vector_store %arg20[%parallel_loop3A_482, %parallel_loop3A_483], %parallel_loop3A_486 {strides = array<i32>} : memref<80x128xf32, #tpu.memory_space<vmem>>, vector<1x16xf32>,
      %parallel_loop3A_487 = arith.constant 0 : i32
      %parallel_loop3A_488 = vector.broadcast %parallel_loop3A_487 : i32 to vector<16x1xi32>
      %parallel_loop3A_489 = vector.shape_cast %parallel_loop3A_488 : vector<16x1xi32> to vector<16xi32>
      %parallel_loop3A_490 = tpu.dynamic_gather %parallel_loop3A_467[%parallel_loop3A_489] in [0] : vector<16xf32>, vector<16xi32> -> vector<16xf32>
      %parallel_loop3A_491 = arith.index_cast %parallel_loop3A_453 : i32 to index
      %parallel_loop3A_492 = arith.constant 16 : index
      %parallel_loop3A_493 = tpu.vector_load %arg20[%parallel_loop3A_491, %parallel_loop3A_492] {strides = array<i32>} : memref<80x128xf32, #tpu.memory_space<vmem>>, vector<1x16xf32>,
      %parallel_loop3A_494 = vector.shape_cast %parallel_loop3A_493 : vector<1x16xf32> to vector<16xf32>
      %parallel_loop3A_495 = arith.mulf %parallel_loop3A_494, %parallel_loop3A_490 : vector<16xf32>
      %parallel_loop3A_496 = arith.index_cast %parallel_loop3A_453 : i32 to index
      %parallel_loop3A_497 = arith.constant 16 : index
      %parallel_loop3A_498 = tpu.vector_load %arg20[%parallel_loop3A_496, %parallel_loop3A_497] {strides = array<i32>} : memref<80x128xf32, #tpu.memory_space<vmem>>, vector<1x16xf32>,
      %parallel_loop3A_499 = vector.shape_cast %parallel_loop3A_498 : vector<1x16xf32> to vector<16xf32>
      %parallel_loop3A_500 = vector.shape_cast %parallel_loop3A_495 : vector<16xf32> to vector<1x16xf32>
      tpu.vector_store %arg20[%parallel_loop3A_496, %parallel_loop3A_497], %parallel_loop3A_500 {strides = array<i32>} : memref<80x128xf32, #tpu.memory_space<vmem>>, vector<1x16xf32>,
      %parallel_loop3A_501 = arith.constant 1 : i32
      %parallel_loop3A_502 = vector.broadcast %parallel_loop3A_501 : i32 to vector<16x1xi32>
      %parallel_loop3A_503 = vector.shape_cast %parallel_loop3A_502 : vector<16x1xi32> to vector<16xi32>
      %parallel_loop3A_504 = tpu.dynamic_gather %parallel_loop3A_467[%parallel_loop3A_503] in [0] : vector<16xf32>, vector<16xi32> -> vector<16xf32>
      %parallel_loop3A_505 = arith.index_cast %parallel_loop3A_453 : i32 to index
      %parallel_loop3A_506 = arith.constant 32 : index
      %parallel_loop3A_507 = tpu.vector_load %arg20[%parallel_loop3A_505, %parallel_loop3A_506] {strides = array<i32>} : memref<80x128xf32, #tpu.memory_space<vmem>>, vector<1x16xf32>,
      %parallel_loop3A_508 = vector.shape_cast %parallel_loop3A_507 : vector<1x16xf32> to vector<16xf32>
      %parallel_loop3A_509 = arith.mulf %parallel_loop3A_508, %parallel_loop3A_504 : vector<16xf32>
      %parallel_loop3A_510 = arith.index_cast %parallel_loop3A_453 : i32 to index
      %parallel_loop3A_511 = arith.constant 32 : index
      %parallel_loop3A_512 = tpu.vector_load %arg20[%parallel_loop3A_510, %parallel_loop3A_511] {strides = array<i32>} : memref<80x128xf32, #tpu.memory_space<vmem>>, vector<1x16xf32>,
      %parallel_loop3A_513 = vector.shape_cast %parallel_loop3A_512 : vector<1x16xf32> to vector<16xf32>
      %parallel_loop3A_514 = vector.shape_cast %parallel_loop3A_509 : vector<16xf32> to vector<1x16xf32>
      tpu.vector_store %arg20[%parallel_loop3A_510, %parallel_loop3A_511], %parallel_loop3A_514 {strides = array<i32>} : memref<80x128xf32, #tpu.memory_space<vmem>>, vector<1x16xf32>,
      %parallel_loop3A_515 = arith.constant 1 : i32
      %parallel_loop3A_516 = vector.broadcast %parallel_loop3A_515 : i32 to vector<16x1xi32>
      %parallel_loop3A_517 = vector.shape_cast %parallel_loop3A_516 : vector<16x1xi32> to vector<16xi32>
      %parallel_loop3A_518 = tpu.dynamic_gather %parallel_loop3A_467[%parallel_loop3A_517] in [0] : vector<16xf32>, vector<16xi32> -> vector<16xf32>
      %parallel_loop3A_519 = arith.index_cast %parallel_loop3A_453 : i32 to index
      %parallel_loop3A_520 = arith.constant 48 : index
      %parallel_loop3A_521 = tpu.vector_load %arg20[%parallel_loop3A_519, %parallel_loop3A_520] {strides = array<i32>} : memref<80x128xf32, #tpu.memory_space<vmem>>, vector<1x16xf32>,
      %parallel_loop3A_522 = vector.shape_cast %parallel_loop3A_521 : vector<1x16xf32> to vector<16xf32>
      %parallel_loop3A_523 = arith.mulf %parallel_loop3A_522, %parallel_loop3A_518 : vector<16xf32>
      %parallel_loop3A_524 = arith.index_cast %parallel_loop3A_453 : i32 to index
      %parallel_loop3A_525 = arith.constant 48 : index
      %parallel_loop3A_526 = tpu.vector_load %arg20[%parallel_loop3A_524, %parallel_loop3A_525] {strides = array<i32>} : memref<80x128xf32, #tpu.memory_space<vmem>>, vector<1x16xf32>,
      %parallel_loop3A_527 = vector.shape_cast %parallel_loop3A_526 : vector<1x16xf32> to vector<16xf32>
      %parallel_loop3A_528 = vector.shape_cast %parallel_loop3A_523 : vector<16xf32> to vector<1x16xf32>
      tpu.vector_store %arg20[%parallel_loop3A_524, %parallel_loop3A_525], %parallel_loop3A_528 {strides = array<i32>} : memref<80x128xf32, #tpu.memory_space<vmem>>, vector<1x16xf32>,
      %parallel_loop3A_529 = arith.constant 2 : i32
      %parallel_loop3A_530 = vector.broadcast %parallel_loop3A_529 : i32 to vector<16x1xi32>
      %parallel_loop3A_531 = vector.shape_cast %parallel_loop3A_530 : vector<16x1xi32> to vector<16xi32>
      %parallel_loop3A_532 = tpu.dynamic_gather %parallel_loop3A_467[%parallel_loop3A_531] in [0] : vector<16xf32>, vector<16xi32> -> vector<16xf32>
      %parallel_loop3A_533 = arith.index_cast %parallel_loop3A_453 : i32 to index
      %parallel_loop3A_534 = arith.constant 64 : index
      %parallel_loop3A_535 = tpu.vector_load %arg20[%parallel_loop3A_533, %parallel_loop3A_534] {strides = array<i32>} : memref<80x128xf32, #tpu.memory_space<vmem>>, vector<1x16xf32>,
      %parallel_loop3A_536 = vector.shape_cast %parallel_loop3A_535 : vector<1x16xf32> to vector<16xf32>
      %parallel_loop3A_537 = arith.mulf %parallel_loop3A_536, %parallel_loop3A_532 : vector<16xf32>
      %parallel_loop3A_538 = arith.index_cast %parallel_loop3A_453 : i32 to index
      %parallel_loop3A_539 = arith.constant 64 : index
      %parallel_loop3A_540 = tpu.vector_load %arg20[%parallel_loop3A_538, %parallel_loop3A_539] {strides = array<i32>} : memref<80x128xf32, #tpu.memory_space<vmem>>, vector<1x16xf32>,
      %parallel_loop3A_541 = vector.shape_cast %parallel_loop3A_540 : vector<1x16xf32> to vector<16xf32>
      %parallel_loop3A_542 = vector.shape_cast %parallel_loop3A_537 : vector<16xf32> to vector<1x16xf32>
      tpu.vector_store %arg20[%parallel_loop3A_538, %parallel_loop3A_539], %parallel_loop3A_542 {strides = array<i32>} : memref<80x128xf32, #tpu.memory_space<vmem>>, vector<1x16xf32>,
      %parallel_loop3A_543 = arith.constant 2 : i32
      %parallel_loop3A_544 = vector.broadcast %parallel_loop3A_543 : i32 to vector<16x1xi32>
      %parallel_loop3A_545 = vector.shape_cast %parallel_loop3A_544 : vector<16x1xi32> to vector<16xi32>
      %parallel_loop3A_546 = tpu.dynamic_gather %parallel_loop3A_467[%parallel_loop3A_545] in [0] : vector<16xf32>, vector<16xi32> -> vector<16xf32>
      %parallel_loop3A_547 = arith.index_cast %parallel_loop3A_453 : i32 to index
      %parallel_loop3A_548 = arith.constant 80 : index
      %parallel_loop3A_549 = tpu.vector_load %arg20[%parallel_loop3A_547, %parallel_loop3A_548] {strides = array<i32>} : memref<80x128xf32, #tpu.memory_space<vmem>>, vector<1x16xf32>,
      %parallel_loop3A_550 = vector.shape_cast %parallel_loop3A_549 : vector<1x16xf32> to vector<16xf32>
      %parallel_loop3A_551 = arith.mulf %parallel_loop3A_550, %parallel_loop3A_546 : vector<16xf32>
      %parallel_loop3A_552 = arith.index_cast %parallel_loop3A_453 : i32 to index
      %parallel_loop3A_553 = arith.constant 80 : index
      %parallel_loop3A_554 = tpu.vector_load %arg20[%parallel_loop3A_552, %parallel_loop3A_553] {strides = array<i32>} : memref<80x128xf32, #tpu.memory_space<vmem>>, vector<1x16xf32>,
      %parallel_loop3A_555 = vector.shape_cast %parallel_loop3A_554 : vector<1x16xf32> to vector<16xf32>
      %parallel_loop3A_556 = vector.shape_cast %parallel_loop3A_551 : vector<16xf32> to vector<1x16xf32>
      tpu.vector_store %arg20[%parallel_loop3A_552, %parallel_loop3A_553], %parallel_loop3A_556 {strides = array<i32>} : memref<80x128xf32, #tpu.memory_space<vmem>>, vector<1x16xf32>,
      %parallel_loop3A_557 = arith.constant 3 : i32
      %parallel_loop3A_558 = vector.broadcast %parallel_loop3A_557 : i32 to vector<16x1xi32>
      %parallel_loop3A_559 = vector.shape_cast %parallel_loop3A_558 : vector<16x1xi32> to vector<16xi32>
      %parallel_loop3A_560 = tpu.dynamic_gather %parallel_loop3A_467[%parallel_loop3A_559] in [0] : vector<16xf32>, vector<16xi32> -> vector<16xf32>
      %parallel_loop3A_561 = arith.index_cast %parallel_loop3A_453 : i32 to index
      %parallel_loop3A_562 = arith.constant 96 : index
      %parallel_loop3A_563 = tpu.vector_load %arg20[%parallel_loop3A_561, %parallel_loop3A_562] {strides = array<i32>} : memref<80x128xf32, #tpu.memory_space<vmem>>, vector<1x16xf32>,
      %parallel_loop3A_564 = vector.shape_cast %parallel_loop3A_563 : vector<1x16xf32> to vector<16xf32>
      %parallel_loop3A_565 = arith.mulf %parallel_loop3A_564, %parallel_loop3A_560 : vector<16xf32>
      %parallel_loop3A_566 = arith.index_cast %parallel_loop3A_453 : i32 to index
      %parallel_loop3A_567 = arith.constant 96 : index
      %parallel_loop3A_568 = tpu.vector_load %arg20[%parallel_loop3A_566, %parallel_loop3A_567] {strides = array<i32>} : memref<80x128xf32, #tpu.memory_space<vmem>>, vector<1x16xf32>,
      %parallel_loop3A_569 = vector.shape_cast %parallel_loop3A_568 : vector<1x16xf32> to vector<16xf32>
      %parallel_loop3A_570 = vector.shape_cast %parallel_loop3A_565 : vector<16xf32> to vector<1x16xf32>
      tpu.vector_store %arg20[%parallel_loop3A_566, %parallel_loop3A_567], %parallel_loop3A_570 {strides = array<i32>} : memref<80x128xf32, #tpu.memory_space<vmem>>, vector<1x16xf32>,
      %parallel_loop3A_571 = arith.constant 3 : i32
      %parallel_loop3A_572 = vector.broadcast %parallel_loop3A_571 : i32 to vector<16x1xi32>
      %parallel_loop3A_573 = vector.shape_cast %parallel_loop3A_572 : vector<16x1xi32> to vector<16xi32>
      %parallel_loop3A_574 = tpu.dynamic_gather %parallel_loop3A_467[%parallel_loop3A_573] in [0] : vector<16xf32>, vector<16xi32> -> vector<16xf32>
      %parallel_loop3A_575 = arith.index_cast %parallel_loop3A_453 : i32 to index
      %parallel_loop3A_576 = arith.constant 112 : index
      %parallel_loop3A_577 = tpu.vector_load %arg20[%parallel_loop3A_575, %parallel_loop3A_576] {strides = array<i32>} : memref<80x128xf32, #tpu.memory_space<vmem>>, vector<1x16xf32>,
      %parallel_loop3A_578 = vector.shape_cast %parallel_loop3A_577 : vector<1x16xf32> to vector<16xf32>
      %parallel_loop3A_579 = arith.mulf %parallel_loop3A_578, %parallel_loop3A_574 : vector<16xf32>
      %parallel_loop3A_580 = arith.index_cast %parallel_loop3A_453 : i32 to index
      %parallel_loop3A_581 = arith.constant 112 : index
      %parallel_loop3A_582 = tpu.vector_load %arg20[%parallel_loop3A_580, %parallel_loop3A_581] {strides = array<i32>} : memref<80x128xf32, #tpu.memory_space<vmem>>, vector<1x16xf32>,
      %parallel_loop3A_583 = vector.shape_cast %parallel_loop3A_582 : vector<1x16xf32> to vector<16xf32>
      %parallel_loop3A_584 = vector.shape_cast %parallel_loop3A_579 : vector<16xf32> to vector<1x16xf32>
      tpu.vector_store %arg20[%parallel_loop3A_580, %parallel_loop3A_581], %parallel_loop3A_584 {strides = array<i32>} : memref<80x128xf32, #tpu.memory_space<vmem>>, vector<1x16xf32>,
    } {sc.loop_unroll_factor = 2 : i64, sc.parallel_access}
    "tpu.region"() ({
      %run_scoped3A = tpu.sem_alloc : memref<!tpu.dma_semaphore, #tpu.memory_space<semaphore_mem>>
      %dma_start3A_453 = arith.constant 0 : i32
      %dma_start3A_454 = arith.constant 0 : i32
      %dma_start3A_455 = tpu.memref_slice %arg24[%dma_start3A_453, %dma_start3A_454] : memref<10240x16xf32, #tpu.memory_space<vmem_shared>> -> memref<10240x16xf32, #tpu.memory_space<vmem_shared>>
      tpu.enqueue_indirect_dma source(%arg22 : memref<80x16xf32, #tpu.memory_space<vmem>>) target(%dma_start3A_455 : memref<10240x16xf32, #tpu.memory_space<vmem_shared>>) offsets(%arg12 : memref<80xi32, #tpu.memory_space<vmem>>) semaphore(%run_scoped3A : memref<!tpu.dma_semaphore, #tpu.memory_space<semaphore_mem>>) {add = true}
      %dma_wait3A_456 = arith.constant 0 : i32
      %dma_wait3A_457 = arith.constant 0 : i32
      %dma_wait3A_458 = tpu.memref_slice %arg24[%dma_wait3A_456, %dma_wait3A_457] : memref<10240x16xf32, #tpu.memory_space<vmem_shared>> -> memref<10240x16xf32, #tpu.memory_space<vmem_shared>>
      tpu.wait_indirect_dma semaphore(%run_scoped3A : memref<!tpu.dma_semaphore, #tpu.memory_space<semaphore_mem>>) src(%arg22 : memref<80x16xf32, #tpu.memory_space<vmem>>) dst(%dma_wait3A_458 : memref<10240x16xf32, #tpu.memory_space<vmem_shared>>)
      tpu.yield
    }) : () -> ()
    %dma_start3A_185 = arith.constant 0 : i32
    %dma_start3A_186 = arith.constant 0 : i32
    %dma_start3A_187 = tpu.memref_slice %arg23[%dma_start3A_185, %dma_start3A_186] : memref<10240x128xf32, #tpu.memory_space<vmem_shared>> -> memref<10240x128xf32, #tpu.memory_space<vmem_shared>>
    tpu.enqueue_indirect_dma source(%arg20 : memref<80x128xf32, #tpu.memory_space<vmem>>) target(%dma_start3A_187 : memref<10240x128xf32, #tpu.memory_space<vmem_shared>>) offsets(%arg12 : memref<80xi32, #tpu.memory_space<vmem>>) semaphore(%arg31 : memref<!tpu.dma_semaphore, #tpu.memory_space<semaphore_mem>>) {add = true}
    %mul3A_188 = arith.constant 10000 : i32
    %mul3A_189 = arith.muli %add3A, %mul3A_188 : i32
    %add3A_190 = arith.constant 160 : i32
    %add3A_191 = arith.addi %mul3A_189, %add3A_190 : i32
    %dma_start3A_192 = arith.constant 0 : i32
    %dma_start3A_193 = arith.constant 0 : i32
    %dma_start3A_194 = tpu.memref_slice %arg2[%dma_start3A_192, %dma_start3A_193] : memref<2x320000xi32, #tpu.memory_space<hbm>> -> memref<1x320000xi32, #tpu.memory_space<hbm>>
    %dma_start3A_195 = tpu.memref_squeeze %dma_start3A_194 : memref<1x320000xi32, #tpu.memory_space<hbm>> -> memref<320000xi32, #tpu.memory_space<hbm>>
    %dma_start3A_196 = tpu.memref_slice %dma_start3A_195[%add3A_191] : memref<320000xi32, #tpu.memory_space<hbm>> -> memref<80xi32, #tpu.memory_space<hbm>>
    %dma_start3A_197 = arith.constant 0 : i32
    %dma_start3A_198 = tpu.memref_slice %arg2[%dma_start3A_192, %dma_start3A_197] : memref<2x320000xi32, #tpu.memory_space<hbm>> -> memref<1x320000xi32, #tpu.memory_space<hbm>>
    %dma_start3A_199 = tpu.memref_squeeze %dma_start3A_198 : memref<1x320000xi32, #tpu.memory_space<hbm>> -> memref<320000xi32, #tpu.memory_space<hbm>>
    %dma_start3A_200 = tpu.memref_slice %dma_start3A_199[%add3A_191] : memref<320000xi32, #tpu.memory_space<hbm>> -> memref<80xi32, #tpu.memory_space<hbm>>
    tpu.enqueue_dma source(%dma_start3A_200 : memref<80xi32, #tpu.memory_space<hbm>>) target(%arg10 : memref<80xi32, #tpu.memory_space<vmem>>) target_semaphore(%arg27 : memref<!tpu.dma_semaphore, #tpu.memory_space<semaphore_mem>>)
    %dma_start3A_201 = arith.constant 1 : i32
    %dma_start3A_202 = arith.constant 0 : i32
    %dma_start3A_203 = tpu.memref_slice %arg2[%dma_start3A_201, %dma_start3A_202] : memref<2x320000xi32, #tpu.memory_space<hbm>> -> memref<1x320000xi32, #tpu.memory_space<hbm>>
    %dma_start3A_204 = tpu.memref_squeeze %dma_start3A_203 : memref<1x320000xi32, #tpu.memory_space<hbm>> -> memref<320000xi32, #tpu.memory_space<hbm>>
    %dma_start3A_205 = tpu.memref_slice %dma_start3A_204[%add3A_191] : memref<320000xi32, #tpu.memory_space<hbm>> -> memref<80xi32, #tpu.memory_space<hbm>>
    %dma_start3A_206 = arith.constant 0 : i32
    %dma_start3A_207 = tpu.memref_slice %arg2[%dma_start3A_201, %dma_start3A_206] : memref<2x320000xi32, #tpu.memory_space<hbm>> -> memref<1x320000xi32, #tpu.memory_space<hbm>>
    %dma_start3A_208 = tpu.memref_squeeze %dma_start3A_207 : memref<1x320000xi32, #tpu.memory_space<hbm>> -> memref<320000xi32, #tpu.memory_space<hbm>>
    %dma_start3A_209 = tpu.memref_slice %dma_start3A_208[%add3A_191] : memref<320000xi32, #tpu.memory_space<hbm>> -> memref<80xi32, #tpu.memory_space<hbm>>
    tpu.enqueue_dma source(%dma_start3A_209 : memref<80xi32, #tpu.memory_space<hbm>>) target(%arg14 : memref<80xi32, #tpu.memory_space<vmem>>) target_semaphore(%arg27 : memref<!tpu.dma_semaphore, #tpu.memory_space<semaphore_mem>>)
    %dma_wait3A_210 = arith.constant 0 : i32
    %dma_wait3A_211 = arith.constant 0 : i32
    %dma_wait3A_212 = tpu.memref_slice %arg3[%dma_wait3A_210, %dma_wait3A_211] : memref<10000x128xf32, #tpu.memory_space<hbm>> -> memref<10000x128xf32, #tpu.memory_space<hbm>>
    tpu.wait_indirect_dma semaphore(%arg30 : memref<!tpu.dma_semaphore, #tpu.memory_space<semaphore_mem>>) src(%dma_wait3A_212 : memref<10000x128xf32, #tpu.memory_space<hbm>>) dst(%arg21 : memref<80x128xf32, #tpu.memory_space<vmem>>)
    %dma_wait3A_213 = arith.constant 0 : i32
    %dma_wait3A_214 = arith.constant 0 : i32
    %dma_wait3A_215 = tpu.memref_slice %arg4[%dma_wait3A_213, %dma_wait3A_214] : memref<10000x16xf32, #tpu.memory_space<hbm>> -> memref<10000x16xf32, #tpu.memory_space<hbm>>
    tpu.wait_indirect_dma semaphore(%arg30 : memref<!tpu.dma_semaphore, #tpu.memory_space<semaphore_mem>>) src(%dma_wait3A_215 : memref<10000x16xf32, #tpu.memory_space<hbm>>) dst(%arg17 : memref<80x16xf32, #tpu.memory_space<vmem>>)
    %dma_wait3A_216 = arith.constant 0 : i32
    %dma_wait3A_217 = arith.constant 0 : i32
    %dma_wait3A_218 = tpu.memref_slice %arg5[%dma_wait3A_216, %dma_wait3A_217] : memref<10000x16xf32, #tpu.memory_space<hbm>> -> memref<10000x16xf32, #tpu.memory_space<hbm>>
    tpu.wait_indirect_dma semaphore(%arg30 : memref<!tpu.dma_semaphore, #tpu.memory_space<semaphore_mem>>) src(%dma_wait3A_218 : memref<10000x16xf32, #tpu.memory_space<hbm>>) dst(%arg19 : memref<80x16xf32, #tpu.memory_space<vmem>>)
    %dma_wait3A_219 = arith.constant 0 : i32
    %dma_wait3A_220 = arith.constant 0 : i32
    %dma_wait3A_221 = tpu.memref_slice %arg23[%dma_wait3A_219, %dma_wait3A_220] : memref<10240x128xf32, #tpu.memory_space<vmem_shared>> -> memref<10240x128xf32, #tpu.memory_space<vmem_shared>>
    tpu.wait_indirect_dma semaphore(%arg31 : memref<!tpu.dma_semaphore, #tpu.memory_space<semaphore_mem>>) src(%arg20 : memref<80x128xf32, #tpu.memory_space<vmem>>) dst(%dma_wait3A_221 : memref<10240x128xf32, #tpu.memory_space<vmem_shared>>)
    %dma_wait3A_222 = arith.constant 0 : i32
    %dma_wait3A_223 = arith.constant 0 : i32
    %dma_wait3A_224 = tpu.memref_slice %arg2[%dma_wait3A_222, %dma_wait3A_223] : memref<2x320000xi32, #tpu.memory_space<hbm>> -> memref<1x320000xi32, #tpu.memory_space<hbm>>
    %dma_wait3A_225 = tpu.memref_squeeze %dma_wait3A_224 : memref<1x320000xi32, #tpu.memory_space<hbm>> -> memref<320000xi32, #tpu.memory_space<hbm>>
    %dma_wait3A_226 = arith.constant 0 : i32
    %dma_wait3A_227 = tpu.memref_slice %dma_wait3A_225[%dma_wait3A_226] : memref<320000xi32, #tpu.memory_space<hbm>> -> memref<80xi32, #tpu.memory_space<hbm>>
    %dma_wait3A_228 = arith.constant 0 : i32
    %dma_wait3A_229 = tpu.memref_slice %arg2[%dma_wait3A_222, %dma_wait3A_228] : memref<2x320000xi32, #tpu.memory_space<hbm>> -> memref<1x320000xi32, #tpu.memory_space<hbm>>
    %dma_wait3A_230 = tpu.memref_squeeze %dma_wait3A_229 : memref<1x320000xi32, #tpu.memory_space<hbm>> -> memref<320000xi32, #tpu.memory_space<hbm>>
    %dma_wait3A_231 = arith.constant 0 : i32
    %dma_wait3A_232 = tpu.memref_slice %dma_wait3A_230[%dma_wait3A_231] : memref<320000xi32, #tpu.memory_space<hbm>> -> memref<80xi32, #tpu.memory_space<hbm>>
    tpu.wait_dma2 semaphore(%arg27 : memref<!tpu.dma_semaphore, #tpu.memory_space<semaphore_mem>>) src(%dma_wait3A_232 : memref<80xi32, #tpu.memory_space<hbm>>) dst(%arg10 : memref<80xi32, #tpu.memory_space<vmem>>)
    %dma_wait3A_233 = arith.constant 1 : i32
    %dma_wait3A_234 = arith.constant 0 : i32
    %dma_wait3A_235 = tpu.memref_slice %arg2[%dma_wait3A_233, %dma_wait3A_234] : memref<2x320000xi32, #tpu.memory_space<hbm>> -> memref<1x320000xi32, #tpu.memory_space<hbm>>
    %dma_wait3A_236 = tpu.memref_squeeze %dma_wait3A_235 : memref<1x320000xi32, #tpu.memory_space<hbm>> -> memref<320000xi32, #tpu.memory_space<hbm>>
    %dma_wait3A_237 = arith.constant 0 : i32
    %dma_wait3A_238 = tpu.memref_slice %dma_wait3A_236[%dma_wait3A_237] : memref<320000xi32, #tpu.memory_space<hbm>> -> memref<80xi32, #tpu.memory_space<hbm>>
    %dma_wait3A_239 = arith.constant 0 : i32
    %dma_wait3A_240 = tpu.memref_slice %arg2[%dma_wait3A_233, %dma_wait3A_239] : memref<2x320000xi32, #tpu.memory_space<hbm>> -> memref<1x320000xi32, #tpu.memory_space<hbm>>
    %dma_wait3A_241 = tpu.memref_squeeze %dma_wait3A_240 : memref<1x320000xi32, #tpu.memory_space<hbm>> -> memref<320000xi32, #tpu.memory_space<hbm>>
    %dma_wait3A_242 = arith.constant 0 : i32
    %dma_wait3A_243 = tpu.memref_slice %dma_wait3A_241[%dma_wait3A_242] : memref<320000xi32, #tpu.memory_space<hbm>> -> memref<80xi32, #tpu.memory_space<hbm>>
    tpu.wait_dma2 semaphore(%arg27 : memref<!tpu.dma_semaphore, #tpu.memory_space<semaphore_mem>>) src(%dma_wait3A_243 : memref<80xi32, #tpu.memory_space<hbm>>) dst(%arg14 : memref<80xi32, #tpu.memory_space<vmem>>)
    %dma_start3A_244 = arith.constant 0 : i32
    %dma_start3A_245 = arith.constant 0 : i32
    %dma_start3A_246 = tpu.memref_slice %arg3[%dma_start3A_244, %dma_start3A_245] : memref<10000x128xf32, #tpu.memory_space<hbm>> -> memref<10000x128xf32, #tpu.memory_space<hbm>>
    tpu.enqueue_indirect_dma source(%dma_start3A_246 : memref<10000x128xf32, #tpu.memory_space<hbm>>) target(%arg20 : memref<80x128xf32, #tpu.memory_space<vmem>>) offsets(%arg10 : memref<80xi32, #tpu.memory_space<vmem>>) semaphore(%arg29 : memref<!tpu.dma_semaphore, #tpu.memory_space<semaphore_mem>>)
    %dma_start3A_247 = arith.constant 0 : i32
    %dma_start3A_248 = arith.constant 0 : i32
    %dma_start3A_249 = tpu.memref_slice %arg4[%dma_start3A_247, %dma_start3A_248] : memref<10000x16xf32, #tpu.memory_space<hbm>> -> memref<10000x16xf32, #tpu.memory_space<hbm>>
    tpu.enqueue_indirect_dma source(%dma_start3A_249 : memref<10000x16xf32, #tpu.memory_space<hbm>>) target(%arg16 : memref<80x16xf32, #tpu.memory_space<vmem>>) offsets(%arg10 : memref<80xi32, #tpu.memory_space<vmem>>) semaphore(%arg29 : memref<!tpu.dma_semaphore, #tpu.memory_space<semaphore_mem>>)
    %dma_start3A_250 = arith.constant 0 : i32
    %dma_start3A_251 = arith.constant 0 : i32
    %dma_start3A_252 = tpu.memref_slice %arg5[%dma_start3A_250, %dma_start3A_251] : memref<10000x16xf32, #tpu.memory_space<hbm>> -> memref<10000x16xf32, #tpu.memory_space<hbm>>
    tpu.enqueue_indirect_dma source(%dma_start3A_252 : memref<10000x16xf32, #tpu.memory_space<hbm>>) target(%arg18 : memref<80x16xf32, #tpu.memory_space<vmem>>) offsets(%arg14 : memref<80xi32, #tpu.memory_space<vmem>>) semaphore(%arg29 : memref<!tpu.dma_semaphore, #tpu.memory_space<semaphore_mem>>)
    %parallel_loop3A_253 = arith.constant 0 : i32
    %parallel_loop3A_254 = arith.constant 80 : i32
    %parallel_loop3A_255 = arith.constant 1 : i32
    scf.for %parallel_loop3A_453 = %parallel_loop3A_253 to %parallel_loop3A_254 step %parallel_loop3A_255  : i32 {
      %parallel_loop3A_454 = arith.index_cast %parallel_loop3A_453 : i32 to index
      %parallel_loop3A_455 = arith.constant 0 : index
      %parallel_loop3A_456 = tpu.vector_load %arg17[%parallel_loop3A_454, %parallel_loop3A_455] {strides = array<i32>} : memref<80x16xf32, #tpu.memory_space<vmem>>, vector<1x16xf32>,
      %parallel_loop3A_457 = vector.shape_cast %parallel_loop3A_456 : vector<1x16xf32> to vector<16xf32>
      %parallel_loop3A_458 = arith.index_cast %parallel_loop3A_453 : i32 to index
      %parallel_loop3A_459 = arith.constant 0 : index
      %parallel_loop3A_460 = tpu.vector_load %arg19[%parallel_loop3A_458, %parallel_loop3A_459] {strides = array<i32>} : memref<80x16xf32, #tpu.memory_space<vmem>>, vector<1x16xf32>,
      %parallel_loop3A_461 = vector.shape_cast %parallel_loop3A_460 : vector<1x16xf32> to vector<16xf32>
      %parallel_loop3A_462 = arith.addf %parallel_loop3A_457, %parallel_loop3A_461 : vector<16xf32>
      %parallel_loop3A_463 = arith.constant 2.000000e-01 : f32
      %parallel_loop3A_464 = vector.broadcast %parallel_loop3A_463 : f32 to vector<16xf32>
      %parallel_loop3A_465 = arith.mulf %parallel_loop3A_464, %parallel_loop3A_462 : vector<16xf32>
      %parallel_loop3A_466 = arith.maximumf %parallel_loop3A_462, %parallel_loop3A_465 : vector<16xf32>
      %parallel_loop3A_467 = math.exp %parallel_loop3A_466 : vector<16xf32>
      %parallel_loop3A_468 = arith.index_cast %parallel_loop3A_453 : i32 to index
      %parallel_loop3A_469 = arith.constant 0 : index
      %parallel_loop3A_470 = tpu.vector_load %arg22[%parallel_loop3A_468, %parallel_loop3A_469] {strides = array<i32>} : memref<80x16xf32, #tpu.memory_space<vmem>>, vector<1x16xf32>,
      %parallel_loop3A_471 = vector.shape_cast %parallel_loop3A_470 : vector<1x16xf32> to vector<16xf32>
      %parallel_loop3A_472 = vector.shape_cast %parallel_loop3A_467 : vector<16xf32> to vector<1x16xf32>
      tpu.vector_store %arg22[%parallel_loop3A_468, %parallel_loop3A_469], %parallel_loop3A_472 {strides = array<i32>} : memref<80x16xf32, #tpu.memory_space<vmem>>, vector<1x16xf32>,
      %parallel_loop3A_473 = arith.constant 0 : i32
      %parallel_loop3A_474 = vector.broadcast %parallel_loop3A_473 : i32 to vector<16x1xi32>
      %parallel_loop3A_475 = vector.shape_cast %parallel_loop3A_474 : vector<16x1xi32> to vector<16xi32>
      %parallel_loop3A_476 = tpu.dynamic_gather %parallel_loop3A_467[%parallel_loop3A_475] in [0] : vector<16xf32>, vector<16xi32> -> vector<16xf32>
      %parallel_loop3A_477 = arith.index_cast %parallel_loop3A_453 : i32 to index
      %parallel_loop3A_478 = arith.constant 0 : index
      %parallel_loop3A_479 = tpu.vector_load %arg21[%parallel_loop3A_477, %parallel_loop3A_478] {strides = array<i32>} : memref<80x128xf32, #tpu.memory_space<vmem>>, vector<1x16xf32>,
      %parallel_loop3A_480 = vector.shape_cast %parallel_loop3A_479 : vector<1x16xf32> to vector<16xf32>
      %parallel_loop3A_481 = arith.mulf %parallel_loop3A_480, %parallel_loop3A_476 : vector<16xf32>
      %parallel_loop3A_482 = arith.index_cast %parallel_loop3A_453 : i32 to index
      %parallel_loop3A_483 = arith.constant 0 : index
      %parallel_loop3A_484 = tpu.vector_load %arg21[%parallel_loop3A_482, %parallel_loop3A_483] {strides = array<i32>} : memref<80x128xf32, #tpu.memory_space<vmem>>, vector<1x16xf32>,
      %parallel_loop3A_485 = vector.shape_cast %parallel_loop3A_484 : vector<1x16xf32> to vector<16xf32>
      %parallel_loop3A_486 = vector.shape_cast %parallel_loop3A_481 : vector<16xf32> to vector<1x16xf32>
      tpu.vector_store %arg21[%parallel_loop3A_482, %parallel_loop3A_483], %parallel_loop3A_486 {strides = array<i32>} : memref<80x128xf32, #tpu.memory_space<vmem>>, vector<1x16xf32>,
      %parallel_loop3A_487 = arith.constant 0 : i32
      %parallel_loop3A_488 = vector.broadcast %parallel_loop3A_487 : i32 to vector<16x1xi32>
      %parallel_loop3A_489 = vector.shape_cast %parallel_loop3A_488 : vector<16x1xi32> to vector<16xi32>
      %parallel_loop3A_490 = tpu.dynamic_gather %parallel_loop3A_467[%parallel_loop3A_489] in [0] : vector<16xf32>, vector<16xi32> -> vector<16xf32>
      %parallel_loop3A_491 = arith.index_cast %parallel_loop3A_453 : i32 to index
      %parallel_loop3A_492 = arith.constant 16 : index
      %parallel_loop3A_493 = tpu.vector_load %arg21[%parallel_loop3A_491, %parallel_loop3A_492] {strides = array<i32>} : memref<80x128xf32, #tpu.memory_space<vmem>>, vector<1x16xf32>,
      %parallel_loop3A_494 = vector.shape_cast %parallel_loop3A_493 : vector<1x16xf32> to vector<16xf32>
      %parallel_loop3A_495 = arith.mulf %parallel_loop3A_494, %parallel_loop3A_490 : vector<16xf32>
      %parallel_loop3A_496 = arith.index_cast %parallel_loop3A_453 : i32 to index
      %parallel_loop3A_497 = arith.constant 16 : index
      %parallel_loop3A_498 = tpu.vector_load %arg21[%parallel_loop3A_496, %parallel_loop3A_497] {strides = array<i32>} : memref<80x128xf32, #tpu.memory_space<vmem>>, vector<1x16xf32>,
      %parallel_loop3A_499 = vector.shape_cast %parallel_loop3A_498 : vector<1x16xf32> to vector<16xf32>
      %parallel_loop3A_500 = vector.shape_cast %parallel_loop3A_495 : vector<16xf32> to vector<1x16xf32>
      tpu.vector_store %arg21[%parallel_loop3A_496, %parallel_loop3A_497], %parallel_loop3A_500 {strides = array<i32>} : memref<80x128xf32, #tpu.memory_space<vmem>>, vector<1x16xf32>,
      %parallel_loop3A_501 = arith.constant 1 : i32
      %parallel_loop3A_502 = vector.broadcast %parallel_loop3A_501 : i32 to vector<16x1xi32>
      %parallel_loop3A_503 = vector.shape_cast %parallel_loop3A_502 : vector<16x1xi32> to vector<16xi32>
      %parallel_loop3A_504 = tpu.dynamic_gather %parallel_loop3A_467[%parallel_loop3A_503] in [0] : vector<16xf32>, vector<16xi32> -> vector<16xf32>
      %parallel_loop3A_505 = arith.index_cast %parallel_loop3A_453 : i32 to index
      %parallel_loop3A_506 = arith.constant 32 : index
      %parallel_loop3A_507 = tpu.vector_load %arg21[%parallel_loop3A_505, %parallel_loop3A_506] {strides = array<i32>} : memref<80x128xf32, #tpu.memory_space<vmem>>, vector<1x16xf32>,
      %parallel_loop3A_508 = vector.shape_cast %parallel_loop3A_507 : vector<1x16xf32> to vector<16xf32>
      %parallel_loop3A_509 = arith.mulf %parallel_loop3A_508, %parallel_loop3A_504 : vector<16xf32>
      %parallel_loop3A_510 = arith.index_cast %parallel_loop3A_453 : i32 to index
      %parallel_loop3A_511 = arith.constant 32 : index
      %parallel_loop3A_512 = tpu.vector_load %arg21[%parallel_loop3A_510, %parallel_loop3A_511] {strides = array<i32>} : memref<80x128xf32, #tpu.memory_space<vmem>>, vector<1x16xf32>,
      %parallel_loop3A_513 = vector.shape_cast %parallel_loop3A_512 : vector<1x16xf32> to vector<16xf32>
      %parallel_loop3A_514 = vector.shape_cast %parallel_loop3A_509 : vector<16xf32> to vector<1x16xf32>
      tpu.vector_store %arg21[%parallel_loop3A_510, %parallel_loop3A_511], %parallel_loop3A_514 {strides = array<i32>} : memref<80x128xf32, #tpu.memory_space<vmem>>, vector<1x16xf32>,
      %parallel_loop3A_515 = arith.constant 1 : i32
      %parallel_loop3A_516 = vector.broadcast %parallel_loop3A_515 : i32 to vector<16x1xi32>
      %parallel_loop3A_517 = vector.shape_cast %parallel_loop3A_516 : vector<16x1xi32> to vector<16xi32>
      %parallel_loop3A_518 = tpu.dynamic_gather %parallel_loop3A_467[%parallel_loop3A_517] in [0] : vector<16xf32>, vector<16xi32> -> vector<16xf32>
      %parallel_loop3A_519 = arith.index_cast %parallel_loop3A_453 : i32 to index
      %parallel_loop3A_520 = arith.constant 48 : index
      %parallel_loop3A_521 = tpu.vector_load %arg21[%parallel_loop3A_519, %parallel_loop3A_520] {strides = array<i32>} : memref<80x128xf32, #tpu.memory_space<vmem>>, vector<1x16xf32>,
      %parallel_loop3A_522 = vector.shape_cast %parallel_loop3A_521 : vector<1x16xf32> to vector<16xf32>
      %parallel_loop3A_523 = arith.mulf %parallel_loop3A_522, %parallel_loop3A_518 : vector<16xf32>
      %parallel_loop3A_524 = arith.index_cast %parallel_loop3A_453 : i32 to index
      %parallel_loop3A_525 = arith.constant 48 : index
      %parallel_loop3A_526 = tpu.vector_load %arg21[%parallel_loop3A_524, %parallel_loop3A_525] {strides = array<i32>} : memref<80x128xf32, #tpu.memory_space<vmem>>, vector<1x16xf32>,
      %parallel_loop3A_527 = vector.shape_cast %parallel_loop3A_526 : vector<1x16xf32> to vector<16xf32>
      %parallel_loop3A_528 = vector.shape_cast %parallel_loop3A_523 : vector<16xf32> to vector<1x16xf32>
      tpu.vector_store %arg21[%parallel_loop3A_524, %parallel_loop3A_525], %parallel_loop3A_528 {strides = array<i32>} : memref<80x128xf32, #tpu.memory_space<vmem>>, vector<1x16xf32>,
      %parallel_loop3A_529 = arith.constant 2 : i32
      %parallel_loop3A_530 = vector.broadcast %parallel_loop3A_529 : i32 to vector<16x1xi32>
      %parallel_loop3A_531 = vector.shape_cast %parallel_loop3A_530 : vector<16x1xi32> to vector<16xi32>
      %parallel_loop3A_532 = tpu.dynamic_gather %parallel_loop3A_467[%parallel_loop3A_531] in [0] : vector<16xf32>, vector<16xi32> -> vector<16xf32>
      %parallel_loop3A_533 = arith.index_cast %parallel_loop3A_453 : i32 to index
      %parallel_loop3A_534 = arith.constant 64 : index
      %parallel_loop3A_535 = tpu.vector_load %arg21[%parallel_loop3A_533, %parallel_loop3A_534] {strides = array<i32>} : memref<80x128xf32, #tpu.memory_space<vmem>>, vector<1x16xf32>,
      %parallel_loop3A_536 = vector.shape_cast %parallel_loop3A_535 : vector<1x16xf32> to vector<16xf32>
      %parallel_loop3A_537 = arith.mulf %parallel_loop3A_536, %parallel_loop3A_532 : vector<16xf32>
      %parallel_loop3A_538 = arith.index_cast %parallel_loop3A_453 : i32 to index
      %parallel_loop3A_539 = arith.constant 64 : index
      %parallel_loop3A_540 = tpu.vector_load %arg21[%parallel_loop3A_538, %parallel_loop3A_539] {strides = array<i32>} : memref<80x128xf32, #tpu.memory_space<vmem>>, vector<1x16xf32>,
      %parallel_loop3A_541 = vector.shape_cast %parallel_loop3A_540 : vector<1x16xf32> to vector<16xf32>
      %parallel_loop3A_542 = vector.shape_cast %parallel_loop3A_537 : vector<16xf32> to vector<1x16xf32>
      tpu.vector_store %arg21[%parallel_loop3A_538, %parallel_loop3A_539], %parallel_loop3A_542 {strides = array<i32>} : memref<80x128xf32, #tpu.memory_space<vmem>>, vector<1x16xf32>,
      %parallel_loop3A_543 = arith.constant 2 : i32
      %parallel_loop3A_544 = vector.broadcast %parallel_loop3A_543 : i32 to vector<16x1xi32>
      %parallel_loop3A_545 = vector.shape_cast %parallel_loop3A_544 : vector<16x1xi32> to vector<16xi32>
      %parallel_loop3A_546 = tpu.dynamic_gather %parallel_loop3A_467[%parallel_loop3A_545] in [0] : vector<16xf32>, vector<16xi32> -> vector<16xf32>
      %parallel_loop3A_547 = arith.index_cast %parallel_loop3A_453 : i32 to index
      %parallel_loop3A_548 = arith.constant 80 : index
      %parallel_loop3A_549 = tpu.vector_load %arg21[%parallel_loop3A_547, %parallel_loop3A_548] {strides = array<i32>} : memref<80x128xf32, #tpu.memory_space<vmem>>, vector<1x16xf32>,
      %parallel_loop3A_550 = vector.shape_cast %parallel_loop3A_549 : vector<1x16xf32> to vector<16xf32>
      %parallel_loop3A_551 = arith.mulf %parallel_loop3A_550, %parallel_loop3A_546 : vector<16xf32>
      %parallel_loop3A_552 = arith.index_cast %parallel_loop3A_453 : i32 to index
      %parallel_loop3A_553 = arith.constant 80 : index
      %parallel_loop3A_554 = tpu.vector_load %arg21[%parallel_loop3A_552, %parallel_loop3A_553] {strides = array<i32>} : memref<80x128xf32, #tpu.memory_space<vmem>>, vector<1x16xf32>,
      %parallel_loop3A_555 = vector.shape_cast %parallel_loop3A_554 : vector<1x16xf32> to vector<16xf32>
      %parallel_loop3A_556 = vector.shape_cast %parallel_loop3A_551 : vector<16xf32> to vector<1x16xf32>
      tpu.vector_store %arg21[%parallel_loop3A_552, %parallel_loop3A_553], %parallel_loop3A_556 {strides = array<i32>} : memref<80x128xf32, #tpu.memory_space<vmem>>, vector<1x16xf32>,
      %parallel_loop3A_557 = arith.constant 3 : i32
      %parallel_loop3A_558 = vector.broadcast %parallel_loop3A_557 : i32 to vector<16x1xi32>
      %parallel_loop3A_559 = vector.shape_cast %parallel_loop3A_558 : vector<16x1xi32> to vector<16xi32>
      %parallel_loop3A_560 = tpu.dynamic_gather %parallel_loop3A_467[%parallel_loop3A_559] in [0] : vector<16xf32>, vector<16xi32> -> vector<16xf32>
      %parallel_loop3A_561 = arith.index_cast %parallel_loop3A_453 : i32 to index
      %parallel_loop3A_562 = arith.constant 96 : index
      %parallel_loop3A_563 = tpu.vector_load %arg21[%parallel_loop3A_561, %parallel_loop3A_562] {strides = array<i32>} : memref<80x128xf32, #tpu.memory_space<vmem>>, vector<1x16xf32>,
      %parallel_loop3A_564 = vector.shape_cast %parallel_loop3A_563 : vector<1x16xf32> to vector<16xf32>
      %parallel_loop3A_565 = arith.mulf %parallel_loop3A_564, %parallel_loop3A_560 : vector<16xf32>
      %parallel_loop3A_566 = arith.index_cast %parallel_loop3A_453 : i32 to index
      %parallel_loop3A_567 = arith.constant 96 : index
      %parallel_loop3A_568 = tpu.vector_load %arg21[%parallel_loop3A_566, %parallel_loop3A_567] {strides = array<i32>} : memref<80x128xf32, #tpu.memory_space<vmem>>, vector<1x16xf32>,
      %parallel_loop3A_569 = vector.shape_cast %parallel_loop3A_568 : vector<1x16xf32> to vector<16xf32>
      %parallel_loop3A_570 = vector.shape_cast %parallel_loop3A_565 : vector<16xf32> to vector<1x16xf32>
      tpu.vector_store %arg21[%parallel_loop3A_566, %parallel_loop3A_567], %parallel_loop3A_570 {strides = array<i32>} : memref<80x128xf32, #tpu.memory_space<vmem>>, vector<1x16xf32>,
      %parallel_loop3A_571 = arith.constant 3 : i32
      %parallel_loop3A_572 = vector.broadcast %parallel_loop3A_571 : i32 to vector<16x1xi32>
      %parallel_loop3A_573 = vector.shape_cast %parallel_loop3A_572 : vector<16x1xi32> to vector<16xi32>
      %parallel_loop3A_574 = tpu.dynamic_gather %parallel_loop3A_467[%parallel_loop3A_573] in [0] : vector<16xf32>, vector<16xi32> -> vector<16xf32>
      %parallel_loop3A_575 = arith.index_cast %parallel_loop3A_453 : i32 to index
      %parallel_loop3A_576 = arith.constant 112 : index
      %parallel_loop3A_577 = tpu.vector_load %arg21[%parallel_loop3A_575, %parallel_loop3A_576] {strides = array<i32>} : memref<80x128xf32, #tpu.memory_space<vmem>>, vector<1x16xf32>,
      %parallel_loop3A_578 = vector.shape_cast %parallel_loop3A_577 : vector<1x16xf32> to vector<16xf32>
      %parallel_loop3A_579 = arith.mulf %parallel_loop3A_578, %parallel_loop3A_574 : vector<16xf32>
      %parallel_loop3A_580 = arith.index_cast %parallel_loop3A_453 : i32 to index
      %parallel_loop3A_581 = arith.constant 112 : index
      %parallel_loop3A_582 = tpu.vector_load %arg21[%parallel_loop3A_580, %parallel_loop3A_581] {strides = array<i32>} : memref<80x128xf32, #tpu.memory_space<vmem>>, vector<1x16xf32>,
      %parallel_loop3A_583 = vector.shape_cast %parallel_loop3A_582 : vector<1x16xf32> to vector<16xf32>
      %parallel_loop3A_584 = vector.shape_cast %parallel_loop3A_579 : vector<16xf32> to vector<1x16xf32>
      tpu.vector_store %arg21[%parallel_loop3A_580, %parallel_loop3A_581], %parallel_loop3A_584 {strides = array<i32>} : memref<80x128xf32, #tpu.memory_space<vmem>>, vector<1x16xf32>,
    } {sc.loop_unroll_factor = 2 : i64, sc.parallel_access}
    "tpu.region"() ({
      %run_scoped3A = tpu.sem_alloc : memref<!tpu.dma_semaphore, #tpu.memory_space<semaphore_mem>>
      %dma_start3A_453 = arith.constant 0 : i32
      %dma_start3A_454 = arith.constant 0 : i32
      %dma_start3A_455 = tpu.memref_slice %arg24[%dma_start3A_453, %dma_start3A_454] : memref<10240x16xf32, #tpu.memory_space<vmem_shared>> -> memref<10240x16xf32, #tpu.memory_space<vmem_shared>>
      tpu.enqueue_indirect_dma source(%arg22 : memref<80x16xf32, #tpu.memory_space<vmem>>) target(%dma_start3A_455 : memref<10240x16xf32, #tpu.memory_space<vmem_shared>>) offsets(%arg13 : memref<80xi32, #tpu.memory_space<vmem>>) semaphore(%run_scoped3A : memref<!tpu.dma_semaphore, #tpu.memory_space<semaphore_mem>>) {add = true}
      %dma_wait3A_456 = arith.constant 0 : i32
      %dma_wait3A_457 = arith.constant 0 : i32
      %dma_wait3A_458 = tpu.memref_slice %arg24[%dma_wait3A_456, %dma_wait3A_457] : memref<10240x16xf32, #tpu.memory_space<vmem_shared>> -> memref<10240x16xf32, #tpu.memory_space<vmem_shared>>
      tpu.wait_indirect_dma semaphore(%run_scoped3A : memref<!tpu.dma_semaphore, #tpu.memory_space<semaphore_mem>>) src(%arg22 : memref<80x16xf32, #tpu.memory_space<vmem>>) dst(%dma_wait3A_458 : memref<10240x16xf32, #tpu.memory_space<vmem_shared>>)
      tpu.yield
    }) : () -> ()
    %dma_start3A_256 = arith.constant 0 : i32
    %dma_start3A_257 = arith.constant 0 : i32
    %dma_start3A_258 = tpu.memref_slice %arg23[%dma_start3A_256, %dma_start3A_257] : memref<10240x128xf32, #tpu.memory_space<vmem_shared>> -> memref<10240x128xf32, #tpu.memory_space<vmem_shared>>
    tpu.enqueue_indirect_dma source(%arg21 : memref<80x128xf32, #tpu.memory_space<vmem>>) target(%dma_start3A_258 : memref<10240x128xf32, #tpu.memory_space<vmem_shared>>) offsets(%arg13 : memref<80xi32, #tpu.memory_space<vmem>>) semaphore(%arg32 : memref<!tpu.dma_semaphore, #tpu.memory_space<semaphore_mem>>) {add = true}
    %mul3A_259 = arith.constant 10000 : i32
    %mul3A_260 = arith.muli %add3A, %mul3A_259 : i32
    %add3A_261 = arith.constant 240 : i32
    %add3A_262 = arith.addi %mul3A_260, %add3A_261 : i32
    %dma_start3A_263 = arith.constant 0 : i32
    %dma_start3A_264 = arith.constant 0 : i32
    %dma_start3A_265 = tpu.memref_slice %arg2[%dma_start3A_263, %dma_start3A_264] : memref<2x320000xi32, #tpu.memory_space<hbm>> -> memref<1x320000xi32, #tpu.memory_space<hbm>>
    %dma_start3A_266 = tpu.memref_squeeze %dma_start3A_265 : memref<1x320000xi32, #tpu.memory_space<hbm>> -> memref<320000xi32, #tpu.memory_space<hbm>>
    %dma_start3A_267 = tpu.memref_slice %dma_start3A_266[%add3A_262] : memref<320000xi32, #tpu.memory_space<hbm>> -> memref<80xi32, #tpu.memory_space<hbm>>
    %dma_start3A_268 = arith.constant 0 : i32
    %dma_start3A_269 = tpu.memref_slice %arg2[%dma_start3A_263, %dma_start3A_268] : memref<2x320000xi32, #tpu.memory_space<hbm>> -> memref<1x320000xi32, #tpu.memory_space<hbm>>
    %dma_start3A_270 = tpu.memref_squeeze %dma_start3A_269 : memref<1x320000xi32, #tpu.memory_space<hbm>> -> memref<320000xi32, #tpu.memory_space<hbm>>
    %dma_start3A_271 = tpu.memref_slice %dma_start3A_270[%add3A_262] : memref<320000xi32, #tpu.memory_space<hbm>> -> memref<80xi32, #tpu.memory_space<hbm>>
    tpu.enqueue_dma source(%dma_start3A_271 : memref<80xi32, #tpu.memory_space<hbm>>) target(%arg11 : memref<80xi32, #tpu.memory_space<vmem>>) target_semaphore(%arg28 : memref<!tpu.dma_semaphore, #tpu.memory_space<semaphore_mem>>)
    %dma_start3A_272 = arith.constant 1 : i32
    %dma_start3A_273 = arith.constant 0 : i32
    %dma_start3A_274 = tpu.memref_slice %arg2[%dma_start3A_272, %dma_start3A_273] : memref<2x320000xi32, #tpu.memory_space<hbm>> -> memref<1x320000xi32, #tpu.memory_space<hbm>>
    %dma_start3A_275 = tpu.memref_squeeze %dma_start3A_274 : memref<1x320000xi32, #tpu.memory_space<hbm>> -> memref<320000xi32, #tpu.memory_space<hbm>>
    %dma_start3A_276 = tpu.memref_slice %dma_start3A_275[%add3A_262] : memref<320000xi32, #tpu.memory_space<hbm>> -> memref<80xi32, #tpu.memory_space<hbm>>
    %dma_start3A_277 = arith.constant 0 : i32
    %dma_start3A_278 = tpu.memref_slice %arg2[%dma_start3A_272, %dma_start3A_277] : memref<2x320000xi32, #tpu.memory_space<hbm>> -> memref<1x320000xi32, #tpu.memory_space<hbm>>
    %dma_start3A_279 = tpu.memref_squeeze %dma_start3A_278 : memref<1x320000xi32, #tpu.memory_space<hbm>> -> memref<320000xi32, #tpu.memory_space<hbm>>
    %dma_start3A_280 = tpu.memref_slice %dma_start3A_279[%add3A_262] : memref<320000xi32, #tpu.memory_space<hbm>> -> memref<80xi32, #tpu.memory_space<hbm>>
    tpu.enqueue_dma source(%dma_start3A_280 : memref<80xi32, #tpu.memory_space<hbm>>) target(%arg15 : memref<80xi32, #tpu.memory_space<vmem>>) target_semaphore(%arg28 : memref<!tpu.dma_semaphore, #tpu.memory_space<semaphore_mem>>)
    %dma_wait3A_281 = arith.constant 0 : i32
    %dma_wait3A_282 = arith.constant 0 : i32
    %dma_wait3A_283 = tpu.memref_slice %arg3[%dma_wait3A_281, %dma_wait3A_282] : memref<10000x128xf32, #tpu.memory_space<hbm>> -> memref<10000x128xf32, #tpu.memory_space<hbm>>
    tpu.wait_indirect_dma semaphore(%arg29 : memref<!tpu.dma_semaphore, #tpu.memory_space<semaphore_mem>>) src(%dma_wait3A_283 : memref<10000x128xf32, #tpu.memory_space<hbm>>) dst(%arg20 : memref<80x128xf32, #tpu.memory_space<vmem>>)
    %dma_wait3A_284 = arith.constant 0 : i32
    %dma_wait3A_285 = arith.constant 0 : i32
    %dma_wait3A_286 = tpu.memref_slice %arg4[%dma_wait3A_284, %dma_wait3A_285] : memref<10000x16xf32, #tpu.memory_space<hbm>> -> memref<10000x16xf32, #tpu.memory_space<hbm>>
    tpu.wait_indirect_dma semaphore(%arg29 : memref<!tpu.dma_semaphore, #tpu.memory_space<semaphore_mem>>) src(%dma_wait3A_286 : memref<10000x16xf32, #tpu.memory_space<hbm>>) dst(%arg16 : memref<80x16xf32, #tpu.memory_space<vmem>>)
    %dma_wait3A_287 = arith.constant 0 : i32
    %dma_wait3A_288 = arith.constant 0 : i32
    %dma_wait3A_289 = tpu.memref_slice %arg5[%dma_wait3A_287, %dma_wait3A_288] : memref<10000x16xf32, #tpu.memory_space<hbm>> -> memref<10000x16xf32, #tpu.memory_space<hbm>>
    tpu.wait_indirect_dma semaphore(%arg29 : memref<!tpu.dma_semaphore, #tpu.memory_space<semaphore_mem>>) src(%dma_wait3A_289 : memref<10000x16xf32, #tpu.memory_space<hbm>>) dst(%arg18 : memref<80x16xf32, #tpu.memory_space<vmem>>)
    %dma_wait3A_290 = arith.constant 0 : i32
    %dma_wait3A_291 = arith.constant 0 : i32
    %dma_wait3A_292 = tpu.memref_slice %arg23[%dma_wait3A_290, %dma_wait3A_291] : memref<10240x128xf32, #tpu.memory_space<vmem_shared>> -> memref<10240x128xf32, #tpu.memory_space<vmem_shared>>
    tpu.wait_indirect_dma semaphore(%arg32 : memref<!tpu.dma_semaphore, #tpu.memory_space<semaphore_mem>>) src(%arg21 : memref<80x128xf32, #tpu.memory_space<vmem>>) dst(%dma_wait3A_292 : memref<10240x128xf32, #tpu.memory_space<vmem_shared>>)
    %dma_wait3A_293 = arith.constant 0 : i32
    %dma_wait3A_294 = arith.constant 0 : i32
    %dma_wait3A_295 = tpu.memref_slice %arg2[%dma_wait3A_293, %dma_wait3A_294] : memref<2x320000xi32, #tpu.memory_space<hbm>> -> memref<1x320000xi32, #tpu.memory_space<hbm>>
    %dma_wait3A_296 = tpu.memref_squeeze %dma_wait3A_295 : memref<1x320000xi32, #tpu.memory_space<hbm>> -> memref<320000xi32, #tpu.memory_space<hbm>>
    %dma_wait3A_297 = arith.constant 0 : i32
    %dma_wait3A_298 = tpu.memref_slice %dma_wait3A_296[%dma_wait3A_297] : memref<320000xi32, #tpu.memory_space<hbm>> -> memref<80xi32, #tpu.memory_space<hbm>>
    %dma_wait3A_299 = arith.constant 0 : i32
    %dma_wait3A_300 = tpu.memref_slice %arg2[%dma_wait3A_293, %dma_wait3A_299] : memref<2x320000xi32, #tpu.memory_space<hbm>> -> memref<1x320000xi32, #tpu.memory_space<hbm>>
    %dma_wait3A_301 = tpu.memref_squeeze %dma_wait3A_300 : memref<1x320000xi32, #tpu.memory_space<hbm>> -> memref<320000xi32, #tpu.memory_space<hbm>>
    %dma_wait3A_302 = arith.constant 0 : i32
    %dma_wait3A_303 = tpu.memref_slice %dma_wait3A_301[%dma_wait3A_302] : memref<320000xi32, #tpu.memory_space<hbm>> -> memref<80xi32, #tpu.memory_space<hbm>>
    tpu.wait_dma2 semaphore(%arg28 : memref<!tpu.dma_semaphore, #tpu.memory_space<semaphore_mem>>) src(%dma_wait3A_303 : memref<80xi32, #tpu.memory_space<hbm>>) dst(%arg11 : memref<80xi32, #tpu.memory_space<vmem>>)
    %dma_wait3A_304 = arith.constant 1 : i32
    %dma_wait3A_305 = arith.constant 0 : i32
    %dma_wait3A_306 = tpu.memref_slice %arg2[%dma_wait3A_304, %dma_wait3A_305] : memref<2x320000xi32, #tpu.memory_space<hbm>> -> memref<1x320000xi32, #tpu.memory_space<hbm>>
    %dma_wait3A_307 = tpu.memref_squeeze %dma_wait3A_306 : memref<1x320000xi32, #tpu.memory_space<hbm>> -> memref<320000xi32, #tpu.memory_space<hbm>>
    %dma_wait3A_308 = arith.constant 0 : i32
    %dma_wait3A_309 = tpu.memref_slice %dma_wait3A_307[%dma_wait3A_308] : memref<320000xi32, #tpu.memory_space<hbm>> -> memref<80xi32, #tpu.memory_space<hbm>>
    %dma_wait3A_310 = arith.constant 0 : i32
    %dma_wait3A_311 = tpu.memref_slice %arg2[%dma_wait3A_304, %dma_wait3A_310] : memref<2x320000xi32, #tpu.memory_space<hbm>> -> memref<1x320000xi32, #tpu.memory_space<hbm>>
    %dma_wait3A_312 = tpu.memref_squeeze %dma_wait3A_311 : memref<1x320000xi32, #tpu.memory_space<hbm>> -> memref<320000xi32, #tpu.memory_space<hbm>>
    %dma_wait3A_313 = arith.constant 0 : i32
    %dma_wait3A_314 = tpu.memref_slice %dma_wait3A_312[%dma_wait3A_313] : memref<320000xi32, #tpu.memory_space<hbm>> -> memref<80xi32, #tpu.memory_space<hbm>>
    tpu.wait_dma2 semaphore(%arg28 : memref<!tpu.dma_semaphore, #tpu.memory_space<semaphore_mem>>) src(%dma_wait3A_314 : memref<80xi32, #tpu.memory_space<hbm>>) dst(%arg15 : memref<80xi32, #tpu.memory_space<vmem>>)
    %dma_start3A_315 = arith.constant 0 : i32
    %dma_start3A_316 = arith.constant 0 : i32
    %dma_start3A_317 = tpu.memref_slice %arg3[%dma_start3A_315, %dma_start3A_316] : memref<10000x128xf32, #tpu.memory_space<hbm>> -> memref<10000x128xf32, #tpu.memory_space<hbm>>
    tpu.enqueue_indirect_dma source(%dma_start3A_317 : memref<10000x128xf32, #tpu.memory_space<hbm>>) target(%arg21 : memref<80x128xf32, #tpu.memory_space<vmem>>) offsets(%arg11 : memref<80xi32, #tpu.memory_space<vmem>>) semaphore(%arg30 : memref<!tpu.dma_semaphore, #tpu.memory_space<semaphore_mem>>)
    %dma_start3A_318 = arith.constant 0 : i32
    %dma_start3A_319 = arith.constant 0 : i32
    %dma_start3A_320 = tpu.memref_slice %arg4[%dma_start3A_318, %dma_start3A_319] : memref<10000x16xf32, #tpu.memory_space<hbm>> -> memref<10000x16xf32, #tpu.memory_space<hbm>>
    tpu.enqueue_indirect_dma source(%dma_start3A_320 : memref<10000x16xf32, #tpu.memory_space<hbm>>) target(%arg17 : memref<80x16xf32, #tpu.memory_space<vmem>>) offsets(%arg11 : memref<80xi32, #tpu.memory_space<vmem>>) semaphore(%arg30 : memref<!tpu.dma_semaphore, #tpu.memory_space<semaphore_mem>>)
    %dma_start3A_321 = arith.constant 0 : i32
    %dma_start3A_322 = arith.constant 0 : i32
    %dma_start3A_323 = tpu.memref_slice %arg5[%dma_start3A_321, %dma_start3A_322] : memref<10000x16xf32, #tpu.memory_space<hbm>> -> memref<10000x16xf32, #tpu.memory_space<hbm>>
    tpu.enqueue_indirect_dma source(%dma_start3A_323 : memref<10000x16xf32, #tpu.memory_space<hbm>>) target(%arg19 : memref<80x16xf32, #tpu.memory_space<vmem>>) offsets(%arg15 : memref<80xi32, #tpu.memory_space<vmem>>) semaphore(%arg30 : memref<!tpu.dma_semaphore, #tpu.memory_space<semaphore_mem>>)
    %parallel_loop3A_324 = arith.constant 0 : i32
    %parallel_loop3A_325 = arith.constant 80 : i32
    %parallel_loop3A_326 = arith.constant 1 : i32
    scf.for %parallel_loop3A_453 = %parallel_loop3A_324 to %parallel_loop3A_325 step %parallel_loop3A_326  : i32 {
      %parallel_loop3A_454 = arith.index_cast %parallel_loop3A_453 : i32 to index
      %parallel_loop3A_455 = arith.constant 0 : index
      %parallel_loop3A_456 = tpu.vector_load %arg16[%parallel_loop3A_454, %parallel_loop3A_455] {strides = array<i32>} : memref<80x16xf32, #tpu.memory_space<vmem>>, vector<1x16xf32>,
      %parallel_loop3A_457 = vector.shape_cast %parallel_loop3A_456 : vector<1x16xf32> to vector<16xf32>
      %parallel_loop3A_458 = arith.index_cast %parallel_loop3A_453 : i32 to index
      %parallel_loop3A_459 = arith.constant 0 : index
      %parallel_loop3A_460 = tpu.vector_load %arg18[%parallel_loop3A_458, %parallel_loop3A_459] {strides = array<i32>} : memref<80x16xf32, #tpu.memory_space<vmem>>, vector<1x16xf32>,
      %parallel_loop3A_461 = vector.shape_cast %parallel_loop3A_460 : vector<1x16xf32> to vector<16xf32>
      %parallel_loop3A_462 = arith.addf %parallel_loop3A_457, %parallel_loop3A_461 : vector<16xf32>
      %parallel_loop3A_463 = arith.constant 2.000000e-01 : f32
      %parallel_loop3A_464 = vector.broadcast %parallel_loop3A_463 : f32 to vector<16xf32>
      %parallel_loop3A_465 = arith.mulf %parallel_loop3A_464, %parallel_loop3A_462 : vector<16xf32>
      %parallel_loop3A_466 = arith.maximumf %parallel_loop3A_462, %parallel_loop3A_465 : vector<16xf32>
      %parallel_loop3A_467 = math.exp %parallel_loop3A_466 : vector<16xf32>
      %parallel_loop3A_468 = arith.index_cast %parallel_loop3A_453 : i32 to index
      %parallel_loop3A_469 = arith.constant 0 : index
      %parallel_loop3A_470 = tpu.vector_load %arg22[%parallel_loop3A_468, %parallel_loop3A_469] {strides = array<i32>} : memref<80x16xf32, #tpu.memory_space<vmem>>, vector<1x16xf32>,
      %parallel_loop3A_471 = vector.shape_cast %parallel_loop3A_470 : vector<1x16xf32> to vector<16xf32>
      %parallel_loop3A_472 = vector.shape_cast %parallel_loop3A_467 : vector<16xf32> to vector<1x16xf32>
      tpu.vector_store %arg22[%parallel_loop3A_468, %parallel_loop3A_469], %parallel_loop3A_472 {strides = array<i32>} : memref<80x16xf32, #tpu.memory_space<vmem>>, vector<1x16xf32>,
      %parallel_loop3A_473 = arith.constant 0 : i32
      %parallel_loop3A_474 = vector.broadcast %parallel_loop3A_473 : i32 to vector<16x1xi32>
      %parallel_loop3A_475 = vector.shape_cast %parallel_loop3A_474 : vector<16x1xi32> to vector<16xi32>
      %parallel_loop3A_476 = tpu.dynamic_gather %parallel_loop3A_467[%parallel_loop3A_475] in [0] : vector<16xf32>, vector<16xi32> -> vector<16xf32>
      %parallel_loop3A_477 = arith.index_cast %parallel_loop3A_453 : i32 to index
      %parallel_loop3A_478 = arith.constant 0 : index
      %parallel_loop3A_479 = tpu.vector_load %arg20[%parallel_loop3A_477, %parallel_loop3A_478] {strides = array<i32>} : memref<80x128xf32, #tpu.memory_space<vmem>>, vector<1x16xf32>,
      %parallel_loop3A_480 = vector.shape_cast %parallel_loop3A_479 : vector<1x16xf32> to vector<16xf32>
      %parallel_loop3A_481 = arith.mulf %parallel_loop3A_480, %parallel_loop3A_476 : vector<16xf32>
      %parallel_loop3A_482 = arith.index_cast %parallel_loop3A_453 : i32 to index
      %parallel_loop3A_483 = arith.constant 0 : index
      %parallel_loop3A_484 = tpu.vector_load %arg20[%parallel_loop3A_482, %parallel_loop3A_483] {strides = array<i32>} : memref<80x128xf32, #tpu.memory_space<vmem>>, vector<1x16xf32>,
      %parallel_loop3A_485 = vector.shape_cast %parallel_loop3A_484 : vector<1x16xf32> to vector<16xf32>
      %parallel_loop3A_486 = vector.shape_cast %parallel_loop3A_481 : vector<16xf32> to vector<1x16xf32>
      tpu.vector_store %arg20[%parallel_loop3A_482, %parallel_loop3A_483], %parallel_loop3A_486 {strides = array<i32>} : memref<80x128xf32, #tpu.memory_space<vmem>>, vector<1x16xf32>,
      %parallel_loop3A_487 = arith.constant 0 : i32
      %parallel_loop3A_488 = vector.broadcast %parallel_loop3A_487 : i32 to vector<16x1xi32>
      %parallel_loop3A_489 = vector.shape_cast %parallel_loop3A_488 : vector<16x1xi32> to vector<16xi32>
      %parallel_loop3A_490 = tpu.dynamic_gather %parallel_loop3A_467[%parallel_loop3A_489] in [0] : vector<16xf32>, vector<16xi32> -> vector<16xf32>
      %parallel_loop3A_491 = arith.index_cast %parallel_loop3A_453 : i32 to index
      %parallel_loop3A_492 = arith.constant 16 : index
      %parallel_loop3A_493 = tpu.vector_load %arg20[%parallel_loop3A_491, %parallel_loop3A_492] {strides = array<i32>} : memref<80x128xf32, #tpu.memory_space<vmem>>, vector<1x16xf32>,
      %parallel_loop3A_494 = vector.shape_cast %parallel_loop3A_493 : vector<1x16xf32> to vector<16xf32>
      %parallel_loop3A_495 = arith.mulf %parallel_loop3A_494, %parallel_loop3A_490 : vector<16xf32>
      %parallel_loop3A_496 = arith.index_cast %parallel_loop3A_453 : i32 to index
      %parallel_loop3A_497 = arith.constant 16 : index
      %parallel_loop3A_498 = tpu.vector_load %arg20[%parallel_loop3A_496, %parallel_loop3A_497] {strides = array<i32>} : memref<80x128xf32, #tpu.memory_space<vmem>>, vector<1x16xf32>,
      %parallel_loop3A_499 = vector.shape_cast %parallel_loop3A_498 : vector<1x16xf32> to vector<16xf32>
      %parallel_loop3A_500 = vector.shape_cast %parallel_loop3A_495 : vector<16xf32> to vector<1x16xf32>
      tpu.vector_store %arg20[%parallel_loop3A_496, %parallel_loop3A_497], %parallel_loop3A_500 {strides = array<i32>} : memref<80x128xf32, #tpu.memory_space<vmem>>, vector<1x16xf32>,
      %parallel_loop3A_501 = arith.constant 1 : i32
      %parallel_loop3A_502 = vector.broadcast %parallel_loop3A_501 : i32 to vector<16x1xi32>
      %parallel_loop3A_503 = vector.shape_cast %parallel_loop3A_502 : vector<16x1xi32> to vector<16xi32>
      %parallel_loop3A_504 = tpu.dynamic_gather %parallel_loop3A_467[%parallel_loop3A_503] in [0] : vector<16xf32>, vector<16xi32> -> vector<16xf32>
      %parallel_loop3A_505 = arith.index_cast %parallel_loop3A_453 : i32 to index
      %parallel_loop3A_506 = arith.constant 32 : index
      %parallel_loop3A_507 = tpu.vector_load %arg20[%parallel_loop3A_505, %parallel_loop3A_506] {strides = array<i32>} : memref<80x128xf32, #tpu.memory_space<vmem>>, vector<1x16xf32>,
      %parallel_loop3A_508 = vector.shape_cast %parallel_loop3A_507 : vector<1x16xf32> to vector<16xf32>
      %parallel_loop3A_509 = arith.mulf %parallel_loop3A_508, %parallel_loop3A_504 : vector<16xf32>
      %parallel_loop3A_510 = arith.index_cast %parallel_loop3A_453 : i32 to index
      %parallel_loop3A_511 = arith.constant 32 : index
      %parallel_loop3A_512 = tpu.vector_load %arg20[%parallel_loop3A_510, %parallel_loop3A_511] {strides = array<i32>} : memref<80x128xf32, #tpu.memory_space<vmem>>, vector<1x16xf32>,
      %parallel_loop3A_513 = vector.shape_cast %parallel_loop3A_512 : vector<1x16xf32> to vector<16xf32>
      %parallel_loop3A_514 = vector.shape_cast %parallel_loop3A_509 : vector<16xf32> to vector<1x16xf32>
      tpu.vector_store %arg20[%parallel_loop3A_510, %parallel_loop3A_511], %parallel_loop3A_514 {strides = array<i32>} : memref<80x128xf32, #tpu.memory_space<vmem>>, vector<1x16xf32>,
      %parallel_loop3A_515 = arith.constant 1 : i32
      %parallel_loop3A_516 = vector.broadcast %parallel_loop3A_515 : i32 to vector<16x1xi32>
      %parallel_loop3A_517 = vector.shape_cast %parallel_loop3A_516 : vector<16x1xi32> to vector<16xi32>
      %parallel_loop3A_518 = tpu.dynamic_gather %parallel_loop3A_467[%parallel_loop3A_517] in [0] : vector<16xf32>, vector<16xi32> -> vector<16xf32>
      %parallel_loop3A_519 = arith.index_cast %parallel_loop3A_453 : i32 to index
      %parallel_loop3A_520 = arith.constant 48 : index
      %parallel_loop3A_521 = tpu.vector_load %arg20[%parallel_loop3A_519, %parallel_loop3A_520] {strides = array<i32>} : memref<80x128xf32, #tpu.memory_space<vmem>>, vector<1x16xf32>,
      %parallel_loop3A_522 = vector.shape_cast %parallel_loop3A_521 : vector<1x16xf32> to vector<16xf32>
      %parallel_loop3A_523 = arith.mulf %parallel_loop3A_522, %parallel_loop3A_518 : vector<16xf32>
      %parallel_loop3A_524 = arith.index_cast %parallel_loop3A_453 : i32 to index
      %parallel_loop3A_525 = arith.constant 48 : index
      %parallel_loop3A_526 = tpu.vector_load %arg20[%parallel_loop3A_524, %parallel_loop3A_525] {strides = array<i32>} : memref<80x128xf32, #tpu.memory_space<vmem>>, vector<1x16xf32>,
      %parallel_loop3A_527 = vector.shape_cast %parallel_loop3A_526 : vector<1x16xf32> to vector<16xf32>
      %parallel_loop3A_528 = vector.shape_cast %parallel_loop3A_523 : vector<16xf32> to vector<1x16xf32>
      tpu.vector_store %arg20[%parallel_loop3A_524, %parallel_loop3A_525], %parallel_loop3A_528 {strides = array<i32>} : memref<80x128xf32, #tpu.memory_space<vmem>>, vector<1x16xf32>,
      %parallel_loop3A_529 = arith.constant 2 : i32
      %parallel_loop3A_530 = vector.broadcast %parallel_loop3A_529 : i32 to vector<16x1xi32>
      %parallel_loop3A_531 = vector.shape_cast %parallel_loop3A_530 : vector<16x1xi32> to vector<16xi32>
      %parallel_loop3A_532 = tpu.dynamic_gather %parallel_loop3A_467[%parallel_loop3A_531] in [0] : vector<16xf32>, vector<16xi32> -> vector<16xf32>
      %parallel_loop3A_533 = arith.index_cast %parallel_loop3A_453 : i32 to index
      %parallel_loop3A_534 = arith.constant 64 : index
      %parallel_loop3A_535 = tpu.vector_load %arg20[%parallel_loop3A_533, %parallel_loop3A_534] {strides = array<i32>} : memref<80x128xf32, #tpu.memory_space<vmem>>, vector<1x16xf32>,
      %parallel_loop3A_536 = vector.shape_cast %parallel_loop3A_535 : vector<1x16xf32> to vector<16xf32>
      %parallel_loop3A_537 = arith.mulf %parallel_loop3A_536, %parallel_loop3A_532 : vector<16xf32>
      %parallel_loop3A_538 = arith.index_cast %parallel_loop3A_453 : i32 to index
      %parallel_loop3A_539 = arith.constant 64 : index
      %parallel_loop3A_540 = tpu.vector_load %arg20[%parallel_loop3A_538, %parallel_loop3A_539] {strides = array<i32>} : memref<80x128xf32, #tpu.memory_space<vmem>>, vector<1x16xf32>,
      %parallel_loop3A_541 = vector.shape_cast %parallel_loop3A_540 : vector<1x16xf32> to vector<16xf32>
      %parallel_loop3A_542 = vector.shape_cast %parallel_loop3A_537 : vector<16xf32> to vector<1x16xf32>
      tpu.vector_store %arg20[%parallel_loop3A_538, %parallel_loop3A_539], %parallel_loop3A_542 {strides = array<i32>} : memref<80x128xf32, #tpu.memory_space<vmem>>, vector<1x16xf32>,
      %parallel_loop3A_543 = arith.constant 2 : i32
      %parallel_loop3A_544 = vector.broadcast %parallel_loop3A_543 : i32 to vector<16x1xi32>
      %parallel_loop3A_545 = vector.shape_cast %parallel_loop3A_544 : vector<16x1xi32> to vector<16xi32>
      %parallel_loop3A_546 = tpu.dynamic_gather %parallel_loop3A_467[%parallel_loop3A_545] in [0] : vector<16xf32>, vector<16xi32> -> vector<16xf32>
      %parallel_loop3A_547 = arith.index_cast %parallel_loop3A_453 : i32 to index
      %parallel_loop3A_548 = arith.constant 80 : index
      %parallel_loop3A_549 = tpu.vector_load %arg20[%parallel_loop3A_547, %parallel_loop3A_548] {strides = array<i32>} : memref<80x128xf32, #tpu.memory_space<vmem>>, vector<1x16xf32>,
      %parallel_loop3A_550 = vector.shape_cast %parallel_loop3A_549 : vector<1x16xf32> to vector<16xf32>
      %parallel_loop3A_551 = arith.mulf %parallel_loop3A_550, %parallel_loop3A_546 : vector<16xf32>
      %parallel_loop3A_552 = arith.index_cast %parallel_loop3A_453 : i32 to index
      %parallel_loop3A_553 = arith.constant 80 : index
      %parallel_loop3A_554 = tpu.vector_load %arg20[%parallel_loop3A_552, %parallel_loop3A_553] {strides = array<i32>} : memref<80x128xf32, #tpu.memory_space<vmem>>, vector<1x16xf32>,
      %parallel_loop3A_555 = vector.shape_cast %parallel_loop3A_554 : vector<1x16xf32> to vector<16xf32>
      %parallel_loop3A_556 = vector.shape_cast %parallel_loop3A_551 : vector<16xf32> to vector<1x16xf32>
      tpu.vector_store %arg20[%parallel_loop3A_552, %parallel_loop3A_553], %parallel_loop3A_556 {strides = array<i32>} : memref<80x128xf32, #tpu.memory_space<vmem>>, vector<1x16xf32>,
      %parallel_loop3A_557 = arith.constant 3 : i32
      %parallel_loop3A_558 = vector.broadcast %parallel_loop3A_557 : i32 to vector<16x1xi32>
      %parallel_loop3A_559 = vector.shape_cast %parallel_loop3A_558 : vector<16x1xi32> to vector<16xi32>
      %parallel_loop3A_560 = tpu.dynamic_gather %parallel_loop3A_467[%parallel_loop3A_559] in [0] : vector<16xf32>, vector<16xi32> -> vector<16xf32>
      %parallel_loop3A_561 = arith.index_cast %parallel_loop3A_453 : i32 to index
      %parallel_loop3A_562 = arith.constant 96 : index
      %parallel_loop3A_563 = tpu.vector_load %arg20[%parallel_loop3A_561, %parallel_loop3A_562] {strides = array<i32>} : memref<80x128xf32, #tpu.memory_space<vmem>>, vector<1x16xf32>,
      %parallel_loop3A_564 = vector.shape_cast %parallel_loop3A_563 : vector<1x16xf32> to vector<16xf32>
      %parallel_loop3A_565 = arith.mulf %parallel_loop3A_564, %parallel_loop3A_560 : vector<16xf32>
      %parallel_loop3A_566 = arith.index_cast %parallel_loop3A_453 : i32 to index
      %parallel_loop3A_567 = arith.constant 96 : index
      %parallel_loop3A_568 = tpu.vector_load %arg20[%parallel_loop3A_566, %parallel_loop3A_567] {strides = array<i32>} : memref<80x128xf32, #tpu.memory_space<vmem>>, vector<1x16xf32>,
      %parallel_loop3A_569 = vector.shape_cast %parallel_loop3A_568 : vector<1x16xf32> to vector<16xf32>
      %parallel_loop3A_570 = vector.shape_cast %parallel_loop3A_565 : vector<16xf32> to vector<1x16xf32>
      tpu.vector_store %arg20[%parallel_loop3A_566, %parallel_loop3A_567], %parallel_loop3A_570 {strides = array<i32>} : memref<80x128xf32, #tpu.memory_space<vmem>>, vector<1x16xf32>,
      %parallel_loop3A_571 = arith.constant 3 : i32
      %parallel_loop3A_572 = vector.broadcast %parallel_loop3A_571 : i32 to vector<16x1xi32>
      %parallel_loop3A_573 = vector.shape_cast %parallel_loop3A_572 : vector<16x1xi32> to vector<16xi32>
      %parallel_loop3A_574 = tpu.dynamic_gather %parallel_loop3A_467[%parallel_loop3A_573] in [0] : vector<16xf32>, vector<16xi32> -> vector<16xf32>
      %parallel_loop3A_575 = arith.index_cast %parallel_loop3A_453 : i32 to index
      %parallel_loop3A_576 = arith.constant 112 : index
      %parallel_loop3A_577 = tpu.vector_load %arg20[%parallel_loop3A_575, %parallel_loop3A_576] {strides = array<i32>} : memref<80x128xf32, #tpu.memory_space<vmem>>, vector<1x16xf32>,
      %parallel_loop3A_578 = vector.shape_cast %parallel_loop3A_577 : vector<1x16xf32> to vector<16xf32>
      %parallel_loop3A_579 = arith.mulf %parallel_loop3A_578, %parallel_loop3A_574 : vector<16xf32>
      %parallel_loop3A_580 = arith.index_cast %parallel_loop3A_453 : i32 to index
      %parallel_loop3A_581 = arith.constant 112 : index
      %parallel_loop3A_582 = tpu.vector_load %arg20[%parallel_loop3A_580, %parallel_loop3A_581] {strides = array<i32>} : memref<80x128xf32, #tpu.memory_space<vmem>>, vector<1x16xf32>,
      %parallel_loop3A_583 = vector.shape_cast %parallel_loop3A_582 : vector<1x16xf32> to vector<16xf32>
      %parallel_loop3A_584 = vector.shape_cast %parallel_loop3A_579 : vector<16xf32> to vector<1x16xf32>
      tpu.vector_store %arg20[%parallel_loop3A_580, %parallel_loop3A_581], %parallel_loop3A_584 {strides = array<i32>} : memref<80x128xf32, #tpu.memory_space<vmem>>, vector<1x16xf32>,
    } {sc.loop_unroll_factor = 2 : i64, sc.parallel_access}
    "tpu.region"() ({
      %run_scoped3A = tpu.sem_alloc : memref<!tpu.dma_semaphore, #tpu.memory_space<semaphore_mem>>
      %dma_start3A_453 = arith.constant 0 : i32
      %dma_start3A_454 = arith.constant 0 : i32
      %dma_start3A_455 = tpu.memref_slice %arg24[%dma_start3A_453, %dma_start3A_454] : memref<10240x16xf32, #tpu.memory_space<vmem_shared>> -> memref<10240x16xf32, #tpu.memory_space<vmem_shared>>
      tpu.enqueue_indirect_dma source(%arg22 : memref<80x16xf32, #tpu.memory_space<vmem>>) target(%dma_start3A_455 : memref<10240x16xf32, #tpu.memory_space<vmem_shared>>) offsets(%arg14 : memref<80xi32, #tpu.memory_space<vmem>>) semaphore(%run_scoped3A : memref<!tpu.dma_semaphore, #tpu.memory_space<semaphore_mem>>) {add = true}
      %dma_wait3A_456 = arith.constant 0 : i32
      %dma_wait3A_457 = arith.constant 0 : i32
      %dma_wait3A_458 = tpu.memref_slice %arg24[%dma_wait3A_456, %dma_wait3A_457] : memref<10240x16xf32, #tpu.memory_space<vmem_shared>> -> memref<10240x16xf32, #tpu.memory_space<vmem_shared>>
      tpu.wait_indirect_dma semaphore(%run_scoped3A : memref<!tpu.dma_semaphore, #tpu.memory_space<semaphore_mem>>) src(%arg22 : memref<80x16xf32, #tpu.memory_space<vmem>>) dst(%dma_wait3A_458 : memref<10240x16xf32, #tpu.memory_space<vmem_shared>>)
      tpu.yield
    }) : () -> ()
    %dma_start3A_327 = arith.constant 0 : i32
    %dma_start3A_328 = arith.constant 0 : i32
    %dma_start3A_329 = tpu.memref_slice %arg23[%dma_start3A_327, %dma_start3A_328] : memref<10240x128xf32, #tpu.memory_space<vmem_shared>> -> memref<10240x128xf32, #tpu.memory_space<vmem_shared>>
    tpu.enqueue_indirect_dma source(%arg20 : memref<80x128xf32, #tpu.memory_space<vmem>>) target(%dma_start3A_329 : memref<10240x128xf32, #tpu.memory_space<vmem_shared>>) offsets(%arg14 : memref<80xi32, #tpu.memory_space<vmem>>) semaphore(%arg31 : memref<!tpu.dma_semaphore, #tpu.memory_space<semaphore_mem>>) {add = true}
    %mul3A_330 = arith.constant 10000 : i32
    %mul3A_331 = arith.muli %add3A, %mul3A_330 : i32
    %add3A_332 = arith.constant 320 : i32
    %add3A_333 = arith.addi %mul3A_331, %add3A_332 : i32
    %dma_start3A_334 = arith.constant 0 : i32
    %dma_start3A_335 = arith.constant 0 : i32
    %dma_start3A_336 = tpu.memref_slice %arg2[%dma_start3A_334, %dma_start3A_335] : memref<2x320000xi32, #tpu.memory_space<hbm>> -> memref<1x320000xi32, #tpu.memory_space<hbm>>
    %dma_start3A_337 = tpu.memref_squeeze %dma_start3A_336 : memref<1x320000xi32, #tpu.memory_space<hbm>> -> memref<320000xi32, #tpu.memory_space<hbm>>
    %dma_start3A_338 = tpu.memref_slice %dma_start3A_337[%add3A_333] : memref<320000xi32, #tpu.memory_space<hbm>> -> memref<80xi32, #tpu.memory_space<hbm>>
    %dma_start3A_339 = arith.constant 0 : i32
    %dma_start3A_340 = tpu.memref_slice %arg2[%dma_start3A_334, %dma_start3A_339] : memref<2x320000xi32, #tpu.memory_space<hbm>> -> memref<1x320000xi32, #tpu.memory_space<hbm>>
    %dma_start3A_341 = tpu.memref_squeeze %dma_start3A_340 : memref<1x320000xi32, #tpu.memory_space<hbm>> -> memref<320000xi32, #tpu.memory_space<hbm>>
    %dma_start3A_342 = tpu.memref_slice %dma_start3A_341[%add3A_333] : memref<320000xi32, #tpu.memory_space<hbm>> -> memref<80xi32, #tpu.memory_space<hbm>>
    tpu.enqueue_dma source(%dma_start3A_342 : memref<80xi32, #tpu.memory_space<hbm>>) target(%arg8 : memref<80xi32, #tpu.memory_space<vmem>>) target_semaphore(%arg25 : memref<!tpu.dma_semaphore, #tpu.memory_space<semaphore_mem>>)
    %dma_start3A_343 = arith.constant 1 : i32
    %dma_start3A_344 = arith.constant 0 : i32
    %dma_start3A_345 = tpu.memref_slice %arg2[%dma_start3A_343, %dma_start3A_344] : memref<2x320000xi32, #tpu.memory_space<hbm>> -> memref<1x320000xi32, #tpu.memory_space<hbm>>
    %dma_start3A_346 = tpu.memref_squeeze %dma_start3A_345 : memref<1x320000xi32, #tpu.memory_space<hbm>> -> memref<320000xi32, #tpu.memory_space<hbm>>
    %dma_start3A_347 = tpu.memref_slice %dma_start3A_346[%add3A_333] : memref<320000xi32, #tpu.memory_space<hbm>> -> memref<80xi32, #tpu.memory_space<hbm>>
    %dma_start3A_348 = arith.constant 0 : i32
    %dma_start3A_349 = tpu.memref_slice %arg2[%dma_start3A_343, %dma_start3A_348] : memref<2x320000xi32, #tpu.memory_space<hbm>> -> memref<1x320000xi32, #tpu.memory_space<hbm>>
    %dma_start3A_350 = tpu.memref_squeeze %dma_start3A_349 : memref<1x320000xi32, #tpu.memory_space<hbm>> -> memref<320000xi32, #tpu.memory_space<hbm>>
    %dma_start3A_351 = tpu.memref_slice %dma_start3A_350[%add3A_333] : memref<320000xi32, #tpu.memory_space<hbm>> -> memref<80xi32, #tpu.memory_space<hbm>>
    tpu.enqueue_dma source(%dma_start3A_351 : memref<80xi32, #tpu.memory_space<hbm>>) target(%arg12 : memref<80xi32, #tpu.memory_space<vmem>>) target_semaphore(%arg25 : memref<!tpu.dma_semaphore, #tpu.memory_space<semaphore_mem>>)
    %dma_wait3A_352 = arith.constant 0 : i32
    %dma_wait3A_353 = arith.constant 0 : i32
    %dma_wait3A_354 = tpu.memref_slice %arg3[%dma_wait3A_352, %dma_wait3A_353] : memref<10000x128xf32, #tpu.memory_space<hbm>> -> memref<10000x128xf32, #tpu.memory_space<hbm>>
    tpu.wait_indirect_dma semaphore(%arg30 : memref<!tpu.dma_semaphore, #tpu.memory_space<semaphore_mem>>) src(%dma_wait3A_354 : memref<10000x128xf32, #tpu.memory_space<hbm>>) dst(%arg21 : memref<80x128xf32, #tpu.memory_space<vmem>>)
    %dma_wait3A_355 = arith.constant 0 : i32
    %dma_wait3A_356 = arith.constant 0 : i32
    %dma_wait3A_357 = tpu.memref_slice %arg4[%dma_wait3A_355, %dma_wait3A_356] : memref<10000x16xf32, #tpu.memory_space<hbm>> -> memref<10000x16xf32, #tpu.memory_space<hbm>>
    tpu.wait_indirect_dma semaphore(%arg30 : memref<!tpu.dma_semaphore, #tpu.memory_space<semaphore_mem>>) src(%dma_wait3A_357 : memref<10000x16xf32, #tpu.memory_space<hbm>>) dst(%arg17 : memref<80x16xf32, #tpu.memory_space<vmem>>)
    %dma_wait3A_358 = arith.constant 0 : i32
    %dma_wait3A_359 = arith.constant 0 : i32
    %dma_wait3A_360 = tpu.memref_slice %arg5[%dma_wait3A_358, %dma_wait3A_359] : memref<10000x16xf32, #tpu.memory_space<hbm>> -> memref<10000x16xf32, #tpu.memory_space<hbm>>
    tpu.wait_indirect_dma semaphore(%arg30 : memref<!tpu.dma_semaphore, #tpu.memory_space<semaphore_mem>>) src(%dma_wait3A_360 : memref<10000x16xf32, #tpu.memory_space<hbm>>) dst(%arg19 : memref<80x16xf32, #tpu.memory_space<vmem>>)
    %dma_wait3A_361 = arith.constant 0 : i32
    %dma_wait3A_362 = arith.constant 0 : i32
    %dma_wait3A_363 = tpu.memref_slice %arg23[%dma_wait3A_361, %dma_wait3A_362] : memref<10240x128xf32, #tpu.memory_space<vmem_shared>> -> memref<10240x128xf32, #tpu.memory_space<vmem_shared>>
    tpu.wait_indirect_dma semaphore(%arg31 : memref<!tpu.dma_semaphore, #tpu.memory_space<semaphore_mem>>) src(%arg20 : memref<80x128xf32, #tpu.memory_space<vmem>>) dst(%dma_wait3A_363 : memref<10240x128xf32, #tpu.memory_space<vmem_shared>>)
    %dma_wait3A_364 = arith.constant 0 : i32
    %dma_wait3A_365 = arith.constant 0 : i32
    %dma_wait3A_366 = tpu.memref_slice %arg2[%dma_wait3A_364, %dma_wait3A_365] : memref<2x320000xi32, #tpu.memory_space<hbm>> -> memref<1x320000xi32, #tpu.memory_space<hbm>>
    %dma_wait3A_367 = tpu.memref_squeeze %dma_wait3A_366 : memref<1x320000xi32, #tpu.memory_space<hbm>> -> memref<320000xi32, #tpu.memory_space<hbm>>
    %dma_wait3A_368 = arith.constant 0 : i32
    %dma_wait3A_369 = tpu.memref_slice %dma_wait3A_367[%dma_wait3A_368] : memref<320000xi32, #tpu.memory_space<hbm>> -> memref<80xi32, #tpu.memory_space<hbm>>
    %dma_wait3A_370 = arith.constant 0 : i32
    %dma_wait3A_371 = tpu.memref_slice %arg2[%dma_wait3A_364, %dma_wait3A_370] : memref<2x320000xi32, #tpu.memory_space<hbm>> -> memref<1x320000xi32, #tpu.memory_space<hbm>>
    %dma_wait3A_372 = tpu.memref_squeeze %dma_wait3A_371 : memref<1x320000xi32, #tpu.memory_space<hbm>> -> memref<320000xi32, #tpu.memory_space<hbm>>
    %dma_wait3A_373 = arith.constant 0 : i32
    %dma_wait3A_374 = tpu.memref_slice %dma_wait3A_372[%dma_wait3A_373] : memref<320000xi32, #tpu.memory_space<hbm>> -> memref<80xi32, #tpu.memory_space<hbm>>
    tpu.wait_dma2 semaphore(%arg25 : memref<!tpu.dma_semaphore, #tpu.memory_space<semaphore_mem>>) src(%dma_wait3A_374 : memref<80xi32, #tpu.memory_space<hbm>>) dst(%arg8 : memref<80xi32, #tpu.memory_space<vmem>>)
    %dma_wait3A_375 = arith.constant 1 : i32
    %dma_wait3A_376 = arith.constant 0 : i32
    %dma_wait3A_377 = tpu.memref_slice %arg2[%dma_wait3A_375, %dma_wait3A_376] : memref<2x320000xi32, #tpu.memory_space<hbm>> -> memref<1x320000xi32, #tpu.memory_space<hbm>>
    %dma_wait3A_378 = tpu.memref_squeeze %dma_wait3A_377 : memref<1x320000xi32, #tpu.memory_space<hbm>> -> memref<320000xi32, #tpu.memory_space<hbm>>
    %dma_wait3A_379 = arith.constant 0 : i32
    %dma_wait3A_380 = tpu.memref_slice %dma_wait3A_378[%dma_wait3A_379] : memref<320000xi32, #tpu.memory_space<hbm>> -> memref<80xi32, #tpu.memory_space<hbm>>
    %dma_wait3A_381 = arith.constant 0 : i32
    %dma_wait3A_382 = tpu.memref_slice %arg2[%dma_wait3A_375, %dma_wait3A_381] : memref<2x320000xi32, #tpu.memory_space<hbm>> -> memref<1x320000xi32, #tpu.memory_space<hbm>>
    %dma_wait3A_383 = tpu.memref_squeeze %dma_wait3A_382 : memref<1x320000xi32, #tpu.memory_space<hbm>> -> memref<320000xi32, #tpu.memory_space<hbm>>
    %dma_wait3A_384 = arith.constant 0 : i32
    %dma_wait3A_385 = tpu.memref_slice %dma_wait3A_383[%dma_wait3A_384] : memref<320000xi32, #tpu.memory_space<hbm>> -> memref<80xi32, #tpu.memory_space<hbm>>
    tpu.wait_dma2 semaphore(%arg25 : memref<!tpu.dma_semaphore, #tpu.memory_space<semaphore_mem>>) src(%dma_wait3A_385 : memref<80xi32, #tpu.memory_space<hbm>>) dst(%arg12 : memref<80xi32, #tpu.memory_space<vmem>>)
    %dma_start3A_386 = arith.constant 0 : i32
    %dma_start3A_387 = arith.constant 0 : i32
    %dma_start3A_388 = tpu.memref_slice %arg3[%dma_start3A_386, %dma_start3A_387] : memref<10000x128xf32, #tpu.memory_space<hbm>> -> memref<10000x128xf32, #tpu.memory_space<hbm>>
    tpu.enqueue_indirect_dma source(%dma_start3A_388 : memref<10000x128xf32, #tpu.memory_space<hbm>>) target(%arg20 : memref<80x128xf32, #tpu.memory_space<vmem>>) offsets(%arg8 : memref<80xi32, #tpu.memory_space<vmem>>) semaphore(%arg29 : memref<!tpu.dma_semaphore, #tpu.memory_space<semaphore_mem>>)
    %dma_start3A_389 = arith.constant 0 : i32
    %dma_start3A_390 = arith.constant 0 : i32
    %dma_start3A_391 = tpu.memref_slice %arg4[%dma_start3A_389, %dma_start3A_390] : memref<10000x16xf32, #tpu.memory_space<hbm>> -> memref<10000x16xf32, #tpu.memory_space<hbm>>
    tpu.enqueue_indirect_dma source(%dma_start3A_391 : memref<10000x16xf32, #tpu.memory_space<hbm>>) target(%arg16 : memref<80x16xf32, #tpu.memory_space<vmem>>) offsets(%arg8 : memref<80xi32, #tpu.memory_space<vmem>>) semaphore(%arg29 : memref<!tpu.dma_semaphore, #tpu.memory_space<semaphore_mem>>)
    %dma_start3A_392 = arith.constant 0 : i32
    %dma_start3A_393 = arith.constant 0 : i32
    %dma_start3A_394 = tpu.memref_slice %arg5[%dma_start3A_392, %dma_start3A_393] : memref<10000x16xf32, #tpu.memory_space<hbm>> -> memref<10000x16xf32, #tpu.memory_space<hbm>>
    tpu.enqueue_indirect_dma source(%dma_start3A_394 : memref<10000x16xf32, #tpu.memory_space<hbm>>) target(%arg18 : memref<80x16xf32, #tpu.memory_space<vmem>>) offsets(%arg12 : memref<80xi32, #tpu.memory_space<vmem>>) semaphore(%arg29 : memref<!tpu.dma_semaphore, #tpu.memory_space<semaphore_mem>>)
    %parallel_loop3A_395 = arith.constant 0 : i32
    %parallel_loop3A_396 = arith.constant 80 : i32
    %parallel_loop3A_397 = arith.constant 1 : i32
    scf.for %parallel_loop3A_453 = %parallel_loop3A_395 to %parallel_loop3A_396 step %parallel_loop3A_397  : i32 {
      %parallel_loop3A_454 = arith.index_cast %parallel_loop3A_453 : i32 to index
      %parallel_loop3A_455 = arith.constant 0 : index
      %parallel_loop3A_456 = tpu.vector_load %arg17[%parallel_loop3A_454, %parallel_loop3A_455] {strides = array<i32>} : memref<80x16xf32, #tpu.memory_space<vmem>>, vector<1x16xf32>,
      %parallel_loop3A_457 = vector.shape_cast %parallel_loop3A_456 : vector<1x16xf32> to vector<16xf32>
      %parallel_loop3A_458 = arith.index_cast %parallel_loop3A_453 : i32 to index
      %parallel_loop3A_459 = arith.constant 0 : index
      %parallel_loop3A_460 = tpu.vector_load %arg19[%parallel_loop3A_458, %parallel_loop3A_459] {strides = array<i32>} : memref<80x16xf32, #tpu.memory_space<vmem>>, vector<1x16xf32>,
      %parallel_loop3A_461 = vector.shape_cast %parallel_loop3A_460 : vector<1x16xf32> to vector<16xf32>
      %parallel_loop3A_462 = arith.addf %parallel_loop3A_457, %parallel_loop3A_461 : vector<16xf32>
      %parallel_loop3A_463 = arith.constant 2.000000e-01 : f32
      %parallel_loop3A_464 = vector.broadcast %parallel_loop3A_463 : f32 to vector<16xf32>
      %parallel_loop3A_465 = arith.mulf %parallel_loop3A_464, %parallel_loop3A_462 : vector<16xf32>
      %parallel_loop3A_466 = arith.maximumf %parallel_loop3A_462, %parallel_loop3A_465 : vector<16xf32>
      %parallel_loop3A_467 = math.exp %parallel_loop3A_466 : vector<16xf32>
      %parallel_loop3A_468 = arith.index_cast %parallel_loop3A_453 : i32 to index
      %parallel_loop3A_469 = arith.constant 0 : index
      %parallel_loop3A_470 = tpu.vector_load %arg22[%parallel_loop3A_468, %parallel_loop3A_469] {strides = array<i32>} : memref<80x16xf32, #tpu.memory_space<vmem>>, vector<1x16xf32>,
      %parallel_loop3A_471 = vector.shape_cast %parallel_loop3A_470 : vector<1x16xf32> to vector<16xf32>
      %parallel_loop3A_472 = vector.shape_cast %parallel_loop3A_467 : vector<16xf32> to vector<1x16xf32>
      tpu.vector_store %arg22[%parallel_loop3A_468, %parallel_loop3A_469], %parallel_loop3A_472 {strides = array<i32>} : memref<80x16xf32, #tpu.memory_space<vmem>>, vector<1x16xf32>,
      %parallel_loop3A_473 = arith.constant 0 : i32
      %parallel_loop3A_474 = vector.broadcast %parallel_loop3A_473 : i32 to vector<16x1xi32>
      %parallel_loop3A_475 = vector.shape_cast %parallel_loop3A_474 : vector<16x1xi32> to vector<16xi32>
      %parallel_loop3A_476 = tpu.dynamic_gather %parallel_loop3A_467[%parallel_loop3A_475] in [0] : vector<16xf32>, vector<16xi32> -> vector<16xf32>
      %parallel_loop3A_477 = arith.index_cast %parallel_loop3A_453 : i32 to index
      %parallel_loop3A_478 = arith.constant 0 : index
      %parallel_loop3A_479 = tpu.vector_load %arg21[%parallel_loop3A_477, %parallel_loop3A_478] {strides = array<i32>} : memref<80x128xf32, #tpu.memory_space<vmem>>, vector<1x16xf32>,
      %parallel_loop3A_480 = vector.shape_cast %parallel_loop3A_479 : vector<1x16xf32> to vector<16xf32>
      %parallel_loop3A_481 = arith.mulf %parallel_loop3A_480, %parallel_loop3A_476 : vector<16xf32>
      %parallel_loop3A_482 = arith.index_cast %parallel_loop3A_453 : i32 to index
      %parallel_loop3A_483 = arith.constant 0 : index
      %parallel_loop3A_484 = tpu.vector_load %arg21[%parallel_loop3A_482, %parallel_loop3A_483] {strides = array<i32>} : memref<80x128xf32, #tpu.memory_space<vmem>>, vector<1x16xf32>,
      %parallel_loop3A_485 = vector.shape_cast %parallel_loop3A_484 : vector<1x16xf32> to vector<16xf32>
      %parallel_loop3A_486 = vector.shape_cast %parallel_loop3A_481 : vector<16xf32> to vector<1x16xf32>
      tpu.vector_store %arg21[%parallel_loop3A_482, %parallel_loop3A_483], %parallel_loop3A_486 {strides = array<i32>} : memref<80x128xf32, #tpu.memory_space<vmem>>, vector<1x16xf32>,
      %parallel_loop3A_487 = arith.constant 0 : i32
      %parallel_loop3A_488 = vector.broadcast %parallel_loop3A_487 : i32 to vector<16x1xi32>
      %parallel_loop3A_489 = vector.shape_cast %parallel_loop3A_488 : vector<16x1xi32> to vector<16xi32>
      %parallel_loop3A_490 = tpu.dynamic_gather %parallel_loop3A_467[%parallel_loop3A_489] in [0] : vector<16xf32>, vector<16xi32> -> vector<16xf32>
      %parallel_loop3A_491 = arith.index_cast %parallel_loop3A_453 : i32 to index
      %parallel_loop3A_492 = arith.constant 16 : index
      %parallel_loop3A_493 = tpu.vector_load %arg21[%parallel_loop3A_491, %parallel_loop3A_492] {strides = array<i32>} : memref<80x128xf32, #tpu.memory_space<vmem>>, vector<1x16xf32>,
      %parallel_loop3A_494 = vector.shape_cast %parallel_loop3A_493 : vector<1x16xf32> to vector<16xf32>
      %parallel_loop3A_495 = arith.mulf %parallel_loop3A_494, %parallel_loop3A_490 : vector<16xf32>
      %parallel_loop3A_496 = arith.index_cast %parallel_loop3A_453 : i32 to index
      %parallel_loop3A_497 = arith.constant 16 : index
      %parallel_loop3A_498 = tpu.vector_load %arg21[%parallel_loop3A_496, %parallel_loop3A_497] {strides = array<i32>} : memref<80x128xf32, #tpu.memory_space<vmem>>, vector<1x16xf32>,
      %parallel_loop3A_499 = vector.shape_cast %parallel_loop3A_498 : vector<1x16xf32> to vector<16xf32>
      %parallel_loop3A_500 = vector.shape_cast %parallel_loop3A_495 : vector<16xf32> to vector<1x16xf32>
      tpu.vector_store %arg21[%parallel_loop3A_496, %parallel_loop3A_497], %parallel_loop3A_500 {strides = array<i32>} : memref<80x128xf32, #tpu.memory_space<vmem>>, vector<1x16xf32>,
      %parallel_loop3A_501 = arith.constant 1 : i32
      %parallel_loop3A_502 = vector.broadcast %parallel_loop3A_501 : i32 to vector<16x1xi32>
      %parallel_loop3A_503 = vector.shape_cast %parallel_loop3A_502 : vector<16x1xi32> to vector<16xi32>
      %parallel_loop3A_504 = tpu.dynamic_gather %parallel_loop3A_467[%parallel_loop3A_503] in [0] : vector<16xf32>, vector<16xi32> -> vector<16xf32>
      %parallel_loop3A_505 = arith.index_cast %parallel_loop3A_453 : i32 to index
      %parallel_loop3A_506 = arith.constant 32 : index
      %parallel_loop3A_507 = tpu.vector_load %arg21[%parallel_loop3A_505, %parallel_loop3A_506] {strides = array<i32>} : memref<80x128xf32, #tpu.memory_space<vmem>>, vector<1x16xf32>,
      %parallel_loop3A_508 = vector.shape_cast %parallel_loop3A_507 : vector<1x16xf32> to vector<16xf32>
      %parallel_loop3A_509 = arith.mulf %parallel_loop3A_508, %parallel_loop3A_504 : vector<16xf32>
      %parallel_loop3A_510 = arith.index_cast %parallel_loop3A_453 : i32 to index
      %parallel_loop3A_511 = arith.constant 32 : index
      %parallel_loop3A_512 = tpu.vector_load %arg21[%parallel_loop3A_510, %parallel_loop3A_511] {strides = array<i32>} : memref<80x128xf32, #tpu.memory_space<vmem>>, vector<1x16xf32>,
      %parallel_loop3A_513 = vector.shape_cast %parallel_loop3A_512 : vector<1x16xf32> to vector<16xf32>
      %parallel_loop3A_514 = vector.shape_cast %parallel_loop3A_509 : vector<16xf32> to vector<1x16xf32>
      tpu.vector_store %arg21[%parallel_loop3A_510, %parallel_loop3A_511], %parallel_loop3A_514 {strides = array<i32>} : memref<80x128xf32, #tpu.memory_space<vmem>>, vector<1x16xf32>,
      %parallel_loop3A_515 = arith.constant 1 : i32
      %parallel_loop3A_516 = vector.broadcast %parallel_loop3A_515 : i32 to vector<16x1xi32>
      %parallel_loop3A_517 = vector.shape_cast %parallel_loop3A_516 : vector<16x1xi32> to vector<16xi32>
      %parallel_loop3A_518 = tpu.dynamic_gather %parallel_loop3A_467[%parallel_loop3A_517] in [0] : vector<16xf32>, vector<16xi32> -> vector<16xf32>
      %parallel_loop3A_519 = arith.index_cast %parallel_loop3A_453 : i32 to index
      %parallel_loop3A_520 = arith.constant 48 : index
      %parallel_loop3A_521 = tpu.vector_load %arg21[%parallel_loop3A_519, %parallel_loop3A_520] {strides = array<i32>} : memref<80x128xf32, #tpu.memory_space<vmem>>, vector<1x16xf32>,
      %parallel_loop3A_522 = vector.shape_cast %parallel_loop3A_521 : vector<1x16xf32> to vector<16xf32>
      %parallel_loop3A_523 = arith.mulf %parallel_loop3A_522, %parallel_loop3A_518 : vector<16xf32>
      %parallel_loop3A_524 = arith.index_cast %parallel_loop3A_453 : i32 to index
      %parallel_loop3A_525 = arith.constant 48 : index
      %parallel_loop3A_526 = tpu.vector_load %arg21[%parallel_loop3A_524, %parallel_loop3A_525] {strides = array<i32>} : memref<80x128xf32, #tpu.memory_space<vmem>>, vector<1x16xf32>,
      %parallel_loop3A_527 = vector.shape_cast %parallel_loop3A_526 : vector<1x16xf32> to vector<16xf32>
      %parallel_loop3A_528 = vector.shape_cast %parallel_loop3A_523 : vector<16xf32> to vector<1x16xf32>
      tpu.vector_store %arg21[%parallel_loop3A_524, %parallel_loop3A_525], %parallel_loop3A_528 {strides = array<i32>} : memref<80x128xf32, #tpu.memory_space<vmem>>, vector<1x16xf32>,
      %parallel_loop3A_529 = arith.constant 2 : i32
      %parallel_loop3A_530 = vector.broadcast %parallel_loop3A_529 : i32 to vector<16x1xi32>
      %parallel_loop3A_531 = vector.shape_cast %parallel_loop3A_530 : vector<16x1xi32> to vector<16xi32>
      %parallel_loop3A_532 = tpu.dynamic_gather %parallel_loop3A_467[%parallel_loop3A_531] in [0] : vector<16xf32>, vector<16xi32> -> vector<16xf32>
      %parallel_loop3A_533 = arith.index_cast %parallel_loop3A_453 : i32 to index
      %parallel_loop3A_534 = arith.constant 64 : index
      %parallel_loop3A_535 = tpu.vector_load %arg21[%parallel_loop3A_533, %parallel_loop3A_534] {strides = array<i32>} : memref<80x128xf32, #tpu.memory_space<vmem>>, vector<1x16xf32>,
      %parallel_loop3A_536 = vector.shape_cast %parallel_loop3A_535 : vector<1x16xf32> to vector<16xf32>
      %parallel_loop3A_537 = arith.mulf %parallel_loop3A_536, %parallel_loop3A_532 : vector<16xf32>
      %parallel_loop3A_538 = arith.index_cast %parallel_loop3A_453 : i32 to index
      %parallel_loop3A_539 = arith.constant 64 : index
      %parallel_loop3A_540 = tpu.vector_load %arg21[%parallel_loop3A_538, %parallel_loop3A_539] {strides = array<i32>} : memref<80x128xf32, #tpu.memory_space<vmem>>, vector<1x16xf32>,
      %parallel_loop3A_541 = vector.shape_cast %parallel_loop3A_540 : vector<1x16xf32> to vector<16xf32>
      %parallel_loop3A_542 = vector.shape_cast %parallel_loop3A_537 : vector<16xf32> to vector<1x16xf32>
      tpu.vector_store %arg21[%parallel_loop3A_538, %parallel_loop3A_539], %parallel_loop3A_542 {strides = array<i32>} : memref<80x128xf32, #tpu.memory_space<vmem>>, vector<1x16xf32>,
      %parallel_loop3A_543 = arith.constant 2 : i32
      %parallel_loop3A_544 = vector.broadcast %parallel_loop3A_543 : i32 to vector<16x1xi32>
      %parallel_loop3A_545 = vector.shape_cast %parallel_loop3A_544 : vector<16x1xi32> to vector<16xi32>
      %parallel_loop3A_546 = tpu.dynamic_gather %parallel_loop3A_467[%parallel_loop3A_545] in [0] : vector<16xf32>, vector<16xi32> -> vector<16xf32>
      %parallel_loop3A_547 = arith.index_cast %parallel_loop3A_453 : i32 to index
      %parallel_loop3A_548 = arith.constant 80 : index
      %parallel_loop3A_549 = tpu.vector_load %arg21[%parallel_loop3A_547, %parallel_loop3A_548] {strides = array<i32>} : memref<80x128xf32, #tpu.memory_space<vmem>>, vector<1x16xf32>,
      %parallel_loop3A_550 = vector.shape_cast %parallel_loop3A_549 : vector<1x16xf32> to vector<16xf32>
      %parallel_loop3A_551 = arith.mulf %parallel_loop3A_550, %parallel_loop3A_546 : vector<16xf32>
      %parallel_loop3A_552 = arith.index_cast %parallel_loop3A_453 : i32 to index
      %parallel_loop3A_553 = arith.constant 80 : index
      %parallel_loop3A_554 = tpu.vector_load %arg21[%parallel_loop3A_552, %parallel_loop3A_553] {strides = array<i32>} : memref<80x128xf32, #tpu.memory_space<vmem>>, vector<1x16xf32>,
      %parallel_loop3A_555 = vector.shape_cast %parallel_loop3A_554 : vector<1x16xf32> to vector<16xf32>
      %parallel_loop3A_556 = vector.shape_cast %parallel_loop3A_551 : vector<16xf32> to vector<1x16xf32>
      tpu.vector_store %arg21[%parallel_loop3A_552, %parallel_loop3A_553], %parallel_loop3A_556 {strides = array<i32>} : memref<80x128xf32, #tpu.memory_space<vmem>>, vector<1x16xf32>,
      %parallel_loop3A_557 = arith.constant 3 : i32
      %parallel_loop3A_558 = vector.broadcast %parallel_loop3A_557 : i32 to vector<16x1xi32>
      %parallel_loop3A_559 = vector.shape_cast %parallel_loop3A_558 : vector<16x1xi32> to vector<16xi32>
      %parallel_loop3A_560 = tpu.dynamic_gather %parallel_loop3A_467[%parallel_loop3A_559] in [0] : vector<16xf32>, vector<16xi32> -> vector<16xf32>
      %parallel_loop3A_561 = arith.index_cast %parallel_loop3A_453 : i32 to index
      %parallel_loop3A_562 = arith.constant 96 : index
      %parallel_loop3A_563 = tpu.vector_load %arg21[%parallel_loop3A_561, %parallel_loop3A_562] {strides = array<i32>} : memref<80x128xf32, #tpu.memory_space<vmem>>, vector<1x16xf32>,
      %parallel_loop3A_564 = vector.shape_cast %parallel_loop3A_563 : vector<1x16xf32> to vector<16xf32>
      %parallel_loop3A_565 = arith.mulf %parallel_loop3A_564, %parallel_loop3A_560 : vector<16xf32>
      %parallel_loop3A_566 = arith.index_cast %parallel_loop3A_453 : i32 to index
      %parallel_loop3A_567 = arith.constant 96 : index
      %parallel_loop3A_568 = tpu.vector_load %arg21[%parallel_loop3A_566, %parallel_loop3A_567] {strides = array<i32>} : memref<80x128xf32, #tpu.memory_space<vmem>>, vector<1x16xf32>,
      %parallel_loop3A_569 = vector.shape_cast %parallel_loop3A_568 : vector<1x16xf32> to vector<16xf32>
      %parallel_loop3A_570 = vector.shape_cast %parallel_loop3A_565 : vector<16xf32> to vector<1x16xf32>
      tpu.vector_store %arg21[%parallel_loop3A_566, %parallel_loop3A_567], %parallel_loop3A_570 {strides = array<i32>} : memref<80x128xf32, #tpu.memory_space<vmem>>, vector<1x16xf32>,
      %parallel_loop3A_571 = arith.constant 3 : i32
      %parallel_loop3A_572 = vector.broadcast %parallel_loop3A_571 : i32 to vector<16x1xi32>
      %parallel_loop3A_573 = vector.shape_cast %parallel_loop3A_572 : vector<16x1xi32> to vector<16xi32>
      %parallel_loop3A_574 = tpu.dynamic_gather %parallel_loop3A_467[%parallel_loop3A_573] in [0] : vector<16xf32>, vector<16xi32> -> vector<16xf32>
      %parallel_loop3A_575 = arith.index_cast %parallel_loop3A_453 : i32 to index
      %parallel_loop3A_576 = arith.constant 112 : index
      %parallel_loop3A_577 = tpu.vector_load %arg21[%parallel_loop3A_575, %parallel_loop3A_576] {strides = array<i32>} : memref<80x128xf32, #tpu.memory_space<vmem>>, vector<1x16xf32>,
      %parallel_loop3A_578 = vector.shape_cast %parallel_loop3A_577 : vector<1x16xf32> to vector<16xf32>
      %parallel_loop3A_579 = arith.mulf %parallel_loop3A_578, %parallel_loop3A_574 : vector<16xf32>
      %parallel_loop3A_580 = arith.index_cast %parallel_loop3A_453 : i32 to index
      %parallel_loop3A_581 = arith.constant 112 : index
      %parallel_loop3A_582 = tpu.vector_load %arg21[%parallel_loop3A_580, %parallel_loop3A_581] {strides = array<i32>} : memref<80x128xf32, #tpu.memory_space<vmem>>, vector<1x16xf32>,
      %parallel_loop3A_583 = vector.shape_cast %parallel_loop3A_582 : vector<1x16xf32> to vector<16xf32>
      %parallel_loop3A_584 = vector.shape_cast %parallel_loop3A_579 : vector<16xf32> to vector<1x16xf32>
      tpu.vector_store %arg21[%parallel_loop3A_580, %parallel_loop3A_581], %parallel_loop3A_584 {strides = array<i32>} : memref<80x128xf32, #tpu.memory_space<vmem>>, vector<1x16xf32>,
    } {sc.loop_unroll_factor = 2 : i64, sc.parallel_access}
    "tpu.region"() ({
      %run_scoped3A = tpu.sem_alloc : memref<!tpu.dma_semaphore, #tpu.memory_space<semaphore_mem>>
      %dma_start3A_453 = arith.constant 0 : i32
      %dma_start3A_454 = arith.constant 0 : i32
      %dma_start3A_455 = tpu.memref_slice %arg24[%dma_start3A_453, %dma_start3A_454] : memref<10240x16xf32, #tpu.memory_space<vmem_shared>> -> memref<10240x16xf32, #tpu.memory_space<vmem_shared>>
      tpu.enqueue_indirect_dma source(%arg22 : memref<80x16xf32, #tpu.memory_space<vmem>>) target(%dma_start3A_455 : memref<10240x16xf32, #tpu.memory_space<vmem_shared>>) offsets(%arg15 : memref<80xi32, #tpu.memory_space<vmem>>) semaphore(%run_scoped3A : memref<!tpu.dma_semaphore, #tpu.memory_space<semaphore_mem>>) {add = true}
      %dma_wait3A_456 = arith.constant 0 : i32
      %dma_wait3A_457 = arith.constant 0 : i32
      %dma_wait3A_458 = tpu.memref_slice %arg24[%dma_wait3A_456, %dma_wait3A_457] : memref<10240x16xf32, #tpu.memory_space<vmem_shared>> -> memref<10240x16xf32, #tpu.memory_space<vmem_shared>>
      tpu.wait_indirect_dma semaphore(%run_scoped3A : memref<!tpu.dma_semaphore, #tpu.memory_space<semaphore_mem>>) src(%arg22 : memref<80x16xf32, #tpu.memory_space<vmem>>) dst(%dma_wait3A_458 : memref<10240x16xf32, #tpu.memory_space<vmem_shared>>)
      tpu.yield
    }) : () -> ()
    %dma_start3A_398 = arith.constant 0 : i32
    %dma_start3A_399 = arith.constant 0 : i32
    %dma_start3A_400 = tpu.memref_slice %arg23[%dma_start3A_398, %dma_start3A_399] : memref<10240x128xf32, #tpu.memory_space<vmem_shared>> -> memref<10240x128xf32, #tpu.memory_space<vmem_shared>>
    tpu.enqueue_indirect_dma source(%arg21 : memref<80x128xf32, #tpu.memory_space<vmem>>) target(%dma_start3A_400 : memref<10240x128xf32, #tpu.memory_space<vmem_shared>>) offsets(%arg15 : memref<80xi32, #tpu.memory_space<vmem>>) semaphore(%arg32 : memref<!tpu.dma_semaphore, #tpu.memory_space<semaphore_mem>>) {add = true}
    %mul3A_401 = arith.constant 10000 : i32
    %mul3A_402 = arith.muli %add3A, %mul3A_401 : i32
    %add3A_403 = arith.constant 400 : i32
    %add3A_404 = arith.addi %mul3A_402, %add3A_403 : i32
    %dma_start3A_405 = arith.constant 0 : i32
    %dma_start3A_406 = arith.constant 0 : i32
    %dma_start3A_407 = tpu.memref_slice %arg2[%dma_start3A_405, %dma_start3A_406] : memref<2x320000xi32, #tpu.memory_space<hbm>> -> memref<1x320000xi32, #tpu.memory_space<hbm>>
    %dma_start3A_408 = tpu.memref_squeeze %dma_start3A_407 : memref<1x320000xi32, #tpu.memory_space<hbm>> -> memref<320000xi32, #tpu.memory_space<hbm>>
    %dma_start3A_409 = tpu.memref_slice %dma_start3A_408[%add3A_404] : memref<320000xi32, #tpu.memory_space<hbm>> -> memref<80xi32, #tpu.memory_space<hbm>>
    %dma_start3A_410 = arith.constant 0 : i32
    %dma_start3A_411 = tpu.memref_slice %arg2[%dma_start3A_405, %dma_start3A_410] : memref<2x320000xi32, #tpu.memory_space<hbm>> -> memref<1x320000xi32, #tpu.memory_space<hbm>>
    %dma_start3A_412 = tpu.memref_squeeze %dma_start3A_411 : memref<1x320000xi32, #tpu.memory_space<hbm>> -> memref<320000xi32, #tpu.memory_space<hbm>>
    %dma_start3A_413 = tpu.memref_slice %dma_start3A_412[%add3A_404] : memref<320000xi32, #tpu.memory_space<hbm>> -> memref<80xi32, #tpu.memory_space<hbm>>
    tpu.enqueue_dma source(%dma_start3A_413 : memref<80xi32, #tpu.memory_space<hbm>>) target(%arg9 : memref<80xi32, #tpu.memory_space<vmem>>) target_semaphore(%arg26 : memref<!tpu.dma_semaphore, #tpu.memory_space<semaphore_mem>>)
    %dma_start3A_414 = arith.constant 1 : i32
    %dma_start3A_415 = arith.constant 0 : i32
    %dma_start3A_416 = tpu.memref_slice %arg2[%dma_start3A_414, %dma_start3A_415] : memref<2x320000xi32, #tpu.memory_space<hbm>> -> memref<1x320000xi32, #tpu.memory_space<hbm>>
    %dma_start3A_417 = tpu.memref_squeeze %dma_start3A_416 : memref<1x320000xi32, #tpu.memory_space<hbm>> -> memref<320000xi32, #tpu.memory_space<hbm>>
    %dma_start3A_418 = tpu.memref_slice %dma_start3A_417[%add3A_404] : memref<320000xi32, #tpu.memory_space<hbm>> -> memref<80xi32, #tpu.memory_space<hbm>>
    %dma_start3A_419 = arith.constant 0 : i32
    %dma_start3A_420 = tpu.memref_slice %arg2[%dma_start3A_414, %dma_start3A_419] : memref<2x320000xi32, #tpu.memory_space<hbm>> -> memref<1x320000xi32, #tpu.memory_space<hbm>>
    %dma_start3A_421 = tpu.memref_squeeze %dma_start3A_420 : memref<1x320000xi32, #tpu.memory_space<hbm>> -> memref<320000xi32, #tpu.memory_space<hbm>>
    %dma_start3A_422 = tpu.memref_slice %dma_start3A_421[%add3A_404] : memref<320000xi32, #tpu.memory_space<hbm>> -> memref<80xi32, #tpu.memory_space<hbm>>
    tpu.enqueue_dma source(%dma_start3A_422 : memref<80xi32, #tpu.memory_space<hbm>>) target(%arg13 : memref<80xi32, #tpu.memory_space<vmem>>) target_semaphore(%arg26 : memref<!tpu.dma_semaphore, #tpu.memory_space<semaphore_mem>>)
    %scan3A_423 = arith.constant 0 : i32
    %scan3A_424 = arith.constant 1 : i32
    %scan3A_425 = arith.constant 30 : i32
    %scan3A_426 = arith.addi %scan3A_424, %scan3A_425 : i32
    %scan3A_427 = arith.constant 1 : i32
    scf.for %scan3A_453 = %scan3A_424 to %scan3A_426 step %scan3A_427  : i32 {
      %mul3A_454 = arith.constant 4 : i32
      %mul3A_455 = arith.muli %mul3A_454, %scan3A_453 : i32
      %add3A_456 = arith.constant 0 : i32
      %add3A_457 = arith.addi %mul3A_455, %add3A_456 : i32
      %dma_wait3A_458 = arith.constant 0 : i32
      %dma_wait3A_459 = arith.constant 0 : i32
      %dma_wait3A_460 = tpu.memref_slice %arg3[%dma_wait3A_458, %dma_wait3A_459] : memref<10000x128xf32, #tpu.memory_space<hbm>> -> memref<10000x128xf32, #tpu.memory_space<hbm>>
      tpu.wait_indirect_dma semaphore(%arg29 : memref<!tpu.dma_semaphore, #tpu.memory_space<semaphore_mem>>) src(%dma_wait3A_460 : memref<10000x128xf32, #tpu.memory_space<hbm>>) dst(%arg20 : memref<80x128xf32, #tpu.memory_space<vmem>>)
      %dma_wait3A_461 = arith.constant 0 : i32
      %dma_wait3A_462 = arith.constant 0 : i32
      %dma_wait3A_463 = tpu.memref_slice %arg4[%dma_wait3A_461, %dma_wait3A_462] : memref<10000x16xf32, #tpu.memory_space<hbm>> -> memref<10000x16xf32, #tpu.memory_space<hbm>>
      tpu.wait_indirect_dma semaphore(%arg29 : memref<!tpu.dma_semaphore, #tpu.memory_space<semaphore_mem>>) src(%dma_wait3A_463 : memref<10000x16xf32, #tpu.memory_space<hbm>>) dst(%arg16 : memref<80x16xf32, #tpu.memory_space<vmem>>)
      %dma_wait3A_464 = arith.constant 0 : i32
      %dma_wait3A_465 = arith.constant 0 : i32
      %dma_wait3A_466 = tpu.memref_slice %arg5[%dma_wait3A_464, %dma_wait3A_465] : memref<10000x16xf32, #tpu.memory_space<hbm>> -> memref<10000x16xf32, #tpu.memory_space<hbm>>
      tpu.wait_indirect_dma semaphore(%arg29 : memref<!tpu.dma_semaphore, #tpu.memory_space<semaphore_mem>>) src(%dma_wait3A_466 : memref<10000x16xf32, #tpu.memory_space<hbm>>) dst(%arg18 : memref<80x16xf32, #tpu.memory_space<vmem>>)
      %dma_wait3A_467 = arith.constant 0 : i32
      %dma_wait3A_468 = arith.constant 0 : i32
      %dma_wait3A_469 = tpu.memref_slice %arg23[%dma_wait3A_467, %dma_wait3A_468] : memref<10240x128xf32, #tpu.memory_space<vmem_shared>> -> memref<10240x128xf32, #tpu.memory_space<vmem_shared>>
      tpu.wait_indirect_dma semaphore(%arg32 : memref<!tpu.dma_semaphore, #tpu.memory_space<semaphore_mem>>) src(%arg21 : memref<80x128xf32, #tpu.memory_space<vmem>>) dst(%dma_wait3A_469 : memref<10240x128xf32, #tpu.memory_space<vmem_shared>>)
      %dma_wait3A_470 = arith.constant 0 : i32
      %dma_wait3A_471 = arith.constant 0 : i32
      %dma_wait3A_472 = tpu.memref_slice %arg2[%dma_wait3A_470, %dma_wait3A_471] : memref<2x320000xi32, #tpu.memory_space<hbm>> -> memref<1x320000xi32, #tpu.memory_space<hbm>>
      %dma_wait3A_473 = tpu.memref_squeeze %dma_wait3A_472 : memref<1x320000xi32, #tpu.memory_space<hbm>> -> memref<320000xi32, #tpu.memory_space<hbm>>
      %dma_wait3A_474 = arith.constant 0 : i32
      %dma_wait3A_475 = tpu.memref_slice %dma_wait3A_473[%dma_wait3A_474] : memref<320000xi32, #tpu.memory_space<hbm>> -> memref<80xi32, #tpu.memory_space<hbm>>
      %dma_wait3A_476 = arith.constant 0 : i32
      %dma_wait3A_477 = tpu.memref_slice %arg2[%dma_wait3A_470, %dma_wait3A_476] : memref<2x320000xi32, #tpu.memory_space<hbm>> -> memref<1x320000xi32, #tpu.memory_space<hbm>>
      %dma_wait3A_478 = tpu.memref_squeeze %dma_wait3A_477 : memref<1x320000xi32, #tpu.memory_space<hbm>> -> memref<320000xi32, #tpu.memory_space<hbm>>
      %dma_wait3A_479 = arith.constant 0 : i32
      %dma_wait3A_480 = tpu.memref_slice %dma_wait3A_478[%dma_wait3A_479] : memref<320000xi32, #tpu.memory_space<hbm>> -> memref<80xi32, #tpu.memory_space<hbm>>
      tpu.wait_dma2 semaphore(%arg26 : memref<!tpu.dma_semaphore, #tpu.memory_space<semaphore_mem>>) src(%dma_wait3A_480 : memref<80xi32, #tpu.memory_space<hbm>>) dst(%arg9 : memref<80xi32, #tpu.memory_space<vmem>>)
      %dma_wait3A_481 = arith.constant 1 : i32
      %dma_wait3A_482 = arith.constant 0 : i32
      %dma_wait3A_483 = tpu.memref_slice %arg2[%dma_wait3A_481, %dma_wait3A_482] : memref<2x320000xi32, #tpu.memory_space<hbm>> -> memref<1x320000xi32, #tpu.memory_space<hbm>>
      %dma_wait3A_484 = tpu.memref_squeeze %dma_wait3A_483 : memref<1x320000xi32, #tpu.memory_space<hbm>> -> memref<320000xi32, #tpu.memory_space<hbm>>
      %dma_wait3A_485 = arith.constant 0 : i32
      %dma_wait3A_486 = tpu.memref_slice %dma_wait3A_484[%dma_wait3A_485] : memref<320000xi32, #tpu.memory_space<hbm>> -> memref<80xi32, #tpu.memory_space<hbm>>
      %dma_wait3A_487 = arith.constant 0 : i32
      %dma_wait3A_488 = tpu.memref_slice %arg2[%dma_wait3A_481, %dma_wait3A_487] : memref<2x320000xi32, #tpu.memory_space<hbm>> -> memref<1x320000xi32, #tpu.memory_space<hbm>>
      %dma_wait3A_489 = tpu.memref_squeeze %dma_wait3A_488 : memref<1x320000xi32, #tpu.memory_space<hbm>> -> memref<320000xi32, #tpu.memory_space<hbm>>
      %dma_wait3A_490 = arith.constant 0 : i32
      %dma_wait3A_491 = tpu.memref_slice %dma_wait3A_489[%dma_wait3A_490] : memref<320000xi32, #tpu.memory_space<hbm>> -> memref<80xi32, #tpu.memory_space<hbm>>
      tpu.wait_dma2 semaphore(%arg26 : memref<!tpu.dma_semaphore, #tpu.memory_space<semaphore_mem>>) src(%dma_wait3A_491 : memref<80xi32, #tpu.memory_space<hbm>>) dst(%arg13 : memref<80xi32, #tpu.memory_space<vmem>>)
      %dma_start3A_492 = arith.constant 0 : i32
      %dma_start3A_493 = arith.constant 0 : i32
      %dma_start3A_494 = tpu.memref_slice %arg3[%dma_start3A_492, %dma_start3A_493] : memref<10000x128xf32, #tpu.memory_space<hbm>> -> memref<10000x128xf32, #tpu.memory_space<hbm>>
      tpu.enqueue_indirect_dma source(%dma_start3A_494 : memref<10000x128xf32, #tpu.memory_space<hbm>>) target(%arg21 : memref<80x128xf32, #tpu.memory_space<vmem>>) offsets(%arg9 : memref<80xi32, #tpu.memory_space<vmem>>) semaphore(%arg30 : memref<!tpu.dma_semaphore, #tpu.memory_space<semaphore_mem>>)
      %dma_start3A_495 = arith.constant 0 : i32
      %dma_start3A_496 = arith.constant 0 : i32
      %dma_start3A_497 = tpu.memref_slice %arg4[%dma_start3A_495, %dma_start3A_496] : memref<10000x16xf32, #tpu.memory_space<hbm>> -> memref<10000x16xf32, #tpu.memory_space<hbm>>
      tpu.enqueue_indirect_dma source(%dma_start3A_497 : memref<10000x16xf32, #tpu.memory_space<hbm>>) target(%arg17 : memref<80x16xf32, #tpu.memory_space<vmem>>) offsets(%arg9 : memref<80xi32, #tpu.memory_space<vmem>>) semaphore(%arg30 : memref<!tpu.dma_semaphore, #tpu.memory_space<semaphore_mem>>)
      %dma_start3A_498 = arith.constant 0 : i32
      %dma_start3A_499 = arith.constant 0 : i32
      %dma_start3A_500 = tpu.memref_slice %arg5[%dma_start3A_498, %dma_start3A_499] : memref<10000x16xf32, #tpu.memory_space<hbm>> -> memref<10000x16xf32, #tpu.memory_space<hbm>>
      tpu.enqueue_indirect_dma source(%dma_start3A_500 : memref<10000x16xf32, #tpu.memory_space<hbm>>) target(%arg19 : memref<80x16xf32, #tpu.memory_space<vmem>>) offsets(%arg13 : memref<80xi32, #tpu.memory_space<vmem>>) semaphore(%arg30 : memref<!tpu.dma_semaphore, #tpu.memory_space<semaphore_mem>>)
      %parallel_loop3A_501 = arith.constant 0 : i32
      %parallel_loop3A_502 = arith.constant 80 : i32
      %parallel_loop3A_503 = arith.constant 1 : i32
      scf.for %parallel_loop3A_760 = %parallel_loop3A_501 to %parallel_loop3A_502 step %parallel_loop3A_503  : i32 {
        %parallel_loop3A_761 = arith.index_cast %parallel_loop3A_760 : i32 to index
        %parallel_loop3A_762 = arith.constant 0 : index
        %parallel_loop3A_763 = tpu.vector_load %arg16[%parallel_loop3A_761, %parallel_loop3A_762] {strides = array<i32>} : memref<80x16xf32, #tpu.memory_space<vmem>>, vector<1x16xf32>,
        %parallel_loop3A_764 = vector.shape_cast %parallel_loop3A_763 : vector<1x16xf32> to vector<16xf32>
        %parallel_loop3A_765 = arith.index_cast %parallel_loop3A_760 : i32 to index
        %parallel_loop3A_766 = arith.constant 0 : index
        %parallel_loop3A_767 = tpu.vector_load %arg18[%parallel_loop3A_765, %parallel_loop3A_766] {strides = array<i32>} : memref<80x16xf32, #tpu.memory_space<vmem>>, vector<1x16xf32>,
        %parallel_loop3A_768 = vector.shape_cast %parallel_loop3A_767 : vector<1x16xf32> to vector<16xf32>
        %parallel_loop3A_769 = arith.addf %parallel_loop3A_764, %parallel_loop3A_768 : vector<16xf32>
        %parallel_loop3A_770 = arith.constant 2.000000e-01 : f32
        %parallel_loop3A_771 = vector.broadcast %parallel_loop3A_770 : f32 to vector<16xf32>
        %parallel_loop3A_772 = arith.mulf %parallel_loop3A_771, %parallel_loop3A_769 : vector<16xf32>
        %parallel_loop3A_773 = arith.maximumf %parallel_loop3A_769, %parallel_loop3A_772 : vector<16xf32>
        %parallel_loop3A_774 = math.exp %parallel_loop3A_773 : vector<16xf32>
        %parallel_loop3A_775 = arith.index_cast %parallel_loop3A_760 : i32 to index
        %parallel_loop3A_776 = arith.constant 0 : index
        %parallel_loop3A_777 = tpu.vector_load %arg22[%parallel_loop3A_775, %parallel_loop3A_776] {strides = array<i32>} : memref<80x16xf32, #tpu.memory_space<vmem>>, vector<1x16xf32>,
        %parallel_loop3A_778 = vector.shape_cast %parallel_loop3A_777 : vector<1x16xf32> to vector<16xf32>
        %parallel_loop3A_779 = vector.shape_cast %parallel_loop3A_774 : vector<16xf32> to vector<1x16xf32>
        tpu.vector_store %arg22[%parallel_loop3A_775, %parallel_loop3A_776], %parallel_loop3A_779 {strides = array<i32>} : memref<80x16xf32, #tpu.memory_space<vmem>>, vector<1x16xf32>,
        %parallel_loop3A_780 = arith.constant 0 : i32
        %parallel_loop3A_781 = vector.broadcast %parallel_loop3A_780 : i32 to vector<16x1xi32>
        %parallel_loop3A_782 = vector.shape_cast %parallel_loop3A_781 : vector<16x1xi32> to vector<16xi32>
        %parallel_loop3A_783 = tpu.dynamic_gather %parallel_loop3A_774[%parallel_loop3A_782] in [0] : vector<16xf32>, vector<16xi32> -> vector<16xf32>
        %parallel_loop3A_784 = arith.index_cast %parallel_loop3A_760 : i32 to index
        %parallel_loop3A_785 = arith.constant 0 : index
        %parallel_loop3A_786 = tpu.vector_load %arg20[%parallel_loop3A_784, %parallel_loop3A_785] {strides = array<i32>} : memref<80x128xf32, #tpu.memory_space<vmem>>, vector<1x16xf32>,
        %parallel_loop3A_787 = vector.shape_cast %parallel_loop3A_786 : vector<1x16xf32> to vector<16xf32>
        %parallel_loop3A_788 = arith.mulf %parallel_loop3A_787, %parallel_loop3A_783 : vector<16xf32>
        %parallel_loop3A_789 = arith.index_cast %parallel_loop3A_760 : i32 to index
        %parallel_loop3A_790 = arith.constant 0 : index
        %parallel_loop3A_791 = tpu.vector_load %arg20[%parallel_loop3A_789, %parallel_loop3A_790] {strides = array<i32>} : memref<80x128xf32, #tpu.memory_space<vmem>>, vector<1x16xf32>,
        %parallel_loop3A_792 = vector.shape_cast %parallel_loop3A_791 : vector<1x16xf32> to vector<16xf32>
        %parallel_loop3A_793 = vector.shape_cast %parallel_loop3A_788 : vector<16xf32> to vector<1x16xf32>
        tpu.vector_store %arg20[%parallel_loop3A_789, %parallel_loop3A_790], %parallel_loop3A_793 {strides = array<i32>} : memref<80x128xf32, #tpu.memory_space<vmem>>, vector<1x16xf32>,
        %parallel_loop3A_794 = arith.constant 0 : i32
        %parallel_loop3A_795 = vector.broadcast %parallel_loop3A_794 : i32 to vector<16x1xi32>
        %parallel_loop3A_796 = vector.shape_cast %parallel_loop3A_795 : vector<16x1xi32> to vector<16xi32>
        %parallel_loop3A_797 = tpu.dynamic_gather %parallel_loop3A_774[%parallel_loop3A_796] in [0] : vector<16xf32>, vector<16xi32> -> vector<16xf32>
        %parallel_loop3A_798 = arith.index_cast %parallel_loop3A_760 : i32 to index
        %parallel_loop3A_799 = arith.constant 16 : index
        %parallel_loop3A_800 = tpu.vector_load %arg20[%parallel_loop3A_798, %parallel_loop3A_799] {strides = array<i32>} : memref<80x128xf32, #tpu.memory_space<vmem>>, vector<1x16xf32>,
        %parallel_loop3A_801 = vector.shape_cast %parallel_loop3A_800 : vector<1x16xf32> to vector<16xf32>
        %parallel_loop3A_802 = arith.mulf %parallel_loop3A_801, %parallel_loop3A_797 : vector<16xf32>
        %parallel_loop3A_803 = arith.index_cast %parallel_loop3A_760 : i32 to index
        %parallel_loop3A_804 = arith.constant 16 : index
        %parallel_loop3A_805 = tpu.vector_load %arg20[%parallel_loop3A_803, %parallel_loop3A_804] {strides = array<i32>} : memref<80x128xf32, #tpu.memory_space<vmem>>, vector<1x16xf32>,
        %parallel_loop3A_806 = vector.shape_cast %parallel_loop3A_805 : vector<1x16xf32> to vector<16xf32>
        %parallel_loop3A_807 = vector.shape_cast %parallel_loop3A_802 : vector<16xf32> to vector<1x16xf32>
        tpu.vector_store %arg20[%parallel_loop3A_803, %parallel_loop3A_804], %parallel_loop3A_807 {strides = array<i32>} : memref<80x128xf32, #tpu.memory_space<vmem>>, vector<1x16xf32>,
        %parallel_loop3A_808 = arith.constant 1 : i32
        %parallel_loop3A_809 = vector.broadcast %parallel_loop3A_808 : i32 to vector<16x1xi32>
        %parallel_loop3A_810 = vector.shape_cast %parallel_loop3A_809 : vector<16x1xi32> to vector<16xi32>
        %parallel_loop3A_811 = tpu.dynamic_gather %parallel_loop3A_774[%parallel_loop3A_810] in [0] : vector<16xf32>, vector<16xi32> -> vector<16xf32>
        %parallel_loop3A_812 = arith.index_cast %parallel_loop3A_760 : i32 to index
        %parallel_loop3A_813 = arith.constant 32 : index
        %parallel_loop3A_814 = tpu.vector_load %arg20[%parallel_loop3A_812, %parallel_loop3A_813] {strides = array<i32>} : memref<80x128xf32, #tpu.memory_space<vmem>>, vector<1x16xf32>,
        %parallel_loop3A_815 = vector.shape_cast %parallel_loop3A_814 : vector<1x16xf32> to vector<16xf32>
        %parallel_loop3A_816 = arith.mulf %parallel_loop3A_815, %parallel_loop3A_811 : vector<16xf32>
        %parallel_loop3A_817 = arith.index_cast %parallel_loop3A_760 : i32 to index
        %parallel_loop3A_818 = arith.constant 32 : index
        %parallel_loop3A_819 = tpu.vector_load %arg20[%parallel_loop3A_817, %parallel_loop3A_818] {strides = array<i32>} : memref<80x128xf32, #tpu.memory_space<vmem>>, vector<1x16xf32>,
        %parallel_loop3A_820 = vector.shape_cast %parallel_loop3A_819 : vector<1x16xf32> to vector<16xf32>
        %parallel_loop3A_821 = vector.shape_cast %parallel_loop3A_816 : vector<16xf32> to vector<1x16xf32>
        tpu.vector_store %arg20[%parallel_loop3A_817, %parallel_loop3A_818], %parallel_loop3A_821 {strides = array<i32>} : memref<80x128xf32, #tpu.memory_space<vmem>>, vector<1x16xf32>,
        %parallel_loop3A_822 = arith.constant 1 : i32
        %parallel_loop3A_823 = vector.broadcast %parallel_loop3A_822 : i32 to vector<16x1xi32>
        %parallel_loop3A_824 = vector.shape_cast %parallel_loop3A_823 : vector<16x1xi32> to vector<16xi32>
        %parallel_loop3A_825 = tpu.dynamic_gather %parallel_loop3A_774[%parallel_loop3A_824] in [0] : vector<16xf32>, vector<16xi32> -> vector<16xf32>
        %parallel_loop3A_826 = arith.index_cast %parallel_loop3A_760 : i32 to index
        %parallel_loop3A_827 = arith.constant 48 : index
        %parallel_loop3A_828 = tpu.vector_load %arg20[%parallel_loop3A_826, %parallel_loop3A_827] {strides = array<i32>} : memref<80x128xf32, #tpu.memory_space<vmem>>, vector<1x16xf32>,
        %parallel_loop3A_829 = vector.shape_cast %parallel_loop3A_828 : vector<1x16xf32> to vector<16xf32>
        %parallel_loop3A_830 = arith.mulf %parallel_loop3A_829, %parallel_loop3A_825 : vector<16xf32>
        %parallel_loop3A_831 = arith.index_cast %parallel_loop3A_760 : i32 to index
        %parallel_loop3A_832 = arith.constant 48 : index
        %parallel_loop3A_833 = tpu.vector_load %arg20[%parallel_loop3A_831, %parallel_loop3A_832] {strides = array<i32>} : memref<80x128xf32, #tpu.memory_space<vmem>>, vector<1x16xf32>,
        %parallel_loop3A_834 = vector.shape_cast %parallel_loop3A_833 : vector<1x16xf32> to vector<16xf32>
        %parallel_loop3A_835 = vector.shape_cast %parallel_loop3A_830 : vector<16xf32> to vector<1x16xf32>
        tpu.vector_store %arg20[%parallel_loop3A_831, %parallel_loop3A_832], %parallel_loop3A_835 {strides = array<i32>} : memref<80x128xf32, #tpu.memory_space<vmem>>, vector<1x16xf32>,
        %parallel_loop3A_836 = arith.constant 2 : i32
        %parallel_loop3A_837 = vector.broadcast %parallel_loop3A_836 : i32 to vector<16x1xi32>
        %parallel_loop3A_838 = vector.shape_cast %parallel_loop3A_837 : vector<16x1xi32> to vector<16xi32>
        %parallel_loop3A_839 = tpu.dynamic_gather %parallel_loop3A_774[%parallel_loop3A_838] in [0] : vector<16xf32>, vector<16xi32> -> vector<16xf32>
        %parallel_loop3A_840 = arith.index_cast %parallel_loop3A_760 : i32 to index
        %parallel_loop3A_841 = arith.constant 64 : index
        %parallel_loop3A_842 = tpu.vector_load %arg20[%parallel_loop3A_840, %parallel_loop3A_841] {strides = array<i32>} : memref<80x128xf32, #tpu.memory_space<vmem>>, vector<1x16xf32>,
        %parallel_loop3A_843 = vector.shape_cast %parallel_loop3A_842 : vector<1x16xf32> to vector<16xf32>
        %parallel_loop3A_844 = arith.mulf %parallel_loop3A_843, %parallel_loop3A_839 : vector<16xf32>
        %parallel_loop3A_845 = arith.index_cast %parallel_loop3A_760 : i32 to index
        %parallel_loop3A_846 = arith.constant 64 : index
        %parallel_loop3A_847 = tpu.vector_load %arg20[%parallel_loop3A_845, %parallel_loop3A_846] {strides = array<i32>} : memref<80x128xf32, #tpu.memory_space<vmem>>, vector<1x16xf32>,
        %parallel_loop3A_848 = vector.shape_cast %parallel_loop3A_847 : vector<1x16xf32> to vector<16xf32>
        %parallel_loop3A_849 = vector.shape_cast %parallel_loop3A_844 : vector<16xf32> to vector<1x16xf32>
        tpu.vector_store %arg20[%parallel_loop3A_845, %parallel_loop3A_846], %parallel_loop3A_849 {strides = array<i32>} : memref<80x128xf32, #tpu.memory_space<vmem>>, vector<1x16xf32>,
        %parallel_loop3A_850 = arith.constant 2 : i32
        %parallel_loop3A_851 = vector.broadcast %parallel_loop3A_850 : i32 to vector<16x1xi32>
        %parallel_loop3A_852 = vector.shape_cast %parallel_loop3A_851 : vector<16x1xi32> to vector<16xi32>
        %parallel_loop3A_853 = tpu.dynamic_gather %parallel_loop3A_774[%parallel_loop3A_852] in [0] : vector<16xf32>, vector<16xi32> -> vector<16xf32>
        %parallel_loop3A_854 = arith.index_cast %parallel_loop3A_760 : i32 to index
        %parallel_loop3A_855 = arith.constant 80 : index
        %parallel_loop3A_856 = tpu.vector_load %arg20[%parallel_loop3A_854, %parallel_loop3A_855] {strides = array<i32>} : memref<80x128xf32, #tpu.memory_space<vmem>>, vector<1x16xf32>,
        %parallel_loop3A_857 = vector.shape_cast %parallel_loop3A_856 : vector<1x16xf32> to vector<16xf32>
        %parallel_loop3A_858 = arith.mulf %parallel_loop3A_857, %parallel_loop3A_853 : vector<16xf32>
        %parallel_loop3A_859 = arith.index_cast %parallel_loop3A_760 : i32 to index
        %parallel_loop3A_860 = arith.constant 80 : index
        %parallel_loop3A_861 = tpu.vector_load %arg20[%parallel_loop3A_859, %parallel_loop3A_860] {strides = array<i32>} : memref<80x128xf32, #tpu.memory_space<vmem>>, vector<1x16xf32>,
        %parallel_loop3A_862 = vector.shape_cast %parallel_loop3A_861 : vector<1x16xf32> to vector<16xf32>
        %parallel_loop3A_863 = vector.shape_cast %parallel_loop3A_858 : vector<16xf32> to vector<1x16xf32>
        tpu.vector_store %arg20[%parallel_loop3A_859, %parallel_loop3A_860], %parallel_loop3A_863 {strides = array<i32>} : memref<80x128xf32, #tpu.memory_space<vmem>>, vector<1x16xf32>,
        %parallel_loop3A_864 = arith.constant 3 : i32
        %parallel_loop3A_865 = vector.broadcast %parallel_loop3A_864 : i32 to vector<16x1xi32>
        %parallel_loop3A_866 = vector.shape_cast %parallel_loop3A_865 : vector<16x1xi32> to vector<16xi32>
        %parallel_loop3A_867 = tpu.dynamic_gather %parallel_loop3A_774[%parallel_loop3A_866] in [0] : vector<16xf32>, vector<16xi32> -> vector<16xf32>
        %parallel_loop3A_868 = arith.index_cast %parallel_loop3A_760 : i32 to index
        %parallel_loop3A_869 = arith.constant 96 : index
        %parallel_loop3A_870 = tpu.vector_load %arg20[%parallel_loop3A_868, %parallel_loop3A_869] {strides = array<i32>} : memref<80x128xf32, #tpu.memory_space<vmem>>, vector<1x16xf32>,
        %parallel_loop3A_871 = vector.shape_cast %parallel_loop3A_870 : vector<1x16xf32> to vector<16xf32>
        %parallel_loop3A_872 = arith.mulf %parallel_loop3A_871, %parallel_loop3A_867 : vector<16xf32>
        %parallel_loop3A_873 = arith.index_cast %parallel_loop3A_760 : i32 to index
        %parallel_loop3A_874 = arith.constant 96 : index
        %parallel_loop3A_875 = tpu.vector_load %arg20[%parallel_loop3A_873, %parallel_loop3A_874] {strides = array<i32>} : memref<80x128xf32, #tpu.memory_space<vmem>>, vector<1x16xf32>,
        %parallel_loop3A_876 = vector.shape_cast %parallel_loop3A_875 : vector<1x16xf32> to vector<16xf32>
        %parallel_loop3A_877 = vector.shape_cast %parallel_loop3A_872 : vector<16xf32> to vector<1x16xf32>
        tpu.vector_store %arg20[%parallel_loop3A_873, %parallel_loop3A_874], %parallel_loop3A_877 {strides = array<i32>} : memref<80x128xf32, #tpu.memory_space<vmem>>, vector<1x16xf32>,
        %parallel_loop3A_878 = arith.constant 3 : i32
        %parallel_loop3A_879 = vector.broadcast %parallel_loop3A_878 : i32 to vector<16x1xi32>
        %parallel_loop3A_880 = vector.shape_cast %parallel_loop3A_879 : vector<16x1xi32> to vector<16xi32>
        %parallel_loop3A_881 = tpu.dynamic_gather %parallel_loop3A_774[%parallel_loop3A_880] in [0] : vector<16xf32>, vector<16xi32> -> vector<16xf32>
        %parallel_loop3A_882 = arith.index_cast %parallel_loop3A_760 : i32 to index
        %parallel_loop3A_883 = arith.constant 112 : index
        %parallel_loop3A_884 = tpu.vector_load %arg20[%parallel_loop3A_882, %parallel_loop3A_883] {strides = array<i32>} : memref<80x128xf32, #tpu.memory_space<vmem>>, vector<1x16xf32>,
        %parallel_loop3A_885 = vector.shape_cast %parallel_loop3A_884 : vector<1x16xf32> to vector<16xf32>
        %parallel_loop3A_886 = arith.mulf %parallel_loop3A_885, %parallel_loop3A_881 : vector<16xf32>
        %parallel_loop3A_887 = arith.index_cast %parallel_loop3A_760 : i32 to index
        %parallel_loop3A_888 = arith.constant 112 : index
        %parallel_loop3A_889 = tpu.vector_load %arg20[%parallel_loop3A_887, %parallel_loop3A_888] {strides = array<i32>} : memref<80x128xf32, #tpu.memory_space<vmem>>, vector<1x16xf32>,
        %parallel_loop3A_890 = vector.shape_cast %parallel_loop3A_889 : vector<1x16xf32> to vector<16xf32>
        %parallel_loop3A_891 = vector.shape_cast %parallel_loop3A_886 : vector<16xf32> to vector<1x16xf32>
        tpu.vector_store %arg20[%parallel_loop3A_887, %parallel_loop3A_888], %parallel_loop3A_891 {strides = array<i32>} : memref<80x128xf32, #tpu.memory_space<vmem>>, vector<1x16xf32>,
      } {sc.loop_unroll_factor = 2 : i64, sc.parallel_access}
      "tpu.region"() ({
        %run_scoped3A = tpu.sem_alloc : memref<!tpu.dma_semaphore, #tpu.memory_space<semaphore_mem>>
        %dma_start3A_760 = arith.constant 0 : i32
        %dma_start3A_761 = arith.constant 0 : i32
        %dma_start3A_762 = tpu.memref_slice %arg24[%dma_start3A_760, %dma_start3A_761] : memref<10240x16xf32, #tpu.memory_space<vmem_shared>> -> memref<10240x16xf32, #tpu.memory_space<vmem_shared>>
        tpu.enqueue_indirect_dma source(%arg22 : memref<80x16xf32, #tpu.memory_space<vmem>>) target(%dma_start3A_762 : memref<10240x16xf32, #tpu.memory_space<vmem_shared>>) offsets(%arg12 : memref<80xi32, #tpu.memory_space<vmem>>) semaphore(%run_scoped3A : memref<!tpu.dma_semaphore, #tpu.memory_space<semaphore_mem>>) {add = true}
        %dma_wait3A_763 = arith.constant 0 : i32
        %dma_wait3A_764 = arith.constant 0 : i32
        %dma_wait3A_765 = tpu.memref_slice %arg24[%dma_wait3A_763, %dma_wait3A_764] : memref<10240x16xf32, #tpu.memory_space<vmem_shared>> -> memref<10240x16xf32, #tpu.memory_space<vmem_shared>>
        tpu.wait_indirect_dma semaphore(%run_scoped3A : memref<!tpu.dma_semaphore, #tpu.memory_space<semaphore_mem>>) src(%arg22 : memref<80x16xf32, #tpu.memory_space<vmem>>) dst(%dma_wait3A_765 : memref<10240x16xf32, #tpu.memory_space<vmem_shared>>)
        tpu.yield
      }) : () -> ()
      %dma_start3A_504 = arith.constant 0 : i32
      %dma_start3A_505 = arith.constant 0 : i32
      %dma_start3A_506 = tpu.memref_slice %arg23[%dma_start3A_504, %dma_start3A_505] : memref<10240x128xf32, #tpu.memory_space<vmem_shared>> -> memref<10240x128xf32, #tpu.memory_space<vmem_shared>>
      tpu.enqueue_indirect_dma source(%arg20 : memref<80x128xf32, #tpu.memory_space<vmem>>) target(%dma_start3A_506 : memref<10240x128xf32, #tpu.memory_space<vmem_shared>>) offsets(%arg12 : memref<80xi32, #tpu.memory_space<vmem>>) semaphore(%arg31 : memref<!tpu.dma_semaphore, #tpu.memory_space<semaphore_mem>>) {add = true}
      %add3A_507 = arith.constant 2 : i32
      %add3A_508 = arith.addi %add3A_457, %add3A_507 : i32
      %mul3A_509 = arith.constant 10000 : i32
      %mul3A_510 = arith.muli %add3A, %mul3A_509 : i32
      %mul3A_511 = arith.constant 80 : i32
      %mul3A_512 = arith.muli %add3A_508, %mul3A_511 : i32
      %add3A_513 = arith.addi %mul3A_510, %mul3A_512 : i32
      %dma_start3A_514 = arith.constant 0 : i32
      %dma_start3A_515 = arith.constant 0 : i32
      %dma_start3A_516 = tpu.memref_slice %arg2[%dma_start3A_514, %dma_start3A_515] : memref<2x320000xi32, #tpu.memory_space<hbm>> -> memref<1x320000xi32, #tpu.memory_space<hbm>>
      %dma_start3A_517 = tpu.memref_squeeze %dma_start3A_516 : memref<1x320000xi32, #tpu.memory_space<hbm>> -> memref<320000xi32, #tpu.memory_space<hbm>>
      %dma_start3A_518 = tpu.memref_slice %dma_start3A_517[%add3A_513] : memref<320000xi32, #tpu.memory_space<hbm>> -> memref<80xi32, #tpu.memory_space<hbm>>
      %dma_start3A_519 = arith.constant 0 : i32
      %dma_start3A_520 = tpu.memref_slice %arg2[%dma_start3A_514, %dma_start3A_519] : memref<2x320000xi32, #tpu.memory_space<hbm>> -> memref<1x320000xi32, #tpu.memory_space<hbm>>
      %dma_start3A_521 = tpu.memref_squeeze %dma_start3A_520 : memref<1x320000xi32, #tpu.memory_space<hbm>> -> memref<320000xi32, #tpu.memory_space<hbm>>
      %dma_start3A_522 = tpu.memref_slice %dma_start3A_521[%add3A_513] : memref<320000xi32, #tpu.memory_space<hbm>> -> memref<80xi32, #tpu.memory_space<hbm>>
      tpu.enqueue_dma source(%dma_start3A_522 : memref<80xi32, #tpu.memory_space<hbm>>) target(%arg10 : memref<80xi32, #tpu.memory_space<vmem>>) target_semaphore(%arg27 : memref<!tpu.dma_semaphore, #tpu.memory_space<semaphore_mem>>)
      %dma_start3A_523 = arith.constant 1 : i32
      %dma_start3A_524 = arith.constant 0 : i32
      %dma_start3A_525 = tpu.memref_slice %arg2[%dma_start3A_523, %dma_start3A_524] : memref<2x320000xi32, #tpu.memory_space<hbm>> -> memref<1x320000xi32, #tpu.memory_space<hbm>>
      %dma_start3A_526 = tpu.memref_squeeze %dma_start3A_525 : memref<1x320000xi32, #tpu.memory_space<hbm>> -> memref<320000xi32, #tpu.memory_space<hbm>>
      %dma_start3A_527 = tpu.memref_slice %dma_start3A_526[%add3A_513] : memref<320000xi32, #tpu.memory_space<hbm>> -> memref<80xi32, #tpu.memory_space<hbm>>
      %dma_start3A_528 = arith.constant 0 : i32
      %dma_start3A_529 = tpu.memref_slice %arg2[%dma_start3A_523, %dma_start3A_528] : memref<2x320000xi32, #tpu.memory_space<hbm>> -> memref<1x320000xi32, #tpu.memory_space<hbm>>
      %dma_start3A_530 = tpu.memref_squeeze %dma_start3A_529 : memref<1x320000xi32, #tpu.memory_space<hbm>> -> memref<320000xi32, #tpu.memory_space<hbm>>
      %dma_start3A_531 = tpu.memref_slice %dma_start3A_530[%add3A_513] : memref<320000xi32, #tpu.memory_space<hbm>> -> memref<80xi32, #tpu.memory_space<hbm>>
      tpu.enqueue_dma source(%dma_start3A_531 : memref<80xi32, #tpu.memory_space<hbm>>) target(%arg14 : memref<80xi32, #tpu.memory_space<vmem>>) target_semaphore(%arg27 : memref<!tpu.dma_semaphore, #tpu.memory_space<semaphore_mem>>)
      %add3A_532 = arith.constant 1 : i32
      %add3A_533 = arith.addi %mul3A_455, %add3A_532 : i32
      %dma_wait3A_534 = arith.constant 0 : i32
      %dma_wait3A_535 = arith.constant 0 : i32
      %dma_wait3A_536 = tpu.memref_slice %arg3[%dma_wait3A_534, %dma_wait3A_535] : memref<10000x128xf32, #tpu.memory_space<hbm>> -> memref<10000x128xf32, #tpu.memory_space<hbm>>
      tpu.wait_indirect_dma semaphore(%arg30 : memref<!tpu.dma_semaphore, #tpu.memory_space<semaphore_mem>>) src(%dma_wait3A_536 : memref<10000x128xf32, #tpu.memory_space<hbm>>) dst(%arg21 : memref<80x128xf32, #tpu.memory_space<vmem>>)
      %dma_wait3A_537 = arith.constant 0 : i32
      %dma_wait3A_538 = arith.constant 0 : i32
      %dma_wait3A_539 = tpu.memref_slice %arg4[%dma_wait3A_537, %dma_wait3A_538] : memref<10000x16xf32, #tpu.memory_space<hbm>> -> memref<10000x16xf32, #tpu.memory_space<hbm>>
      tpu.wait_indirect_dma semaphore(%arg30 : memref<!tpu.dma_semaphore, #tpu.memory_space<semaphore_mem>>) src(%dma_wait3A_539 : memref<10000x16xf32, #tpu.memory_space<hbm>>) dst(%arg17 : memref<80x16xf32, #tpu.memory_space<vmem>>)
      %dma_wait3A_540 = arith.constant 0 : i32
      %dma_wait3A_541 = arith.constant 0 : i32
      %dma_wait3A_542 = tpu.memref_slice %arg5[%dma_wait3A_540, %dma_wait3A_541] : memref<10000x16xf32, #tpu.memory_space<hbm>> -> memref<10000x16xf32, #tpu.memory_space<hbm>>
      tpu.wait_indirect_dma semaphore(%arg30 : memref<!tpu.dma_semaphore, #tpu.memory_space<semaphore_mem>>) src(%dma_wait3A_542 : memref<10000x16xf32, #tpu.memory_space<hbm>>) dst(%arg19 : memref<80x16xf32, #tpu.memory_space<vmem>>)
      %dma_wait3A_543 = arith.constant 0 : i32
      %dma_wait3A_544 = arith.constant 0 : i32
      %dma_wait3A_545 = tpu.memref_slice %arg23[%dma_wait3A_543, %dma_wait3A_544] : memref<10240x128xf32, #tpu.memory_space<vmem_shared>> -> memref<10240x128xf32, #tpu.memory_space<vmem_shared>>
      tpu.wait_indirect_dma semaphore(%arg31 : memref<!tpu.dma_semaphore, #tpu.memory_space<semaphore_mem>>) src(%arg20 : memref<80x128xf32, #tpu.memory_space<vmem>>) dst(%dma_wait3A_545 : memref<10240x128xf32, #tpu.memory_space<vmem_shared>>)
      %dma_wait3A_546 = arith.constant 0 : i32
      %dma_wait3A_547 = arith.constant 0 : i32
      %dma_wait3A_548 = tpu.memref_slice %arg2[%dma_wait3A_546, %dma_wait3A_547] : memref<2x320000xi32, #tpu.memory_space<hbm>> -> memref<1x320000xi32, #tpu.memory_space<hbm>>
      %dma_wait3A_549 = tpu.memref_squeeze %dma_wait3A_548 : memref<1x320000xi32, #tpu.memory_space<hbm>> -> memref<320000xi32, #tpu.memory_space<hbm>>
      %dma_wait3A_550 = arith.constant 0 : i32
      %dma_wait3A_551 = tpu.memref_slice %dma_wait3A_549[%dma_wait3A_550] : memref<320000xi32, #tpu.memory_space<hbm>> -> memref<80xi32, #tpu.memory_space<hbm>>
      %dma_wait3A_552 = arith.constant 0 : i32
      %dma_wait3A_553 = tpu.memref_slice %arg2[%dma_wait3A_546, %dma_wait3A_552] : memref<2x320000xi32, #tpu.memory_space<hbm>> -> memref<1x320000xi32, #tpu.memory_space<hbm>>
      %dma_wait3A_554 = tpu.memref_squeeze %dma_wait3A_553 : memref<1x320000xi32, #tpu.memory_space<hbm>> -> memref<320000xi32, #tpu.memory_space<hbm>>
      %dma_wait3A_555 = arith.constant 0 : i32
      %dma_wait3A_556 = tpu.memref_slice %dma_wait3A_554[%dma_wait3A_555] : memref<320000xi32, #tpu.memory_space<hbm>> -> memref<80xi32, #tpu.memory_space<hbm>>
      tpu.wait_dma2 semaphore(%arg27 : memref<!tpu.dma_semaphore, #tpu.memory_space<semaphore_mem>>) src(%dma_wait3A_556 : memref<80xi32, #tpu.memory_space<hbm>>) dst(%arg10 : memref<80xi32, #tpu.memory_space<vmem>>)
      %dma_wait3A_557 = arith.constant 1 : i32
      %dma_wait3A_558 = arith.constant 0 : i32
      %dma_wait3A_559 = tpu.memref_slice %arg2[%dma_wait3A_557, %dma_wait3A_558] : memref<2x320000xi32, #tpu.memory_space<hbm>> -> memref<1x320000xi32, #tpu.memory_space<hbm>>
      %dma_wait3A_560 = tpu.memref_squeeze %dma_wait3A_559 : memref<1x320000xi32, #tpu.memory_space<hbm>> -> memref<320000xi32, #tpu.memory_space<hbm>>
      %dma_wait3A_561 = arith.constant 0 : i32
      %dma_wait3A_562 = tpu.memref_slice %dma_wait3A_560[%dma_wait3A_561] : memref<320000xi32, #tpu.memory_space<hbm>> -> memref<80xi32, #tpu.memory_space<hbm>>
      %dma_wait3A_563 = arith.constant 0 : i32
      %dma_wait3A_564 = tpu.memref_slice %arg2[%dma_wait3A_557, %dma_wait3A_563] : memref<2x320000xi32, #tpu.memory_space<hbm>> -> memref<1x320000xi32, #tpu.memory_space<hbm>>
      %dma_wait3A_565 = tpu.memref_squeeze %dma_wait3A_564 : memref<1x320000xi32, #tpu.memory_space<hbm>> -> memref<320000xi32, #tpu.memory_space<hbm>>
      %dma_wait3A_566 = arith.constant 0 : i32
      %dma_wait3A_567 = tpu.memref_slice %dma_wait3A_565[%dma_wait3A_566] : memref<320000xi32, #tpu.memory_space<hbm>> -> memref<80xi32, #tpu.memory_space<hbm>>
      tpu.wait_dma2 semaphore(%arg27 : memref<!tpu.dma_semaphore, #tpu.memory_space<semaphore_mem>>) src(%dma_wait3A_567 : memref<80xi32, #tpu.memory_space<hbm>>) dst(%arg14 : memref<80xi32, #tpu.memory_space<vmem>>)
      %dma_start3A_568 = arith.constant 0 : i32
      %dma_start3A_569 = arith.constant 0 : i32
      %dma_start3A_570 = tpu.memref_slice %arg3[%dma_start3A_568, %dma_start3A_569] : memref<10000x128xf32, #tpu.memory_space<hbm>> -> memref<10000x128xf32, #tpu.memory_space<hbm>>
      tpu.enqueue_indirect_dma source(%dma_start3A_570 : memref<10000x128xf32, #tpu.memory_space<hbm>>) target(%arg20 : memref<80x128xf32, #tpu.memory_space<vmem>>) offsets(%arg10 : memref<80xi32, #tpu.memory_space<vmem>>) semaphore(%arg29 : memref<!tpu.dma_semaphore, #tpu.memory_space<semaphore_mem>>)
      %dma_start3A_571 = arith.constant 0 : i32
      %dma_start3A_572 = arith.constant 0 : i32
      %dma_start3A_573 = tpu.memref_slice %arg4[%dma_start3A_571, %dma_start3A_572] : memref<10000x16xf32, #tpu.memory_space<hbm>> -> memref<10000x16xf32, #tpu.memory_space<hbm>>
      tpu.enqueue_indirect_dma source(%dma_start3A_573 : memref<10000x16xf32, #tpu.memory_space<hbm>>) target(%arg16 : memref<80x16xf32, #tpu.memory_space<vmem>>) offsets(%arg10 : memref<80xi32, #tpu.memory_space<vmem>>) semaphore(%arg29 : memref<!tpu.dma_semaphore, #tpu.memory_space<semaphore_mem>>)
      %dma_start3A_574 = arith.constant 0 : i32
      %dma_start3A_575 = arith.constant 0 : i32
      %dma_start3A_576 = tpu.memref_slice %arg5[%dma_start3A_574, %dma_start3A_575] : memref<10000x16xf32, #tpu.memory_space<hbm>> -> memref<10000x16xf32, #tpu.memory_space<hbm>>
      tpu.enqueue_indirect_dma source(%dma_start3A_576 : memref<10000x16xf32, #tpu.memory_space<hbm>>) target(%arg18 : memref<80x16xf32, #tpu.memory_space<vmem>>) offsets(%arg14 : memref<80xi32, #tpu.memory_space<vmem>>) semaphore(%arg29 : memref<!tpu.dma_semaphore, #tpu.memory_space<semaphore_mem>>)
      %parallel_loop3A_577 = arith.constant 0 : i32
      %parallel_loop3A_578 = arith.constant 80 : i32
      %parallel_loop3A_579 = arith.constant 1 : i32
      scf.for %parallel_loop3A_760 = %parallel_loop3A_577 to %parallel_loop3A_578 step %parallel_loop3A_579  : i32 {
        %parallel_loop3A_761 = arith.index_cast %parallel_loop3A_760 : i32 to index
        %parallel_loop3A_762 = arith.constant 0 : index
        %parallel_loop3A_763 = tpu.vector_load %arg17[%parallel_loop3A_761, %parallel_loop3A_762] {strides = array<i32>} : memref<80x16xf32, #tpu.memory_space<vmem>>, vector<1x16xf32>,
        %parallel_loop3A_764 = vector.shape_cast %parallel_loop3A_763 : vector<1x16xf32> to vector<16xf32>
        %parallel_loop3A_765 = arith.index_cast %parallel_loop3A_760 : i32 to index
        %parallel_loop3A_766 = arith.constant 0 : index
        %parallel_loop3A_767 = tpu.vector_load %arg19[%parallel_loop3A_765, %parallel_loop3A_766] {strides = array<i32>} : memref<80x16xf32, #tpu.memory_space<vmem>>, vector<1x16xf32>,
        %parallel_loop3A_768 = vector.shape_cast %parallel_loop3A_767 : vector<1x16xf32> to vector<16xf32>
        %parallel_loop3A_769 = arith.addf %parallel_loop3A_764, %parallel_loop3A_768 : vector<16xf32>
        %parallel_loop3A_770 = arith.constant 2.000000e-01 : f32
        %parallel_loop3A_771 = vector.broadcast %parallel_loop3A_770 : f32 to vector<16xf32>
        %parallel_loop3A_772 = arith.mulf %parallel_loop3A_771, %parallel_loop3A_769 : vector<16xf32>
        %parallel_loop3A_773 = arith.maximumf %parallel_loop3A_769, %parallel_loop3A_772 : vector<16xf32>
        %parallel_loop3A_774 = math.exp %parallel_loop3A_773 : vector<16xf32>
        %parallel_loop3A_775 = arith.index_cast %parallel_loop3A_760 : i32 to index
        %parallel_loop3A_776 = arith.constant 0 : index
        %parallel_loop3A_777 = tpu.vector_load %arg22[%parallel_loop3A_775, %parallel_loop3A_776] {strides = array<i32>} : memref<80x16xf32, #tpu.memory_space<vmem>>, vector<1x16xf32>,
        %parallel_loop3A_778 = vector.shape_cast %parallel_loop3A_777 : vector<1x16xf32> to vector<16xf32>
        %parallel_loop3A_779 = vector.shape_cast %parallel_loop3A_774 : vector<16xf32> to vector<1x16xf32>
        tpu.vector_store %arg22[%parallel_loop3A_775, %parallel_loop3A_776], %parallel_loop3A_779 {strides = array<i32>} : memref<80x16xf32, #tpu.memory_space<vmem>>, vector<1x16xf32>,
        %parallel_loop3A_780 = arith.constant 0 : i32
        %parallel_loop3A_781 = vector.broadcast %parallel_loop3A_780 : i32 to vector<16x1xi32>
        %parallel_loop3A_782 = vector.shape_cast %parallel_loop3A_781 : vector<16x1xi32> to vector<16xi32>
        %parallel_loop3A_783 = tpu.dynamic_gather %parallel_loop3A_774[%parallel_loop3A_782] in [0] : vector<16xf32>, vector<16xi32> -> vector<16xf32>
        %parallel_loop3A_784 = arith.index_cast %parallel_loop3A_760 : i32 to index
        %parallel_loop3A_785 = arith.constant 0 : index
        %parallel_loop3A_786 = tpu.vector_load %arg21[%parallel_loop3A_784, %parallel_loop3A_785] {strides = array<i32>} : memref<80x128xf32, #tpu.memory_space<vmem>>, vector<1x16xf32>,
        %parallel_loop3A_787 = vector.shape_cast %parallel_loop3A_786 : vector<1x16xf32> to vector<16xf32>
        %parallel_loop3A_788 = arith.mulf %parallel_loop3A_787, %parallel_loop3A_783 : vector<16xf32>
        %parallel_loop3A_789 = arith.index_cast %parallel_loop3A_760 : i32 to index
        %parallel_loop3A_790 = arith.constant 0 : index
        %parallel_loop3A_791 = tpu.vector_load %arg21[%parallel_loop3A_789, %parallel_loop3A_790] {strides = array<i32>} : memref<80x128xf32, #tpu.memory_space<vmem>>, vector<1x16xf32>,
        %parallel_loop3A_792 = vector.shape_cast %parallel_loop3A_791 : vector<1x16xf32> to vector<16xf32>
        %parallel_loop3A_793 = vector.shape_cast %parallel_loop3A_788 : vector<16xf32> to vector<1x16xf32>
        tpu.vector_store %arg21[%parallel_loop3A_789, %parallel_loop3A_790], %parallel_loop3A_793 {strides = array<i32>} : memref<80x128xf32, #tpu.memory_space<vmem>>, vector<1x16xf32>,
        %parallel_loop3A_794 = arith.constant 0 : i32
        %parallel_loop3A_795 = vector.broadcast %parallel_loop3A_794 : i32 to vector<16x1xi32>
        %parallel_loop3A_796 = vector.shape_cast %parallel_loop3A_795 : vector<16x1xi32> to vector<16xi32>
        %parallel_loop3A_797 = tpu.dynamic_gather %parallel_loop3A_774[%parallel_loop3A_796] in [0] : vector<16xf32>, vector<16xi32> -> vector<16xf32>
        %parallel_loop3A_798 = arith.index_cast %parallel_loop3A_760 : i32 to index
        %parallel_loop3A_799 = arith.constant 16 : index
        %parallel_loop3A_800 = tpu.vector_load %arg21[%parallel_loop3A_798, %parallel_loop3A_799] {strides = array<i32>} : memref<80x128xf32, #tpu.memory_space<vmem>>, vector<1x16xf32>,
        %parallel_loop3A_801 = vector.shape_cast %parallel_loop3A_800 : vector<1x16xf32> to vector<16xf32>
        %parallel_loop3A_802 = arith.mulf %parallel_loop3A_801, %parallel_loop3A_797 : vector<16xf32>
        %parallel_loop3A_803 = arith.index_cast %parallel_loop3A_760 : i32 to index
        %parallel_loop3A_804 = arith.constant 16 : index
        %parallel_loop3A_805 = tpu.vector_load %arg21[%parallel_loop3A_803, %parallel_loop3A_804] {strides = array<i32>} : memref<80x128xf32, #tpu.memory_space<vmem>>, vector<1x16xf32>,
        %parallel_loop3A_806 = vector.shape_cast %parallel_loop3A_805 : vector<1x16xf32> to vector<16xf32>
        %parallel_loop3A_807 = vector.shape_cast %parallel_loop3A_802 : vector<16xf32> to vector<1x16xf32>
        tpu.vector_store %arg21[%parallel_loop3A_803, %parallel_loop3A_804], %parallel_loop3A_807 {strides = array<i32>} : memref<80x128xf32, #tpu.memory_space<vmem>>, vector<1x16xf32>,
        %parallel_loop3A_808 = arith.constant 1 : i32
        %parallel_loop3A_809 = vector.broadcast %parallel_loop3A_808 : i32 to vector<16x1xi32>
        %parallel_loop3A_810 = vector.shape_cast %parallel_loop3A_809 : vector<16x1xi32> to vector<16xi32>
        %parallel_loop3A_811 = tpu.dynamic_gather %parallel_loop3A_774[%parallel_loop3A_810] in [0] : vector<16xf32>, vector<16xi32> -> vector<16xf32>
        %parallel_loop3A_812 = arith.index_cast %parallel_loop3A_760 : i32 to index
        %parallel_loop3A_813 = arith.constant 32 : index
        %parallel_loop3A_814 = tpu.vector_load %arg21[%parallel_loop3A_812, %parallel_loop3A_813] {strides = array<i32>} : memref<80x128xf32, #tpu.memory_space<vmem>>, vector<1x16xf32>,
        %parallel_loop3A_815 = vector.shape_cast %parallel_loop3A_814 : vector<1x16xf32> to vector<16xf32>
        %parallel_loop3A_816 = arith.mulf %parallel_loop3A_815, %parallel_loop3A_811 : vector<16xf32>
        %parallel_loop3A_817 = arith.index_cast %parallel_loop3A_760 : i32 to index
        %parallel_loop3A_818 = arith.constant 32 : index
        %parallel_loop3A_819 = tpu.vector_load %arg21[%parallel_loop3A_817, %parallel_loop3A_818] {strides = array<i32>} : memref<80x128xf32, #tpu.memory_space<vmem>>, vector<1x16xf32>,
        %parallel_loop3A_820 = vector.shape_cast %parallel_loop3A_819 : vector<1x16xf32> to vector<16xf32>
        %parallel_loop3A_821 = vector.shape_cast %parallel_loop3A_816 : vector<16xf32> to vector<1x16xf32>
        tpu.vector_store %arg21[%parallel_loop3A_817, %parallel_loop3A_818], %parallel_loop3A_821 {strides = array<i32>} : memref<80x128xf32, #tpu.memory_space<vmem>>, vector<1x16xf32>,
        %parallel_loop3A_822 = arith.constant 1 : i32
        %parallel_loop3A_823 = vector.broadcast %parallel_loop3A_822 : i32 to vector<16x1xi32>
        %parallel_loop3A_824 = vector.shape_cast %parallel_loop3A_823 : vector<16x1xi32> to vector<16xi32>
        %parallel_loop3A_825 = tpu.dynamic_gather %parallel_loop3A_774[%parallel_loop3A_824] in [0] : vector<16xf32>, vector<16xi32> -> vector<16xf32>
        %parallel_loop3A_826 = arith.index_cast %parallel_loop3A_760 : i32 to index
        %parallel_loop3A_827 = arith.constant 48 : index
        %parallel_loop3A_828 = tpu.vector_load %arg21[%parallel_loop3A_826, %parallel_loop3A_827] {strides = array<i32>} : memref<80x128xf32, #tpu.memory_space<vmem>>, vector<1x16xf32>,
        %parallel_loop3A_829 = vector.shape_cast %parallel_loop3A_828 : vector<1x16xf32> to vector<16xf32>
        %parallel_loop3A_830 = arith.mulf %parallel_loop3A_829, %parallel_loop3A_825 : vector<16xf32>
        %parallel_loop3A_831 = arith.index_cast %parallel_loop3A_760 : i32 to index
        %parallel_loop3A_832 = arith.constant 48 : index
        %parallel_loop3A_833 = tpu.vector_load %arg21[%parallel_loop3A_831, %parallel_loop3A_832] {strides = array<i32>} : memref<80x128xf32, #tpu.memory_space<vmem>>, vector<1x16xf32>,
        %parallel_loop3A_834 = vector.shape_cast %parallel_loop3A_833 : vector<1x16xf32> to vector<16xf32>
        %parallel_loop3A_835 = vector.shape_cast %parallel_loop3A_830 : vector<16xf32> to vector<1x16xf32>
        tpu.vector_store %arg21[%parallel_loop3A_831, %parallel_loop3A_832], %parallel_loop3A_835 {strides = array<i32>} : memref<80x128xf32, #tpu.memory_space<vmem>>, vector<1x16xf32>,
        %parallel_loop3A_836 = arith.constant 2 : i32
        %parallel_loop3A_837 = vector.broadcast %parallel_loop3A_836 : i32 to vector<16x1xi32>
        %parallel_loop3A_838 = vector.shape_cast %parallel_loop3A_837 : vector<16x1xi32> to vector<16xi32>
        %parallel_loop3A_839 = tpu.dynamic_gather %parallel_loop3A_774[%parallel_loop3A_838] in [0] : vector<16xf32>, vector<16xi32> -> vector<16xf32>
        %parallel_loop3A_840 = arith.index_cast %parallel_loop3A_760 : i32 to index
        %parallel_loop3A_841 = arith.constant 64 : index
        %parallel_loop3A_842 = tpu.vector_load %arg21[%parallel_loop3A_840, %parallel_loop3A_841] {strides = array<i32>} : memref<80x128xf32, #tpu.memory_space<vmem>>, vector<1x16xf32>,
        %parallel_loop3A_843 = vector.shape_cast %parallel_loop3A_842 : vector<1x16xf32> to vector<16xf32>
        %parallel_loop3A_844 = arith.mulf %parallel_loop3A_843, %parallel_loop3A_839 : vector<16xf32>
        %parallel_loop3A_845 = arith.index_cast %parallel_loop3A_760 : i32 to index
        %parallel_loop3A_846 = arith.constant 64 : index
        %parallel_loop3A_847 = tpu.vector_load %arg21[%parallel_loop3A_845, %parallel_loop3A_846] {strides = array<i32>} : memref<80x128xf32, #tpu.memory_space<vmem>>, vector<1x16xf32>,
        %parallel_loop3A_848 = vector.shape_cast %parallel_loop3A_847 : vector<1x16xf32> to vector<16xf32>
        %parallel_loop3A_849 = vector.shape_cast %parallel_loop3A_844 : vector<16xf32> to vector<1x16xf32>
        tpu.vector_store %arg21[%parallel_loop3A_845, %parallel_loop3A_846], %parallel_loop3A_849 {strides = array<i32>} : memref<80x128xf32, #tpu.memory_space<vmem>>, vector<1x16xf32>,
        %parallel_loop3A_850 = arith.constant 2 : i32
        %parallel_loop3A_851 = vector.broadcast %parallel_loop3A_850 : i32 to vector<16x1xi32>
        %parallel_loop3A_852 = vector.shape_cast %parallel_loop3A_851 : vector<16x1xi32> to vector<16xi32>
        %parallel_loop3A_853 = tpu.dynamic_gather %parallel_loop3A_774[%parallel_loop3A_852] in [0] : vector<16xf32>, vector<16xi32> -> vector<16xf32>
        %parallel_loop3A_854 = arith.index_cast %parallel_loop3A_760 : i32 to index
        %parallel_loop3A_855 = arith.constant 80 : index
        %parallel_loop3A_856 = tpu.vector_load %arg21[%parallel_loop3A_854, %parallel_loop3A_855] {strides = array<i32>} : memref<80x128xf32, #tpu.memory_space<vmem>>, vector<1x16xf32>,
        %parallel_loop3A_857 = vector.shape_cast %parallel_loop3A_856 : vector<1x16xf32> to vector<16xf32>
        %parallel_loop3A_858 = arith.mulf %parallel_loop3A_857, %parallel_loop3A_853 : vector<16xf32>
        %parallel_loop3A_859 = arith.index_cast %parallel_loop3A_760 : i32 to index
        %parallel_loop3A_860 = arith.constant 80 : index
        %parallel_loop3A_861 = tpu.vector_load %arg21[%parallel_loop3A_859, %parallel_loop3A_860] {strides = array<i32>} : memref<80x128xf32, #tpu.memory_space<vmem>>, vector<1x16xf32>,
        %parallel_loop3A_862 = vector.shape_cast %parallel_loop3A_861 : vector<1x16xf32> to vector<16xf32>
        %parallel_loop3A_863 = vector.shape_cast %parallel_loop3A_858 : vector<16xf32> to vector<1x16xf32>
        tpu.vector_store %arg21[%parallel_loop3A_859, %parallel_loop3A_860], %parallel_loop3A_863 {strides = array<i32>} : memref<80x128xf32, #tpu.memory_space<vmem>>, vector<1x16xf32>,
        %parallel_loop3A_864 = arith.constant 3 : i32
        %parallel_loop3A_865 = vector.broadcast %parallel_loop3A_864 : i32 to vector<16x1xi32>
        %parallel_loop3A_866 = vector.shape_cast %parallel_loop3A_865 : vector<16x1xi32> to vector<16xi32>
        %parallel_loop3A_867 = tpu.dynamic_gather %parallel_loop3A_774[%parallel_loop3A_866] in [0] : vector<16xf32>, vector<16xi32> -> vector<16xf32>
        %parallel_loop3A_868 = arith.index_cast %parallel_loop3A_760 : i32 to index
        %parallel_loop3A_869 = arith.constant 96 : index
        %parallel_loop3A_870 = tpu.vector_load %arg21[%parallel_loop3A_868, %parallel_loop3A_869] {strides = array<i32>} : memref<80x128xf32, #tpu.memory_space<vmem>>, vector<1x16xf32>,
        %parallel_loop3A_871 = vector.shape_cast %parallel_loop3A_870 : vector<1x16xf32> to vector<16xf32>
        %parallel_loop3A_872 = arith.mulf %parallel_loop3A_871, %parallel_loop3A_867 : vector<16xf32>
        %parallel_loop3A_873 = arith.index_cast %parallel_loop3A_760 : i32 to index
        %parallel_loop3A_874 = arith.constant 96 : index
        %parallel_loop3A_875 = tpu.vector_load %arg21[%parallel_loop3A_873, %parallel_loop3A_874] {strides = array<i32>} : memref<80x128xf32, #tpu.memory_space<vmem>>, vector<1x16xf32>,
        %parallel_loop3A_876 = vector.shape_cast %parallel_loop3A_875 : vector<1x16xf32> to vector<16xf32>
        %parallel_loop3A_877 = vector.shape_cast %parallel_loop3A_872 : vector<16xf32> to vector<1x16xf32>
        tpu.vector_store %arg21[%parallel_loop3A_873, %parallel_loop3A_874], %parallel_loop3A_877 {strides = array<i32>} : memref<80x128xf32, #tpu.memory_space<vmem>>, vector<1x16xf32>,
        %parallel_loop3A_878 = arith.constant 3 : i32
        %parallel_loop3A_879 = vector.broadcast %parallel_loop3A_878 : i32 to vector<16x1xi32>
        %parallel_loop3A_880 = vector.shape_cast %parallel_loop3A_879 : vector<16x1xi32> to vector<16xi32>
        %parallel_loop3A_881 = tpu.dynamic_gather %parallel_loop3A_774[%parallel_loop3A_880] in [0] : vector<16xf32>, vector<16xi32> -> vector<16xf32>
        %parallel_loop3A_882 = arith.index_cast %parallel_loop3A_760 : i32 to index
        %parallel_loop3A_883 = arith.constant 112 : index
        %parallel_loop3A_884 = tpu.vector_load %arg21[%parallel_loop3A_882, %parallel_loop3A_883] {strides = array<i32>} : memref<80x128xf32, #tpu.memory_space<vmem>>, vector<1x16xf32>,
        %parallel_loop3A_885 = vector.shape_cast %parallel_loop3A_884 : vector<1x16xf32> to vector<16xf32>
        %parallel_loop3A_886 = arith.mulf %parallel_loop3A_885, %parallel_loop3A_881 : vector<16xf32>
        %parallel_loop3A_887 = arith.index_cast %parallel_loop3A_760 : i32 to index
        %parallel_loop3A_888 = arith.constant 112 : index
        %parallel_loop3A_889 = tpu.vector_load %arg21[%parallel_loop3A_887, %parallel_loop3A_888] {strides = array<i32>} : memref<80x128xf32, #tpu.memory_space<vmem>>, vector<1x16xf32>,
        %parallel_loop3A_890 = vector.shape_cast %parallel_loop3A_889 : vector<1x16xf32> to vector<16xf32>
        %parallel_loop3A_891 = vector.shape_cast %parallel_loop3A_886 : vector<16xf32> to vector<1x16xf32>
        tpu.vector_store %arg21[%parallel_loop3A_887, %parallel_loop3A_888], %parallel_loop3A_891 {strides = array<i32>} : memref<80x128xf32, #tpu.memory_space<vmem>>, vector<1x16xf32>,
      } {sc.loop_unroll_factor = 2 : i64, sc.parallel_access}
      "tpu.region"() ({
        %run_scoped3A = tpu.sem_alloc : memref<!tpu.dma_semaphore, #tpu.memory_space<semaphore_mem>>
        %dma_start3A_760 = arith.constant 0 : i32
        %dma_start3A_761 = arith.constant 0 : i32
        %dma_start3A_762 = tpu.memref_slice %arg24[%dma_start3A_760, %dma_start3A_761] : memref<10240x16xf32, #tpu.memory_space<vmem_shared>> -> memref<10240x16xf32, #tpu.memory_space<vmem_shared>>
        tpu.enqueue_indirect_dma source(%arg22 : memref<80x16xf32, #tpu.memory_space<vmem>>) target(%dma_start3A_762 : memref<10240x16xf32, #tpu.memory_space<vmem_shared>>) offsets(%arg13 : memref<80xi32, #tpu.memory_space<vmem>>) semaphore(%run_scoped3A : memref<!tpu.dma_semaphore, #tpu.memory_space<semaphore_mem>>) {add = true}
        %dma_wait3A_763 = arith.constant 0 : i32
        %dma_wait3A_764 = arith.constant 0 : i32
        %dma_wait3A_765 = tpu.memref_slice %arg24[%dma_wait3A_763, %dma_wait3A_764] : memref<10240x16xf32, #tpu.memory_space<vmem_shared>> -> memref<10240x16xf32, #tpu.memory_space<vmem_shared>>
        tpu.wait_indirect_dma semaphore(%run_scoped3A : memref<!tpu.dma_semaphore, #tpu.memory_space<semaphore_mem>>) src(%arg22 : memref<80x16xf32, #tpu.memory_space<vmem>>) dst(%dma_wait3A_765 : memref<10240x16xf32, #tpu.memory_space<vmem_shared>>)
        tpu.yield
      }) : () -> ()
      %dma_start3A_580 = arith.constant 0 : i32
      %dma_start3A_581 = arith.constant 0 : i32
      %dma_start3A_582 = tpu.memref_slice %arg23[%dma_start3A_580, %dma_start3A_581] : memref<10240x128xf32, #tpu.memory_space<vmem_shared>> -> memref<10240x128xf32, #tpu.memory_space<vmem_shared>>
      tpu.enqueue_indirect_dma source(%arg21 : memref<80x128xf32, #tpu.memory_space<vmem>>) target(%dma_start3A_582 : memref<10240x128xf32, #tpu.memory_space<vmem_shared>>) offsets(%arg13 : memref<80xi32, #tpu.memory_space<vmem>>) semaphore(%arg32 : memref<!tpu.dma_semaphore, #tpu.memory_space<semaphore_mem>>) {add = true}
      %add3A_583 = arith.constant 2 : i32
      %add3A_584 = arith.addi %add3A_533, %add3A_583 : i32
      %mul3A_585 = arith.constant 10000 : i32
      %mul3A_586 = arith.muli %add3A, %mul3A_585 : i32
      %mul3A_587 = arith.constant 80 : i32
      %mul3A_588 = arith.muli %add3A_584, %mul3A_587 : i32
      %add3A_589 = arith.addi %mul3A_586, %mul3A_588 : i32
      %dma_start3A_590 = arith.constant 0 : i32
      %dma_start3A_591 = arith.constant 0 : i32
      %dma_start3A_592 = tpu.memref_slice %arg2[%dma_start3A_590, %dma_start3A_591] : memref<2x320000xi32, #tpu.memory_space<hbm>> -> memref<1x320000xi32, #tpu.memory_space<hbm>>
      %dma_start3A_593 = tpu.memref_squeeze %dma_start3A_592 : memref<1x320000xi32, #tpu.memory_space<hbm>> -> memref<320000xi32, #tpu.memory_space<hbm>>
      %dma_start3A_594 = tpu.memref_slice %dma_start3A_593[%add3A_589] : memref<320000xi32, #tpu.memory_space<hbm>> -> memref<80xi32, #tpu.memory_space<hbm>>
      %dma_start3A_595 = arith.constant 0 : i32
      %dma_start3A_596 = tpu.memref_slice %arg2[%dma_start3A_590, %dma_start3A_595] : memref<2x320000xi32, #tpu.memory_space<hbm>> -> memref<1x320000xi32, #tpu.memory_space<hbm>>
      %dma_start3A_597 = tpu.memref_squeeze %dma_start3A_596 : memref<1x320000xi32, #tpu.memory_space<hbm>> -> memref<320000xi32, #tpu.memory_space<hbm>>
      %dma_start3A_598 = tpu.memref_slice %dma_start3A_597[%add3A_589] : memref<320000xi32, #tpu.memory_space<hbm>> -> memref<80xi32, #tpu.memory_space<hbm>>
      tpu.enqueue_dma source(%dma_start3A_598 : memref<80xi32, #tpu.memory_space<hbm>>) target(%arg11 : memref<80xi32, #tpu.memory_space<vmem>>) target_semaphore(%arg28 : memref<!tpu.dma_semaphore, #tpu.memory_space<semaphore_mem>>)
      %dma_start3A_599 = arith.constant 1 : i32
      %dma_start3A_600 = arith.constant 0 : i32
      %dma_start3A_601 = tpu.memref_slice %arg2[%dma_start3A_599, %dma_start3A_600] : memref<2x320000xi32, #tpu.memory_space<hbm>> -> memref<1x320000xi32, #tpu.memory_space<hbm>>
      %dma_start3A_602 = tpu.memref_squeeze %dma_start3A_601 : memref<1x320000xi32, #tpu.memory_space<hbm>> -> memref<320000xi32, #tpu.memory_space<hbm>>
      %dma_start3A_603 = tpu.memref_slice %dma_start3A_602[%add3A_589] : memref<320000xi32, #tpu.memory_space<hbm>> -> memref<80xi32, #tpu.memory_space<hbm>>
      %dma_start3A_604 = arith.constant 0 : i32
      %dma_start3A_605 = tpu.memref_slice %arg2[%dma_start3A_599, %dma_start3A_604] : memref<2x320000xi32, #tpu.memory_space<hbm>> -> memref<1x320000xi32, #tpu.memory_space<hbm>>
      %dma_start3A_606 = tpu.memref_squeeze %dma_start3A_605 : memref<1x320000xi32, #tpu.memory_space<hbm>> -> memref<320000xi32, #tpu.memory_space<hbm>>
      %dma_start3A_607 = tpu.memref_slice %dma_start3A_606[%add3A_589] : memref<320000xi32, #tpu.memory_space<hbm>> -> memref<80xi32, #tpu.memory_space<hbm>>
      tpu.enqueue_dma source(%dma_start3A_607 : memref<80xi32, #tpu.memory_space<hbm>>) target(%arg15 : memref<80xi32, #tpu.memory_space<vmem>>) target_semaphore(%arg28 : memref<!tpu.dma_semaphore, #tpu.memory_space<semaphore_mem>>)
      %add3A_608 = arith.constant 2 : i32
      %add3A_609 = arith.addi %mul3A_455, %add3A_608 : i32
      %dma_wait3A_610 = arith.constant 0 : i32
      %dma_wait3A_611 = arith.constant 0 : i32
      %dma_wait3A_612 = tpu.memref_slice %arg3[%dma_wait3A_610, %dma_wait3A_611] : memref<10000x128xf32, #tpu.memory_space<hbm>> -> memref<10000x128xf32, #tpu.memory_space<hbm>>
      tpu.wait_indirect_dma semaphore(%arg29 : memref<!tpu.dma_semaphore, #tpu.memory_space<semaphore_mem>>) src(%dma_wait3A_612 : memref<10000x128xf32, #tpu.memory_space<hbm>>) dst(%arg20 : memref<80x128xf32, #tpu.memory_space<vmem>>)
      %dma_wait3A_613 = arith.constant 0 : i32
      %dma_wait3A_614 = arith.constant 0 : i32
      %dma_wait3A_615 = tpu.memref_slice %arg4[%dma_wait3A_613, %dma_wait3A_614] : memref<10000x16xf32, #tpu.memory_space<hbm>> -> memref<10000x16xf32, #tpu.memory_space<hbm>>
      tpu.wait_indirect_dma semaphore(%arg29 : memref<!tpu.dma_semaphore, #tpu.memory_space<semaphore_mem>>) src(%dma_wait3A_615 : memref<10000x16xf32, #tpu.memory_space<hbm>>) dst(%arg16 : memref<80x16xf32, #tpu.memory_space<vmem>>)
      %dma_wait3A_616 = arith.constant 0 : i32
      %dma_wait3A_617 = arith.constant 0 : i32
      %dma_wait3A_618 = tpu.memref_slice %arg5[%dma_wait3A_616, %dma_wait3A_617] : memref<10000x16xf32, #tpu.memory_space<hbm>> -> memref<10000x16xf32, #tpu.memory_space<hbm>>
      tpu.wait_indirect_dma semaphore(%arg29 : memref<!tpu.dma_semaphore, #tpu.memory_space<semaphore_mem>>) src(%dma_wait3A_618 : memref<10000x16xf32, #tpu.memory_space<hbm>>) dst(%arg18 : memref<80x16xf32, #tpu.memory_space<vmem>>)
      %dma_wait3A_619 = arith.constant 0 : i32
      %dma_wait3A_620 = arith.constant 0 : i32
      %dma_wait3A_621 = tpu.memref_slice %arg23[%dma_wait3A_619, %dma_wait3A_620] : memref<10240x128xf32, #tpu.memory_space<vmem_shared>> -> memref<10240x128xf32, #tpu.memory_space<vmem_shared>>
      tpu.wait_indirect_dma semaphore(%arg32 : memref<!tpu.dma_semaphore, #tpu.memory_space<semaphore_mem>>) src(%arg21 : memref<80x128xf32, #tpu.memory_space<vmem>>) dst(%dma_wait3A_621 : memref<10240x128xf32, #tpu.memory_space<vmem_shared>>)
      %dma_wait3A_622 = arith.constant 0 : i32
      %dma_wait3A_623 = arith.constant 0 : i32
      %dma_wait3A_624 = tpu.memref_slice %arg2[%dma_wait3A_622, %dma_wait3A_623] : memref<2x320000xi32, #tpu.memory_space<hbm>> -> memref<1x320000xi32, #tpu.memory_space<hbm>>
      %dma_wait3A_625 = tpu.memref_squeeze %dma_wait3A_624 : memref<1x320000xi32, #tpu.memory_space<hbm>> -> memref<320000xi32, #tpu.memory_space<hbm>>
      %dma_wait3A_626 = arith.constant 0 : i32
      %dma_wait3A_627 = tpu.memref_slice %dma_wait3A_625[%dma_wait3A_626] : memref<320000xi32, #tpu.memory_space<hbm>> -> memref<80xi32, #tpu.memory_space<hbm>>
      %dma_wait3A_628 = arith.constant 0 : i32
      %dma_wait3A_629 = tpu.memref_slice %arg2[%dma_wait3A_622, %dma_wait3A_628] : memref<2x320000xi32, #tpu.memory_space<hbm>> -> memref<1x320000xi32, #tpu.memory_space<hbm>>
      %dma_wait3A_630 = tpu.memref_squeeze %dma_wait3A_629 : memref<1x320000xi32, #tpu.memory_space<hbm>> -> memref<320000xi32, #tpu.memory_space<hbm>>
      %dma_wait3A_631 = arith.constant 0 : i32
      %dma_wait3A_632 = tpu.memref_slice %dma_wait3A_630[%dma_wait3A_631] : memref<320000xi32, #tpu.memory_space<hbm>> -> memref<80xi32, #tpu.memory_space<hbm>>
      tpu.wait_dma2 semaphore(%arg28 : memref<!tpu.dma_semaphore, #tpu.memory_space<semaphore_mem>>) src(%dma_wait3A_632 : memref<80xi32, #tpu.memory_space<hbm>>) dst(%arg11 : memref<80xi32, #tpu.memory_space<vmem>>)
      %dma_wait3A_633 = arith.constant 1 : i32
      %dma_wait3A_634 = arith.constant 0 : i32
      %dma_wait3A_635 = tpu.memref_slice %arg2[%dma_wait3A_633, %dma_wait3A_634] : memref<2x320000xi32, #tpu.memory_space<hbm>> -> memref<1x320000xi32, #tpu.memory_space<hbm>>
      %dma_wait3A_636 = tpu.memref_squeeze %dma_wait3A_635 : memref<1x320000xi32, #tpu.memory_space<hbm>> -> memref<320000xi32, #tpu.memory_space<hbm>>
      %dma_wait3A_637 = arith.constant 0 : i32
      %dma_wait3A_638 = tpu.memref_slice %dma_wait3A_636[%dma_wait3A_637] : memref<320000xi32, #tpu.memory_space<hbm>> -> memref<80xi32, #tpu.memory_space<hbm>>
      %dma_wait3A_639 = arith.constant 0 : i32
      %dma_wait3A_640 = tpu.memref_slice %arg2[%dma_wait3A_633, %dma_wait3A_639] : memref<2x320000xi32, #tpu.memory_space<hbm>> -> memref<1x320000xi32, #tpu.memory_space<hbm>>
      %dma_wait3A_641 = tpu.memref_squeeze %dma_wait3A_640 : memref<1x320000xi32, #tpu.memory_space<hbm>> -> memref<320000xi32, #tpu.memory_space<hbm>>
      %dma_wait3A_642 = arith.constant 0 : i32
      %dma_wait3A_643 = tpu.memref_slice %dma_wait3A_641[%dma_wait3A_642] : memref<320000xi32, #tpu.memory_space<hbm>> -> memref<80xi32, #tpu.memory_space<hbm>>
      tpu.wait_dma2 semaphore(%arg28 : memref<!tpu.dma_semaphore, #tpu.memory_space<semaphore_mem>>) src(%dma_wait3A_643 : memref<80xi32, #tpu.memory_space<hbm>>) dst(%arg15 : memref<80xi32, #tpu.memory_space<vmem>>)
      %dma_start3A_644 = arith.constant 0 : i32
      %dma_start3A_645 = arith.constant 0 : i32
      %dma_start3A_646 = tpu.memref_slice %arg3[%dma_start3A_644, %dma_start3A_645] : memref<10000x128xf32, #tpu.memory_space<hbm>> -> memref<10000x128xf32, #tpu.memory_space<hbm>>
      tpu.enqueue_indirect_dma source(%dma_start3A_646 : memref<10000x128xf32, #tpu.memory_space<hbm>>) target(%arg21 : memref<80x128xf32, #tpu.memory_space<vmem>>) offsets(%arg11 : memref<80xi32, #tpu.memory_space<vmem>>) semaphore(%arg30 : memref<!tpu.dma_semaphore, #tpu.memory_space<semaphore_mem>>)
      %dma_start3A_647 = arith.constant 0 : i32
      %dma_start3A_648 = arith.constant 0 : i32
      %dma_start3A_649 = tpu.memref_slice %arg4[%dma_start3A_647, %dma_start3A_648] : memref<10000x16xf32, #tpu.memory_space<hbm>> -> memref<10000x16xf32, #tpu.memory_space<hbm>>
      tpu.enqueue_indirect_dma source(%dma_start3A_649 : memref<10000x16xf32, #tpu.memory_space<hbm>>) target(%arg17 : memref<80x16xf32, #tpu.memory_space<vmem>>) offsets(%arg11 : memref<80xi32, #tpu.memory_space<vmem>>) semaphore(%arg30 : memref<!tpu.dma_semaphore, #tpu.memory_space<semaphore_mem>>)
      %dma_start3A_650 = arith.constant 0 : i32
      %dma_start3A_651 = arith.constant 0 : i32
      %dma_start3A_652 = tpu.memref_slice %arg5[%dma_start3A_650, %dma_start3A_651] : memref<10000x16xf32, #tpu.memory_space<hbm>> -> memref<10000x16xf32, #tpu.memory_space<hbm>>
      tpu.enqueue_indirect_dma source(%dma_start3A_652 : memref<10000x16xf32, #tpu.memory_space<hbm>>) target(%arg19 : memref<80x16xf32, #tpu.memory_space<vmem>>) offsets(%arg15 : memref<80xi32, #tpu.memory_space<vmem>>) semaphore(%arg30 : memref<!tpu.dma_semaphore, #tpu.memory_space<semaphore_mem>>)
      %parallel_loop3A_653 = arith.constant 0 : i32
      %parallel_loop3A_654 = arith.constant 80 : i32
      %parallel_loop3A_655 = arith.constant 1 : i32
      scf.for %parallel_loop3A_760 = %parallel_loop3A_653 to %parallel_loop3A_654 step %parallel_loop3A_655  : i32 {
        %parallel_loop3A_761 = arith.index_cast %parallel_loop3A_760 : i32 to index
        %parallel_loop3A_762 = arith.constant 0 : index
        %parallel_loop3A_763 = tpu.vector_load %arg16[%parallel_loop3A_761, %parallel_loop3A_762] {strides = array<i32>} : memref<80x16xf32, #tpu.memory_space<vmem>>, vector<1x16xf32>,
        %parallel_loop3A_764 = vector.shape_cast %parallel_loop3A_763 : vector<1x16xf32> to vector<16xf32>
        %parallel_loop3A_765 = arith.index_cast %parallel_loop3A_760 : i32 to index
        %parallel_loop3A_766 = arith.constant 0 : index
        %parallel_loop3A_767 = tpu.vector_load %arg18[%parallel_loop3A_765, %parallel_loop3A_766] {strides = array<i32>} : memref<80x16xf32, #tpu.memory_space<vmem>>, vector<1x16xf32>,
        %parallel_loop3A_768 = vector.shape_cast %parallel_loop3A_767 : vector<1x16xf32> to vector<16xf32>
        %parallel_loop3A_769 = arith.addf %parallel_loop3A_764, %parallel_loop3A_768 : vector<16xf32>
        %parallel_loop3A_770 = arith.constant 2.000000e-01 : f32
        %parallel_loop3A_771 = vector.broadcast %parallel_loop3A_770 : f32 to vector<16xf32>
        %parallel_loop3A_772 = arith.mulf %parallel_loop3A_771, %parallel_loop3A_769 : vector<16xf32>
        %parallel_loop3A_773 = arith.maximumf %parallel_loop3A_769, %parallel_loop3A_772 : vector<16xf32>
        %parallel_loop3A_774 = math.exp %parallel_loop3A_773 : vector<16xf32>
        %parallel_loop3A_775 = arith.index_cast %parallel_loop3A_760 : i32 to index
        %parallel_loop3A_776 = arith.constant 0 : index
        %parallel_loop3A_777 = tpu.vector_load %arg22[%parallel_loop3A_775, %parallel_loop3A_776] {strides = array<i32>} : memref<80x16xf32, #tpu.memory_space<vmem>>, vector<1x16xf32>,
        %parallel_loop3A_778 = vector.shape_cast %parallel_loop3A_777 : vector<1x16xf32> to vector<16xf32>
        %parallel_loop3A_779 = vector.shape_cast %parallel_loop3A_774 : vector<16xf32> to vector<1x16xf32>
        tpu.vector_store %arg22[%parallel_loop3A_775, %parallel_loop3A_776], %parallel_loop3A_779 {strides = array<i32>} : memref<80x16xf32, #tpu.memory_space<vmem>>, vector<1x16xf32>,
        %parallel_loop3A_780 = arith.constant 0 : i32
        %parallel_loop3A_781 = vector.broadcast %parallel_loop3A_780 : i32 to vector<16x1xi32>
        %parallel_loop3A_782 = vector.shape_cast %parallel_loop3A_781 : vector<16x1xi32> to vector<16xi32>
        %parallel_loop3A_783 = tpu.dynamic_gather %parallel_loop3A_774[%parallel_loop3A_782] in [0] : vector<16xf32>, vector<16xi32> -> vector<16xf32>
        %parallel_loop3A_784 = arith.index_cast %parallel_loop3A_760 : i32 to index
        %parallel_loop3A_785 = arith.constant 0 : index
        %parallel_loop3A_786 = tpu.vector_load %arg20[%parallel_loop3A_784, %parallel_loop3A_785] {strides = array<i32>} : memref<80x128xf32, #tpu.memory_space<vmem>>, vector<1x16xf32>,
        %parallel_loop3A_787 = vector.shape_cast %parallel_loop3A_786 : vector<1x16xf32> to vector<16xf32>
        %parallel_loop3A_788 = arith.mulf %parallel_loop3A_787, %parallel_loop3A_783 : vector<16xf32>
        %parallel_loop3A_789 = arith.index_cast %parallel_loop3A_760 : i32 to index
        %parallel_loop3A_790 = arith.constant 0 : index
        %parallel_loop3A_791 = tpu.vector_load %arg20[%parallel_loop3A_789, %parallel_loop3A_790] {strides = array<i32>} : memref<80x128xf32, #tpu.memory_space<vmem>>, vector<1x16xf32>,
        %parallel_loop3A_792 = vector.shape_cast %parallel_loop3A_791 : vector<1x16xf32> to vector<16xf32>
        %parallel_loop3A_793 = vector.shape_cast %parallel_loop3A_788 : vector<16xf32> to vector<1x16xf32>
        tpu.vector_store %arg20[%parallel_loop3A_789, %parallel_loop3A_790], %parallel_loop3A_793 {strides = array<i32>} : memref<80x128xf32, #tpu.memory_space<vmem>>, vector<1x16xf32>,
        %parallel_loop3A_794 = arith.constant 0 : i32
        %parallel_loop3A_795 = vector.broadcast %parallel_loop3A_794 : i32 to vector<16x1xi32>
        %parallel_loop3A_796 = vector.shape_cast %parallel_loop3A_795 : vector<16x1xi32> to vector<16xi32>
        %parallel_loop3A_797 = tpu.dynamic_gather %parallel_loop3A_774[%parallel_loop3A_796] in [0] : vector<16xf32>, vector<16xi32> -> vector<16xf32>
        %parallel_loop3A_798 = arith.index_cast %parallel_loop3A_760 : i32 to index
        %parallel_loop3A_799 = arith.constant 16 : index
        %parallel_loop3A_800 = tpu.vector_load %arg20[%parallel_loop3A_798, %parallel_loop3A_799] {strides = array<i32>} : memref<80x128xf32, #tpu.memory_space<vmem>>, vector<1x16xf32>,
        %parallel_loop3A_801 = vector.shape_cast %parallel_loop3A_800 : vector<1x16xf32> to vector<16xf32>
        %parallel_loop3A_802 = arith.mulf %parallel_loop3A_801, %parallel_loop3A_797 : vector<16xf32>
        %parallel_loop3A_803 = arith.index_cast %parallel_loop3A_760 : i32 to index
        %parallel_loop3A_804 = arith.constant 16 : index
        %parallel_loop3A_805 = tpu.vector_load %arg20[%parallel_loop3A_803, %parallel_loop3A_804] {strides = array<i32>} : memref<80x128xf32, #tpu.memory_space<vmem>>, vector<1x16xf32>,
        %parallel_loop3A_806 = vector.shape_cast %parallel_loop3A_805 : vector<1x16xf32> to vector<16xf32>
        %parallel_loop3A_807 = vector.shape_cast %parallel_loop3A_802 : vector<16xf32> to vector<1x16xf32>
        tpu.vector_store %arg20[%parallel_loop3A_803, %parallel_loop3A_804], %parallel_loop3A_807 {strides = array<i32>} : memref<80x128xf32, #tpu.memory_space<vmem>>, vector<1x16xf32>,
        %parallel_loop3A_808 = arith.constant 1 : i32
        %parallel_loop3A_809 = vector.broadcast %parallel_loop3A_808 : i32 to vector<16x1xi32>
        %parallel_loop3A_810 = vector.shape_cast %parallel_loop3A_809 : vector<16x1xi32> to vector<16xi32>
        %parallel_loop3A_811 = tpu.dynamic_gather %parallel_loop3A_774[%parallel_loop3A_810] in [0] : vector<16xf32>, vector<16xi32> -> vector<16xf32>
        %parallel_loop3A_812 = arith.index_cast %parallel_loop3A_760 : i32 to index
        %parallel_loop3A_813 = arith.constant 32 : index
        %parallel_loop3A_814 = tpu.vector_load %arg20[%parallel_loop3A_812, %parallel_loop3A_813] {strides = array<i32>} : memref<80x128xf32, #tpu.memory_space<vmem>>, vector<1x16xf32>,
        %parallel_loop3A_815 = vector.shape_cast %parallel_loop3A_814 : vector<1x16xf32> to vector<16xf32>
        %parallel_loop3A_816 = arith.mulf %parallel_loop3A_815, %parallel_loop3A_811 : vector<16xf32>
        %parallel_loop3A_817 = arith.index_cast %parallel_loop3A_760 : i32 to index
        %parallel_loop3A_818 = arith.constant 32 : index
        %parallel_loop3A_819 = tpu.vector_load %arg20[%parallel_loop3A_817, %parallel_loop3A_818] {strides = array<i32>} : memref<80x128xf32, #tpu.memory_space<vmem>>, vector<1x16xf32>,
        %parallel_loop3A_820 = vector.shape_cast %parallel_loop3A_819 : vector<1x16xf32> to vector<16xf32>
        %parallel_loop3A_821 = vector.shape_cast %parallel_loop3A_816 : vector<16xf32> to vector<1x16xf32>
        tpu.vector_store %arg20[%parallel_loop3A_817, %parallel_loop3A_818], %parallel_loop3A_821 {strides = array<i32>} : memref<80x128xf32, #tpu.memory_space<vmem>>, vector<1x16xf32>,
        %parallel_loop3A_822 = arith.constant 1 : i32
        %parallel_loop3A_823 = vector.broadcast %parallel_loop3A_822 : i32 to vector<16x1xi32>
        %parallel_loop3A_824 = vector.shape_cast %parallel_loop3A_823 : vector<16x1xi32> to vector<16xi32>
        %parallel_loop3A_825 = tpu.dynamic_gather %parallel_loop3A_774[%parallel_loop3A_824] in [0] : vector<16xf32>, vector<16xi32> -> vector<16xf32>
        %parallel_loop3A_826 = arith.index_cast %parallel_loop3A_760 : i32 to index
        %parallel_loop3A_827 = arith.constant 48 : index
        %parallel_loop3A_828 = tpu.vector_load %arg20[%parallel_loop3A_826, %parallel_loop3A_827] {strides = array<i32>} : memref<80x128xf32, #tpu.memory_space<vmem>>, vector<1x16xf32>,
        %parallel_loop3A_829 = vector.shape_cast %parallel_loop3A_828 : vector<1x16xf32> to vector<16xf32>
        %parallel_loop3A_830 = arith.mulf %parallel_loop3A_829, %parallel_loop3A_825 : vector<16xf32>
        %parallel_loop3A_831 = arith.index_cast %parallel_loop3A_760 : i32 to index
        %parallel_loop3A_832 = arith.constant 48 : index
        %parallel_loop3A_833 = tpu.vector_load %arg20[%parallel_loop3A_831, %parallel_loop3A_832] {strides = array<i32>} : memref<80x128xf32, #tpu.memory_space<vmem>>, vector<1x16xf32>,
        %parallel_loop3A_834 = vector.shape_cast %parallel_loop3A_833 : vector<1x16xf32> to vector<16xf32>
        %parallel_loop3A_835 = vector.shape_cast %parallel_loop3A_830 : vector<16xf32> to vector<1x16xf32>
        tpu.vector_store %arg20[%parallel_loop3A_831, %parallel_loop3A_832], %parallel_loop3A_835 {strides = array<i32>} : memref<80x128xf32, #tpu.memory_space<vmem>>, vector<1x16xf32>,
        %parallel_loop3A_836 = arith.constant 2 : i32
        %parallel_loop3A_837 = vector.broadcast %parallel_loop3A_836 : i32 to vector<16x1xi32>
        %parallel_loop3A_838 = vector.shape_cast %parallel_loop3A_837 : vector<16x1xi32> to vector<16xi32>
        %parallel_loop3A_839 = tpu.dynamic_gather %parallel_loop3A_774[%parallel_loop3A_838] in [0] : vector<16xf32>, vector<16xi32> -> vector<16xf32>
        %parallel_loop3A_840 = arith.index_cast %parallel_loop3A_760 : i32 to index
        %parallel_loop3A_841 = arith.constant 64 : index
        %parallel_loop3A_842 = tpu.vector_load %arg20[%parallel_loop3A_840, %parallel_loop3A_841] {strides = array<i32>} : memref<80x128xf32, #tpu.memory_space<vmem>>, vector<1x16xf32>,
        %parallel_loop3A_843 = vector.shape_cast %parallel_loop3A_842 : vector<1x16xf32> to vector<16xf32>
        %parallel_loop3A_844 = arith.mulf %parallel_loop3A_843, %parallel_loop3A_839 : vector<16xf32>
        %parallel_loop3A_845 = arith.index_cast %parallel_loop3A_760 : i32 to index
        %parallel_loop3A_846 = arith.constant 64 : index
        %parallel_loop3A_847 = tpu.vector_load %arg20[%parallel_loop3A_845, %parallel_loop3A_846] {strides = array<i32>} : memref<80x128xf32, #tpu.memory_space<vmem>>, vector<1x16xf32>,
        %parallel_loop3A_848 = vector.shape_cast %parallel_loop3A_847 : vector<1x16xf32> to vector<16xf32>
        %parallel_loop3A_849 = vector.shape_cast %parallel_loop3A_844 : vector<16xf32> to vector<1x16xf32>
        tpu.vector_store %arg20[%parallel_loop3A_845, %parallel_loop3A_846], %parallel_loop3A_849 {strides = array<i32>} : memref<80x128xf32, #tpu.memory_space<vmem>>, vector<1x16xf32>,
        %parallel_loop3A_850 = arith.constant 2 : i32
        %parallel_loop3A_851 = vector.broadcast %parallel_loop3A_850 : i32 to vector<16x1xi32>
        %parallel_loop3A_852 = vector.shape_cast %parallel_loop3A_851 : vector<16x1xi32> to vector<16xi32>
        %parallel_loop3A_853 = tpu.dynamic_gather %parallel_loop3A_774[%parallel_loop3A_852] in [0] : vector<16xf32>, vector<16xi32> -> vector<16xf32>
        %parallel_loop3A_854 = arith.index_cast %parallel_loop3A_760 : i32 to index
        %parallel_loop3A_855 = arith.constant 80 : index
        %parallel_loop3A_856 = tpu.vector_load %arg20[%parallel_loop3A_854, %parallel_loop3A_855] {strides = array<i32>} : memref<80x128xf32, #tpu.memory_space<vmem>>, vector<1x16xf32>,
        %parallel_loop3A_857 = vector.shape_cast %parallel_loop3A_856 : vector<1x16xf32> to vector<16xf32>
        %parallel_loop3A_858 = arith.mulf %parallel_loop3A_857, %parallel_loop3A_853 : vector<16xf32>
        %parallel_loop3A_859 = arith.index_cast %parallel_loop3A_760 : i32 to index
        %parallel_loop3A_860 = arith.constant 80 : index
        %parallel_loop3A_861 = tpu.vector_load %arg20[%parallel_loop3A_859, %parallel_loop3A_860] {strides = array<i32>} : memref<80x128xf32, #tpu.memory_space<vmem>>, vector<1x16xf32>,
        %parallel_loop3A_862 = vector.shape_cast %parallel_loop3A_861 : vector<1x16xf32> to vector<16xf32>
        %parallel_loop3A_863 = vector.shape_cast %parallel_loop3A_858 : vector<16xf32> to vector<1x16xf32>
        tpu.vector_store %arg20[%parallel_loop3A_859, %parallel_loop3A_860], %parallel_loop3A_863 {strides = array<i32>} : memref<80x128xf32, #tpu.memory_space<vmem>>, vector<1x16xf32>,
        %parallel_loop3A_864 = arith.constant 3 : i32
        %parallel_loop3A_865 = vector.broadcast %parallel_loop3A_864 : i32 to vector<16x1xi32>
        %parallel_loop3A_866 = vector.shape_cast %parallel_loop3A_865 : vector<16x1xi32> to vector<16xi32>
        %parallel_loop3A_867 = tpu.dynamic_gather %parallel_loop3A_774[%parallel_loop3A_866] in [0] : vector<16xf32>, vector<16xi32> -> vector<16xf32>
        %parallel_loop3A_868 = arith.index_cast %parallel_loop3A_760 : i32 to index
        %parallel_loop3A_869 = arith.constant 96 : index
        %parallel_loop3A_870 = tpu.vector_load %arg20[%parallel_loop3A_868, %parallel_loop3A_869] {strides = array<i32>} : memref<80x128xf32, #tpu.memory_space<vmem>>, vector<1x16xf32>,
        %parallel_loop3A_871 = vector.shape_cast %parallel_loop3A_870 : vector<1x16xf32> to vector<16xf32>
        %parallel_loop3A_872 = arith.mulf %parallel_loop3A_871, %parallel_loop3A_867 : vector<16xf32>
        %parallel_loop3A_873 = arith.index_cast %parallel_loop3A_760 : i32 to index
        %parallel_loop3A_874 = arith.constant 96 : index
        %parallel_loop3A_875 = tpu.vector_load %arg20[%parallel_loop3A_873, %parallel_loop3A_874] {strides = array<i32>} : memref<80x128xf32, #tpu.memory_space<vmem>>, vector<1x16xf32>,
        %parallel_loop3A_876 = vector.shape_cast %parallel_loop3A_875 : vector<1x16xf32> to vector<16xf32>
        %parallel_loop3A_877 = vector.shape_cast %parallel_loop3A_872 : vector<16xf32> to vector<1x16xf32>
        tpu.vector_store %arg20[%parallel_loop3A_873, %parallel_loop3A_874], %parallel_loop3A_877 {strides = array<i32>} : memref<80x128xf32, #tpu.memory_space<vmem>>, vector<1x16xf32>,
        %parallel_loop3A_878 = arith.constant 3 : i32
        %parallel_loop3A_879 = vector.broadcast %parallel_loop3A_878 : i32 to vector<16x1xi32>
        %parallel_loop3A_880 = vector.shape_cast %parallel_loop3A_879 : vector<16x1xi32> to vector<16xi32>
        %parallel_loop3A_881 = tpu.dynamic_gather %parallel_loop3A_774[%parallel_loop3A_880] in [0] : vector<16xf32>, vector<16xi32> -> vector<16xf32>
        %parallel_loop3A_882 = arith.index_cast %parallel_loop3A_760 : i32 to index
        %parallel_loop3A_883 = arith.constant 112 : index
        %parallel_loop3A_884 = tpu.vector_load %arg20[%parallel_loop3A_882, %parallel_loop3A_883] {strides = array<i32>} : memref<80x128xf32, #tpu.memory_space<vmem>>, vector<1x16xf32>,
        %parallel_loop3A_885 = vector.shape_cast %parallel_loop3A_884 : vector<1x16xf32> to vector<16xf32>
        %parallel_loop3A_886 = arith.mulf %parallel_loop3A_885, %parallel_loop3A_881 : vector<16xf32>
        %parallel_loop3A_887 = arith.index_cast %parallel_loop3A_760 : i32 to index
        %parallel_loop3A_888 = arith.constant 112 : index
        %parallel_loop3A_889 = tpu.vector_load %arg20[%parallel_loop3A_887, %parallel_loop3A_888] {strides = array<i32>} : memref<80x128xf32, #tpu.memory_space<vmem>>, vector<1x16xf32>,
        %parallel_loop3A_890 = vector.shape_cast %parallel_loop3A_889 : vector<1x16xf32> to vector<16xf32>
        %parallel_loop3A_891 = vector.shape_cast %parallel_loop3A_886 : vector<16xf32> to vector<1x16xf32>
        tpu.vector_store %arg20[%parallel_loop3A_887, %parallel_loop3A_888], %parallel_loop3A_891 {strides = array<i32>} : memref<80x128xf32, #tpu.memory_space<vmem>>, vector<1x16xf32>,
      } {sc.loop_unroll_factor = 2 : i64, sc.parallel_access}
      "tpu.region"() ({
        %run_scoped3A = tpu.sem_alloc : memref<!tpu.dma_semaphore, #tpu.memory_space<semaphore_mem>>
        %dma_start3A_760 = arith.constant 0 : i32
        %dma_start3A_761 = arith.constant 0 : i32
        %dma_start3A_762 = tpu.memref_slice %arg24[%dma_start3A_760, %dma_start3A_761] : memref<10240x16xf32, #tpu.memory_space<vmem_shared>> -> memref<10240x16xf32, #tpu.memory_space<vmem_shared>>
        tpu.enqueue_indirect_dma source(%arg22 : memref<80x16xf32, #tpu.memory_space<vmem>>) target(%dma_start3A_762 : memref<10240x16xf32, #tpu.memory_space<vmem_shared>>) offsets(%arg14 : memref<80xi32, #tpu.memory_space<vmem>>) semaphore(%run_scoped3A : memref<!tpu.dma_semaphore, #tpu.memory_space<semaphore_mem>>) {add = true}
        %dma_wait3A_763 = arith.constant 0 : i32
        %dma_wait3A_764 = arith.constant 0 : i32
        %dma_wait3A_765 = tpu.memref_slice %arg24[%dma_wait3A_763, %dma_wait3A_764] : memref<10240x16xf32, #tpu.memory_space<vmem_shared>> -> memref<10240x16xf32, #tpu.memory_space<vmem_shared>>
        tpu.wait_indirect_dma semaphore(%run_scoped3A : memref<!tpu.dma_semaphore, #tpu.memory_space<semaphore_mem>>) src(%arg22 : memref<80x16xf32, #tpu.memory_space<vmem>>) dst(%dma_wait3A_765 : memref<10240x16xf32, #tpu.memory_space<vmem_shared>>)
        tpu.yield
      }) : () -> ()
      %dma_start3A_656 = arith.constant 0 : i32
      %dma_start3A_657 = arith.constant 0 : i32
      %dma_start3A_658 = tpu.memref_slice %arg23[%dma_start3A_656, %dma_start3A_657] : memref<10240x128xf32, #tpu.memory_space<vmem_shared>> -> memref<10240x128xf32, #tpu.memory_space<vmem_shared>>
      tpu.enqueue_indirect_dma source(%arg20 : memref<80x128xf32, #tpu.memory_space<vmem>>) target(%dma_start3A_658 : memref<10240x128xf32, #tpu.memory_space<vmem_shared>>) offsets(%arg14 : memref<80xi32, #tpu.memory_space<vmem>>) semaphore(%arg31 : memref<!tpu.dma_semaphore, #tpu.memory_space<semaphore_mem>>) {add = true}
      %add3A_659 = arith.constant 2 : i32
      %add3A_660 = arith.addi %add3A_609, %add3A_659 : i32
      %mul3A_661 = arith.constant 10000 : i32
      %mul3A_662 = arith.muli %add3A, %mul3A_661 : i32
      %mul3A_663 = arith.constant 80 : i32
      %mul3A_664 = arith.muli %add3A_660, %mul3A_663 : i32
      %add3A_665 = arith.addi %mul3A_662, %mul3A_664 : i32
      %dma_start3A_666 = arith.constant 0 : i32
      %dma_start3A_667 = arith.constant 0 : i32
      %dma_start3A_668 = tpu.memref_slice %arg2[%dma_start3A_666, %dma_start3A_667] : memref<2x320000xi32, #tpu.memory_space<hbm>> -> memref<1x320000xi32, #tpu.memory_space<hbm>>
      %dma_start3A_669 = tpu.memref_squeeze %dma_start3A_668 : memref<1x320000xi32, #tpu.memory_space<hbm>> -> memref<320000xi32, #tpu.memory_space<hbm>>
      %dma_start3A_670 = tpu.memref_slice %dma_start3A_669[%add3A_665] : memref<320000xi32, #tpu.memory_space<hbm>> -> memref<80xi32, #tpu.memory_space<hbm>>
      %dma_start3A_671 = arith.constant 0 : i32
      %dma_start3A_672 = tpu.memref_slice %arg2[%dma_start3A_666, %dma_start3A_671] : memref<2x320000xi32, #tpu.memory_space<hbm>> -> memref<1x320000xi32, #tpu.memory_space<hbm>>
      %dma_start3A_673 = tpu.memref_squeeze %dma_start3A_672 : memref<1x320000xi32, #tpu.memory_space<hbm>> -> memref<320000xi32, #tpu.memory_space<hbm>>
      %dma_start3A_674 = tpu.memref_slice %dma_start3A_673[%add3A_665] : memref<320000xi32, #tpu.memory_space<hbm>> -> memref<80xi32, #tpu.memory_space<hbm>>
      tpu.enqueue_dma source(%dma_start3A_674 : memref<80xi32, #tpu.memory_space<hbm>>) target(%arg8 : memref<80xi32, #tpu.memory_space<vmem>>) target_semaphore(%arg25 : memref<!tpu.dma_semaphore, #tpu.memory_space<semaphore_mem>>)
      %dma_start3A_675 = arith.constant 1 : i32
      %dma_start3A_676 = arith.constant 0 : i32
      %dma_start3A_677 = tpu.memref_slice %arg2[%dma_start3A_675, %dma_start3A_676] : memref<2x320000xi32, #tpu.memory_space<hbm>> -> memref<1x320000xi32, #tpu.memory_space<hbm>>
      %dma_start3A_678 = tpu.memref_squeeze %dma_start3A_677 : memref<1x320000xi32, #tpu.memory_space<hbm>> -> memref<320000xi32, #tpu.memory_space<hbm>>
      %dma_start3A_679 = tpu.memref_slice %dma_start3A_678[%add3A_665] : memref<320000xi32, #tpu.memory_space<hbm>> -> memref<80xi32, #tpu.memory_space<hbm>>
      %dma_start3A_680 = arith.constant 0 : i32
      %dma_start3A_681 = tpu.memref_slice %arg2[%dma_start3A_675, %dma_start3A_680] : memref<2x320000xi32, #tpu.memory_space<hbm>> -> memref<1x320000xi32, #tpu.memory_space<hbm>>
      %dma_start3A_682 = tpu.memref_squeeze %dma_start3A_681 : memref<1x320000xi32, #tpu.memory_space<hbm>> -> memref<320000xi32, #tpu.memory_space<hbm>>
      %dma_start3A_683 = tpu.memref_slice %dma_start3A_682[%add3A_665] : memref<320000xi32, #tpu.memory_space<hbm>> -> memref<80xi32, #tpu.memory_space<hbm>>
      tpu.enqueue_dma source(%dma_start3A_683 : memref<80xi32, #tpu.memory_space<hbm>>) target(%arg12 : memref<80xi32, #tpu.memory_space<vmem>>) target_semaphore(%arg25 : memref<!tpu.dma_semaphore, #tpu.memory_space<semaphore_mem>>)
      %add3A_684 = arith.constant 3 : i32
      %add3A_685 = arith.addi %mul3A_455, %add3A_684 : i32
      %dma_wait3A_686 = arith.constant 0 : i32
      %dma_wait3A_687 = arith.constant 0 : i32
      %dma_wait3A_688 = tpu.memref_slice %arg3[%dma_wait3A_686, %dma_wait3A_687] : memref<10000x128xf32, #tpu.memory_space<hbm>> -> memref<10000x128xf32, #tpu.memory_space<hbm>>
      tpu.wait_indirect_dma semaphore(%arg30 : memref<!tpu.dma_semaphore, #tpu.memory_space<semaphore_mem>>) src(%dma_wait3A_688 : memref<10000x128xf32, #tpu.memory_space<hbm>>) dst(%arg21 : memref<80x128xf32, #tpu.memory_space<vmem>>)
      %dma_wait3A_689 = arith.constant 0 : i32
      %dma_wait3A_690 = arith.constant 0 : i32
      %dma_wait3A_691 = tpu.memref_slice %arg4[%dma_wait3A_689, %dma_wait3A_690] : memref<10000x16xf32, #tpu.memory_space<hbm>> -> memref<10000x16xf32, #tpu.memory_space<hbm>>
      tpu.wait_indirect_dma semaphore(%arg30 : memref<!tpu.dma_semaphore, #tpu.memory_space<semaphore_mem>>) src(%dma_wait3A_691 : memref<10000x16xf32, #tpu.memory_space<hbm>>) dst(%arg17 : memref<80x16xf32, #tpu.memory_space<vmem>>)
      %dma_wait3A_692 = arith.constant 0 : i32
      %dma_wait3A_693 = arith.constant 0 : i32
      %dma_wait3A_694 = tpu.memref_slice %arg5[%dma_wait3A_692, %dma_wait3A_693] : memref<10000x16xf32, #tpu.memory_space<hbm>> -> memref<10000x16xf32, #tpu.memory_space<hbm>>
      tpu.wait_indirect_dma semaphore(%arg30 : memref<!tpu.dma_semaphore, #tpu.memory_space<semaphore_mem>>) src(%dma_wait3A_694 : memref<10000x16xf32, #tpu.memory_space<hbm>>) dst(%arg19 : memref<80x16xf32, #tpu.memory_space<vmem>>)
      %dma_wait3A_695 = arith.constant 0 : i32
      %dma_wait3A_696 = arith.constant 0 : i32
      %dma_wait3A_697 = tpu.memref_slice %arg23[%dma_wait3A_695, %dma_wait3A_696] : memref<10240x128xf32, #tpu.memory_space<vmem_shared>> -> memref<10240x128xf32, #tpu.memory_space<vmem_shared>>
      tpu.wait_indirect_dma semaphore(%arg31 : memref<!tpu.dma_semaphore, #tpu.memory_space<semaphore_mem>>) src(%arg20 : memref<80x128xf32, #tpu.memory_space<vmem>>) dst(%dma_wait3A_697 : memref<10240x128xf32, #tpu.memory_space<vmem_shared>>)
      %dma_wait3A_698 = arith.constant 0 : i32
      %dma_wait3A_699 = arith.constant 0 : i32
      %dma_wait3A_700 = tpu.memref_slice %arg2[%dma_wait3A_698, %dma_wait3A_699] : memref<2x320000xi32, #tpu.memory_space<hbm>> -> memref<1x320000xi32, #tpu.memory_space<hbm>>
      %dma_wait3A_701 = tpu.memref_squeeze %dma_wait3A_700 : memref<1x320000xi32, #tpu.memory_space<hbm>> -> memref<320000xi32, #tpu.memory_space<hbm>>
      %dma_wait3A_702 = arith.constant 0 : i32
      %dma_wait3A_703 = tpu.memref_slice %dma_wait3A_701[%dma_wait3A_702] : memref<320000xi32, #tpu.memory_space<hbm>> -> memref<80xi32, #tpu.memory_space<hbm>>
      %dma_wait3A_704 = arith.constant 0 : i32
      %dma_wait3A_705 = tpu.memref_slice %arg2[%dma_wait3A_698, %dma_wait3A_704] : memref<2x320000xi32, #tpu.memory_space<hbm>> -> memref<1x320000xi32, #tpu.memory_space<hbm>>
      %dma_wait3A_706 = tpu.memref_squeeze %dma_wait3A_705 : memref<1x320000xi32, #tpu.memory_space<hbm>> -> memref<320000xi32, #tpu.memory_space<hbm>>
      %dma_wait3A_707 = arith.constant 0 : i32
      %dma_wait3A_708 = tpu.memref_slice %dma_wait3A_706[%dma_wait3A_707] : memref<320000xi32, #tpu.memory_space<hbm>> -> memref<80xi32, #tpu.memory_space<hbm>>
      tpu.wait_dma2 semaphore(%arg25 : memref<!tpu.dma_semaphore, #tpu.memory_space<semaphore_mem>>) src(%dma_wait3A_708 : memref<80xi32, #tpu.memory_space<hbm>>) dst(%arg8 : memref<80xi32, #tpu.memory_space<vmem>>)
      %dma_wait3A_709 = arith.constant 1 : i32
      %dma_wait3A_710 = arith.constant 0 : i32
      %dma_wait3A_711 = tpu.memref_slice %arg2[%dma_wait3A_709, %dma_wait3A_710] : memref<2x320000xi32, #tpu.memory_space<hbm>> -> memref<1x320000xi32, #tpu.memory_space<hbm>>
      %dma_wait3A_712 = tpu.memref_squeeze %dma_wait3A_711 : memref<1x320000xi32, #tpu.memory_space<hbm>> -> memref<320000xi32, #tpu.memory_space<hbm>>
      %dma_wait3A_713 = arith.constant 0 : i32
      %dma_wait3A_714 = tpu.memref_slice %dma_wait3A_712[%dma_wait3A_713] : memref<320000xi32, #tpu.memory_space<hbm>> -> memref<80xi32, #tpu.memory_space<hbm>>
      %dma_wait3A_715 = arith.constant 0 : i32
      %dma_wait3A_716 = tpu.memref_slice %arg2[%dma_wait3A_709, %dma_wait3A_715] : memref<2x320000xi32, #tpu.memory_space<hbm>> -> memref<1x320000xi32, #tpu.memory_space<hbm>>
      %dma_wait3A_717 = tpu.memref_squeeze %dma_wait3A_716 : memref<1x320000xi32, #tpu.memory_space<hbm>> -> memref<320000xi32, #tpu.memory_space<hbm>>
      %dma_wait3A_718 = arith.constant 0 : i32
      %dma_wait3A_719 = tpu.memref_slice %dma_wait3A_717[%dma_wait3A_718] : memref<320000xi32, #tpu.memory_space<hbm>> -> memref<80xi32, #tpu.memory_space<hbm>>
      tpu.wait_dma2 semaphore(%arg25 : memref<!tpu.dma_semaphore, #tpu.memory_space<semaphore_mem>>) src(%dma_wait3A_719 : memref<80xi32, #tpu.memory_space<hbm>>) dst(%arg12 : memref<80xi32, #tpu.memory_space<vmem>>)
      %dma_start3A_720 = arith.constant 0 : i32
      %dma_start3A_721 = arith.constant 0 : i32
      %dma_start3A_722 = tpu.memref_slice %arg3[%dma_start3A_720, %dma_start3A_721] : memref<10000x128xf32, #tpu.memory_space<hbm>> -> memref<10000x128xf32, #tpu.memory_space<hbm>>
      tpu.enqueue_indirect_dma source(%dma_start3A_722 : memref<10000x128xf32, #tpu.memory_space<hbm>>) target(%arg20 : memref<80x128xf32, #tpu.memory_space<vmem>>) offsets(%arg8 : memref<80xi32, #tpu.memory_space<vmem>>) semaphore(%arg29 : memref<!tpu.dma_semaphore, #tpu.memory_space<semaphore_mem>>)
      %dma_start3A_723 = arith.constant 0 : i32
      %dma_start3A_724 = arith.constant 0 : i32
      %dma_start3A_725 = tpu.memref_slice %arg4[%dma_start3A_723, %dma_start3A_724] : memref<10000x16xf32, #tpu.memory_space<hbm>> -> memref<10000x16xf32, #tpu.memory_space<hbm>>
      tpu.enqueue_indirect_dma source(%dma_start3A_725 : memref<10000x16xf32, #tpu.memory_space<hbm>>) target(%arg16 : memref<80x16xf32, #tpu.memory_space<vmem>>) offsets(%arg8 : memref<80xi32, #tpu.memory_space<vmem>>) semaphore(%arg29 : memref<!tpu.dma_semaphore, #tpu.memory_space<semaphore_mem>>)
      %dma_start3A_726 = arith.constant 0 : i32
      %dma_start3A_727 = arith.constant 0 : i32
      %dma_start3A_728 = tpu.memref_slice %arg5[%dma_start3A_726, %dma_start3A_727] : memref<10000x16xf32, #tpu.memory_space<hbm>> -> memref<10000x16xf32, #tpu.memory_space<hbm>>
      tpu.enqueue_indirect_dma source(%dma_start3A_728 : memref<10000x16xf32, #tpu.memory_space<hbm>>) target(%arg18 : memref<80x16xf32, #tpu.memory_space<vmem>>) offsets(%arg12 : memref<80xi32, #tpu.memory_space<vmem>>) semaphore(%arg29 : memref<!tpu.dma_semaphore, #tpu.memory_space<semaphore_mem>>)
      %parallel_loop3A_729 = arith.constant 0 : i32
      %parallel_loop3A_730 = arith.constant 80 : i32
      %parallel_loop3A_731 = arith.constant 1 : i32
      scf.for %parallel_loop3A_760 = %parallel_loop3A_729 to %parallel_loop3A_730 step %parallel_loop3A_731  : i32 {
        %parallel_loop3A_761 = arith.index_cast %parallel_loop3A_760 : i32 to index
        %parallel_loop3A_762 = arith.constant 0 : index
        %parallel_loop3A_763 = tpu.vector_load %arg17[%parallel_loop3A_761, %parallel_loop3A_762] {strides = array<i32>} : memref<80x16xf32, #tpu.memory_space<vmem>>, vector<1x16xf32>,
        %parallel_loop3A_764 = vector.shape_cast %parallel_loop3A_763 : vector<1x16xf32> to vector<16xf32>
        %parallel_loop3A_765 = arith.index_cast %parallel_loop3A_760 : i32 to index
        %parallel_loop3A_766 = arith.constant 0 : index
        %parallel_loop3A_767 = tpu.vector_load %arg19[%parallel_loop3A_765, %parallel_loop3A_766] {strides = array<i32>} : memref<80x16xf32, #tpu.memory_space<vmem>>, vector<1x16xf32>,
        %parallel_loop3A_768 = vector.shape_cast %parallel_loop3A_767 : vector<1x16xf32> to vector<16xf32>
        %parallel_loop3A_769 = arith.addf %parallel_loop3A_764, %parallel_loop3A_768 : vector<16xf32>
        %parallel_loop3A_770 = arith.constant 2.000000e-01 : f32
        %parallel_loop3A_771 = vector.broadcast %parallel_loop3A_770 : f32 to vector<16xf32>
        %parallel_loop3A_772 = arith.mulf %parallel_loop3A_771, %parallel_loop3A_769 : vector<16xf32>
        %parallel_loop3A_773 = arith.maximumf %parallel_loop3A_769, %parallel_loop3A_772 : vector<16xf32>
        %parallel_loop3A_774 = math.exp %parallel_loop3A_773 : vector<16xf32>
        %parallel_loop3A_775 = arith.index_cast %parallel_loop3A_760 : i32 to index
        %parallel_loop3A_776 = arith.constant 0 : index
        %parallel_loop3A_777 = tpu.vector_load %arg22[%parallel_loop3A_775, %parallel_loop3A_776] {strides = array<i32>} : memref<80x16xf32, #tpu.memory_space<vmem>>, vector<1x16xf32>,
        %parallel_loop3A_778 = vector.shape_cast %parallel_loop3A_777 : vector<1x16xf32> to vector<16xf32>
        %parallel_loop3A_779 = vector.shape_cast %parallel_loop3A_774 : vector<16xf32> to vector<1x16xf32>
        tpu.vector_store %arg22[%parallel_loop3A_775, %parallel_loop3A_776], %parallel_loop3A_779 {strides = array<i32>} : memref<80x16xf32, #tpu.memory_space<vmem>>, vector<1x16xf32>,
        %parallel_loop3A_780 = arith.constant 0 : i32
        %parallel_loop3A_781 = vector.broadcast %parallel_loop3A_780 : i32 to vector<16x1xi32>
        %parallel_loop3A_782 = vector.shape_cast %parallel_loop3A_781 : vector<16x1xi32> to vector<16xi32>
        %parallel_loop3A_783 = tpu.dynamic_gather %parallel_loop3A_774[%parallel_loop3A_782] in [0] : vector<16xf32>, vector<16xi32> -> vector<16xf32>
        %parallel_loop3A_784 = arith.index_cast %parallel_loop3A_760 : i32 to index
        %parallel_loop3A_785 = arith.constant 0 : index
        %parallel_loop3A_786 = tpu.vector_load %arg21[%parallel_loop3A_784, %parallel_loop3A_785] {strides = array<i32>} : memref<80x128xf32, #tpu.memory_space<vmem>>, vector<1x16xf32>,
        %parallel_loop3A_787 = vector.shape_cast %parallel_loop3A_786 : vector<1x16xf32> to vector<16xf32>
        %parallel_loop3A_788 = arith.mulf %parallel_loop3A_787, %parallel_loop3A_783 : vector<16xf32>
        %parallel_loop3A_789 = arith.index_cast %parallel_loop3A_760 : i32 to index
        %parallel_loop3A_790 = arith.constant 0 : index
        %parallel_loop3A_791 = tpu.vector_load %arg21[%parallel_loop3A_789, %parallel_loop3A_790] {strides = array<i32>} : memref<80x128xf32, #tpu.memory_space<vmem>>, vector<1x16xf32>,
        %parallel_loop3A_792 = vector.shape_cast %parallel_loop3A_791 : vector<1x16xf32> to vector<16xf32>
        %parallel_loop3A_793 = vector.shape_cast %parallel_loop3A_788 : vector<16xf32> to vector<1x16xf32>
        tpu.vector_store %arg21[%parallel_loop3A_789, %parallel_loop3A_790], %parallel_loop3A_793 {strides = array<i32>} : memref<80x128xf32, #tpu.memory_space<vmem>>, vector<1x16xf32>,
        %parallel_loop3A_794 = arith.constant 0 : i32
        %parallel_loop3A_795 = vector.broadcast %parallel_loop3A_794 : i32 to vector<16x1xi32>
        %parallel_loop3A_796 = vector.shape_cast %parallel_loop3A_795 : vector<16x1xi32> to vector<16xi32>
        %parallel_loop3A_797 = tpu.dynamic_gather %parallel_loop3A_774[%parallel_loop3A_796] in [0] : vector<16xf32>, vector<16xi32> -> vector<16xf32>
        %parallel_loop3A_798 = arith.index_cast %parallel_loop3A_760 : i32 to index
        %parallel_loop3A_799 = arith.constant 16 : index
        %parallel_loop3A_800 = tpu.vector_load %arg21[%parallel_loop3A_798, %parallel_loop3A_799] {strides = array<i32>} : memref<80x128xf32, #tpu.memory_space<vmem>>, vector<1x16xf32>,
        %parallel_loop3A_801 = vector.shape_cast %parallel_loop3A_800 : vector<1x16xf32> to vector<16xf32>
        %parallel_loop3A_802 = arith.mulf %parallel_loop3A_801, %parallel_loop3A_797 : vector<16xf32>
        %parallel_loop3A_803 = arith.index_cast %parallel_loop3A_760 : i32 to index
        %parallel_loop3A_804 = arith.constant 16 : index
        %parallel_loop3A_805 = tpu.vector_load %arg21[%parallel_loop3A_803, %parallel_loop3A_804] {strides = array<i32>} : memref<80x128xf32, #tpu.memory_space<vmem>>, vector<1x16xf32>,
        %parallel_loop3A_806 = vector.shape_cast %parallel_loop3A_805 : vector<1x16xf32> to vector<16xf32>
        %parallel_loop3A_807 = vector.shape_cast %parallel_loop3A_802 : vector<16xf32> to vector<1x16xf32>
        tpu.vector_store %arg21[%parallel_loop3A_803, %parallel_loop3A_804], %parallel_loop3A_807 {strides = array<i32>} : memref<80x128xf32, #tpu.memory_space<vmem>>, vector<1x16xf32>,
        %parallel_loop3A_808 = arith.constant 1 : i32
        %parallel_loop3A_809 = vector.broadcast %parallel_loop3A_808 : i32 to vector<16x1xi32>
        %parallel_loop3A_810 = vector.shape_cast %parallel_loop3A_809 : vector<16x1xi32> to vector<16xi32>
        %parallel_loop3A_811 = tpu.dynamic_gather %parallel_loop3A_774[%parallel_loop3A_810] in [0] : vector<16xf32>, vector<16xi32> -> vector<16xf32>
        %parallel_loop3A_812 = arith.index_cast %parallel_loop3A_760 : i32 to index
        %parallel_loop3A_813 = arith.constant 32 : index
        %parallel_loop3A_814 = tpu.vector_load %arg21[%parallel_loop3A_812, %parallel_loop3A_813] {strides = array<i32>} : memref<80x128xf32, #tpu.memory_space<vmem>>, vector<1x16xf32>,
        %parallel_loop3A_815 = vector.shape_cast %parallel_loop3A_814 : vector<1x16xf32> to vector<16xf32>
        %parallel_loop3A_816 = arith.mulf %parallel_loop3A_815, %parallel_loop3A_811 : vector<16xf32>
        %parallel_loop3A_817 = arith.index_cast %parallel_loop3A_760 : i32 to index
        %parallel_loop3A_818 = arith.constant 32 : index
        %parallel_loop3A_819 = tpu.vector_load %arg21[%parallel_loop3A_817, %parallel_loop3A_818] {strides = array<i32>} : memref<80x128xf32, #tpu.memory_space<vmem>>, vector<1x16xf32>,
        %parallel_loop3A_820 = vector.shape_cast %parallel_loop3A_819 : vector<1x16xf32> to vector<16xf32>
        %parallel_loop3A_821 = vector.shape_cast %parallel_loop3A_816 : vector<16xf32> to vector<1x16xf32>
        tpu.vector_store %arg21[%parallel_loop3A_817, %parallel_loop3A_818], %parallel_loop3A_821 {strides = array<i32>} : memref<80x128xf32, #tpu.memory_space<vmem>>, vector<1x16xf32>,
        %parallel_loop3A_822 = arith.constant 1 : i32
        %parallel_loop3A_823 = vector.broadcast %parallel_loop3A_822 : i32 to vector<16x1xi32>
        %parallel_loop3A_824 = vector.shape_cast %parallel_loop3A_823 : vector<16x1xi32> to vector<16xi32>
        %parallel_loop3A_825 = tpu.dynamic_gather %parallel_loop3A_774[%parallel_loop3A_824] in [0] : vector<16xf32>, vector<16xi32> -> vector<16xf32>
        %parallel_loop3A_826 = arith.index_cast %parallel_loop3A_760 : i32 to index
        %parallel_loop3A_827 = arith.constant 48 : index
        %parallel_loop3A_828 = tpu.vector_load %arg21[%parallel_loop3A_826, %parallel_loop3A_827] {strides = array<i32>} : memref<80x128xf32, #tpu.memory_space<vmem>>, vector<1x16xf32>,
        %parallel_loop3A_829 = vector.shape_cast %parallel_loop3A_828 : vector<1x16xf32> to vector<16xf32>
        %parallel_loop3A_830 = arith.mulf %parallel_loop3A_829, %parallel_loop3A_825 : vector<16xf32>
        %parallel_loop3A_831 = arith.index_cast %parallel_loop3A_760 : i32 to index
        %parallel_loop3A_832 = arith.constant 48 : index
        %parallel_loop3A_833 = tpu.vector_load %arg21[%parallel_loop3A_831, %parallel_loop3A_832] {strides = array<i32>} : memref<80x128xf32, #tpu.memory_space<vmem>>, vector<1x16xf32>,
        %parallel_loop3A_834 = vector.shape_cast %parallel_loop3A_833 : vector<1x16xf32> to vector<16xf32>
        %parallel_loop3A_835 = vector.shape_cast %parallel_loop3A_830 : vector<16xf32> to vector<1x16xf32>
        tpu.vector_store %arg21[%parallel_loop3A_831, %parallel_loop3A_832], %parallel_loop3A_835 {strides = array<i32>} : memref<80x128xf32, #tpu.memory_space<vmem>>, vector<1x16xf32>,
        %parallel_loop3A_836 = arith.constant 2 : i32
        %parallel_loop3A_837 = vector.broadcast %parallel_loop3A_836 : i32 to vector<16x1xi32>
        %parallel_loop3A_838 = vector.shape_cast %parallel_loop3A_837 : vector<16x1xi32> to vector<16xi32>
        %parallel_loop3A_839 = tpu.dynamic_gather %parallel_loop3A_774[%parallel_loop3A_838] in [0] : vector<16xf32>, vector<16xi32> -> vector<16xf32>
        %parallel_loop3A_840 = arith.index_cast %parallel_loop3A_760 : i32 to index
        %parallel_loop3A_841 = arith.constant 64 : index
        %parallel_loop3A_842 = tpu.vector_load %arg21[%parallel_loop3A_840, %parallel_loop3A_841] {strides = array<i32>} : memref<80x128xf32, #tpu.memory_space<vmem>>, vector<1x16xf32>,
        %parallel_loop3A_843 = vector.shape_cast %parallel_loop3A_842 : vector<1x16xf32> to vector<16xf32>
        %parallel_loop3A_844 = arith.mulf %parallel_loop3A_843, %parallel_loop3A_839 : vector<16xf32>
        %parallel_loop3A_845 = arith.index_cast %parallel_loop3A_760 : i32 to index
        %parallel_loop3A_846 = arith.constant 64 : index
        %parallel_loop3A_847 = tpu.vector_load %arg21[%parallel_loop3A_845, %parallel_loop3A_846] {strides = array<i32>} : memref<80x128xf32, #tpu.memory_space<vmem>>, vector<1x16xf32>,
        %parallel_loop3A_848 = vector.shape_cast %parallel_loop3A_847 : vector<1x16xf32> to vector<16xf32>
        %parallel_loop3A_849 = vector.shape_cast %parallel_loop3A_844 : vector<16xf32> to vector<1x16xf32>
        tpu.vector_store %arg21[%parallel_loop3A_845, %parallel_loop3A_846], %parallel_loop3A_849 {strides = array<i32>} : memref<80x128xf32, #tpu.memory_space<vmem>>, vector<1x16xf32>,
        %parallel_loop3A_850 = arith.constant 2 : i32
        %parallel_loop3A_851 = vector.broadcast %parallel_loop3A_850 : i32 to vector<16x1xi32>
        %parallel_loop3A_852 = vector.shape_cast %parallel_loop3A_851 : vector<16x1xi32> to vector<16xi32>
        %parallel_loop3A_853 = tpu.dynamic_gather %parallel_loop3A_774[%parallel_loop3A_852] in [0] : vector<16xf32>, vector<16xi32> -> vector<16xf32>
        %parallel_loop3A_854 = arith.index_cast %parallel_loop3A_760 : i32 to index
        %parallel_loop3A_855 = arith.constant 80 : index
        %parallel_loop3A_856 = tpu.vector_load %arg21[%parallel_loop3A_854, %parallel_loop3A_855] {strides = array<i32>} : memref<80x128xf32, #tpu.memory_space<vmem>>, vector<1x16xf32>,
        %parallel_loop3A_857 = vector.shape_cast %parallel_loop3A_856 : vector<1x16xf32> to vector<16xf32>
        %parallel_loop3A_858 = arith.mulf %parallel_loop3A_857, %parallel_loop3A_853 : vector<16xf32>
        %parallel_loop3A_859 = arith.index_cast %parallel_loop3A_760 : i32 to index
        %parallel_loop3A_860 = arith.constant 80 : index
        %parallel_loop3A_861 = tpu.vector_load %arg21[%parallel_loop3A_859, %parallel_loop3A_860] {strides = array<i32>} : memref<80x128xf32, #tpu.memory_space<vmem>>, vector<1x16xf32>,
        %parallel_loop3A_862 = vector.shape_cast %parallel_loop3A_861 : vector<1x16xf32> to vector<16xf32>
        %parallel_loop3A_863 = vector.shape_cast %parallel_loop3A_858 : vector<16xf32> to vector<1x16xf32>
        tpu.vector_store %arg21[%parallel_loop3A_859, %parallel_loop3A_860], %parallel_loop3A_863 {strides = array<i32>} : memref<80x128xf32, #tpu.memory_space<vmem>>, vector<1x16xf32>,
        %parallel_loop3A_864 = arith.constant 3 : i32
        %parallel_loop3A_865 = vector.broadcast %parallel_loop3A_864 : i32 to vector<16x1xi32>
        %parallel_loop3A_866 = vector.shape_cast %parallel_loop3A_865 : vector<16x1xi32> to vector<16xi32>
        %parallel_loop3A_867 = tpu.dynamic_gather %parallel_loop3A_774[%parallel_loop3A_866] in [0] : vector<16xf32>, vector<16xi32> -> vector<16xf32>
        %parallel_loop3A_868 = arith.index_cast %parallel_loop3A_760 : i32 to index
        %parallel_loop3A_869 = arith.constant 96 : index
        %parallel_loop3A_870 = tpu.vector_load %arg21[%parallel_loop3A_868, %parallel_loop3A_869] {strides = array<i32>} : memref<80x128xf32, #tpu.memory_space<vmem>>, vector<1x16xf32>,
        %parallel_loop3A_871 = vector.shape_cast %parallel_loop3A_870 : vector<1x16xf32> to vector<16xf32>
        %parallel_loop3A_872 = arith.mulf %parallel_loop3A_871, %parallel_loop3A_867 : vector<16xf32>
        %parallel_loop3A_873 = arith.index_cast %parallel_loop3A_760 : i32 to index
        %parallel_loop3A_874 = arith.constant 96 : index
        %parallel_loop3A_875 = tpu.vector_load %arg21[%parallel_loop3A_873, %parallel_loop3A_874] {strides = array<i32>} : memref<80x128xf32, #tpu.memory_space<vmem>>, vector<1x16xf32>,
        %parallel_loop3A_876 = vector.shape_cast %parallel_loop3A_875 : vector<1x16xf32> to vector<16xf32>
        %parallel_loop3A_877 = vector.shape_cast %parallel_loop3A_872 : vector<16xf32> to vector<1x16xf32>
        tpu.vector_store %arg21[%parallel_loop3A_873, %parallel_loop3A_874], %parallel_loop3A_877 {strides = array<i32>} : memref<80x128xf32, #tpu.memory_space<vmem>>, vector<1x16xf32>,
        %parallel_loop3A_878 = arith.constant 3 : i32
        %parallel_loop3A_879 = vector.broadcast %parallel_loop3A_878 : i32 to vector<16x1xi32>
        %parallel_loop3A_880 = vector.shape_cast %parallel_loop3A_879 : vector<16x1xi32> to vector<16xi32>
        %parallel_loop3A_881 = tpu.dynamic_gather %parallel_loop3A_774[%parallel_loop3A_880] in [0] : vector<16xf32>, vector<16xi32> -> vector<16xf32>
        %parallel_loop3A_882 = arith.index_cast %parallel_loop3A_760 : i32 to index
        %parallel_loop3A_883 = arith.constant 112 : index
        %parallel_loop3A_884 = tpu.vector_load %arg21[%parallel_loop3A_882, %parallel_loop3A_883] {strides = array<i32>} : memref<80x128xf32, #tpu.memory_space<vmem>>, vector<1x16xf32>,
        %parallel_loop3A_885 = vector.shape_cast %parallel_loop3A_884 : vector<1x16xf32> to vector<16xf32>
        %parallel_loop3A_886 = arith.mulf %parallel_loop3A_885, %parallel_loop3A_881 : vector<16xf32>
        %parallel_loop3A_887 = arith.index_cast %parallel_loop3A_760 : i32 to index
        %parallel_loop3A_888 = arith.constant 112 : index
        %parallel_loop3A_889 = tpu.vector_load %arg21[%parallel_loop3A_887, %parallel_loop3A_888] {strides = array<i32>} : memref<80x128xf32, #tpu.memory_space<vmem>>, vector<1x16xf32>,
        %parallel_loop3A_890 = vector.shape_cast %parallel_loop3A_889 : vector<1x16xf32> to vector<16xf32>
        %parallel_loop3A_891 = vector.shape_cast %parallel_loop3A_886 : vector<16xf32> to vector<1x16xf32>
        tpu.vector_store %arg21[%parallel_loop3A_887, %parallel_loop3A_888], %parallel_loop3A_891 {strides = array<i32>} : memref<80x128xf32, #tpu.memory_space<vmem>>, vector<1x16xf32>,
      } {sc.loop_unroll_factor = 2 : i64, sc.parallel_access}
      "tpu.region"() ({
        %run_scoped3A = tpu.sem_alloc : memref<!tpu.dma_semaphore, #tpu.memory_space<semaphore_mem>>
        %dma_start3A_760 = arith.constant 0 : i32
        %dma_start3A_761 = arith.constant 0 : i32
        %dma_start3A_762 = tpu.memref_slice %arg24[%dma_start3A_760, %dma_start3A_761] : memref<10240x16xf32, #tpu.memory_space<vmem_shared>> -> memref<10240x16xf32, #tpu.memory_space<vmem_shared>>
        tpu.enqueue_indirect_dma source(%arg22 : memref<80x16xf32, #tpu.memory_space<vmem>>) target(%dma_start3A_762 : memref<10240x16xf32, #tpu.memory_space<vmem_shared>>) offsets(%arg15 : memref<80xi32, #tpu.memory_space<vmem>>) semaphore(%run_scoped3A : memref<!tpu.dma_semaphore, #tpu.memory_space<semaphore_mem>>) {add = true}
        %dma_wait3A_763 = arith.constant 0 : i32
        %dma_wait3A_764 = arith.constant 0 : i32
        %dma_wait3A_765 = tpu.memref_slice %arg24[%dma_wait3A_763, %dma_wait3A_764] : memref<10240x16xf32, #tpu.memory_space<vmem_shared>> -> memref<10240x16xf32, #tpu.memory_space<vmem_shared>>
        tpu.wait_indirect_dma semaphore(%run_scoped3A : memref<!tpu.dma_semaphore, #tpu.memory_space<semaphore_mem>>) src(%arg22 : memref<80x16xf32, #tpu.memory_space<vmem>>) dst(%dma_wait3A_765 : memref<10240x16xf32, #tpu.memory_space<vmem_shared>>)
        tpu.yield
      }) : () -> ()
      %dma_start3A_732 = arith.constant 0 : i32
      %dma_start3A_733 = arith.constant 0 : i32
      %dma_start3A_734 = tpu.memref_slice %arg23[%dma_start3A_732, %dma_start3A_733] : memref<10240x128xf32, #tpu.memory_space<vmem_shared>> -> memref<10240x128xf32, #tpu.memory_space<vmem_shared>>
      tpu.enqueue_indirect_dma source(%arg21 : memref<80x128xf32, #tpu.memory_space<vmem>>) target(%dma_start3A_734 : memref<10240x128xf32, #tpu.memory_space<vmem_shared>>) offsets(%arg15 : memref<80xi32, #tpu.memory_space<vmem>>) semaphore(%arg32 : memref<!tpu.dma_semaphore, #tpu.memory_space<semaphore_mem>>) {add = true}
      %add3A_735 = arith.constant 2 : i32
      %add3A_736 = arith.addi %add3A_685, %add3A_735 : i32
      %mul3A_737 = arith.constant 10000 : i32
      %mul3A_738 = arith.muli %add3A, %mul3A_737 : i32
      %mul3A_739 = arith.constant 80 : i32
      %mul3A_740 = arith.muli %add3A_736, %mul3A_739 : i32
      %add3A_741 = arith.addi %mul3A_738, %mul3A_740 : i32
      %dma_start3A_742 = arith.constant 0 : i32
      %dma_start3A_743 = arith.constant 0 : i32
      %dma_start3A_744 = tpu.memref_slice %arg2[%dma_start3A_742, %dma_start3A_743] : memref<2x320000xi32, #tpu.memory_space<hbm>> -> memref<1x320000xi32, #tpu.memory_space<hbm>>
      %dma_start3A_745 = tpu.memref_squeeze %dma_start3A_744 : memref<1x320000xi32, #tpu.memory_space<hbm>> -> memref<320000xi32, #tpu.memory_space<hbm>>
      %dma_start3A_746 = tpu.memref_slice %dma_start3A_745[%add3A_741] : memref<320000xi32, #tpu.memory_space<hbm>> -> memref<80xi32, #tpu.memory_space<hbm>>
      %dma_start3A_747 = arith.constant 0 : i32
      %dma_start3A_748 = tpu.memref_slice %arg2[%dma_start3A_742, %dma_start3A_747] : memref<2x320000xi32, #tpu.memory_space<hbm>> -> memref<1x320000xi32, #tpu.memory_space<hbm>>
      %dma_start3A_749 = tpu.memref_squeeze %dma_start3A_748 : memref<1x320000xi32, #tpu.memory_space<hbm>> -> memref<320000xi32, #tpu.memory_space<hbm>>
      %dma_start3A_750 = tpu.memref_slice %dma_start3A_749[%add3A_741] : memref<320000xi32, #tpu.memory_space<hbm>> -> memref<80xi32, #tpu.memory_space<hbm>>
      tpu.enqueue_dma source(%dma_start3A_750 : memref<80xi32, #tpu.memory_space<hbm>>) target(%arg9 : memref<80xi32, #tpu.memory_space<vmem>>) target_semaphore(%arg26 : memref<!tpu.dma_semaphore, #tpu.memory_space<semaphore_mem>>)
      %dma_start3A_751 = arith.constant 1 : i32
      %dma_start3A_752 = arith.constant 0 : i32
      %dma_start3A_753 = tpu.memref_slice %arg2[%dma_start3A_751, %dma_start3A_752] : memref<2x320000xi32, #tpu.memory_space<hbm>> -> memref<1x320000xi32, #tpu.memory_space<hbm>>
      %dma_start3A_754 = tpu.memref_squeeze %dma_start3A_753 : memref<1x320000xi32, #tpu.memory_space<hbm>> -> memref<320000xi32, #tpu.memory_space<hbm>>
      %dma_start3A_755 = tpu.memref_slice %dma_start3A_754[%add3A_741] : memref<320000xi32, #tpu.memory_space<hbm>> -> memref<80xi32, #tpu.memory_space<hbm>>
      %dma_start3A_756 = arith.constant 0 : i32
      %dma_start3A_757 = tpu.memref_slice %arg2[%dma_start3A_751, %dma_start3A_756] : memref<2x320000xi32, #tpu.memory_space<hbm>> -> memref<1x320000xi32, #tpu.memory_space<hbm>>
      %dma_start3A_758 = tpu.memref_squeeze %dma_start3A_757 : memref<1x320000xi32, #tpu.memory_space<hbm>> -> memref<320000xi32, #tpu.memory_space<hbm>>
      %dma_start3A_759 = tpu.memref_slice %dma_start3A_758[%add3A_741] : memref<320000xi32, #tpu.memory_space<hbm>> -> memref<80xi32, #tpu.memory_space<hbm>>
      tpu.enqueue_dma source(%dma_start3A_759 : memref<80xi32, #tpu.memory_space<hbm>>) target(%arg13 : memref<80xi32, #tpu.memory_space<vmem>>) target_semaphore(%arg26 : memref<!tpu.dma_semaphore, #tpu.memory_space<semaphore_mem>>)
    }
    %scan3A_428 = arith.constant 30 : i32
    %dma_wait3A_429 = arith.constant 0 : i32
    %dma_wait3A_430 = arith.constant 0 : i32
    %dma_wait3A_431 = tpu.memref_slice %arg3[%dma_wait3A_429, %dma_wait3A_430] : memref<10000x128xf32, #tpu.memory_space<hbm>> -> memref<10000x128xf32, #tpu.memory_space<hbm>>
    tpu.wait_indirect_dma semaphore(%arg29 : memref<!tpu.dma_semaphore, #tpu.memory_space<semaphore_mem>>) src(%dma_wait3A_431 : memref<10000x128xf32, #tpu.memory_space<hbm>>) dst(%arg20 : memref<80x128xf32, #tpu.memory_space<vmem>>)
    %dma_wait3A_432 = arith.constant 0 : i32
    %dma_wait3A_433 = arith.constant 0 : i32
    %dma_wait3A_434 = tpu.memref_slice %arg4[%dma_wait3A_432, %dma_wait3A_433] : memref<10000x16xf32, #tpu.memory_space<hbm>> -> memref<10000x16xf32, #tpu.memory_space<hbm>>
    tpu.wait_indirect_dma semaphore(%arg29 : memref<!tpu.dma_semaphore, #tpu.memory_space<semaphore_mem>>) src(%dma_wait3A_434 : memref<10000x16xf32, #tpu.memory_space<hbm>>) dst(%arg16 : memref<80x16xf32, #tpu.memory_space<vmem>>)
    %dma_wait3A_435 = arith.constant 0 : i32
    %dma_wait3A_436 = arith.constant 0 : i32
    %dma_wait3A_437 = tpu.memref_slice %arg5[%dma_wait3A_435, %dma_wait3A_436] : memref<10000x16xf32, #tpu.memory_space<hbm>> -> memref<10000x16xf32, #tpu.memory_space<hbm>>
    tpu.wait_indirect_dma semaphore(%arg29 : memref<!tpu.dma_semaphore, #tpu.memory_space<semaphore_mem>>) src(%dma_wait3A_437 : memref<10000x16xf32, #tpu.memory_space<hbm>>) dst(%arg18 : memref<80x16xf32, #tpu.memory_space<vmem>>)
    %dma_wait3A_438 = arith.constant 0 : i32
    %dma_wait3A_439 = arith.constant 0 : i32
    %dma_wait3A_440 = tpu.memref_slice %arg23[%dma_wait3A_438, %dma_wait3A_439] : memref<10240x128xf32, #tpu.memory_space<vmem_shared>> -> memref<10240x128xf32, #tpu.memory_space<vmem_shared>>
    tpu.wait_indirect_dma semaphore(%arg32 : memref<!tpu.dma_semaphore, #tpu.memory_space<semaphore_mem>>) src(%arg21 : memref<80x128xf32, #tpu.memory_space<vmem>>) dst(%dma_wait3A_440 : memref<10240x128xf32, #tpu.memory_space<vmem_shared>>)
    %parallel_loop3A_441 = arith.constant 0 : i32
    %parallel_loop3A_442 = arith.constant 80 : i32
    %parallel_loop3A_443 = arith.constant 1 : i32
    scf.for %parallel_loop3A_453 = %parallel_loop3A_441 to %parallel_loop3A_442 step %parallel_loop3A_443  : i32 {
      %parallel_loop3A_454 = arith.index_cast %parallel_loop3A_453 : i32 to index
      %parallel_loop3A_455 = arith.constant 0 : index
      %parallel_loop3A_456 = tpu.vector_load %arg16[%parallel_loop3A_454, %parallel_loop3A_455] {strides = array<i32>} : memref<80x16xf32, #tpu.memory_space<vmem>>, vector<1x16xf32>,
      %parallel_loop3A_457 = vector.shape_cast %parallel_loop3A_456 : vector<1x16xf32> to vector<16xf32>
      %parallel_loop3A_458 = arith.index_cast %parallel_loop3A_453 : i32 to index
      %parallel_loop3A_459 = arith.constant 0 : index
      %parallel_loop3A_460 = tpu.vector_load %arg18[%parallel_loop3A_458, %parallel_loop3A_459] {strides = array<i32>} : memref<80x16xf32, #tpu.memory_space<vmem>>, vector<1x16xf32>,
      %parallel_loop3A_461 = vector.shape_cast %parallel_loop3A_460 : vector<1x16xf32> to vector<16xf32>
      %parallel_loop3A_462 = arith.addf %parallel_loop3A_457, %parallel_loop3A_461 : vector<16xf32>
      %parallel_loop3A_463 = arith.constant 2.000000e-01 : f32
      %parallel_loop3A_464 = vector.broadcast %parallel_loop3A_463 : f32 to vector<16xf32>
      %parallel_loop3A_465 = arith.mulf %parallel_loop3A_464, %parallel_loop3A_462 : vector<16xf32>
      %parallel_loop3A_466 = arith.maximumf %parallel_loop3A_462, %parallel_loop3A_465 : vector<16xf32>
      %parallel_loop3A_467 = math.exp %parallel_loop3A_466 : vector<16xf32>
      %parallel_loop3A_468 = arith.index_cast %parallel_loop3A_453 : i32 to index
      %parallel_loop3A_469 = arith.constant 0 : index
      %parallel_loop3A_470 = tpu.vector_load %arg22[%parallel_loop3A_468, %parallel_loop3A_469] {strides = array<i32>} : memref<80x16xf32, #tpu.memory_space<vmem>>, vector<1x16xf32>,
      %parallel_loop3A_471 = vector.shape_cast %parallel_loop3A_470 : vector<1x16xf32> to vector<16xf32>
      %parallel_loop3A_472 = vector.shape_cast %parallel_loop3A_467 : vector<16xf32> to vector<1x16xf32>
      tpu.vector_store %arg22[%parallel_loop3A_468, %parallel_loop3A_469], %parallel_loop3A_472 {strides = array<i32>} : memref<80x16xf32, #tpu.memory_space<vmem>>, vector<1x16xf32>,
      %parallel_loop3A_473 = arith.constant 0 : i32
      %parallel_loop3A_474 = vector.broadcast %parallel_loop3A_473 : i32 to vector<16x1xi32>
      %parallel_loop3A_475 = vector.shape_cast %parallel_loop3A_474 : vector<16x1xi32> to vector<16xi32>
      %parallel_loop3A_476 = tpu.dynamic_gather %parallel_loop3A_467[%parallel_loop3A_475] in [0] : vector<16xf32>, vector<16xi32> -> vector<16xf32>
      %parallel_loop3A_477 = arith.index_cast %parallel_loop3A_453 : i32 to index
      %parallel_loop3A_478 = arith.constant 0 : index
      %parallel_loop3A_479 = tpu.vector_load %arg20[%parallel_loop3A_477, %parallel_loop3A_478] {strides = array<i32>} : memref<80x128xf32, #tpu.memory_space<vmem>>, vector<1x16xf32>,
      %parallel_loop3A_480 = vector.shape_cast %parallel_loop3A_479 : vector<1x16xf32> to vector<16xf32>
      %parallel_loop3A_481 = arith.mulf %parallel_loop3A_480, %parallel_loop3A_476 : vector<16xf32>
      %parallel_loop3A_482 = arith.index_cast %parallel_loop3A_453 : i32 to index
      %parallel_loop3A_483 = arith.constant 0 : index
      %parallel_loop3A_484 = tpu.vector_load %arg20[%parallel_loop3A_482, %parallel_loop3A_483] {strides = array<i32>} : memref<80x128xf32, #tpu.memory_space<vmem>>, vector<1x16xf32>,
      %parallel_loop3A_485 = vector.shape_cast %parallel_loop3A_484 : vector<1x16xf32> to vector<16xf32>
      %parallel_loop3A_486 = vector.shape_cast %parallel_loop3A_481 : vector<16xf32> to vector<1x16xf32>
      tpu.vector_store %arg20[%parallel_loop3A_482, %parallel_loop3A_483], %parallel_loop3A_486 {strides = array<i32>} : memref<80x128xf32, #tpu.memory_space<vmem>>, vector<1x16xf32>,
      %parallel_loop3A_487 = arith.constant 0 : i32
      %parallel_loop3A_488 = vector.broadcast %parallel_loop3A_487 : i32 to vector<16x1xi32>
      %parallel_loop3A_489 = vector.shape_cast %parallel_loop3A_488 : vector<16x1xi32> to vector<16xi32>
      %parallel_loop3A_490 = tpu.dynamic_gather %parallel_loop3A_467[%parallel_loop3A_489] in [0] : vector<16xf32>, vector<16xi32> -> vector<16xf32>
      %parallel_loop3A_491 = arith.index_cast %parallel_loop3A_453 : i32 to index
      %parallel_loop3A_492 = arith.constant 16 : index
      %parallel_loop3A_493 = tpu.vector_load %arg20[%parallel_loop3A_491, %parallel_loop3A_492] {strides = array<i32>} : memref<80x128xf32, #tpu.memory_space<vmem>>, vector<1x16xf32>,
      %parallel_loop3A_494 = vector.shape_cast %parallel_loop3A_493 : vector<1x16xf32> to vector<16xf32>
      %parallel_loop3A_495 = arith.mulf %parallel_loop3A_494, %parallel_loop3A_490 : vector<16xf32>
      %parallel_loop3A_496 = arith.index_cast %parallel_loop3A_453 : i32 to index
      %parallel_loop3A_497 = arith.constant 16 : index
      %parallel_loop3A_498 = tpu.vector_load %arg20[%parallel_loop3A_496, %parallel_loop3A_497] {strides = array<i32>} : memref<80x128xf32, #tpu.memory_space<vmem>>, vector<1x16xf32>,
      %parallel_loop3A_499 = vector.shape_cast %parallel_loop3A_498 : vector<1x16xf32> to vector<16xf32>
      %parallel_loop3A_500 = vector.shape_cast %parallel_loop3A_495 : vector<16xf32> to vector<1x16xf32>
      tpu.vector_store %arg20[%parallel_loop3A_496, %parallel_loop3A_497], %parallel_loop3A_500 {strides = array<i32>} : memref<80x128xf32, #tpu.memory_space<vmem>>, vector<1x16xf32>,
      %parallel_loop3A_501 = arith.constant 1 : i32
      %parallel_loop3A_502 = vector.broadcast %parallel_loop3A_501 : i32 to vector<16x1xi32>
      %parallel_loop3A_503 = vector.shape_cast %parallel_loop3A_502 : vector<16x1xi32> to vector<16xi32>
      %parallel_loop3A_504 = tpu.dynamic_gather %parallel_loop3A_467[%parallel_loop3A_503] in [0] : vector<16xf32>, vector<16xi32> -> vector<16xf32>
      %parallel_loop3A_505 = arith.index_cast %parallel_loop3A_453 : i32 to index
      %parallel_loop3A_506 = arith.constant 32 : index
      %parallel_loop3A_507 = tpu.vector_load %arg20[%parallel_loop3A_505, %parallel_loop3A_506] {strides = array<i32>} : memref<80x128xf32, #tpu.memory_space<vmem>>, vector<1x16xf32>,
      %parallel_loop3A_508 = vector.shape_cast %parallel_loop3A_507 : vector<1x16xf32> to vector<16xf32>
      %parallel_loop3A_509 = arith.mulf %parallel_loop3A_508, %parallel_loop3A_504 : vector<16xf32>
      %parallel_loop3A_510 = arith.index_cast %parallel_loop3A_453 : i32 to index
      %parallel_loop3A_511 = arith.constant 32 : index
      %parallel_loop3A_512 = tpu.vector_load %arg20[%parallel_loop3A_510, %parallel_loop3A_511] {strides = array<i32>} : memref<80x128xf32, #tpu.memory_space<vmem>>, vector<1x16xf32>,
      %parallel_loop3A_513 = vector.shape_cast %parallel_loop3A_512 : vector<1x16xf32> to vector<16xf32>
      %parallel_loop3A_514 = vector.shape_cast %parallel_loop3A_509 : vector<16xf32> to vector<1x16xf32>
      tpu.vector_store %arg20[%parallel_loop3A_510, %parallel_loop3A_511], %parallel_loop3A_514 {strides = array<i32>} : memref<80x128xf32, #tpu.memory_space<vmem>>, vector<1x16xf32>,
      %parallel_loop3A_515 = arith.constant 1 : i32
      %parallel_loop3A_516 = vector.broadcast %parallel_loop3A_515 : i32 to vector<16x1xi32>
      %parallel_loop3A_517 = vector.shape_cast %parallel_loop3A_516 : vector<16x1xi32> to vector<16xi32>
      %parallel_loop3A_518 = tpu.dynamic_gather %parallel_loop3A_467[%parallel_loop3A_517] in [0] : vector<16xf32>, vector<16xi32> -> vector<16xf32>
      %parallel_loop3A_519 = arith.index_cast %parallel_loop3A_453 : i32 to index
      %parallel_loop3A_520 = arith.constant 48 : index
      %parallel_loop3A_521 = tpu.vector_load %arg20[%parallel_loop3A_519, %parallel_loop3A_520] {strides = array<i32>} : memref<80x128xf32, #tpu.memory_space<vmem>>, vector<1x16xf32>,
      %parallel_loop3A_522 = vector.shape_cast %parallel_loop3A_521 : vector<1x16xf32> to vector<16xf32>
      %parallel_loop3A_523 = arith.mulf %parallel_loop3A_522, %parallel_loop3A_518 : vector<16xf32>
      %parallel_loop3A_524 = arith.index_cast %parallel_loop3A_453 : i32 to index
      %parallel_loop3A_525 = arith.constant 48 : index
      %parallel_loop3A_526 = tpu.vector_load %arg20[%parallel_loop3A_524, %parallel_loop3A_525] {strides = array<i32>} : memref<80x128xf32, #tpu.memory_space<vmem>>, vector<1x16xf32>,
      %parallel_loop3A_527 = vector.shape_cast %parallel_loop3A_526 : vector<1x16xf32> to vector<16xf32>
      %parallel_loop3A_528 = vector.shape_cast %parallel_loop3A_523 : vector<16xf32> to vector<1x16xf32>
      tpu.vector_store %arg20[%parallel_loop3A_524, %parallel_loop3A_525], %parallel_loop3A_528 {strides = array<i32>} : memref<80x128xf32, #tpu.memory_space<vmem>>, vector<1x16xf32>,
      %parallel_loop3A_529 = arith.constant 2 : i32
      %parallel_loop3A_530 = vector.broadcast %parallel_loop3A_529 : i32 to vector<16x1xi32>
      %parallel_loop3A_531 = vector.shape_cast %parallel_loop3A_530 : vector<16x1xi32> to vector<16xi32>
      %parallel_loop3A_532 = tpu.dynamic_gather %parallel_loop3A_467[%parallel_loop3A_531] in [0] : vector<16xf32>, vector<16xi32> -> vector<16xf32>
      %parallel_loop3A_533 = arith.index_cast %parallel_loop3A_453 : i32 to index
      %parallel_loop3A_534 = arith.constant 64 : index
      %parallel_loop3A_535 = tpu.vector_load %arg20[%parallel_loop3A_533, %parallel_loop3A_534] {strides = array<i32>} : memref<80x128xf32, #tpu.memory_space<vmem>>, vector<1x16xf32>,
      %parallel_loop3A_536 = vector.shape_cast %parallel_loop3A_535 : vector<1x16xf32> to vector<16xf32>
      %parallel_loop3A_537 = arith.mulf %parallel_loop3A_536, %parallel_loop3A_532 : vector<16xf32>
      %parallel_loop3A_538 = arith.index_cast %parallel_loop3A_453 : i32 to index
      %parallel_loop3A_539 = arith.constant 64 : index
      %parallel_loop3A_540 = tpu.vector_load %arg20[%parallel_loop3A_538, %parallel_loop3A_539] {strides = array<i32>} : memref<80x128xf32, #tpu.memory_space<vmem>>, vector<1x16xf32>,
      %parallel_loop3A_541 = vector.shape_cast %parallel_loop3A_540 : vector<1x16xf32> to vector<16xf32>
      %parallel_loop3A_542 = vector.shape_cast %parallel_loop3A_537 : vector<16xf32> to vector<1x16xf32>
      tpu.vector_store %arg20[%parallel_loop3A_538, %parallel_loop3A_539], %parallel_loop3A_542 {strides = array<i32>} : memref<80x128xf32, #tpu.memory_space<vmem>>, vector<1x16xf32>,
      %parallel_loop3A_543 = arith.constant 2 : i32
      %parallel_loop3A_544 = vector.broadcast %parallel_loop3A_543 : i32 to vector<16x1xi32>
      %parallel_loop3A_545 = vector.shape_cast %parallel_loop3A_544 : vector<16x1xi32> to vector<16xi32>
      %parallel_loop3A_546 = tpu.dynamic_gather %parallel_loop3A_467[%parallel_loop3A_545] in [0] : vector<16xf32>, vector<16xi32> -> vector<16xf32>
      %parallel_loop3A_547 = arith.index_cast %parallel_loop3A_453 : i32 to index
      %parallel_loop3A_548 = arith.constant 80 : index
      %parallel_loop3A_549 = tpu.vector_load %arg20[%parallel_loop3A_547, %parallel_loop3A_548] {strides = array<i32>} : memref<80x128xf32, #tpu.memory_space<vmem>>, vector<1x16xf32>,
      %parallel_loop3A_550 = vector.shape_cast %parallel_loop3A_549 : vector<1x16xf32> to vector<16xf32>
      %parallel_loop3A_551 = arith.mulf %parallel_loop3A_550, %parallel_loop3A_546 : vector<16xf32>
      %parallel_loop3A_552 = arith.index_cast %parallel_loop3A_453 : i32 to index
      %parallel_loop3A_553 = arith.constant 80 : index
      %parallel_loop3A_554 = tpu.vector_load %arg20[%parallel_loop3A_552, %parallel_loop3A_553] {strides = array<i32>} : memref<80x128xf32, #tpu.memory_space<vmem>>, vector<1x16xf32>,
      %parallel_loop3A_555 = vector.shape_cast %parallel_loop3A_554 : vector<1x16xf32> to vector<16xf32>
      %parallel_loop3A_556 = vector.shape_cast %parallel_loop3A_551 : vector<16xf32> to vector<1x16xf32>
      tpu.vector_store %arg20[%parallel_loop3A_552, %parallel_loop3A_553], %parallel_loop3A_556 {strides = array<i32>} : memref<80x128xf32, #tpu.memory_space<vmem>>, vector<1x16xf32>,
      %parallel_loop3A_557 = arith.constant 3 : i32
      %parallel_loop3A_558 = vector.broadcast %parallel_loop3A_557 : i32 to vector<16x1xi32>
      %parallel_loop3A_559 = vector.shape_cast %parallel_loop3A_558 : vector<16x1xi32> to vector<16xi32>
      %parallel_loop3A_560 = tpu.dynamic_gather %parallel_loop3A_467[%parallel_loop3A_559] in [0] : vector<16xf32>, vector<16xi32> -> vector<16xf32>
      %parallel_loop3A_561 = arith.index_cast %parallel_loop3A_453 : i32 to index
      %parallel_loop3A_562 = arith.constant 96 : index
      %parallel_loop3A_563 = tpu.vector_load %arg20[%parallel_loop3A_561, %parallel_loop3A_562] {strides = array<i32>} : memref<80x128xf32, #tpu.memory_space<vmem>>, vector<1x16xf32>,
      %parallel_loop3A_564 = vector.shape_cast %parallel_loop3A_563 : vector<1x16xf32> to vector<16xf32>
      %parallel_loop3A_565 = arith.mulf %parallel_loop3A_564, %parallel_loop3A_560 : vector<16xf32>
      %parallel_loop3A_566 = arith.index_cast %parallel_loop3A_453 : i32 to index
      %parallel_loop3A_567 = arith.constant 96 : index
      %parallel_loop3A_568 = tpu.vector_load %arg20[%parallel_loop3A_566, %parallel_loop3A_567] {strides = array<i32>} : memref<80x128xf32, #tpu.memory_space<vmem>>, vector<1x16xf32>,
      %parallel_loop3A_569 = vector.shape_cast %parallel_loop3A_568 : vector<1x16xf32> to vector<16xf32>
      %parallel_loop3A_570 = vector.shape_cast %parallel_loop3A_565 : vector<16xf32> to vector<1x16xf32>
      tpu.vector_store %arg20[%parallel_loop3A_566, %parallel_loop3A_567], %parallel_loop3A_570 {strides = array<i32>} : memref<80x128xf32, #tpu.memory_space<vmem>>, vector<1x16xf32>,
      %parallel_loop3A_571 = arith.constant 3 : i32
      %parallel_loop3A_572 = vector.broadcast %parallel_loop3A_571 : i32 to vector<16x1xi32>
      %parallel_loop3A_573 = vector.shape_cast %parallel_loop3A_572 : vector<16x1xi32> to vector<16xi32>
      %parallel_loop3A_574 = tpu.dynamic_gather %parallel_loop3A_467[%parallel_loop3A_573] in [0] : vector<16xf32>, vector<16xi32> -> vector<16xf32>
      %parallel_loop3A_575 = arith.index_cast %parallel_loop3A_453 : i32 to index
      %parallel_loop3A_576 = arith.constant 112 : index
      %parallel_loop3A_577 = tpu.vector_load %arg20[%parallel_loop3A_575, %parallel_loop3A_576] {strides = array<i32>} : memref<80x128xf32, #tpu.memory_space<vmem>>, vector<1x16xf32>,
      %parallel_loop3A_578 = vector.shape_cast %parallel_loop3A_577 : vector<1x16xf32> to vector<16xf32>
      %parallel_loop3A_579 = arith.mulf %parallel_loop3A_578, %parallel_loop3A_574 : vector<16xf32>
      %parallel_loop3A_580 = arith.index_cast %parallel_loop3A_453 : i32 to index
      %parallel_loop3A_581 = arith.constant 112 : index
      %parallel_loop3A_582 = tpu.vector_load %arg20[%parallel_loop3A_580, %parallel_loop3A_581] {strides = array<i32>} : memref<80x128xf32, #tpu.memory_space<vmem>>, vector<1x16xf32>,
      %parallel_loop3A_583 = vector.shape_cast %parallel_loop3A_582 : vector<1x16xf32> to vector<16xf32>
      %parallel_loop3A_584 = vector.shape_cast %parallel_loop3A_579 : vector<16xf32> to vector<1x16xf32>
      tpu.vector_store %arg20[%parallel_loop3A_580, %parallel_loop3A_581], %parallel_loop3A_584 {strides = array<i32>} : memref<80x128xf32, #tpu.memory_space<vmem>>, vector<1x16xf32>,
    } {sc.loop_unroll_factor = 2 : i64, sc.parallel_access}
    "tpu.region"() ({
      %run_scoped3A = tpu.sem_alloc : memref<!tpu.dma_semaphore, #tpu.memory_space<semaphore_mem>>
      %dma_start3A_453 = arith.constant 0 : i32
      %dma_start3A_454 = arith.constant 0 : i32
      %dma_start3A_455 = tpu.memref_slice %arg24[%dma_start3A_453, %dma_start3A_454] : memref<10240x16xf32, #tpu.memory_space<vmem_shared>> -> memref<10240x16xf32, #tpu.memory_space<vmem_shared>>
      tpu.enqueue_indirect_dma source(%arg22 : memref<80x16xf32, #tpu.memory_space<vmem>>) target(%dma_start3A_455 : memref<10240x16xf32, #tpu.memory_space<vmem_shared>>) offsets(%arg12 : memref<80xi32, #tpu.memory_space<vmem>>) semaphore(%run_scoped3A : memref<!tpu.dma_semaphore, #tpu.memory_space<semaphore_mem>>) {add = true}
      %dma_wait3A_456 = arith.constant 0 : i32
      %dma_wait3A_457 = arith.constant 0 : i32
      %dma_wait3A_458 = tpu.memref_slice %arg24[%dma_wait3A_456, %dma_wait3A_457] : memref<10240x16xf32, #tpu.memory_space<vmem_shared>> -> memref<10240x16xf32, #tpu.memory_space<vmem_shared>>
      tpu.wait_indirect_dma semaphore(%run_scoped3A : memref<!tpu.dma_semaphore, #tpu.memory_space<semaphore_mem>>) src(%arg22 : memref<80x16xf32, #tpu.memory_space<vmem>>) dst(%dma_wait3A_458 : memref<10240x16xf32, #tpu.memory_space<vmem_shared>>)
      tpu.yield
    }) : () -> ()
    %dma_start3A_444 = arith.constant 0 : i32
    %dma_start3A_445 = arith.constant 0 : i32
    %dma_start3A_446 = tpu.memref_slice %arg23[%dma_start3A_444, %dma_start3A_445] : memref<10240x128xf32, #tpu.memory_space<vmem_shared>> -> memref<10240x128xf32, #tpu.memory_space<vmem_shared>>
    tpu.enqueue_indirect_dma source(%arg20 : memref<80x128xf32, #tpu.memory_space<vmem>>) target(%dma_start3A_446 : memref<10240x128xf32, #tpu.memory_space<vmem_shared>>) offsets(%arg12 : memref<80xi32, #tpu.memory_space<vmem>>) semaphore(%arg31 : memref<!tpu.dma_semaphore, #tpu.memory_space<semaphore_mem>>) {add = true}
    %dma_wait3A_447 = arith.constant 0 : i32
    %dma_wait3A_448 = arith.constant 0 : i32
    %dma_wait3A_449 = tpu.memref_slice %arg23[%dma_wait3A_447, %dma_wait3A_448] : memref<10240x128xf32, #tpu.memory_space<vmem_shared>> -> memref<10240x128xf32, #tpu.memory_space<vmem_shared>>
    tpu.wait_indirect_dma semaphore(%arg31 : memref<!tpu.dma_semaphore, #tpu.memory_space<semaphore_mem>>) src(%arg20 : memref<80x128xf32, #tpu.memory_space<vmem>>) dst(%dma_wait3A_449 : memref<10240x128xf32, #tpu.memory_space<vmem_shared>>)
    %barrier3A_450 = arith.constant 0 : index
    tpu.barrier barrier_id(%barrier3A_450)
    %mul3A_451 = arith.constant 640 : i32
    %mul3A_452 = arith.muli %arg1, %mul3A_451 : i32
    "tpu.region"() ({
      %run_scoped3A = tpu.sem_alloc : memref<!tpu.dma_semaphore, #tpu.memory_space<semaphore_mem>>
      %dma_start3A_453 = arith.constant 0 : i32
      %dma_start3A_454 = arith.constant 0 : i32
      %dma_start3A_455 = tpu.memref_slice %arg6[%arg0, %dma_start3A_453, %dma_start3A_454] : memref<2x10240x128xf32, #tpu.memory_space<hbm>> -> memref<1x10240x128xf32, #tpu.memory_space<hbm>>
      %dma_start3A_456 = tpu.memref_squeeze %dma_start3A_455 : memref<1x10240x128xf32, #tpu.memory_space<hbm>> -> memref<10240x128xf32, #tpu.memory_space<hbm>>
      %dma_start3A_457 = arith.constant 0 : i32
      %dma_start3A_458 = tpu.memref_slice %dma_start3A_456[%mul3A_452, %dma_start3A_457] : memref<10240x128xf32, #tpu.memory_space<hbm>> -> memref<640x128xf32, #tpu.memory_space<hbm>>
      %dma_start3A_459 = arith.constant 0 : i32
      %dma_start3A_460 = tpu.memref_slice %arg23[%mul3A_452, %dma_start3A_459] : memref<10240x128xf32, #tpu.memory_space<vmem_shared>> -> memref<640x128xf32, #tpu.memory_space<vmem_shared>>
      tpu.enqueue_dma source(%dma_start3A_460 : memref<640x128xf32, #tpu.memory_space<vmem_shared>>) target(%dma_start3A_458 : memref<640x128xf32, #tpu.memory_space<hbm>>) target_semaphore(%run_scoped3A : memref<!tpu.dma_semaphore, #tpu.memory_space<semaphore_mem>>)
      %dma_wait3A_461 = arith.constant 0 : i32
      %dma_wait3A_462 = arith.constant 0 : i32
      %dma_wait3A_463 = tpu.memref_slice %arg6[%arg0, %dma_wait3A_461, %dma_wait3A_462] : memref<2x10240x128xf32, #tpu.memory_space<hbm>> -> memref<1x10240x128xf32, #tpu.memory_space<hbm>>
      %dma_wait3A_464 = tpu.memref_squeeze %dma_wait3A_463 : memref<1x10240x128xf32, #tpu.memory_space<hbm>> -> memref<10240x128xf32, #tpu.memory_space<hbm>>
      %dma_wait3A_465 = arith.constant 0 : i32
      %dma_wait3A_466 = tpu.memref_slice %dma_wait3A_464[%mul3A_452, %dma_wait3A_465] : memref<10240x128xf32, #tpu.memory_space<hbm>> -> memref<640x128xf32, #tpu.memory_space<hbm>>
      %dma_wait3A_467 = arith.constant 0 : i32
      %dma_wait3A_468 = tpu.memref_slice %arg23[%mul3A_452, %dma_wait3A_467] : memref<10240x128xf32, #tpu.memory_space<vmem_shared>> -> memref<640x128xf32, #tpu.memory_space<vmem_shared>>
      tpu.wait_dma2 semaphore(%run_scoped3A : memref<!tpu.dma_semaphore, #tpu.memory_space<semaphore_mem>>) src(%dma_wait3A_468 : memref<640x128xf32, #tpu.memory_space<vmem_shared>>) dst(%dma_wait3A_466 : memref<640x128xf32, #tpu.memory_space<hbm>>)
      tpu.yield
    }) : () -> ()
    "tpu.region"() ({
      %run_scoped3A = tpu.sem_alloc : memref<!tpu.dma_semaphore, #tpu.memory_space<semaphore_mem>>
      %dma_start3A_453 = arith.constant 0 : i32
      %dma_start3A_454 = arith.constant 0 : i32
      %dma_start3A_455 = tpu.memref_slice %arg7[%arg0, %dma_start3A_453, %dma_start3A_454] : memref<2x10240x16xf32, #tpu.memory_space<hbm>> -> memref<1x10240x16xf32, #tpu.memory_space<hbm>>
      %dma_start3A_456 = tpu.memref_squeeze %dma_start3A_455 : memref<1x10240x16xf32, #tpu.memory_space<hbm>> -> memref<10240x16xf32, #tpu.memory_space<hbm>>
      %dma_start3A_457 = arith.constant 0 : i32
      %dma_start3A_458 = tpu.memref_slice %dma_start3A_456[%mul3A_452, %dma_start3A_457] : memref<10240x16xf32, #tpu.memory_space<hbm>> -> memref<640x16xf32, #tpu.memory_space<hbm>>
      %dma_start3A_459 = arith.constant 0 : i32
      %dma_start3A_460 = tpu.memref_slice %arg24[%mul3A_452, %dma_start3A_459] : memref<10240x16xf32, #tpu.memory_space<vmem_shared>> -> memref<640x16xf32, #tpu.memory_space<vmem_shared>>
      tpu.enqueue_dma source(%dma_start3A_460 : memref<640x16xf32, #tpu.memory_space<vmem_shared>>) target(%dma_start3A_458 : memref<640x16xf32, #tpu.memory_space<hbm>>) target_semaphore(%run_scoped3A : memref<!tpu.dma_semaphore, #tpu.memory_space<semaphore_mem>>)
      %dma_wait3A_461 = arith.constant 0 : i32
      %dma_wait3A_462 = arith.constant 0 : i32
      %dma_wait3A_463 = tpu.memref_slice %arg7[%arg0, %dma_wait3A_461, %dma_wait3A_462] : memref<2x10240x16xf32, #tpu.memory_space<hbm>> -> memref<1x10240x16xf32, #tpu.memory_space<hbm>>
      %dma_wait3A_464 = tpu.memref_squeeze %dma_wait3A_463 : memref<1x10240x16xf32, #tpu.memory_space<hbm>> -> memref<10240x16xf32, #tpu.memory_space<hbm>>
      %dma_wait3A_465 = arith.constant 0 : i32
      %dma_wait3A_466 = tpu.memref_slice %dma_wait3A_464[%mul3A_452, %dma_wait3A_465] : memref<10240x16xf32, #tpu.memory_space<hbm>> -> memref<640x16xf32, #tpu.memory_space<hbm>>
      %dma_wait3A_467 = arith.constant 0 : i32
      %dma_wait3A_468 = tpu.memref_slice %arg24[%mul3A_452, %dma_wait3A_467] : memref<10240x16xf32, #tpu.memory_space<vmem_shared>> -> memref<640x16xf32, #tpu.memory_space<vmem_shared>>
      tpu.wait_dma2 semaphore(%run_scoped3A : memref<!tpu.dma_semaphore, #tpu.memory_space<semaphore_mem>>) src(%dma_wait3A_468 : memref<640x16xf32, #tpu.memory_space<vmem_shared>>) dst(%dma_wait3A_466 : memref<640x16xf32, #tpu.memory_space<hbm>>)
      tpu.yield
    }) : () -> ()
    return
  }
}

module attributes {stable_mosaic.version = 14 : i64} {
  func.func @_proj_body(%arg0: i32, %arg1: memref<400x128xf32, #tpu.memory_space<vmem>>, %arg2: memref<128x128xf32, #tpu.memory_space<vmem>>, %arg3: memref<1x128xf32, #tpu.memory_space<vmem>>, %arg4: memref<128x8xf32, #tpu.memory_space<vmem>>, %arg5: memref<1x8xf32, #tpu.memory_space<vmem>>, %arg6: memref<400x128xf32, #tpu.memory_space<vmem>>, %arg7: memref<400x16xf32, #tpu.memory_space<vmem>>, %arg8: memref<400x16xf32, #tpu.memory_space<vmem>>) attributes {dimension_semantics = [#tpu.dimension_semantics<arbitrary>], iteration_bounds = array<i64: 25>, scalar_prefetch = 0 : i64, scratch_operands = 0 : i64, tpu.core_type = #tpu.core_type<tc>, window_params = [{transform_indices = @transform_0, window_bounds = array<i64: 400, 128>}, {pipeline_mode = #tpu.pipeline_mode<synchronous>, transform_indices = @transform_1, window_bounds = array<i64: 128, 128>}, {pipeline_mode = #tpu.pipeline_mode<synchronous>, transform_indices = @transform_2, window_bounds = array<i64: 1, 128>}, {pipeline_mode = #tpu.pipeline_mode<synchronous>, transform_indices = @transform_3, window_bounds = array<i64: 128, 8>}, {pipeline_mode = #tpu.pipeline_mode<synchronous>, transform_indices = @transform_4, window_bounds = array<i64: 1, 8>}, {transform_indices = @transform_5, window_bounds = array<i64: 400, 128>}, {transform_indices = @transform_6, window_bounds = array<i64: 400, 16>}, {transform_indices = @transform_7, window_bounds = array<i64: 400, 16>}]} {
    %get3A = arith.constant 0 : index
    %get3A_0 = arith.constant 0 : index
    %get3A_1 = vector.load %arg1[%get3A, %get3A_0] : memref<400x128xf32, #tpu.memory_space<vmem>>, vector<400x128xf32>
    %get3A_2 = arith.constant 0 : index
    %get3A_3 = arith.constant 0 : index
    %get3A_4 = vector.load %arg2[%get3A_2, %get3A_3] : memref<128x128xf32, #tpu.memory_space<vmem>>, vector<128x128xf32>
    %dot_general3A = arith.constant dense<0.000000e+00> : vector<400x128xf32>
    %dot_general3A_5 = tpu.matmul %get3A_1, %get3A_4, %dot_general3A {dimension_numbers = #tpu.dot_dimension_numbers<[1], [0], [0], [1], [0, 0, 1, 1], [], []>, transpose_lhs_hint = false} : vector<400x128xf32>, vector<128x128xf32>, vector<400x128xf32> -> vector<400x128xf32>
    %get3A_6 = arith.constant 0 : index
    %get3A_7 = arith.constant 0 : index
    %get3A_8 = vector.load %arg3[%get3A_6, %get3A_7] : memref<1x128xf32, #tpu.memory_space<vmem>>, vector<1x128xf32>
    %add3A = vector.broadcast %get3A_8 : vector<1x128xf32> to vector<400x128xf32>
    %add3A_9 = arith.addf %dot_general3A_5, %add3A : vector<400x128xf32>
    %get3A_10 = arith.constant 0 : index
    %get3A_11 = arith.constant 0 : index
    %get3A_12 = vector.load %arg4[%get3A_10, %get3A_11] : memref<128x8xf32, #tpu.memory_space<vmem>>, vector<128x8xf32>
    %dot_general3A_13 = arith.constant dense<0.000000e+00> : vector<400x8xf32>
    %dot_general3A_14 = tpu.matmul %add3A_9, %get3A_12, %dot_general3A_13 {dimension_numbers = #tpu.dot_dimension_numbers<[1], [0], [0], [1], [0, 0, 1, 1], [], []>, transpose_lhs_hint = false} : vector<400x128xf32>, vector<128x8xf32>, vector<400x8xf32> -> vector<400x8xf32>
    %get3A_15 = arith.constant 0 : index
    %get3A_16 = arith.constant 0 : index
    %get3A_17 = vector.load %arg5[%get3A_15, %get3A_16] : memref<1x8xf32, #tpu.memory_space<vmem>>, vector<1x8xf32>
    %add3A_18 = vector.broadcast %get3A_17 : vector<1x8xf32> to vector<400x8xf32>
    %add3A_19 = arith.addf %dot_general3A_14, %add3A_18 : vector<400x8xf32>
    %broadcast_in_dim3A = arith.constant 0.000000e+00 : f32
    %broadcast_in_dim3A_20 = vector.broadcast %broadcast_in_dim3A : f32 to vector<400x12xf32>
    %swap3A = arith.constant 0 : index
    %swap3A_21 = arith.constant 0 : index
    %swap3A_22 = vector.load %arg6[%swap3A, %swap3A_21] : memref<400x128xf32, #tpu.memory_space<vmem>>, vector<400x128xf32>
    tpu.vector_store %arg6[%swap3A, %swap3A_21], %add3A_9 {strides = array<i32>} : memref<400x128xf32, #tpu.memory_space<vmem>>, vector<400x128xf32>,
    %slice3A = vector.extract_strided_slice %add3A_19 {offsets = [0, 0], sizes = [400, 4], strides = [1, 1]} : vector<400x8xf32> to vector<400x4xf32>
    %concatenate3A = tpu.concatenate %slice3A, %broadcast_in_dim3A_20 in 1 : vector<400x4xf32>, vector<400x12xf32> -> vector<400x16xf32>
    %swap3A_23 = arith.constant 0 : index
    %swap3A_24 = arith.constant 0 : index
    %swap3A_25 = vector.load %arg7[%swap3A_23, %swap3A_24] : memref<400x16xf32, #tpu.memory_space<vmem>>, vector<400x16xf32>
    tpu.vector_store %arg7[%swap3A_23, %swap3A_24], %concatenate3A {strides = array<i32>} : memref<400x16xf32, #tpu.memory_space<vmem>>, vector<400x16xf32>,
    %slice3A_26 = vector.extract_strided_slice %add3A_19 {offsets = [0, 4], sizes = [400, 4], strides = [1, 1]} : vector<400x8xf32> to vector<400x4xf32>
    %concatenate3A_27 = tpu.concatenate %slice3A_26, %broadcast_in_dim3A_20 in 1 : vector<400x4xf32>, vector<400x12xf32> -> vector<400x16xf32>
    %swap3A_28 = arith.constant 0 : index
    %swap3A_29 = arith.constant 0 : index
    %swap3A_30 = vector.load %arg8[%swap3A_28, %swap3A_29] : memref<400x16xf32, #tpu.memory_space<vmem>>, vector<400x16xf32>
    tpu.vector_store %arg8[%swap3A_28, %swap3A_29], %concatenate3A_27 {strides = array<i32>} : memref<400x16xf32, #tpu.memory_space<vmem>>, vector<400x16xf32>,
    return
  }
  func.func @transform_0(%arg0: i32) -> (i32, i32) {
    %c0_i32 = arith.constant 0 : i32
    %c0_i32_0 = arith.constant 0 : i32
    return %arg0, %c0_i32 : i32, i32
  }
  func.func @transform_1(%arg0: i32) -> (i32, i32) {
    %c0_i32 = arith.constant 0 : i32
    %c0_i32_0 = arith.constant 0 : i32
    %c0_i32_1 = arith.constant 0 : i32
    return %c0_i32, %c0_i32_0 : i32, i32
  }
  func.func @transform_2(%arg0: i32) -> (i32, i32) {
    %c0_i32 = arith.constant 0 : i32
    %c0_i32_0 = arith.constant 0 : i32
    %c0_i32_1 = arith.constant 0 : i32
    return %c0_i32, %c0_i32_0 : i32, i32
  }
  func.func @transform_3(%arg0: i32) -> (i32, i32) {
    %c0_i32 = arith.constant 0 : i32
    %c0_i32_0 = arith.constant 0 : i32
    %c0_i32_1 = arith.constant 0 : i32
    return %c0_i32, %c0_i32_0 : i32, i32
  }
  func.func @transform_4(%arg0: i32) -> (i32, i32) {
    %c0_i32 = arith.constant 0 : i32
    %c0_i32_0 = arith.constant 0 : i32
    %c0_i32_1 = arith.constant 0 : i32
    return %c0_i32, %c0_i32_0 : i32, i32
  }
  func.func @transform_5(%arg0: i32) -> (i32, i32) {
    %c0_i32 = arith.constant 0 : i32
    %c0_i32_0 = arith.constant 0 : i32
    return %arg0, %c0_i32 : i32, i32
  }
  func.func @transform_6(%arg0: i32) -> (i32, i32) {
    %c0_i32 = arith.constant 0 : i32
    %c0_i32_0 = arith.constant 0 : i32
    return %arg0, %c0_i32 : i32, i32
  }
  func.func @transform_7(%arg0: i32) -> (i32, i32) {
    %c0_i32 = arith.constant 0 : i32
    %c0_i32_0 = arith.constant 0 : i32
    return %arg0, %c0_i32 : i32, i32
  }
}

module attributes {stable_mosaic.version = 14 : i64} {
  func.func @_combine_body(%arg0: i32, %arg1: memref<2x400x128xf32, #tpu.memory_space<vmem>>, %arg2: memref<2x400x16xf32, #tpu.memory_space<vmem>>, %arg3: memref<400x128xf32, #tpu.memory_space<vmem>>) attributes {dimension_semantics = [#tpu.dimension_semantics<arbitrary>], iteration_bounds = array<i64: 25>, scalar_prefetch = 0 : i64, scratch_operands = 0 : i64, tpu.core_type = #tpu.core_type<tc>, window_params = [{transform_indices = @transform_0, window_bounds = array<i64: 2, 400, 128>}, {transform_indices = @transform_1, window_bounds = array<i64: 2, 400, 16>}, {transform_indices = @transform_2, window_bounds = array<i64: 400, 128>}]} {
    %get3A = arith.constant 0 : index
    %get3A_0 = arith.constant 0 : index
    %get3A_1 = arith.constant 0 : index
    %get3A_2 = vector.load %arg1[%get3A, %get3A_0, %get3A_1] : memref<2x400x128xf32, #tpu.memory_space<vmem>>, vector<1x400x128xf32>
    %get3A_3 = vector.shape_cast %get3A_2 : vector<1x400x128xf32> to vector<400x128xf32>
    %get3A_4 = arith.constant 1 : index
    %get3A_5 = arith.constant 0 : index
    %get3A_6 = arith.constant 0 : index
    %get3A_7 = vector.load %arg1[%get3A_4, %get3A_5, %get3A_6] : memref<2x400x128xf32, #tpu.memory_space<vmem>>, vector<1x400x128xf32>
    %get3A_8 = vector.shape_cast %get3A_7 : vector<1x400x128xf32> to vector<400x128xf32>
    %add3A = arith.addf %get3A_3, %get3A_8 : vector<400x128xf32>
    %get3A_9 = arith.constant 0 : index
    %get3A_10 = arith.constant 0 : index
    %get3A_11 = arith.constant 0 : index
    %get3A_12 = vector.load %arg2[%get3A_9, %get3A_10, %get3A_11] : memref<2x400x16xf32, #tpu.memory_space<vmem>>, vector<1x400x16xf32>
    %get3A_13 = vector.shape_cast %get3A_12 : vector<1x400x16xf32> to vector<400x16xf32>
    %slice3A = vector.extract_strided_slice %get3A_13 {offsets = [0, 0], sizes = [400, 4], strides = [1, 1]} : vector<400x16xf32> to vector<400x4xf32>
    %get3A_14 = arith.constant 1 : index
    %get3A_15 = arith.constant 0 : index
    %get3A_16 = arith.constant 0 : index
    %get3A_17 = vector.load %arg2[%get3A_14, %get3A_15, %get3A_16] : memref<2x400x16xf32, #tpu.memory_space<vmem>>, vector<1x400x16xf32>
    %get3A_18 = vector.shape_cast %get3A_17 : vector<1x400x16xf32> to vector<400x16xf32>
    %slice3A_19 = vector.extract_strided_slice %get3A_18 {offsets = [0, 0], sizes = [400, 4], strides = [1, 1]} : vector<400x16xf32> to vector<400x4xf32>
    %add3A_20 = arith.addf %slice3A, %slice3A_19 : vector<400x4xf32>
    %gt3A = arith.constant 0.000000e+00 : f32
    %gt3A_21 = vector.broadcast %gt3A : f32 to vector<400x4xf32>
    %gt3A_22 = arith.cmpf ogt, %add3A_20, %gt3A_21 : vector<400x4xf32>
    %jit3A = arith.constant 1.000000e+00 : f32
    %broadcast_in_dim3A = vector.broadcast %jit3A : f32 to vector<400x4xf32>
    %select_n3A = arith.select %gt3A_22, %add3A_20, %broadcast_in_dim3A : vector<400x4xi1>, vector<400x4xf32>
    %slice3A_23 = vector.extract_strided_slice %select_n3A {offsets = [0, 0], sizes = [400, 1], strides = [1, 1]} : vector<400x4xf32> to vector<400x1xf32>
    %broadcast_in_dim3A_24 = vector.shape_cast %slice3A_23 : vector<400x1xf32> to vector<400x1xf32>
    %broadcast_in_dim3A_25 = vector.broadcast %broadcast_in_dim3A_24 : vector<400x1xf32> to vector<400x32xf32>
    %slice3A_26 = vector.extract_strided_slice %select_n3A {offsets = [0, 1], sizes = [400, 1], strides = [1, 1]} : vector<400x4xf32> to vector<400x1xf32>
    %broadcast_in_dim3A_27 = vector.shape_cast %slice3A_26 : vector<400x1xf32> to vector<400x1xf32>
    %broadcast_in_dim3A_28 = vector.broadcast %broadcast_in_dim3A_27 : vector<400x1xf32> to vector<400x32xf32>
    %slice3A_29 = vector.extract_strided_slice %select_n3A {offsets = [0, 2], sizes = [400, 1], strides = [1, 1]} : vector<400x4xf32> to vector<400x1xf32>
    %broadcast_in_dim3A_30 = vector.shape_cast %slice3A_29 : vector<400x1xf32> to vector<400x1xf32>
    %broadcast_in_dim3A_31 = vector.broadcast %broadcast_in_dim3A_30 : vector<400x1xf32> to vector<400x32xf32>
    %slice3A_32 = vector.extract_strided_slice %select_n3A {offsets = [0, 3], sizes = [400, 1], strides = [1, 1]} : vector<400x4xf32> to vector<400x1xf32>
    %broadcast_in_dim3A_33 = vector.shape_cast %slice3A_32 : vector<400x1xf32> to vector<400x1xf32>
    %broadcast_in_dim3A_34 = vector.broadcast %broadcast_in_dim3A_33 : vector<400x1xf32> to vector<400x32xf32>
    %concatenate3A = tpu.concatenate %broadcast_in_dim3A_25, %broadcast_in_dim3A_28, %broadcast_in_dim3A_31, %broadcast_in_dim3A_34 in 1 : vector<400x32xf32>, vector<400x32xf32>, vector<400x32xf32>, vector<400x32xf32> -> vector<400x128xf32>
    %div3A = arith.divf %add3A, %concatenate3A : vector<400x128xf32>
    %swap3A = arith.constant 0 : index
    %swap3A_35 = arith.constant 0 : index
    %swap3A_36 = vector.load %arg3[%swap3A, %swap3A_35] : memref<400x128xf32, #tpu.memory_space<vmem>>, vector<400x128xf32>
    tpu.vector_store %arg3[%swap3A, %swap3A_35], %div3A {strides = array<i32>} : memref<400x128xf32, #tpu.memory_space<vmem>>, vector<400x128xf32>,
    return
  }
  func.func @transform_0(%arg0: i32) -> (i32, i32, i32) {
    %c0_i32 = arith.constant 0 : i32
    %c0_i32_0 = arith.constant 0 : i32
    %c0_i32_1 = arith.constant 0 : i32
    return %c0_i32, %arg0, %c0_i32_0 : i32, i32, i32
  }
  func.func @transform_1(%arg0: i32) -> (i32, i32, i32) {
    %c0_i32 = arith.constant 0 : i32
    %c0_i32_0 = arith.constant 0 : i32
    %c0_i32_1 = arith.constant 0 : i32
    return %c0_i32, %arg0, %c0_i32_0 : i32, i32, i32
  }
  func.func @transform_2(%arg0: i32) -> (i32, i32) {
    %c0_i32 = arith.constant 0 : i32
    %c0_i32_0 = arith.constant 0 : i32
    return %arg0, %c0_i32 : i32, i32
  }
}

</mosaic_0001>

<sc_bundles>
// kernel: kernel.5.cloned.1.call-start
scs
__scs_entry_jumppad:
0x0: {  	(pc) =	sbr.rel $0x88, $3  }
0x1: {  	(tag) =	ssettag $0x0;
	lr =	simm.s32 $0x1  }
0x2: {  	[smem:$0x3F9B] =	sst lr;
	_ =	strace $0xD0000000  }
0x3: {  	_ = 	snop  }
0x4: {  	_ = 	snop  }
0x5: {  	_ = 	snop  }
0x6: {  	_ = 	snop  }
0x7: {  	_ = 	snop  }
__scs_overlays_trampoline_lowered:
0x8: {  	[smem:$0x3FAA] =	sst s0  }
0x9: {  	[smem:$0x3FAB] =	sst s1  }
0xa: {  	[smem:$0x3FAC] =	sst s2  }
0xb: {  	[smem:$0x3FAD] =	sst s3  }
0xc: {  	[smem:$0x3FAE] =	sst s4  }
0xd: {  	[smem:$0x3FAF] =	sst s5  }
0xe: {  	[smem:$0x3FB0] =	sst s6  }
0xf: {  	[smem:$0x3FB1] =	sst s7  }
0x10: {  	[smem:$0x3FB2] =	sst s8  }
0x11: {  	[smem:$0x3FB3] =	sst s9;
	s0 =	simm.s32 @!p0 $0x0  }
0x12: {  	s1 =	sld [smem:$0x3F99];
	s0 =	simm.s32 @p0 $0x1  }
0x13: {  	[smem:$0x3FB4] =	sst s0;
	s0 =	simm.s32 @!p1 $0x0  }
0x14: {  	s2 =	sld [smem:$0x3F98];
	s0 =	simm.s32 @p1 $0x1  }
0x15: {  	[smem:$0x3FB5] =	sst s0;
	s0 =	simm.s32 @!p2 $0x0  }
0x16: {  	s3 =	sld [smem:$0x3FDB];
	s0 =	simm.s32 @p2 $0x1  }
0x17: {  	s4 =	simm.s32 $0x1BF5;
	[smem:$0x3FB7] =	sst s0  }
0x18: {  	s0 =	sld [smem:$0x3F9A];
	_ =	swait.ge [sflag:s4], $0x0  }
0x19: {  	s7 =	sld [smem:$0x3F9B]  }
0x1a: {  	s8 =	sadd.s32 $0xFFFFE003, lr  }
0x1b: {  	s9 =	sadd.s32 $0xFFFFFEF7, lr;
	s5 =	simm.s32 $0xFFFFFFFF;
	p2 =	slt.u32 s8, $0xFFFFF086  }
0x1c: {  	p1 =	slt.u32 s9, $0xF7A;
	s5 =	simm.s32 @!p2 $0x0  }
0x1d: {  	s5 =	simm.s32 @p1 $0x1;
	p0 =	seq.s32 s7, s2  }
0x1e: {  	s7 =	smul.u32 @!p0 $0xF7A, s2;
	p2 =	seq.s32 @!p0 s5, $0x0  }
0x1f: {  	s9 =	smul.u32 $0xF7A, s1;
	s8 =	simm.s32 @!p0 $0x1BF5;
	p2 =	por !p2, p0  }
0x20: {  	[sflag:s8] =	ssyncset.s32 @!p0 $0xFFFFF086;
	s6 =	sadd.s32 @!p0 s3, s7;
	s7 =	simm.s32 @!p0 $0x108  }
0x21: {  	s3 =	sadd.s32 s3, s9;
	s6 =	sadd.s32 @!p0 $0x88, s6;
	s7 =	simm.s32 @p2 $0x1082  }
0x22: {  	[simem:s7], [sflag:s8] =	dma.local @!p0 [hbm:s6], $0xF7A  }
0x23: {  	s9 =	sor.u32 $0xD0000000, s2;
	s6 =	simm.s32 $0x108;
	_ =	swait.ge @!p0 [sflag:s8], $0x0  }
0x24: {  	s3 =	sadd.s32 $0x88, s3;
	s6 =	simm.s32 @!p1 $0x1082;
	[sflag:s4] =	ssyncset.s32 $0xFFFFF086  }
0x25: {  	[simem:s6], [sflag:s4] =	dma.local [hbm:s3], $0xF7A  }
0x26: {  	[smem:$0x3F9B] =	sst s1;
	(tag) =	ssettag s2;
	_ =	strace s9  }
0x27: {  	s1 =	sld [smem:$0x3FAB]  }
0x28: {  	s2 =	sld [smem:$0x3FAC]  }
0x29: {  	s4 =	sld [smem:$0x3FAE]  }
0x2a: {  	p0 =	seq.s32 s5, $0x0;
	s5 =	sld [smem:$0x3FAF]  }
0x2b: {  	s6 =	sld [smem:$0x3FB0]  }
0x2c: {  	s7 =	sld [smem:$0x3FB1]  }
0x2d: {  	s3 =	simm.s32 $0x108;
	s8 =	sld [smem:$0x3FB2]  }
0x2e: {  	s3 =	simm.s32 @!p0 $0x1082;
	s9 =	sld [smem:$0x3FB3]  }
0x2f: {  	lr =	sadd.s32 s0, s3;
	s0 =	sld [smem:$0x3FAA]  }
0x30: {  	s3 =	sld [smem:$0x3FAD]  }
0x31: {  	[smem:$0x3FB6] =	sst s10  }
0x32: {  	s10 =	sld [smem:$0x3FB4];
	_ =	sdelay $0x3  }
0x33: {  	p0 =	seq.s32 s10, $0x1;
	s10 =	sld [smem:$0x3FB6];
	_ =	sdelay $0x3  }
0x34: {  	[smem:$0x3FB6] =	sst s10  }
0x35: {  	s10 =	sld [smem:$0x3FB5];
	_ =	sdelay $0x3  }
0x36: {  	p1 =	seq.s32 s10, $0x1;
	s10 =	sld [smem:$0x3FB6];
	_ =	sdelay $0x3  }
0x37: {  	[smem:$0x3FB6] =	sst s10  }
0x38: {  	s10 =	sld [smem:$0x3FB7]  }
0x39: {  	_ = 	snop;
	(pc) =	sbr.ind lr, $3  }
0x3a: {  	_ = 	snop  }
0x3b: {  	_ = 	snop  }
0x3c: {  	p2 =	seq.s32 s10, $0x1;
	s10 =	sld [smem:$0x3FB6]  }
0x3d: {  	_ =	shalt  }
0x3e: {  	_ =	shalt  }
0x3f: {  	_ =	shalt  }
0x40: {  	_ =	shalt  }
0x41: {  	_ =	shalt  }
0x42: {  	_ =	shalt  }
0x43: {  	_ =	shalt  }
0x44: {  	_ =	shalt  }
0x45: {  	_ =	shalt  }
0x46: {  	_ =	shalt  }
0x47: {  	_ =	shalt  }
0x48: {  	_ =	shalt  }
0x49: {  	_ =	shalt  }
0x4a: {  	_ =	shalt  }
0x4b: {  	_ =	shalt  }
0x4c: {  	_ =	shalt  }
0x4d: {  	_ =	shalt  }
0x4e: {  	_ =	shalt  }
0x4f: {  	_ =	shalt  }
0x50: {  	_ =	shalt  }
0x51: {  	_ =	shalt  }
0x52: {  	_ =	shalt  }
0x53: {  	_ =	shalt  }
0x54: {  	_ =	shalt  }
0x55: {  	_ =	shalt  }
0x56: {  	_ =	shalt  }
0x57: {  	_ =	shalt  }
0x58: {  	_ =	shalt  }
0x59: {  	_ =	shalt  }
0x5a: {  	_ =	shalt  }
0x5b: {  	_ =	shalt  }
0x5c: {  	_ =	shalt  }
0x5d: {  	_ =	shalt  }
0x5e: {  	_ =	shalt  }
0x5f: {  	_ =	shalt  }
0x60: {  	_ =	shalt  }
0x61: {  	_ =	shalt  }
0x62: {  	_ =	shalt  }
0x63: {  	_ =	shalt  }
0x64: {  	_ =	shalt  }
0x65: {  	_ =	shalt  }
0x66: {  	_ =	shalt  }
0x67: {  	_ =	shalt  }
0x68: {  	_ =	shalt  }
0x69: {  	_ =	shalt  }
0x6a: {  	_ =	shalt  }
0x6b: {  	_ =	shalt  }
0x6c: {  	_ =	shalt  }
0x6d: {  	_ =	shalt  }
0x6e: {  	_ =	shalt  }
0x6f: {  	_ =	shalt  }
0x70: {  	_ =	shalt  }
0x71: {  	_ =	shalt  }
0x72: {  	_ =	shalt  }
0x73: {  	_ =	shalt  }
0x74: {  	_ =	shalt  }
0x75: {  	_ =	shalt  }
0x76: {  	_ =	shalt  }
0x77: {  	_ =	shalt  }
0x78: {  	_ =	shalt  }
0x79: {  	_ =	shalt  }
0x7a: {  	_ =	shalt  }
0x7b: {  	_ =	shalt  }
0x7c: {  	_ =	shalt  }
0x7d: {  	_ =	shalt  }
0x7e: {  	_ =	shalt  }
0x7f: {  	_ =	shalt  }
0x80: {  	_ =	shalt  }
0x81: {  	_ =	shalt  }
0x82: {  	_ =	shalt  }
0x83: {  	_ =	shalt  }
0x84: {  	_ =	shalt  }
0x85: {  	_ =	shalt  }
0x86: {  	_ =	shalt  }
0x87: {  	_ =	shalt  }
.Lfunc_end0:
.L_simem_size_0:
called_computation_lowered:
.L_overlay_start_0:
0x88: {  	s2 =	sld [smem:$0x3FD9]  }
0x89: {  	s3 =	sld [smem:$0x3FFE];
	_ =	sdelay $0x1  }
0x8a: {  	s1 =	srdreg.scid  }
0x8b: {  	s0 =	sand.u32 $0x1, s1  }
0x8c: {  	s17 =	sshll.u32 s0, $0xA;
	s2 =	sadd.s32 s3, s2  }
0x8d: {  	s2 =	sadd.s32 s2, s17  }
0x8e: {  	[smem:$0x3FC2] =	sst s2  }
0x8f: {  	_ = 	snop  }
0x90: {  	s2 =	sld [smem:$0x3FD0];
	(tm) =	ssettm $0x1  }
0x91: {  	s18 =	sld [smem:$0x3FFB];
	_ =	sdelay $0x3  }
0x92: {  	_ =	strace s18  }
0x93: {  	s3 =	sld [smem:$0x3FFC];
	_ =	sdelay $0x3  }
0x94: {  	_ =	strace s3  }
0x95: {  	s3 =	sld [smem:$0x3FFD];
	_ =	sdelay $0x3  }
0x96: {  	_ =	strace s3  }
0x97: {  	_ =	strace $0x8FFFFFFF  }
0x98: {  	s19 =	sld [smem:$0x3FDB];
	_ =	sdelay $0x1  }
0x99: {  	s4 =	simm.s32 $_scs_section_size  }
0x9a: {  	s5 =	simm.s32 $_size__tile_overlayer_lowered;
	s6 =	simm.s32 $_tile_overlayer_lowered  }
0x9b: {  	s22 =	simm.s32 $0x1BFF;
	s21 =	sshll.u32 s6, $0x1;
	s3 =	sadd.s32 s4, s19  }
0x9c: {  	s7 =	simm.s32 $0x0;
	s20 =	sshll.u32 s5, $0x1;
	s5 =	sadd.s32 s21, s3  }
0x9d: {  	[timem:s7], [sflag:s22] =	dma.local [hbm:s5], s20  }
0x9e: {  	_ =	swait.ge [sflag:s22], s20  }
0x9f: {  	s4 =	ssub.s32 $0x0, s20;
	[sflag:s22] =	ssyncset.done $0x0  }
0xa0: {  	[sflag:s22] =	ssyncadd.s32 s4;
	_ =	sdelay $0x1  }
0xa1: {  	s23 =	simm.s32 $0x1B8B  }
0xa2: {  	_ =	swait.ge [sflag:s23], $0x1  }
0xa3: {  	[sflag:s23] =	ssyncset.done $0x0  }
0xa4: {  	s25 =	simm.s32 $0x1B8E;
	s24 =	sld [smem:$0x3FFE];
	[sflag:s23] =	ssyncadd.s32 $0xFFFFFFFF  }
0xa5: {  	s26 =	simm.s32 $execute0_lowered;
	[smem:$0x3FD2] =	sst s25  }
0xa6: {  	s5 =	sshll.u32 s26, $0x1;
	_ =	strace $0x80000046;
	[dreg:$0x1] =	wrdreg $0xFFFFFFFF  }
0xa7: {  	s28 =	simm.s32 $_size_execute0_lowered;
	s3 =	sadd.s32 s3, s5;
	[dreg:$0x0] =	wrdreg $0x0  }
0xa8: {  	s5 =	sshll.u32 s28, $0x1;
	[dreg:$0x2] =	wrdreg s3  }
0xa9: {  	[dreg:$0x3] =	wrdreg s5  }
0xaa: {  	[dreg:$0x4] =	wrdreg $0xC0  }
0xab: {  	_ =	task [dreg:s7], $0x5FFFF  }
0xac: {  	[dreg:$0x1] =	wrdreg $0xFFFFFFFF  }
0xad: {  	[dreg:$0x0] =	wrdreg $0x60  }
0xae: {  	[dreg:$0x2] =	wrdreg s24  }
0xaf: {  	[dreg:$0x3] =	wrdreg s2  }
0xb0: {  	[dreg:$0x4] =	wrdreg $0x6B800  }
0xb1: {  	[dreg:$0x5] =	wrdreg $0x1AB800  }
0xb2: {  	[dreg:$0x6] =	wrdreg $0x9  }
0xb3: {  	_ =	task.clear_ibuf [dreg:s7], $0x7FFFF;
	_ =	strace $0x90000046  }
0xb4: {  	s29 =	simm.s32 $0x9;
	_ =	strace $0x80000048  }
0xb5: {  	_ =	swait.ge [sflag:s29], $0x1  }
0xb6: {  	[sflag:s29] =	ssyncadd.s32 $0xFFFFFFFF  }
0xb7: {  	_ =	strace $0x90000048  }
0xb8: {  	_ =	sfence  }
0xb9: {  	s30 =	sld [smem:$0x0];
	_ =	sdelay $0x2  }
0xba: {  	s31 =	sshll.u32 s1, $0xD;
	s1 =	sshrl.u32 s1, $0x2  }
0xbb: {  	s3 =	sand.u32 $0x4000, s31;
	s1 =	sadd.s32 s1, s30  }
0xbc: {  	s0 =	sor.u32 s3, s0;
	s1 =	sshll.u32 s1, $0x11  }
0xbd: {  	s0 =	sor.u32 s1, s0  }
0xbe: {  	s0 =	sadd.s32 $0x8F2B, s0  }
0xbf: {  	[sflag:s0] =	ssyncadd.remote.s32 $0x1  }
0xc0: {  	_ =	sfence.sel $0xFFFF  }
0xc1: {  	[dreg:$0x0] =	wrdreg $0xFFFFFFFF;
	(pc) =	sbr.abs _section_cstart, $3  }
0xc2: {  	[dreg:$0x1] =	wrdreg $0xFFFFFFFF  }
0xc3: {  	_ =	task.clear_ibuf [dreg:s7], $0x2FFFF;
	_ =	strace $0x9FFFFFFF  }
0xc4: {  	(tm) =	ssettm $0x7FFFFFFF  }
0xc5: {  	_ =	shalt  }
tec
execute0_lowered:
.L_overlay_start_1:
0x0: {  	(tag) =	ssettag $0x1  }
0x1: {  	s0 =	rddreg [dreg:$0x0]  }
0x2: {  	s13 =	rddreg [dreg:$0x2]  }
0x3: {  	s14 =	rddreg [dreg:$0x3]  }
0x4: {  	s1 =	srdreg.scid;
	s4 =	simm.s32 $0x0;
	s3 =	stileid.u32  }
0x5: {  	s30 =	simm.s32 $0x3E80;
	s29 =	simm.s32 $0x6;
	s7 =	smul.u32 $0x280, s3  }
0x6: {  	s31 =	simm.s32 $0x230;
	s1 =	sand.u32 $0x1, s1;
	s9 =	smul.u32 $0x14000, s3  }
0x7: {  	[smem:$0x7FF] =	sst s4;
	s11 =	sshll.u32 s3, $0x1;
	s10 =	smul.u32 $0x2800, s3  }
0x8: {  	s28 =	sadd.s32 $0xB040, s0;
	s2 =	smul.u32 $0x28000, s1;
	_ =	strace $0x80000047  }
0x9: {  	s5 =	smul.u32 $0x5000, s1;
	s6 =	ssub.s32 $0x2, s1;
	s1 =	sor.u32 s1, s11  }
0xa: {  	s8 =	sshrl.u32 s6, $0x1;
	s15 =	sadd.s32 s9, s13;
	s12 =	sor.u32 $0x50, s7  }
0xb: {  	s17 =	sadd.s32 s10, s14;
	s19 =	sadd.s32 $0xA0, s7;
	s26 =	sadd.s32 $0x140, s7  }
0xc: {  	s9 =	sshrl.u32 s9, $0x3;
	s1 =	smul.u32 $0x2710, s1;
	s2 =	sadd.s32 s2, s0  }
0xd: {  	s5 =	sadd.s32 s5, s0;
	s6 =	ssub.s32 s6, s8;
	s11 =	sshll.u32 s12, $0x7  }
0xe: {  	s8 =	sshll.u32 s12, $0x4;
	s20 =	sshll.u32 s19, $0x7;
	[dreg:$0x5] =	wrdreg s15  }
0xf: {  	s12 =	sadd.s32 $0xF0, s7;
	[dreg:$0x6] =	wrdreg s17;
	s16 =	sadd.s32 s11, s13  }
0x10: {  	s18 =	sadd.s32 s8, s14;
	s8 =	sshll.u32 s19, $0x4;
	s21 =	sadd.s32 s20, s13  }
0x11: {  	s23 =	sshll.u32 s12, $0x7;
	s25 =	sshll.u32 s12, $0x4;
	[dreg:$0x7] =	wrdreg s16  }
0x12: {  	s11 =	sshll.u32 s26, $0x4;
	s20 =	sadd.s32 $0x190, s7;
	[dreg:$0x8] =	wrdreg s18  }
0x13: {  	s2 =	sadd.s32 $0x28E00, s2;
	s6 =	smax.u32 s6, $0x1;
	[dreg:$0x9] =	wrdreg s21  }
0x14: {  	s5 =	sadd.s32 $0x1EE00, s5;
	s22 =	sadd.s32 s8, s14;
	[dreg:$0x1c] =	wrdreg s6  }
0x15: {  	s24 =	sadd.s32 s23, s13;
	s12 =	sadd.s32 s25, s14;
	[dreg:$0xa] =	wrdreg s22  }
0x16: {  	s16 =	sshll.u32 s26, $0x7;
	s19 =	sadd.s32 s11, s14;
	[dreg:$0xb] =	wrdreg s24  }
0x17: {  	s21 =	sshll.u32 s20, $0x7;
	s8 =	sshll.u32 s20, $0x4;
	[dreg:$0xc] =	wrdreg s12  }
0x18: {  	s2 =	sadd.s32 s9, s2;
	s23 =	sadd.s32 $0x1E0, s7;
	[dreg:$0xe] =	wrdreg s19  }
0x19: {  	s11 =	sshrl.u32 s1, $0x3;
	s6 =	simm.s32 $0x7;
	[dreg:$0x10] =	wrdreg s2  }
0x1a: {  	s18 =	sadd.s32 s16, s13;
	s22 =	sadd.s32 s21, s13;
	[dreg:$0x17] =	wrdreg s11  }
0x1b: {  	s24 =	sshrl.u32 s10, $0x3;
	s25 =	sadd.s32 s8, s14;
	[dreg:$0xd] =	wrdreg s18  }
0x1c: {  	s3 =	sshll.u32 s23, $0x7;
	s2 =	sshll.u32 s23, $0x4;
	[dreg:$0xf] =	wrdreg s22  }
0x1d: {  	s8 =	sadd.s32 $0x230, s7;
	s12 =	sadd.s32 $0xA0, s1;
	[dreg:$0x11] =	wrdreg s25  }
0x1e: {  	s16 =	sadd.s32 $0xA, s11;
	s7 =	simm.s32 $0x3;
	[dreg:$0x18] =	wrdreg s12  }
0x1f: {  	s26 =	sadd.s32 s24, s5;
	s5 =	sadd.s32 s3, s13;
	[dreg:$0x1d] =	wrdreg s16  }
0x20: {  	s2 =	sadd.s32 s2, s14;
	s9 =	sshll.u32 s8, $0x7;
	[dreg:$0x12] =	wrdreg s26  }
0x21: {  	s3 =	smov.u32 s13;
	s24 =	sadd.s32 $0x1400, s0;
	[dreg:$0x13] =	wrdreg s5  }
0x22: {  	s25 =	sadd.s32 $0x14E00, s0;
	[dreg:$0x14] =	wrdreg s2;
	s2 =	sadd.s32 s9, s13  }
0x23: {  	s26 =	sadd.s32 $0x19E00, s0;
	s0 =	sadd.s32 s24, s11;
	[dreg:$0x15] =	wrdreg s2  }
0x24: {  	s5 =	sshll.u32 s8, $0x4;
	s18 =	sadd.s32 s24, s16;
	[dreg:$0x1f] =	wrdreg s0  }
0x25: {  	s9 =	smov.u32 s14;
	s13 =	sadd.s32 $0xF0, s1;
	[smem:$0x7F6] =	sst s18  }
0x26: {  	s8 =	simm.s32 $0x50;
	s10 =	sadd.s32 s5, s14;
	[dreg:$0x19] =	wrdreg s13  }
0x27: {  	s11 =	simm.s32 $0x190;
	s2 =	sshrl.u32 s12, $0x3;
	[dreg:$0x16] =	wrdreg s10  }
0x28: {  	s16 =	simm.s32 $0x1E0;
	s14 =	sadd.s32 $0x140, s1;
	[dreg:$0x1e] =	wrdreg s2  }
0x29: {  	s1 =	sadd.s32 $0x190, s1;
	s20 =	sshrl.u32 s13, $0x3;
	[dreg:$0x1a] =	wrdreg s14  }
0x2a: {  	s12 =	simm.s32 $0x1;
	s18 =	simm.s32 $0x5;
	[dreg:$0x1b] =	wrdreg s1  }
0x2b: {  	s5 =	simm.s32 $0x4;
	s19 =	sadd.s32 s24, s2;
	[smem:$0x7F8] =	sst s20  }
0x2c: {  	s21 =	sshrl.u32 s14, $0x3;
	s0 =	sadd.s32 s24, s20;
	[smem:$0x7F7] =	sst s19  }
0x2d: {  	s1 =	sshrl.u32 s1, $0x3;
	s20 =	simm.s32 $0x1680;
	[smem:$0x7F9] =	sst s0  }
0x2e: {  	s2 =	simm.s32 $0x0;
	[smem:$0x7FA] =	sst s21;
	s22 =	sadd.s32 s24, s21  }
0x2f: {  	[smem:$0x7FC] =	sst s1;
	s23 =	sadd.s32 s24, s1;
	s21 =	simm.s32 $0x9  }
0x30: {  	v0 =	vimm.f32 $0.0e+00;
	v1 =	vimm.s32 $0x0;
	s19 =	simm.s32 $0x2;
	s0 =	simm.s32 $0x8;
	[smem:$0x7FB] =	sst s22  }
0x31: {  	v2 =	vimm.s32 $0x1;
	v3 =	vimm.s32 $0x2;
	v4 =	vimm.s32 $0x3;
	[smem:$0x7FD] =	sst s23;
	s22 =	simm.s32 $0x6680;
	s23 =	simm.s32 $0x140  }
.LBB2_1:
0x32: {  	s1 =	simm.s32 $0x16C0  }
0x33: {  	[tilespmem:s1+$0xFFFFFFD0] =	vst v0  }
0x34: {  	[tilespmem:s1+$0xFFFFFFE0] =	vst v0  }
0x35: {  	[tilespmem:s1+$0xFFFFFFF0] =	vst v0  }
0x36: {  	[tilespmem:s1+$0x0] =	vst v0  }
0x37: {  	[tilespmem:s1+$0x10] =	vst v0  }
0x38: {  	[tilespmem:s1+$0x20] =	vst v0  }
0x39: {  	[tilespmem:s1+$0x30] =	vst v0  }
0x3a: {  	[smem:$0x7F5] =	sst s2;
	s10 =	simm.s32 $0x0;
	s2 =	simm.s32 $0x40;
	[tilespmem:s1+$0xFFFFFFC0] =	vst v0  }
.LBB2_2:
0x3b: {  	p0 =	sne.s32 s2, $0x13C0;
	[tilespmem:s10+$0x6680] =	vst v0;
	s1 =	sadd.s32 $0x80, s1  }
0x3c: {  	[tilespmem:s1+$0xFFFFFFD0] =	vst v0  }
0x3d: {  	[tilespmem:s1+$0xFFFFFFE0] =	vst v0  }
0x3e: {  	[tilespmem:s1+$0xFFFFFFF0] =	vst v0  }
.Ltmp0:
0x3f: {  	[tilespmem:s1+$0x0] =	vst v0;
	(pc) =	sbr.rel @p0 .LBB2_2-.Ltmp0, $4  }
0x40: {  	[tilespmem:s1+$0x10] =	vst v0  }
0x41: {  	[tilespmem:s1+$0x20] =	vst v0  }
0x42: {  	[tilespmem:s1+$0x30] =	vst v0  }
0x43: {  	s10 =	sshra.s32 s2, $0x2;
	s2 =	sadd.s32 $0x40, s2;
	[tilespmem:s1+$0xFFFFFFC0] =	vst v0  }
0x44: {  	[tilespmem:s10+$0x6680] =	vst v0  }
0x45: {  	[spmem:s15] =	stream.linear.scatter [tilespmem:s20], [sflag:$0x9], $0x2800, $0x38;
	[tilespmem:$0x1D380] =	vst v63  }
0x46: {  	_ =	swait.ge [sflag:s21], $0x2800  }
0x47: {  	[sflag:s21] =	ssyncset.done $0x0  }
0x48: {  	[sflag:s21] =	ssyncadd.s32 $0xFFFFD800  }
0x49: {  	[spmem:s17] =	stream.linear.scatter [tilespmem:s22], [sflag:$0x9], $0x500, $0x38;
	[tilespmem:$0x1D380] =	vst v63  }
0x4a: {  	_ =	swait.ge [sflag:s21], $0x500  }
0x4b: {  	[sflag:s21] =	ssyncset.done $0x0  }
0x4c: {  	s1 =	rddreg [dreg:$0x7];
	[sflag:s21] =	ssyncadd.s32 $0xFFFFFB00  }
0x4d: {  	[spmem:s1] =	stream.linear.scatter [tilespmem:s20], [sflag:$0x9], $0x2800, $0x38;
	[tilespmem:$0x1D380] =	vst v63  }
0x4e: {  	_ =	swait.ge [sflag:s21], $0x2800  }
0x4f: {  	[sflag:s21] =	ssyncset.done $0x0  }
0x50: {  	s17 =	rddreg [dreg:$0x8];
	[sflag:s21] =	ssyncadd.s32 $0xFFFFD800  }
0x51: {  	[spmem:s17] =	stream.linear.scatter [tilespmem:s22], [sflag:$0x9], $0x500, $0x38;
	[tilespmem:$0x1D380] =	vst v63  }
0x52: {  	_ =	swait.ge [sflag:s21], $0x500  }
0x53: {  	[sflag:s21] =	ssyncset.done $0x0  }
0x54: {  	s2 =	rddreg [dreg:$0x9];
	[sflag:s21] =	ssyncadd.s32 $0xFFFFFB00  }
0x55: {  	[spmem:s2] =	stream.linear.scatter [tilespmem:s20], [sflag:$0x9], $0x2800, $0x38;
	[tilespmem:$0x1D380] =	vst v63  }
0x56: {  	_ =	swait.ge [sflag:s21], $0x2800  }
0x57: {  	[sflag:s21] =	ssyncset.done $0x0  }
0x58: {  	s10 =	rddreg [dreg:$0xa];
	[sflag:s21] =	ssyncadd.s32 $0xFFFFD800  }
0x59: {  	[spmem:s10] =	stream.linear.scatter [tilespmem:s22], [sflag:$0x9], $0x500, $0x38;
	[tilespmem:$0x1D380] =	vst v63  }
0x5a: {  	_ =	swait.ge [sflag:s21], $0x500  }
0x5b: {  	[sflag:s21] =	ssyncset.done $0x0  }
0x5c: {  	s13 =	rddreg [dreg:$0xb];
	[sflag:s21] =	ssyncadd.s32 $0xFFFFFB00  }
0x5d: {  	[spmem:s13] =	stream.linear.scatter [tilespmem:s20], [sflag:$0x9], $0x2800, $0x38;
	[tilespmem:$0x1D380] =	vst v63  }
0x5e: {  	_ =	swait.ge [sflag:s21], $0x2800  }
0x5f: {  	[sflag:s21] =	ssyncset.done $0x0  }
0x60: {  	s14 =	rddreg [dreg:$0xc];
	[sflag:s21] =	ssyncadd.s32 $0xFFFFD800  }
0x61: {  	[spmem:s14] =	stream.linear.scatter [tilespmem:s22], [sflag:$0x9], $0x500, $0x38;
	[tilespmem:$0x1D380] =	vst v63  }
0x62: {  	_ =	swait.ge [sflag:s21], $0x500  }
0x63: {  	[sflag:s21] =	ssyncset.done $0x0  }
0x64: {  	s15 =	rddreg [dreg:$0xd];
	[sflag:s21] =	ssyncadd.s32 $0xFFFFFB00  }
0x65: {  	[spmem:s15] =	stream.linear.scatter [tilespmem:s20], [sflag:$0x9], $0x2800, $0x38;
	[tilespmem:$0x1D380] =	vst v63  }
0x66: {  	_ =	swait.ge [sflag:s21], $0x2800  }
0x67: {  	[sflag:s21] =	ssyncset.done $0x0  }
0x68: {  	s17 =	rddreg [dreg:$0xe];
	[sflag:s21] =	ssyncadd.s32 $0xFFFFD800  }
0x69: {  	[spmem:s17] =	stream.linear.scatter [tilespmem:s22], [sflag:$0x9], $0x500, $0x38;
	[tilespmem:$0x1D380] =	vst v63  }
0x6a: {  	_ =	swait.ge [sflag:s21], $0x500  }
0x6b: {  	[sflag:s21] =	ssyncset.done $0x0  }
0x6c: {  	s2 =	rddreg [dreg:$0xf];
	[sflag:s21] =	ssyncadd.s32 $0xFFFFFB00  }
0x6d: {  	[spmem:s2] =	stream.linear.scatter [tilespmem:s20], [sflag:$0x9], $0x2800, $0x38;
	[tilespmem:$0x1D380] =	vst v63  }
0x6e: {  	_ =	swait.ge [sflag:s21], $0x2800  }
0x6f: {  	[sflag:s21] =	ssyncset.done $0x0  }
0x70: {  	s10 =	rddreg [dreg:$0x11];
	[sflag:s21] =	ssyncadd.s32 $0xFFFFD800  }
0x71: {  	[spmem:s10] =	stream.linear.scatter [tilespmem:s22], [sflag:$0x9], $0x500, $0x38;
	[tilespmem:$0x1D380] =	vst v63  }
0x72: {  	_ =	swait.ge [sflag:s21], $0x500  }
0x73: {  	[sflag:s21] =	ssyncset.done $0x0  }
0x74: {  	s13 =	rddreg [dreg:$0x13];
	[sflag:s21] =	ssyncadd.s32 $0xFFFFFB00  }
0x75: {  	[spmem:s13] =	stream.linear.scatter [tilespmem:s20], [sflag:$0x9], $0x2800, $0x38;
	[tilespmem:$0x1D380] =	vst v63  }
0x76: {  	_ =	swait.ge [sflag:s21], $0x2800  }
0x77: {  	[sflag:s21] =	ssyncset.done $0x0  }
0x78: {  	s14 =	rddreg [dreg:$0x14];
	[sflag:s21] =	ssyncadd.s32 $0xFFFFD800  }
0x79: {  	[spmem:s14] =	stream.linear.scatter [tilespmem:s22], [sflag:$0x9], $0x500, $0x38;
	[tilespmem:$0x1D380] =	vst v63  }
0x7a: {  	_ =	swait.ge [sflag:s21], $0x500  }
0x7b: {  	[sflag:s21] =	ssyncset.done $0x0  }
0x7c: {  	s15 =	rddreg [dreg:$0x15];
	[sflag:s21] =	ssyncadd.s32 $0xFFFFFB00  }
0x7d: {  	[spmem:s15] =	stream.linear.scatter [tilespmem:s20], [sflag:$0x9], $0x2800, $0x38;
	[tilespmem:$0x1D380] =	vst v63  }
0x7e: {  	_ =	swait.ge [sflag:s21], $0x2800  }
0x7f: {  	[sflag:s21] =	ssyncset.done $0x0  }
0x80: {  	s17 =	rddreg [dreg:$0x16];
	[sflag:s21] =	ssyncadd.s32 $0xFFFFD800  }
0x81: {  	[spmem:s17] =	stream.linear.scatter [tilespmem:s22], [sflag:$0x9], $0x500, $0x38;
	[tilespmem:$0x1D380] =	vst v63  }
0x82: {  	_ =	swait.ge [sflag:s21], $0x500  }
0x83: {  	[sflag:s21] =	ssyncset.done $0x0  }
0x84: {  	[sflag:s21] =	ssyncadd.s32 $0xFFFFFB00  }
0x85: {  	[bflag:$0x0] =	sbarrier.arrive $0xFFFF  }
0x86: {  	s2 =	rddreg [dreg:$0x1f]  }
0x87: {  	s10 =	rddreg [dreg:$0x17]  }
0x88: {  	[tilespmem:s4], [sflag:$0x1] =	stream.linear.gather [hbm4b:s2+s4], $0x50, $0x38;
	[tilespmem:$0x1D380] =	vst v63  }
0x89: {  	s13 =	sld [smem:$0x7F6];
	s1 =	sadd.s32 s10, s28  }
0x8a: {  	[tilespmem:s23], [sflag:$0x1] =	stream.linear.gather [hbm4b:s1+s4], $0x50, $0x38;
	[tilespmem:$0x1D380] =	vst v63  }
0x8b: {  	s14 =	rddreg [dreg:$0x1d]  }
0x8c: {  	[tilespmem:s8], [sflag:$0x2] =	stream.linear.gather [hbm4b:s13+s4], $0x50, $0x38;
	[tilespmem:$0x1D380] =	vst v63  }
0x8d: {  	s1 =	sadd.s32 s14, s28  }
0x8e: {  	[tilespmem:s11], [sflag:$0x2] =	stream.linear.gather [hbm4b:s1+s4], $0x50, $0x38;
	[tilespmem:$0x1D380] =	vst v63  }
0x8f: {  	_ =	swait.ge [sflag:s12], $0x50  }
0x90: {  	[sflag:s12] =	ssyncset.done $0x0  }
0x91: {  	[sflag:s12] =	ssyncadd.s32 $0xFFFFFFB0  }
0x92: {  	_ =	swait.ge [sflag:s12], $0x50  }
0x93: {  	[sflag:s12] =	ssyncset.done $0x0  }
0x94: {  	[sflag:s12] =	ssyncadd.s32 $0xFFFFFFB0  }
0x95: {  	s15 =	rddreg [dreg:$0x1]  }
0x96: {  	[tilespmem:s20], [sflag:$0x5] =	stream.indirect.gather [hbm4b:s15+s8], $0x80, s4, s8, $0xb8;
	[tilespmem:$0x1D380] =	vst v63  }
0x97: {  	s2 =	simm.s32 $0x280  }
0x98: {  	[tilespmem:s2], [sflag:$0x5] =	stream.indirect.gather [hbm4b:s25+s8], $0x10, s4, s8, $0xb8;
	[tilespmem:$0x1D380] =	vst v63  }
0x99: {  	s17 =	simm.s32 $0xC80  }
0x9a: {  	[tilespmem:s17], [sflag:$0x5] =	stream.indirect.gather [hbm4b:s26+s8], $0x10, s23, s8, $0xb8;
	[tilespmem:$0x1D380] =	vst v63  }
0x9b: {  	_ =	swait.ge [sflag:s18], $0x2800  }
0x9c: {  	[sflag:s18] =	ssyncset.done $0x0  }
0x9d: {  	[sflag:s18] =	ssyncadd.s32 $0xFFFFD800  }
0x9e: {  	_ =	swait.ge [sflag:s18], $0x500  }
0x9f: {  	[sflag:s18] =	ssyncset.done $0x0  }
0xa0: {  	[sflag:s18] =	ssyncadd.s32 $0xFFFFFB00  }
0xa1: {  	_ =	swait.ge [sflag:s18], $0x500  }
0xa2: {  	[sflag:s18] =	ssyncset.done $0x0  }
0xa3: {  	[sflag:s18] =	ssyncadd.s32 $0xFFFFFB00  }
0xa4: {  	_ =	swait.ge [sflag:s19], $0x50  }
0xa5: {  	[sflag:s19] =	ssyncset.done $0x0  }
0xa6: {  	[sflag:s19] =	ssyncadd.s32 $0xFFFFFFB0  }
0xa7: {  	_ =	swait.ge [sflag:s19], $0x50  }
0xa8: {  	[sflag:s19] =	ssyncset.done $0x0  }
0xa9: {  	[sflag:s19] =	ssyncadd.s32 $0xFFFFFFB0  }
0xaa: {  	[tilespmem:s30], [sflag:$0x6] =	stream.indirect.gather [hbm4b:s15+s8], $0x80, s8, s8, $0xb8;
	[tilespmem:$0x1D380] =	vst v63  }
0xab: {  	s10 =	simm.s32 $0x780  }
0xac: {  	[tilespmem:s10], [sflag:$0x6] =	stream.indirect.gather [hbm4b:s25+s8], $0x10, s8, s8, $0xb8;
	[tilespmem:$0x1D380] =	vst v63  }
0xad: {  	s14 =	simm.s32 $0x290;
	s13 =	simm.s32 $0x1180  }
0xae: {  	[tilespmem:s13], [sflag:$0x6] =	stream.indirect.gather [hbm4b:s26+s8], $0x10, s11, s8, $0xb8;
	[tilespmem:$0x1D380] =	vst v63  }
0xaf: {  	s15 =	simm.s32 $0xC90;
	v5 =	vld [tilespmem:s14+$0x0]  }
0xb0: {  	v6 =	vld [tilespmem:s15+$0x0]  }
0xb1: {  	v7 =	vld [tilespmem:s15+$0xFFFFFFF0]  }
0xb2: {  	v8 =	vld [tilespmem:s14+$0xFFFFFFF0];
	_ =	sdelay $0x2  }
0xb3: {  	v5 =	vadd.f32 v6, v5;
	_ =	sdelay $0x1  }
0xb4: {  	v6 =	vadd.f32 v7, v8;
	v7 =	vmul.f32 $2.000000030e-01, v5;
	_ =	sdelay $0x1  }
0xb5: {  	v8 =	vmul.f32 $2.000000030e-01, v6;
	v5 =	vmax.f32 v5, v7  }
0xb6: {  	v5 =	vmul.f32 $1.442695020e+00, v5  }
0xb7: {  	v6 =	vmax.f32 v6, v8  }
0xb8: {  	v6 =	vmul.f32 $1.442695020e+00, v6;
	(erf) = vpow2.f32 v5;
	_ =	sdelay $0x1  }
0xb9: {  	(erf) = vpow2.f32 v6;
	_ =	sdelay $0x4  }
0xba: {  	s17 =	simm.s32 $0x2B0  }
0xbb: {  	s14 =	simm.s32 $0xCB0;
	v11 =	vld [tilespmem:s17+$0xFFFFFFF0]  }
0xbc: {  	s13 =	simm.s32 $0x6690;
	v9 =	vld [tilespmem:s14+$0x0];
	v6 =	vpop (erf)  }
0xbd: {  	s10 =	simm.s32 $0x1700;
	v8 =	vld [tilespmem:s17+$0x0];
	[tilespmem:s13+$0x0] =	vst v6  }
0xbe: {  	v13 =	vpop (erf);
	v12 =	vld [tilespmem:s10+$0x70]  }
0xbf: {  	v10 =	vld [tilespmem:s14+$0xFFFFFFF0];
	[tilespmem:s13+$0xFFFFFFF0] =	vst v13  }
0xc0: {  	v15 =	vld [tilespmem:s10+$0xFFFFFF80]  }
0xc1: {  	v5 =	vperm.xlane v6, v4;
	_ =	sdelay $0x1  }
0xc2: {  	v8 =	vadd.f32 v9, v8;
	v14 =	vld [tilespmem:s10+$0x0];
	v19 =	vperm.xlane v13, v1;
	v12 =	vmul.f32 v12, v5  }
0xc3: {  	v16 =	vld [tilespmem:s10+$0xFFFFFF90]  }
0xc4: {  	v10 =	vadd.f32 v10, v11;
	v17 =	vld [tilespmem:s10+$0xFFFFFFA0];
	v9 =	vmul.f32 v15, v19;
	[tilespmem:s10+$0x70] =	vst v12;
	v12 =	vmul.f32 $2.000000030e-01, v8  }
0xc5: {  	v20 =	vld [tilespmem:s10+$0xFFFFFFB0]  }
0xc6: {  	v18 =	vperm.xlane v6, v1;
	v21 =	vld [tilespmem:s10+$0xFFFFFFC0];
	[tilespmem:s10+$0xFFFFFF80] =	vst v9;
	v9 =	vmul.f32 $2.000000030e-01, v10;
	v8 =	vmax.f32 v8, v12  }
0xc7: {  	v22 =	vperm.xlane v13, v2;
	v63 =	vld [tilespmem:s10+$0xFFFFFFF0];
	v8 =	vmul.f32 $1.442695020e+00, v8  }
0xc8: {  	v11 =	vmul.f32 v14, v18;
	v15 =	vld [tilespmem:s10+$0xFFFFFFD0];
	v16 =	vmul.f32 v16, v19;
	v9 =	vmax.f32 v10, v9  }
0xc9: {  	v14 =	vld [tilespmem:s10+$0xFFFFFFE0];
	v9 =	vmul.f32 $1.442695020e+00, v9;
	(erf) = vpow2.f32 v8  }
0xca: {  	v23 =	vperm.xlane v13, v3;
	[tilespmem:s10+$0x0] =	vst v11;
	v11 =	vmul.f32 v17, v22;
	v17 =	vld [tilespmem:s10+$0x10]  }
0xcb: {  	[tilespmem:s10+$0xFFFFFF90] =	vst v16;
	v12 =	vld [tilespmem:s10+$0x20];
	v10 =	vmul.f32 v20, v22;
	(erf) = vpow2.f32 v9  }
0xcc: {  	v13 =	vperm.xlane v13, v4;
	v16 =	vmul.f32 v21, v23;
	[tilespmem:s10+$0xFFFFFFA0] =	vst v11;
	v11 =	vld [tilespmem:s10+$0x30]  }
0xcd: {  	v7 =	vperm.xlane v6, v2;
	v8 =	vmul.f32 v15, v23;
	[tilespmem:s10+$0xFFFFFFB0] =	vst v10;
	v10 =	vld [tilespmem:s10+$0x40]  }
0xce: {  	v6 =	vperm.xlane v6, v3;
	v14 =	vmul.f32 v14, v13;
	[tilespmem:s10+$0xFFFFFFC0] =	vst v16;
	v9 =	vld [tilespmem:s10+$0x50]  }
0xcf: {  	s1 =	simm.s32 $0x2D0;
	s15 =	simm.s32 $0x1700;
	s17 =	simm.s32 $0x2;
	v15 =	vmul.f32 v63, v13;
	v13 =	vmul.f32 v17, v18;
	[tilespmem:s10+$0xFFFFFFD0] =	vst v8;
	v8 =	vld [tilespmem:s10+$0x60]  }
.LBB2_4:
0xd0: {  	v16 =	vld [tilespmem:s1+$0x0];
	s14 =	sadd.s32 $0x20, s14;
	[tilespmem:s10+$0xFFFFFFE0] =	vst v14;
	v12 =	vmul.f32 v12, v7  }
0xd1: {  	s17 =	sadd.s32 $0x2, s17;
	v14 =	vld [tilespmem:s14+$0x0];
	[tilespmem:s10+$0xFFFFFFF0] =	vst v15;
	v11 =	vmul.f32 v11, v7  }
0xd2: {  	s13 =	sadd.s32 $0x20, s13;
	p0 =	slt.u32 s17, $0x4E;
	v15 =	vld [tilespmem:s14+$0xFFFFFFF0];
	v17 =	vpop (erf);
	[tilespmem:s10+$0x10] =	vst v13;
	v10 =	vmul.f32 v10, v6  }
0xd3: {  	s10 =	sadd.s32 $0x100, s10;
	v13 =	vld [tilespmem:s1+$0xFFFFFFF0];
	[tilespmem:s13+$0x0] =	vst v17;
	v18 =	vperm.xlane v17, v1;
	v7 =	vperm.xlane v17, v2  }
0xd4: {  	v9 =	vmul.f32 v9, v6;
	v6 =	vperm.xlane v17, v3;
	v19 =	vld [tilespmem:s10+$0x70];
	v20 =	vpop (erf);
	[tilespmem:s15+$0x20] =	vst v12  }
0xd5: {  	[tilespmem:s13+$0xFFFFFFF0] =	vst v20;
	v12 =	vperm.xlane v20, v1;
	v21 =	vperm.xlane v20, v2;
	v22 =	vld [tilespmem:s10+$0x0]  }
0xd6: {  	v23 =	vperm.xlane v20, v3;
	v20 =	vperm.xlane v20, v4;
	v14 =	vadd.f32 v14, v16;
	v16 =	vld [tilespmem:s10+$0xFFFFFF80];
	[tilespmem:s15+$0x30] =	vst v11  }
0xd7: {  	v8 =	vmul.f32 v8, v5;
	v5 =	vperm.xlane v17, v4;
	v11 =	vld [tilespmem:s10+$0xFFFFFF90];
	[tilespmem:s15+$0x40] =	vst v10  }
0xd8: {  	v10 =	vadd.f32 v15, v13;
	v13 =	vmul.f32 $2.000000030e-01, v14;
	v15 =	vld [tilespmem:s10+$0xFFFFFFA0];
	[tilespmem:s15+$0x50] =	vst v9  }
0xd9: {  	v9 =	vld [tilespmem:s10+$0xFFFFFFB0];
	v17 =	vmul.f32 v19, v5;
	[tilespmem:s15+$0x60] =	vst v8;
	s15 =	smov.u32 s10  }
0xda: {  	v8 =	vmul.f32 $2.000000030e-01, v10;
	v13 =	vmax.f32 v14, v13;
	v14 =	vld [tilespmem:s10+$0xFFFFFFC0];
	v19 =	vmul.f32 v22, v18  }
0xdb: {  	v13 =	vmul.f32 $1.442695020e+00, v13;
	v16 =	vmul.f32 v16, v12;
	v22 =	vld [tilespmem:s10+$0xFFFFFFD0];
	[tilespmem:s10+$0x70] =	vst v17  }
0xdc: {  	v8 =	vmax.f32 v10, v8;
	v10 =	vmul.f32 v11, v12;
	v17 =	vld [tilespmem:s10+$0xFFFFFFE0];
	[tilespmem:s10+$0x0] =	vst v19  }
0xdd: {  	v8 =	vmul.f32 $1.442695020e+00, v8;
	(erf) = vpow2.f32 v13;
	[tilespmem:s10+$0xFFFFFF80] =	vst v16;
	v13 =	vld [tilespmem:s10+$0xFFFFFFF0]  }
0xde: {  	[tilespmem:s10+$0xFFFFFF90] =	vst v10;
	v10 =	vmul.f32 v15, v21;
	v9 =	vmul.f32 v9, v21;
	v16 =	vld [tilespmem:s10+$0x10]  }
.Ltmp1:
0xdf: {  	(erf) = vpow2.f32 v8;
	v8 =	vmul.f32 v14, v23;
	v12 =	vld [tilespmem:s10+$0x20];
	(pc) =	sbr.rel @p0 .LBB2_4-.Ltmp1, $4  }
0xe0: {  	[tilespmem:s10+$0xFFFFFFA0] =	vst v10;
	v19 =	vmul.f32 v22, v23;
	v11 =	vld [tilespmem:s10+$0x30]  }
0xe1: {  	[tilespmem:s10+$0xFFFFFFB0] =	vst v9;
	v14 =	vmul.f32 v17, v20;
	v10 =	vld [tilespmem:s10+$0x40]  }
0xe2: {  	[tilespmem:s10+$0xFFFFFFC0] =	vst v8;
	v15 =	vmul.f32 v13, v20;
	v9 =	vld [tilespmem:s10+$0x50]  }
0xe3: {  	s1 =	sadd.s32 $0x20, s1;
	[tilespmem:s10+$0xFFFFFFD0] =	vst v19;
	v13 =	vmul.f32 v16, v18;
	v8 =	vld [tilespmem:s10+$0x60]  }
0xe4: {  	_ = 	snop  }
0xe5: {  	[tilespmem:s10+$0xFFFFFFE0] =	vst v14  }
0xe6: {  	[tilespmem:s10+$0xFFFFFFF0] =	vst v15;
	s2 =	sadd.s32 $0x20, s13;
	v14 =	vpop (erf)  }
0xe7: {  	s1 =	sadd.s32 $0x100, s10;
	[tilespmem:s2+$0x0] =	vst v14  }
0xe8: {  	v12 =	vmul.f32 v12, v7;
	[tilespmem:s10+$0x10] =	vst v13;
	v13 =	vld [tilespmem:s1+$0x70];
	v15 =	vpop (erf)  }
0xe9: {  	v7 =	vmul.f32 v11, v7;
	v11 =	vld [tilespmem:s1+$0x0];
	[tilespmem:s2+$0xFFFFFFF0] =	vst v15  }
0xea: {  	v10 =	vmul.f32 v10, v6;
	[tilespmem:s15+$0x20] =	vst v12;
	v12 =	vld [tilespmem:s1+$0xFFFFFF80]  }
0xeb: {  	v6 =	vmul.f32 v9, v6;
	[tilespmem:s15+$0x30] =	vst v7;
	v7 =	vld [tilespmem:s1+$0xFFFFFF90]  }
0xec: {  	v9 =	vperm.xlane v14, v4;
	[tilespmem:s15+$0x40] =	vst v10;
	v5 =	vmul.f32 v8, v5;
	v8 =	vld [tilespmem:s1+$0xFFFFFFA0]  }
0xed: {  	v16 =	vperm.xlane v14, v1;
	[tilespmem:s15+$0x50] =	vst v6;
	v6 =	vld [tilespmem:s1+$0xFFFFFFB0]  }
0xee: {  	v10 =	vperm.xlane v15, v1;
	[tilespmem:s15+$0x60] =	vst v5;
	v5 =	vld [tilespmem:s1+$0xFFFFFFC0];
	v13 =	vmul.f32 v13, v9  }
0xef: {  	v17 =	vperm.xlane v15, v2;
	v18 =	vld [tilespmem:s1+$0xFFFFFFD0];
	v11 =	vmul.f32 v11, v16  }
0xf0: {  	v12 =	vmul.f32 v12, v10;
	[tilespmem:s1+$0x70] =	vst v13;
	v7 =	vmul.f32 v7, v10;
	v10 =	vld [tilespmem:s1+$0xFFFFFFE0]  }
0xf1: {  	[tilespmem:s1+$0x0] =	vst v11;
	v11 =	vperm.xlane v15, v3;
	v13 =	vperm.xlane v15, v4;
	v15 =	vld [tilespmem:s1+$0x20]  }
0xf2: {  	v8 =	vmul.f32 v8, v17;
	[tilespmem:s1+$0xFFFFFF80] =	vst v12;
	v12 =	vld [tilespmem:s1+$0xFFFFFFF0]  }
0xf3: {  	v6 =	vmul.f32 v6, v17;
	[tilespmem:s1+$0xFFFFFF90] =	vst v7;
	v7 =	vld [tilespmem:s1+$0x10]  }
0xf4: {  	v5 =	vmul.f32 v5, v11;
	[tilespmem:s1+$0xFFFFFFA0] =	vst v8;
	v8 =	vmul.f32 v18, v11;
	v11 =	vld [tilespmem:s1+$0x30]  }
0xf5: {  	[tilespmem:s1+$0xFFFFFFB0] =	vst v6  }
0xf6: {  	[tilespmem:s1+$0xFFFFFFD0] =	vst v8;
	v8 =	vld [tilespmem:s1+$0x60];
	v6 =	vmul.f32 v10, v13  }
0xf7: {  	[tilespmem:s1+$0xFFFFFFC0] =	vst v5;
	v5 =	vperm.xlane v14, v2;
	v10 =	vld [tilespmem:s1+$0x40];
	v12 =	vmul.f32 v12, v13  }
0xf8: {  	v13 =	vld [tilespmem:s1+$0x50];
	v7 =	vmul.f32 v7, v16;
	[tilespmem:s1+$0xFFFFFFE0] =	vst v6;
	v6 =	vperm.xlane v14, v3  }
0xf9: {  	v14 =	vmul.f32 v15, v5;
	v5 =	vmul.f32 v11, v5;
	[tilespmem:s1+$0xFFFFFFF0] =	vst v12  }
0xfa: {  	[tilespmem:s1+$0x10] =	vst v7  }
0xfb: {  	[tilespmem:s1+$0x30] =	vst v5;
	v5 =	vmul.f32 v8, v9  }
0xfc: {  	[tilespmem:s1+$0x20] =	vst v14;
	v7 =	vmul.f32 v10, v6  }
0xfd: {  	[tilespmem:s1+$0x60] =	vst v5;
	v6 =	vmul.f32 v13, v6  }
0xfe: {  	[tilespmem:s1+$0x40] =	vst v7  }
0xff: {  	[tilespmem:s1+$0x50] =	vst v6  }
0x100: {  	[spmem:s9] =	stream.indirect.scatter.add.f32 [tilespmem:s22], [sflag:$0x9], $0x10, s23, s8, $0xb8;
	[tilespmem:$0x1D380] =	vst v63  }
0x101: {  	_ =	swait.ge [sflag:s21], $0x500  }
0x102: {  	[sflag:s21] =	ssyncset.done $0x0  }
0x103: {  	s13 =	sld [smem:$0x7F7];
	[sflag:s21] =	ssyncadd.s32 $0xFFFFFB00  }
0x104: {  	[spmem:s3] =	stream.indirect.scatter.add.f32 [tilespmem:s20], [sflag:$0x7], $0x80, s23, s8, $0xb8;
	[tilespmem:$0x1D380] =	vst v63  }
0x105: {  	s14 =	simm.s32 $0xA0;
	s15 =	rddreg [dreg:$0x1e]  }
0x106: {  	[tilespmem:s14], [sflag:$0x3] =	stream.linear.gather [hbm4b:s13+s4], $0x50, $0x38;
	[tilespmem:$0x1D380] =	vst v63  }
0x107: {  	s1 =	sadd.s32 s15, s28  }
0x108: {  	[tilespmem:s16], [sflag:$0x3] =	stream.linear.gather [hbm4b:s1+s4], $0x50, $0x38;
	[tilespmem:$0x1D380] =	vst v63  }
0x109: {  	_ =	swait.ge [sflag:s29], $0x2800  }
0x10a: {  	[sflag:s29] =	ssyncset.done $0x0  }
0x10b: {  	[sflag:s29] =	ssyncadd.s32 $0xFFFFD800  }
0x10c: {  	_ =	swait.ge [sflag:s29], $0x500  }
0x10d: {  	[sflag:s29] =	ssyncset.done $0x0  }
0x10e: {  	[sflag:s29] =	ssyncadd.s32 $0xFFFFFB00  }
0x10f: {  	_ =	swait.ge [sflag:s29], $0x500  }
0x110: {  	[sflag:s29] =	ssyncset.done $0x0  }
0x111: {  	[sflag:s29] =	ssyncadd.s32 $0xFFFFFB00  }
0x112: {  	_ =	swait.ge [sflag:s6], $0x2800  }
0x113: {  	[sflag:s6] =	ssyncset.done $0x0  }
0x114: {  	[sflag:s6] =	ssyncadd.s32 $0xFFFFD800  }
0x115: {  	_ =	swait.ge [sflag:s7], $0x50  }
0x116: {  	[sflag:s7] =	ssyncset.done $0x0  }
0x117: {  	[sflag:s7] =	ssyncadd.s32 $0xFFFFFFB0  }
0x118: {  	_ =	swait.ge [sflag:s7], $0x50  }
0x119: {  	[sflag:s7] =	ssyncset.done $0x0  }
0x11a: {  	[sflag:s7] =	ssyncadd.s32 $0xFFFFFFB0  }
0x11b: {  	s17 =	rddreg [dreg:$0x1]  }
0x11c: {  	[tilespmem:s20], [sflag:$0x5] =	stream.indirect.gather [hbm4b:s17+s8], $0x80, s14, s8, $0xb8;
	[tilespmem:$0x1D380] =	vst v63  }
0x11d: {  	s10 =	simm.s32 $0x280  }
0x11e: {  	[tilespmem:s10], [sflag:$0x5] =	stream.indirect.gather [hbm4b:s25+s8], $0x10, s14, s8, $0xb8;
	[tilespmem:$0x1D380] =	vst v63  }
0x11f: {  	s13 =	simm.s32 $0xC80;
	s14 =	simm.s32 $0x790  }
0x120: {  	[tilespmem:s13], [sflag:$0x5] =	stream.indirect.gather [hbm4b:s26+s8], $0x10, s16, s8, $0xb8;
	[tilespmem:$0x1D380] =	vst v63  }
0x121: {  	s15 =	simm.s32 $0x1190;
	v5 =	vld [tilespmem:s14+$0x0]  }
0x122: {  	v6 =	vld [tilespmem:s15+$0x0]  }
0x123: {  	v7 =	vld [tilespmem:s15+$0xFFFFFFF0]  }
0x124: {  	v8 =	vld [tilespmem:s14+$0xFFFFFFF0];
	_ =	sdelay $0x2  }
0x125: {  	v5 =	vadd.f32 v6, v5;
	_ =	sdelay $0x1  }
0x126: {  	v6 =	vadd.f32 v7, v8;
	v7 =	vmul.f32 $2.000000030e-01, v5;
	_ =	sdelay $0x1  }
0x127: {  	v8 =	vmul.f32 $2.000000030e-01, v6;
	v5 =	vmax.f32 v5, v7  }
0x128: {  	v5 =	vmul.f32 $1.442695020e+00, v5  }
0x129: {  	v6 =	vmax.f32 v6, v8  }
0x12a: {  	v6 =	vmul.f32 $1.442695020e+00, v6;
	(erf) = vpow2.f32 v5;
	_ =	sdelay $0x1  }
0x12b: {  	(erf) = vpow2.f32 v6;
	_ =	sdelay $0x4  }
0x12c: {  	s17 =	simm.s32 $0x7B0  }
0x12d: {  	s14 =	simm.s32 $0x11B0;
	v11 =	vld [tilespmem:s17+$0xFFFFFFF0]  }
0x12e: {  	s13 =	simm.s32 $0x6690;
	v9 =	vld [tilespmem:s14+$0x0];
	v6 =	vpop (erf)  }
0x12f: {  	s10 =	simm.s32 $0x3F00;
	v8 =	vld [tilespmem:s17+$0x0];
	[tilespmem:s13+$0x0] =	vst v6  }
0x130: {  	v13 =	vpop (erf);
	v12 =	vld [tilespmem:s10+$0x70]  }
0x131: {  	v10 =	vld [tilespmem:s14+$0xFFFFFFF0];
	[tilespmem:s13+$0xFFFFFFF0] =	vst v13  }
0x132: {  	v15 =	vld [tilespmem:s10+$0xFFFFFF80]  }
0x133: {  	v5 =	vperm.xlane v6, v4;
	_ =	sdelay $0x1  }
0x134: {  	v8 =	vadd.f32 v9, v8;
	v14 =	vld [tilespmem:s10+$0x0];
	v19 =	vperm.xlane v13, v1;
	v12 =	vmul.f32 v12, v5  }
0x135: {  	v16 =	vld [tilespmem:s10+$0xFFFFFF90]  }
0x136: {  	v10 =	vadd.f32 v10, v11;
	v17 =	vld [tilespmem:s10+$0xFFFFFFA0];
	v9 =	vmul.f32 v15, v19;
	[tilespmem:s10+$0x70] =	vst v12;
	v12 =	vmul.f32 $2.000000030e-01, v8  }
0x137: {  	v20 =	vld [tilespmem:s10+$0xFFFFFFB0]  }
0x138: {  	v62 =	vperm.xlane v6, v1;
	v21 =	vld [tilespmem:s10+$0xFFFFFFC0];
	[tilespmem:s10+$0xFFFFFF80] =	vst v9;
	v9 =	vmul.f32 $2.000000030e-01, v10;
	v8 =	vmax.f32 v8, v12  }
0x139: {  	v22 =	vperm.xlane v13, v2;
	v63 =	vld [tilespmem:s10+$0xFFFFFFF0];
	v8 =	vmul.f32 $1.442695020e+00, v8  }
0x13a: {  	v11 =	vmul.f32 v14, v62;
	v15 =	vld [tilespmem:s10+$0xFFFFFFD0];
	v16 =	vmul.f32 v16, v19;
	v9 =	vmax.f32 v10, v9  }
0x13b: {  	v14 =	vld [tilespmem:s10+$0xFFFFFFE0];
	v9 =	vmul.f32 $1.442695020e+00, v9;
	(erf) = vpow2.f32 v8  }
0x13c: {  	v23 =	vperm.xlane v13, v3;
	[tilespmem:s10+$0x0] =	vst v11;
	v11 =	vmul.f32 v17, v22;
	v17 =	vld [tilespmem:s10+$0x10]  }
0x13d: {  	[tilespmem:s10+$0xFFFFFF90] =	vst v16;
	v12 =	vld [tilespmem:s10+$0x20];
	v10 =	vmul.f32 v20, v22;
	(erf) = vpow2.f32 v9  }
0x13e: {  	v13 =	vperm.xlane v13, v4;
	v16 =	vmul.f32 v21, v23;
	[tilespmem:s10+$0xFFFFFFA0] =	vst v11;
	v11 =	vld [tilespmem:s10+$0x30]  }
0x13f: {  	v7 =	vperm.xlane v6, v2;
	v8 =	vmul.f32 v15, v23;
	[tilespmem:s10+$0xFFFFFFB0] =	vst v10;
	v10 =	vld [tilespmem:s10+$0x40]  }
0x140: {  	v6 =	vperm.xlane v6, v3;
	v14 =	vmul.f32 v14, v13;
	[tilespmem:s10+$0xFFFFFFC0] =	vst v16;
	v9 =	vld [tilespmem:s10+$0x50]  }
0x141: {  	s1 =	simm.s32 $0x7D0;
	s15 =	simm.s32 $0x3F00;
	s17 =	simm.s32 $0x2;
	v15 =	vmul.f32 v63, v13;
	v13 =	vmul.f32 v17, v62;
	[tilespmem:s10+$0xFFFFFFD0] =	vst v8;
	v8 =	vld [tilespmem:s10+$0x60]  }
.LBB2_6:
0x142: {  	v16 =	vld [tilespmem:s1+$0x0];
	s14 =	sadd.s32 $0x20, s14;
	[tilespmem:s10+$0xFFFFFFE0] =	vst v14;
	v12 =	vmul.f32 v12, v7  }
0x143: {  	s17 =	sadd.s32 $0x2, s17;
	v14 =	vld [tilespmem:s14+$0x0];
	[tilespmem:s10+$0xFFFFFFF0] =	vst v15;
	v11 =	vmul.f32 v11, v7  }
0x144: {  	s13 =	sadd.s32 $0x20, s13;
	p0 =	slt.u32 s17, $0x4E;
	v15 =	vld [tilespmem:s14+$0xFFFFFFF0];
	v17 =	vpop (erf);
	[tilespmem:s10+$0x10] =	vst v13;
	v10 =	vmul.f32 v10, v6  }
0x145: {  	s10 =	sadd.s32 $0x100, s10;
	v13 =	vld [tilespmem:s1+$0xFFFFFFF0];
	[tilespmem:s13+$0x0] =	vst v17;
	v18 =	vperm.xlane v17, v1;
	v7 =	vperm.xlane v17, v2  }
0x146: {  	v9 =	vmul.f32 v9, v6;
	v6 =	vperm.xlane v17, v3;
	v19 =	vld [tilespmem:s10+$0x70];
	v20 =	vpop (erf);
	[tilespmem:s15+$0x20] =	vst v12  }
0x147: {  	[tilespmem:s13+$0xFFFFFFF0] =	vst v20;
	v12 =	vperm.xlane v20, v1;
	v21 =	vperm.xlane v20, v2;
	v22 =	vld [tilespmem:s10+$0x0]  }
0x148: {  	v23 =	vperm.xlane v20, v3;
	v20 =	vperm.xlane v20, v4;
	v14 =	vadd.f32 v14, v16;
	v16 =	vld [tilespmem:s10+$0xFFFFFF80];
	[tilespmem:s15+$0x30] =	vst v11  }
0x149: {  	v8 =	vmul.f32 v8, v5;
	v5 =	vperm.xlane v17, v4;
	v11 =	vld [tilespmem:s10+$0xFFFFFF90];
	[tilespmem:s15+$0x40] =	vst v10  }
0x14a: {  	v10 =	vadd.f32 v15, v13;
	v13 =	vmul.f32 $2.000000030e-01, v14;
	v15 =	vld [tilespmem:s10+$0xFFFFFFA0];
	[tilespmem:s15+$0x50] =	vst v9  }
0x14b: {  	v9 =	vld [tilespmem:s10+$0xFFFFFFB0];
	v17 =	vmul.f32 v19, v5;
	[tilespmem:s15+$0x60] =	vst v8;
	s15 =	smov.u32 s10  }
0x14c: {  	v8 =	vmul.f32 $2.000000030e-01, v10;
	v13 =	vmax.f32 v14, v13;
	v14 =	vld [tilespmem:s10+$0xFFFFFFC0];
	v19 =	vmul.f32 v22, v18  }
0x14d: {  	v13 =	vmul.f32 $1.442695020e+00, v13;
	v16 =	vmul.f32 v16, v12;
	v22 =	vld [tilespmem:s10+$0xFFFFFFD0];
	[tilespmem:s10+$0x70] =	vst v17  }
0x14e: {  	v8 =	vmax.f32 v10, v8;
	v10 =	vmul.f32 v11, v12;
	v17 =	vld [tilespmem:s10+$0xFFFFFFE0];
	[tilespmem:s10+$0x0] =	vst v19  }
0x14f: {  	v8 =	vmul.f32 $1.442695020e+00, v8;
	(erf) = vpow2.f32 v13;
	[tilespmem:s10+$0xFFFFFF80] =	vst v16;
	v13 =	vld [tilespmem:s10+$0xFFFFFFF0]  }
0x150: {  	[tilespmem:s10+$0xFFFFFF90] =	vst v10;
	v10 =	vmul.f32 v15, v21;
	v9 =	vmul.f32 v9, v21;
	v16 =	vld [tilespmem:s10+$0x10]  }
.Ltmp2:
0x151: {  	(erf) = vpow2.f32 v8;
	v8 =	vmul.f32 v14, v23;
	v12 =	vld [tilespmem:s10+$0x20];
	(pc) =	sbr.rel @p0 .LBB2_6-.Ltmp2, $4  }
0x152: {  	[tilespmem:s10+$0xFFFFFFA0] =	vst v10;
	v19 =	vmul.f32 v22, v23;
	v11 =	vld [tilespmem:s10+$0x30]  }
0x153: {  	[tilespmem:s10+$0xFFFFFFB0] =	vst v9;
	v14 =	vmul.f32 v17, v20;
	v10 =	vld [tilespmem:s10+$0x40]  }
0x154: {  	[tilespmem:s10+$0xFFFFFFC0] =	vst v8;
	v15 =	vmul.f32 v13, v20;
	v9 =	vld [tilespmem:s10+$0x50]  }
0x155: {  	s1 =	sadd.s32 $0x20, s1;
	[tilespmem:s10+$0xFFFFFFD0] =	vst v19;
	v13 =	vmul.f32 v16, v18;
	v8 =	vld [tilespmem:s10+$0x60]  }
0x156: {  	_ = 	snop  }
0x157: {  	[tilespmem:s10+$0xFFFFFFE0] =	vst v14  }
0x158: {  	[tilespmem:s10+$0xFFFFFFF0] =	vst v15;
	s2 =	sadd.s32 $0x20, s13;
	v14 =	vpop (erf)  }
0x159: {  	s1 =	sadd.s32 $0x100, s10;
	[tilespmem:s2+$0x0] =	vst v14  }
0x15a: {  	v12 =	vmul.f32 v12, v7;
	[tilespmem:s10+$0x10] =	vst v13;
	v13 =	vld [tilespmem:s1+$0x70];
	v15 =	vpop (erf)  }
0x15b: {  	v7 =	vmul.f32 v11, v7;
	v11 =	vld [tilespmem:s1+$0x0];
	[tilespmem:s2+$0xFFFFFFF0] =	vst v15  }
0x15c: {  	v10 =	vmul.f32 v10, v6;
	[tilespmem:s15+$0x20] =	vst v12;
	v12 =	vld [tilespmem:s1+$0xFFFFFF80]  }
0x15d: {  	v6 =	vmul.f32 v9, v6;
	[tilespmem:s15+$0x30] =	vst v7;
	v7 =	vld [tilespmem:s1+$0xFFFFFF90]  }
0x15e: {  	v9 =	vperm.xlane v14, v4;
	[tilespmem:s15+$0x40] =	vst v10;
	v5 =	vmul.f32 v8, v5;
	v8 =	vld [tilespmem:s1+$0xFFFFFFA0]  }
0x15f: {  	v16 =	vperm.xlane v14, v1;
	[tilespmem:s15+$0x50] =	vst v6;
	v6 =	vld [tilespmem:s1+$0xFFFFFFB0]  }
0x160: {  	v10 =	vperm.xlane v15, v1;
	[tilespmem:s15+$0x60] =	vst v5;
	v5 =	vld [tilespmem:s1+$0xFFFFFFC0];
	v13 =	vmul.f32 v13, v9  }
0x161: {  	v17 =	vperm.xlane v15, v2;
	v18 =	vld [tilespmem:s1+$0xFFFFFFD0];
	v11 =	vmul.f32 v11, v16  }
0x162: {  	v12 =	vmul.f32 v12, v10;
	[tilespmem:s1+$0x70] =	vst v13;
	v7 =	vmul.f32 v7, v10;
	v10 =	vld [tilespmem:s1+$0xFFFFFFE0]  }
0x163: {  	[tilespmem:s1+$0x0] =	vst v11;
	v11 =	vperm.xlane v15, v3;
	v13 =	vperm.xlane v15, v4;
	v15 =	vld [tilespmem:s1+$0x20]  }
0x164: {  	v8 =	vmul.f32 v8, v17;
	[tilespmem:s1+$0xFFFFFF80] =	vst v12;
	v12 =	vld [tilespmem:s1+$0xFFFFFFF0]  }
0x165: {  	v6 =	vmul.f32 v6, v17;
	[tilespmem:s1+$0xFFFFFF90] =	vst v7;
	v7 =	vld [tilespmem:s1+$0x10]  }
0x166: {  	v5 =	vmul.f32 v5, v11;
	[tilespmem:s1+$0xFFFFFFA0] =	vst v8;
	v8 =	vmul.f32 v18, v11;
	v11 =	vld [tilespmem:s1+$0x30]  }
0x167: {  	[tilespmem:s1+$0xFFFFFFB0] =	vst v6  }
0x168: {  	[tilespmem:s1+$0xFFFFFFD0] =	vst v8;
	v8 =	vld [tilespmem:s1+$0x60];
	v6 =	vmul.f32 v10, v13  }
0x169: {  	[tilespmem:s1+$0xFFFFFFC0] =	vst v5;
	v5 =	vperm.xlane v14, v2;
	v10 =	vld [tilespmem:s1+$0x40];
	v12 =	vmul.f32 v12, v13  }
0x16a: {  	v13 =	vld [tilespmem:s1+$0x50];
	v7 =	vmul.f32 v7, v16;
	[tilespmem:s1+$0xFFFFFFE0] =	vst v6;
	v6 =	vperm.xlane v14, v3  }
0x16b: {  	v14 =	vmul.f32 v15, v5;
	v5 =	vmul.f32 v11, v5;
	[tilespmem:s1+$0xFFFFFFF0] =	vst v12  }
0x16c: {  	[tilespmem:s1+$0x10] =	vst v7  }
0x16d: {  	[tilespmem:s1+$0x30] =	vst v5;
	v5 =	vmul.f32 v8, v9  }
0x16e: {  	[tilespmem:s1+$0x20] =	vst v14;
	v7 =	vmul.f32 v10, v6  }
0x16f: {  	[tilespmem:s1+$0x60] =	vst v5;
	v6 =	vmul.f32 v13, v6  }
0x170: {  	[tilespmem:s1+$0x40] =	vst v7  }
0x171: {  	[tilespmem:s1+$0x50] =	vst v6  }
0x172: {  	[spmem:s9] =	stream.indirect.scatter.add.f32 [tilespmem:s22], [sflag:$0x9], $0x10, s11, s8, $0xb8;
	[tilespmem:$0x1D380] =	vst v63  }
0x173: {  	_ =	swait.ge [sflag:s21], $0x500  }
0x174: {  	[sflag:s21] =	ssyncset.done $0x0;
	s13 =	sld [smem:$0x7F9]  }
0x175: {  	s15 =	sld [smem:$0x7F8];
	[sflag:s21] =	ssyncadd.s32 $0xFFFFFB00  }
0x176: {  	[spmem:s3] =	stream.indirect.scatter.add.f32 [tilespmem:s30], [sflag:$0x8], $0x80, s11, s8, $0xb8;
	[tilespmem:$0x1D380] =	vst v63  }
0x177: {  	s14 =	simm.s32 $0xF0  }
0x178: {  	[tilespmem:s14], [sflag:$0x4] =	stream.linear.gather [hbm4b:s13+s4], $0x50, $0x38;
	[tilespmem:$0x1D380] =	vst v63  }
0x179: {  	s1 =	sadd.s32 s15, s28  }
0x17a: {  	[tilespmem:s31], [sflag:$0x4] =	stream.linear.gather [hbm4b:s1+s4], $0x50, $0x38;
	[tilespmem:$0x1D380] =	vst v63  }
0x17b: {  	_ =	swait.ge [sflag:s18], $0x2800  }
0x17c: {  	[sflag:s18] =	ssyncset.done $0x0  }
0x17d: {  	[sflag:s18] =	ssyncadd.s32 $0xFFFFD800  }
0x17e: {  	_ =	swait.ge [sflag:s18], $0x500  }
0x17f: {  	[sflag:s18] =	ssyncset.done $0x0  }
0x180: {  	[sflag:s18] =	ssyncadd.s32 $0xFFFFFB00  }
0x181: {  	_ =	swait.ge [sflag:s18], $0x500  }
0x182: {  	[sflag:s18] =	ssyncset.done $0x0  }
0x183: {  	[sflag:s18] =	ssyncadd.s32 $0xFFFFFB00  }
0x184: {  	_ =	swait.ge [sflag:s0], $0x2800  }
0x185: {  	[sflag:s0] =	ssyncset.done $0x0  }
0x186: {  	[sflag:s0] =	ssyncadd.s32 $0xFFFFD800  }
0x187: {  	_ =	swait.ge [sflag:s5], $0x50  }
0x188: {  	[sflag:s5] =	ssyncset.done $0x0  }
0x189: {  	[sflag:s5] =	ssyncadd.s32 $0xFFFFFFB0  }
0x18a: {  	_ =	swait.ge [sflag:s5], $0x50  }
0x18b: {  	[sflag:s5] =	ssyncset.done $0x0  }
0x18c: {  	[sflag:s5] =	ssyncadd.s32 $0xFFFFFFB0  }
0x18d: {  	s17 =	rddreg [dreg:$0x1]  }
0x18e: {  	[tilespmem:s30], [sflag:$0x6] =	stream.indirect.gather [hbm4b:s17+s8], $0x80, s14, s8, $0xb8;
	[tilespmem:$0x1D380] =	vst v63  }
0x18f: {  	s10 =	simm.s32 $0x780  }
0x190: {  	[tilespmem:s10], [sflag:$0x6] =	stream.indirect.gather [hbm4b:s25+s8], $0x10, s14, s8, $0xb8;
	[tilespmem:$0x1D380] =	vst v63  }
0x191: {  	s13 =	simm.s32 $0x1180;
	s14 =	simm.s32 $0x290  }
0x192: {  	[tilespmem:s13], [sflag:$0x6] =	stream.indirect.gather [hbm4b:s26+s8], $0x10, s31, s8, $0xb8;
	[tilespmem:$0x1D380] =	vst v63  }
0x193: {  	s15 =	simm.s32 $0xC90;
	v5 =	vld [tilespmem:s14+$0x0]  }
0x194: {  	v6 =	vld [tilespmem:s15+$0x0]  }
0x195: {  	v7 =	vld [tilespmem:s15+$0xFFFFFFF0]  }
0x196: {  	v8 =	vld [tilespmem:s14+$0xFFFFFFF0];
	_ =	sdelay $0x2  }
0x197: {  	v5 =	vadd.f32 v6, v5;
	_ =	sdelay $0x1  }
0x198: {  	v6 =	vadd.f32 v7, v8;
	v7 =	vmul.f32 $2.000000030e-01, v5;
	_ =	sdelay $0x1  }
0x199: {  	v8 =	vmul.f32 $2.000000030e-01, v6;
	v5 =	vmax.f32 v5, v7  }
0x19a: {  	v5 =	vmul.f32 $1.442695020e+00, v5  }
0x19b: {  	v6 =	vmax.f32 v6, v8  }
0x19c: {  	v6 =	vmul.f32 $1.442695020e+00, v6;
	(erf) = vpow2.f32 v5;
	_ =	sdelay $0x1  }
0x19d: {  	(erf) = vpow2.f32 v6;
	_ =	sdelay $0x4  }
0x19e: {  	s17 =	simm.s32 $0x2B0  }
0x19f: {  	s14 =	simm.s32 $0xCB0;
	v11 =	vld [tilespmem:s17+$0xFFFFFFF0]  }
0x1a0: {  	s13 =	simm.s32 $0x6690;
	v9 =	vld [tilespmem:s14+$0x0];
	v6 =	vpop (erf)  }
0x1a1: {  	s10 =	simm.s32 $0x1700;
	v8 =	vld [tilespmem:s17+$0x0];
	[tilespmem:s13+$0x0] =	vst v6  }
0x1a2: {  	v13 =	vpop (erf);
	v12 =	vld [tilespmem:s10+$0x70]  }
0x1a3: {  	v10 =	vld [tilespmem:s14+$0xFFFFFFF0];
	[tilespmem:s13+$0xFFFFFFF0] =	vst v13  }
0x1a4: {  	v15 =	vld [tilespmem:s10+$0xFFFFFF80]  }
0x1a5: {  	v5 =	vperm.xlane v6, v4;
	_ =	sdelay $0x1  }
0x1a6: {  	v8 =	vadd.f32 v9, v8;
	v14 =	vld [tilespmem:s10+$0x0];
	v19 =	vperm.xlane v13, v1;
	v12 =	vmul.f32 v12, v5  }
0x1a7: {  	v16 =	vld [tilespmem:s10+$0xFFFFFF90]  }
0x1a8: {  	v10 =	vadd.f32 v10, v11;
	v17 =	vld [tilespmem:s10+$0xFFFFFFA0];
	v9 =	vmul.f32 v15, v19;
	[tilespmem:s10+$0x70] =	vst v12;
	v12 =	vmul.f32 $2.000000030e-01, v8  }
0x1a9: {  	v20 =	vld [tilespmem:s10+$0xFFFFFFB0]  }
0x1aa: {  	v62 =	vperm.xlane v6, v1;
	v21 =	vld [tilespmem:s10+$0xFFFFFFC0];
	[tilespmem:s10+$0xFFFFFF80] =	vst v9;
	v9 =	vmul.f32 $2.000000030e-01, v10;
	v8 =	vmax.f32 v8, v12  }
0x1ab: {  	v22 =	vperm.xlane v13, v2;
	v63 =	vld [tilespmem:s10+$0xFFFFFFF0];
	v8 =	vmul.f32 $1.442695020e+00, v8  }
0x1ac: {  	v11 =	vmul.f32 v14, v62;
	v15 =	vld [tilespmem:s10+$0xFFFFFFD0];
	v16 =	vmul.f32 v16, v19;
	v9 =	vmax.f32 v10, v9  }
0x1ad: {  	v14 =	vld [tilespmem:s10+$0xFFFFFFE0];
	v9 =	vmul.f32 $1.442695020e+00, v9;
	(erf) = vpow2.f32 v8  }
0x1ae: {  	v23 =	vperm.xlane v13, v3;
	[tilespmem:s10+$0x0] =	vst v11;
	v11 =	vmul.f32 v17, v22;
	v17 =	vld [tilespmem:s10+$0x10]  }
0x1af: {  	[tilespmem:s10+$0xFFFFFF90] =	vst v16;
	v12 =	vld [tilespmem:s10+$0x20];
	v10 =	vmul.f32 v20, v22;
	(erf) = vpow2.f32 v9  }
0x1b0: {  	v13 =	vperm.xlane v13, v4;
	v16 =	vmul.f32 v21, v23;
	[tilespmem:s10+$0xFFFFFFA0] =	vst v11;
	v11 =	vld [tilespmem:s10+$0x30]  }
0x1b1: {  	v7 =	vperm.xlane v6, v2;
	v8 =	vmul.f32 v15, v23;
	[tilespmem:s10+$0xFFFFFFB0] =	vst v10;
	v10 =	vld [tilespmem:s10+$0x40]  }
0x1b2: {  	v6 =	vperm.xlane v6, v3;
	v14 =	vmul.f32 v14, v13;
	[tilespmem:s10+$0xFFFFFFC0] =	vst v16;
	v9 =	vld [tilespmem:s10+$0x50]  }
0x1b3: {  	s1 =	simm.s32 $0x2D0;
	s15 =	simm.s32 $0x1700;
	s17 =	simm.s32 $0x2;
	v15 =	vmul.f32 v63, v13;
	v13 =	vmul.f32 v17, v62;
	[tilespmem:s10+$0xFFFFFFD0] =	vst v8;
	v8 =	vld [tilespmem:s10+$0x60]  }
.LBB2_8:
0x1b4: {  	v16 =	vld [tilespmem:s1+$0x0];
	s14 =	sadd.s32 $0x20, s14;
	[tilespmem:s10+$0xFFFFFFE0] =	vst v14;
	v12 =	vmul.f32 v12, v7  }
0x1b5: {  	s17 =	sadd.s32 $0x2, s17;
	v14 =	vld [tilespmem:s14+$0x0];
	[tilespmem:s10+$0xFFFFFFF0] =	vst v15;
	v11 =	vmul.f32 v11, v7  }
0x1b6: {  	s13 =	sadd.s32 $0x20, s13;
	p0 =	slt.u32 s17, $0x4E;
	v15 =	vld [tilespmem:s14+$0xFFFFFFF0];
	v17 =	vpop (erf);
	[tilespmem:s10+$0x10] =	vst v13;
	v10 =	vmul.f32 v10, v6  }
0x1b7: {  	s10 =	sadd.s32 $0x100, s10;
	v13 =	vld [tilespmem:s1+$0xFFFFFFF0];
	[tilespmem:s13+$0x0] =	vst v17;
	v18 =	vperm.xlane v17, v1;
	v7 =	vperm.xlane v17, v2  }
0x1b8: {  	v9 =	vmul.f32 v9, v6;
	v6 =	vperm.xlane v17, v3;
	v19 =	vld [tilespmem:s10+$0x70];
	v20 =	vpop (erf);
	[tilespmem:s15+$0x20] =	vst v12  }
0x1b9: {  	[tilespmem:s13+$0xFFFFFFF0] =	vst v20;
	v12 =	vperm.xlane v20, v1;
	v21 =	vperm.xlane v20, v2;
	v22 =	vld [tilespmem:s10+$0x0]  }
0x1ba: {  	v23 =	vperm.xlane v20, v3;
	v20 =	vperm.xlane v20, v4;
	v14 =	vadd.f32 v14, v16;
	v16 =	vld [tilespmem:s10+$0xFFFFFF80];
	[tilespmem:s15+$0x30] =	vst v11  }
0x1bb: {  	v8 =	vmul.f32 v8, v5;
	v5 =	vperm.xlane v17, v4;
	v11 =	vld [tilespmem:s10+$0xFFFFFF90];
	[tilespmem:s15+$0x40] =	vst v10  }
0x1bc: {  	v10 =	vadd.f32 v15, v13;
	v13 =	vmul.f32 $2.000000030e-01, v14;
	v15 =	vld [tilespmem:s10+$0xFFFFFFA0];
	[tilespmem:s15+$0x50] =	vst v9  }
0x1bd: {  	v9 =	vld [tilespmem:s10+$0xFFFFFFB0];
	v17 =	vmul.f32 v19, v5;
	[tilespmem:s15+$0x60] =	vst v8;
	s15 =	smov.u32 s10  }
0x1be: {  	v8 =	vmul.f32 $2.000000030e-01, v10;
	v13 =	vmax.f32 v14, v13;
	v14 =	vld [tilespmem:s10+$0xFFFFFFC0];
	v19 =	vmul.f32 v22, v18  }
0x1bf: {  	v13 =	vmul.f32 $1.442695020e+00, v13;
	v16 =	vmul.f32 v16, v12;
	v22 =	vld [tilespmem:s10+$0xFFFFFFD0];
	[tilespmem:s10+$0x70] =	vst v17  }
0x1c0: {  	v8 =	vmax.f32 v10, v8;
	v10 =	vmul.f32 v11, v12;
	v17 =	vld [tilespmem:s10+$0xFFFFFFE0];
	[tilespmem:s10+$0x0] =	vst v19  }
0x1c1: {  	v8 =	vmul.f32 $1.442695020e+00, v8;
	(erf) = vpow2.f32 v13;
	[tilespmem:s10+$0xFFFFFF80] =	vst v16;
	v13 =	vld [tilespmem:s10+$0xFFFFFFF0]  }
0x1c2: {  	[tilespmem:s10+$0xFFFFFF90] =	vst v10;
	v10 =	vmul.f32 v15, v21;
	v9 =	vmul.f32 v9, v21;
	v16 =	vld [tilespmem:s10+$0x10]  }
.Ltmp3:
0x1c3: {  	(erf) = vpow2.f32 v8;
	v8 =	vmul.f32 v14, v23;
	v12 =	vld [tilespmem:s10+$0x20];
	(pc) =	sbr.rel @p0 .LBB2_8-.Ltmp3, $4  }
0x1c4: {  	[tilespmem:s10+$0xFFFFFFA0] =	vst v10;
	v19 =	vmul.f32 v22, v23;
	v11 =	vld [tilespmem:s10+$0x30]  }
0x1c5: {  	[tilespmem:s10+$0xFFFFFFB0] =	vst v9;
	v14 =	vmul.f32 v17, v20;
	v10 =	vld [tilespmem:s10+$0x40]  }
0x1c6: {  	[tilespmem:s10+$0xFFFFFFC0] =	vst v8;
	v15 =	vmul.f32 v13, v20;
	v9 =	vld [tilespmem:s10+$0x50]  }
0x1c7: {  	s1 =	sadd.s32 $0x20, s1;
	[tilespmem:s10+$0xFFFFFFD0] =	vst v19;
	v13 =	vmul.f32 v16, v18;
	v8 =	vld [tilespmem:s10+$0x60]  }
0x1c8: {  	_ = 	snop  }
0x1c9: {  	[tilespmem:s10+$0xFFFFFFE0] =	vst v14  }
0x1ca: {  	[tilespmem:s10+$0xFFFFFFF0] =	vst v15;
	s2 =	sadd.s32 $0x20, s13;
	v14 =	vpop (erf)  }
0x1cb: {  	s1 =	sadd.s32 $0x100, s10;
	[tilespmem:s2+$0x0] =	vst v14  }
0x1cc: {  	v12 =	vmul.f32 v12, v7;
	[tilespmem:s10+$0x10] =	vst v13;
	v13 =	vld [tilespmem:s1+$0x70];
	v15 =	vpop (erf)  }
0x1cd: {  	v7 =	vmul.f32 v11, v7;
	v11 =	vld [tilespmem:s1+$0x0];
	[tilespmem:s2+$0xFFFFFFF0] =	vst v15  }
0x1ce: {  	v10 =	vmul.f32 v10, v6;
	[tilespmem:s15+$0x20] =	vst v12;
	v12 =	vld [tilespmem:s1+$0xFFFFFF80]  }
0x1cf: {  	v6 =	vmul.f32 v9, v6;
	[tilespmem:s15+$0x30] =	vst v7;
	v7 =	vld [tilespmem:s1+$0xFFFFFF90]  }
0x1d0: {  	v9 =	vperm.xlane v14, v4;
	[tilespmem:s15+$0x40] =	vst v10;
	v5 =	vmul.f32 v8, v5;
	v8 =	vld [tilespmem:s1+$0xFFFFFFA0]  }
0x1d1: {  	v16 =	vperm.xlane v14, v1;
	[tilespmem:s15+$0x50] =	vst v6;
	v6 =	vld [tilespmem:s1+$0xFFFFFFB0]  }
0x1d2: {  	v10 =	vperm.xlane v15, v1;
	[tilespmem:s15+$0x60] =	vst v5;
	v5 =	vld [tilespmem:s1+$0xFFFFFFC0];
	v13 =	vmul.f32 v13, v9  }
0x1d3: {  	v17 =	vperm.xlane v15, v2;
	v18 =	vld [tilespmem:s1+$0xFFFFFFD0];
	v11 =	vmul.f32 v11, v16  }
0x1d4: {  	v12 =	vmul.f32 v12, v10;
	[tilespmem:s1+$0x70] =	vst v13;
	v7 =	vmul.f32 v7, v10;
	v10 =	vld [tilespmem:s1+$0xFFFFFFE0]  }
0x1d5: {  	[tilespmem:s1+$0x0] =	vst v11;
	v11 =	vperm.xlane v15, v3;
	v13 =	vperm.xlane v15, v4;
	v15 =	vld [tilespmem:s1+$0x20]  }
0x1d6: {  	v8 =	vmul.f32 v8, v17;
	[tilespmem:s1+$0xFFFFFF80] =	vst v12;
	v12 =	vld [tilespmem:s1+$0xFFFFFFF0]  }
0x1d7: {  	v6 =	vmul.f32 v6, v17;
	[tilespmem:s1+$0xFFFFFF90] =	vst v7;
	v7 =	vld [tilespmem:s1+$0x10]  }
0x1d8: {  	v5 =	vmul.f32 v5, v11;
	[tilespmem:s1+$0xFFFFFFA0] =	vst v8;
	v8 =	vmul.f32 v18, v11;
	v11 =	vld [tilespmem:s1+$0x30]  }
0x1d9: {  	[tilespmem:s1+$0xFFFFFFB0] =	vst v6  }
0x1da: {  	[tilespmem:s1+$0xFFFFFFD0] =	vst v8;
	v8 =	vld [tilespmem:s1+$0x60];
	v6 =	vmul.f32 v10, v13  }
0x1db: {  	[tilespmem:s1+$0xFFFFFFC0] =	vst v5;
	v5 =	vperm.xlane v14, v2;
	v10 =	vld [tilespmem:s1+$0x40];
	v12 =	vmul.f32 v12, v13  }
0x1dc: {  	v13 =	vld [tilespmem:s1+$0x50];
	v7 =	vmul.f32 v7, v16;
	[tilespmem:s1+$0xFFFFFFE0] =	vst v6;
	v6 =	vperm.xlane v14, v3  }
0x1dd: {  	v14 =	vmul.f32 v15, v5;
	v5 =	vmul.f32 v11, v5;
	[tilespmem:s1+$0xFFFFFFF0] =	vst v12  }
0x1de: {  	[tilespmem:s1+$0x10] =	vst v7  }
0x1df: {  	[tilespmem:s1+$0x30] =	vst v5;
	v5 =	vmul.f32 v8, v9  }
0x1e0: {  	[tilespmem:s1+$0x20] =	vst v14;
	v7 =	vmul.f32 v10, v6  }
0x1e1: {  	[tilespmem:s1+$0x60] =	vst v5;
	v6 =	vmul.f32 v13, v6  }
0x1e2: {  	[tilespmem:s1+$0x40] =	vst v7  }
0x1e3: {  	[tilespmem:s1+$0x50] =	vst v6  }
0x1e4: {  	[spmem:s9] =	stream.indirect.scatter.add.f32 [tilespmem:s22], [sflag:$0x9], $0x10, s16, s8, $0xb8;
	[tilespmem:$0x1D380] =	vst v63  }
0x1e5: {  	_ =	swait.ge [sflag:s21], $0x500  }
0x1e6: {  	[sflag:s21] =	ssyncset.done $0x0;
	s15 =	sld [smem:$0x7FB]  }
0x1e7: {  	s17 =	sld [smem:$0x7FA];
	[sflag:s21] =	ssyncadd.s32 $0xFFFFFB00  }
0x1e8: {  	[spmem:s3] =	stream.indirect.scatter.add.f32 [tilespmem:s20], [sflag:$0x7], $0x80, s16, s8, $0xb8;
	[tilespmem:$0x1D380] =	vst v63  }
0x1e9: {  	_ = 	snop  }
0x1ea: {  	[tilespmem:s4], [sflag:$0x1] =	stream.linear.gather [hbm4b:s15+s4], $0x50, $0x38;
	[tilespmem:$0x1D380] =	vst v63  }
0x1eb: {  	s1 =	sadd.s32 s17, s28  }
0x1ec: {  	[tilespmem:s23], [sflag:$0x1] =	stream.linear.gather [hbm4b:s1+s4], $0x50, $0x38;
	[tilespmem:$0x1D380] =	vst v63  }
0x1ed: {  	_ =	swait.ge [sflag:s29], $0x2800  }
0x1ee: {  	[sflag:s29] =	ssyncset.done $0x0  }
0x1ef: {  	[sflag:s29] =	ssyncadd.s32 $0xFFFFD800  }
0x1f0: {  	_ =	swait.ge [sflag:s29], $0x500  }
0x1f1: {  	[sflag:s29] =	ssyncset.done $0x0  }
0x1f2: {  	[sflag:s29] =	ssyncadd.s32 $0xFFFFFB00  }
0x1f3: {  	_ =	swait.ge [sflag:s29], $0x500  }
0x1f4: {  	[sflag:s29] =	ssyncset.done $0x0  }
0x1f5: {  	[sflag:s29] =	ssyncadd.s32 $0xFFFFFB00  }
0x1f6: {  	_ =	swait.ge [sflag:s6], $0x2800  }
0x1f7: {  	[sflag:s6] =	ssyncset.done $0x0  }
0x1f8: {  	[sflag:s6] =	ssyncadd.s32 $0xFFFFD800  }
0x1f9: {  	_ =	swait.ge [sflag:s12], $0x50  }
0x1fa: {  	[sflag:s12] =	ssyncset.done $0x0  }
0x1fb: {  	[sflag:s12] =	ssyncadd.s32 $0xFFFFFFB0  }
0x1fc: {  	_ =	swait.ge [sflag:s12], $0x50  }
0x1fd: {  	[sflag:s12] =	ssyncset.done $0x0  }
0x1fe: {  	[sflag:s12] =	ssyncadd.s32 $0xFFFFFFB0  }
0x1ff: {  	s2 =	rddreg [dreg:$0x1]  }
0x200: {  	[tilespmem:s20], [sflag:$0x5] =	stream.indirect.gather [hbm4b:s2+s8], $0x80, s4, s8, $0xb8;
	[tilespmem:$0x1D380] =	vst v63  }
0x201: {  	s10 =	simm.s32 $0x280  }
0x202: {  	[tilespmem:s10], [sflag:$0x5] =	stream.indirect.gather [hbm4b:s25+s8], $0x10, s4, s8, $0xb8;
	[tilespmem:$0x1D380] =	vst v63  }
0x203: {  	s13 =	simm.s32 $0xC80;
	s14 =	simm.s32 $0x790  }
0x204: {  	[tilespmem:s13], [sflag:$0x5] =	stream.indirect.gather [hbm4b:s26+s8], $0x10, s23, s8, $0xb8;
	[tilespmem:$0x1D380] =	vst v63  }
0x205: {  	s15 =	simm.s32 $0x1190;
	v5 =	vld [tilespmem:s14+$0x0]  }
0x206: {  	v6 =	vld [tilespmem:s15+$0x0]  }
0x207: {  	v7 =	vld [tilespmem:s15+$0xFFFFFFF0]  }
0x208: {  	v8 =	vld [tilespmem:s14+$0xFFFFFFF0];
	_ =	sdelay $0x2  }
0x209: {  	v5 =	vadd.f32 v6, v5;
	_ =	sdelay $0x1  }
0x20a: {  	v6 =	vadd.f32 v7, v8;
	v7 =	vmul.f32 $2.000000030e-01, v5;
	_ =	sdelay $0x1  }
0x20b: {  	v8 =	vmul.f32 $2.000000030e-01, v6;
	v5 =	vmax.f32 v5, v7  }
0x20c: {  	v5 =	vmul.f32 $1.442695020e+00, v5  }
0x20d: {  	v6 =	vmax.f32 v6, v8  }
0x20e: {  	v6 =	vmul.f32 $1.442695020e+00, v6;
	(erf) = vpow2.f32 v5;
	_ =	sdelay $0x1  }
0x20f: {  	(erf) = vpow2.f32 v6;
	_ =	sdelay $0x4  }
0x210: {  	s17 =	simm.s32 $0x7B0  }
0x211: {  	s14 =	simm.s32 $0x11B0;
	v11 =	vld [tilespmem:s17+$0xFFFFFFF0]  }
0x212: {  	s13 =	simm.s32 $0x6690;
	v9 =	vld [tilespmem:s14+$0x0];
	v6 =	vpop (erf)  }
0x213: {  	s10 =	simm.s32 $0x3F00;
	v8 =	vld [tilespmem:s17+$0x0];
	[tilespmem:s13+$0x0] =	vst v6  }
0x214: {  	v13 =	vpop (erf);
	v12 =	vld [tilespmem:s10+$0x70]  }
0x215: {  	v10 =	vld [tilespmem:s14+$0xFFFFFFF0];
	[tilespmem:s13+$0xFFFFFFF0] =	vst v13  }
0x216: {  	v15 =	vld [tilespmem:s10+$0xFFFFFF80]  }
0x217: {  	v5 =	vperm.xlane v6, v4;
	_ =	sdelay $0x1  }
0x218: {  	v8 =	vadd.f32 v9, v8;
	v14 =	vld [tilespmem:s10+$0x0];
	v19 =	vperm.xlane v13, v1;
	v12 =	vmul.f32 v12, v5  }
0x219: {  	v16 =	vld [tilespmem:s10+$0xFFFFFF90]  }
0x21a: {  	v10 =	vadd.f32 v10, v11;
	v17 =	vld [tilespmem:s10+$0xFFFFFFA0];
	v9 =	vmul.f32 v15, v19;
	[tilespmem:s10+$0x70] =	vst v12;
	v12 =	vmul.f32 $2.000000030e-01, v8  }
0x21b: {  	v20 =	vld [tilespmem:s10+$0xFFFFFFB0]  }
0x21c: {  	v62 =	vperm.xlane v6, v1;
	v21 =	vld [tilespmem:s10+$0xFFFFFFC0];
	[tilespmem:s10+$0xFFFFFF80] =	vst v9;
	v9 =	vmul.f32 $2.000000030e-01, v10;
	v8 =	vmax.f32 v8, v12  }
0x21d: {  	v22 =	vperm.xlane v13, v2;
	v63 =	vld [tilespmem:s10+$0xFFFFFFF0];
	v8 =	vmul.f32 $1.442695020e+00, v8  }
0x21e: {  	v11 =	vmul.f32 v14, v62;
	v15 =	vld [tilespmem:s10+$0xFFFFFFD0];
	v16 =	vmul.f32 v16, v19;
	v9 =	vmax.f32 v10, v9  }
0x21f: {  	v14 =	vld [tilespmem:s10+$0xFFFFFFE0];
	v9 =	vmul.f32 $1.442695020e+00, v9;
	(erf) = vpow2.f32 v8  }
0x220: {  	v23 =	vperm.xlane v13, v3;
	[tilespmem:s10+$0x0] =	vst v11;
	v12 =	vmul.f32 v17, v22;
	v17 =	vld [tilespmem:s10+$0x10]  }
0x221: {  	v11 =	vld [tilespmem:s10+$0x20];
	[tilespmem:s10+$0xFFFFFF90] =	vst v16;
	v10 =	vmul.f32 v20, v22;
	(erf) = vpow2.f32 v9  }
0x222: {  	v13 =	vperm.xlane v13, v4;
	v16 =	vmul.f32 v21, v23;
	[tilespmem:s10+$0xFFFFFFA0] =	vst v12;
	v12 =	vld [tilespmem:s10+$0x30]  }
0x223: {  	v7 =	vperm.xlane v6, v2;
	v8 =	vmul.f32 v15, v23;
	[tilespmem:s10+$0xFFFFFFB0] =	vst v10;
	v10 =	vld [tilespmem:s10+$0x40]  }
0x224: {  	v6 =	vperm.xlane v6, v3;
	v14 =	vmul.f32 v14, v13;
	[tilespmem:s10+$0xFFFFFFC0] =	vst v16;
	v9 =	vld [tilespmem:s10+$0x50]  }
0x225: {  	s1 =	simm.s32 $0x7D0;
	s15 =	simm.s32 $0x3F00;
	s17 =	simm.s32 $0x2;
	v15 =	vmul.f32 v63, v13;
	[tilespmem:s10+$0xFFFFFFD0] =	vst v8;
	v13 =	vmul.f32 v17, v62;
	v8 =	vld [tilespmem:s10+$0x60]  }
.LBB2_10:
0x226: {  	v16 =	vld [tilespmem:s1+$0x0];
	s14 =	sadd.s32 $0x20, s14;
	[tilespmem:s10+$0xFFFFFFE0] =	vst v14;
	v11 =	vmul.f32 v11, v7  }
0x227: {  	s17 =	sadd.s32 $0x2, s17;
	v14 =	vld [tilespmem:s14+$0x0];
	[tilespmem:s10+$0xFFFFFFF0] =	vst v15;
	v12 =	vmul.f32 v12, v7  }
0x228: {  	s13 =	sadd.s32 $0x20, s13;
	p0 =	slt.u32 s17, $0x4E;
	v15 =	vld [tilespmem:s14+$0xFFFFFFF0];
	v17 =	vpop (erf);
	[tilespmem:s10+$0x10] =	vst v13;
	v10 =	vmul.f32 v10, v6  }
0x229: {  	s10 =	sadd.s32 $0x100, s10;
	v13 =	vld [tilespmem:s1+$0xFFFFFFF0];
	[tilespmem:s13+$0x0] =	vst v17;
	v18 =	vperm.xlane v17, v1;
	v7 =	vperm.xlane v17, v2  }
0x22a: {  	v9 =	vmul.f32 v9, v6;
	v6 =	vperm.xlane v17, v3;
	v19 =	vld [tilespmem:s10+$0x70];
	v20 =	vpop (erf);
	[tilespmem:s15+$0x20] =	vst v11  }
0x22b: {  	[tilespmem:s13+$0xFFFFFFF0] =	vst v20;
	v11 =	vperm.xlane v20, v1;
	v21 =	vperm.xlane v20, v2;
	v22 =	vld [tilespmem:s10+$0x0]  }
0x22c: {  	v23 =	vperm.xlane v20, v3;
	v20 =	vperm.xlane v20, v4;
	v14 =	vadd.f32 v14, v16;
	v16 =	vld [tilespmem:s10+$0xFFFFFF80];
	[tilespmem:s15+$0x30] =	vst v12  }
0x22d: {  	v8 =	vmul.f32 v8, v5;
	v5 =	vperm.xlane v17, v4;
	v12 =	vld [tilespmem:s10+$0xFFFFFF90];
	[tilespmem:s15+$0x40] =	vst v10  }
0x22e: {  	v10 =	vadd.f32 v15, v13;
	v13 =	vmul.f32 $2.000000030e-01, v14;
	v15 =	vld [tilespmem:s10+$0xFFFFFFA0];
	[tilespmem:s15+$0x50] =	vst v9  }
0x22f: {  	v9 =	vld [tilespmem:s10+$0xFFFFFFB0];
	v17 =	vmul.f32 v19, v5;
	[tilespmem:s15+$0x60] =	vst v8;
	s15 =	smov.u32 s10  }
0x230: {  	v8 =	vmul.f32 $2.000000030e-01, v10;
	v13 =	vmax.f32 v14, v13;
	v14 =	vld [tilespmem:s10+$0xFFFFFFC0];
	v19 =	vmul.f32 v22, v18  }
0x231: {  	v13 =	vmul.f32 $1.442695020e+00, v13;
	v16 =	vmul.f32 v16, v11;
	v22 =	vld [tilespmem:s10+$0xFFFFFFD0];
	[tilespmem:s10+$0x70] =	vst v17  }
0x232: {  	v8 =	vmax.f32 v10, v8;
	v10 =	vmul.f32 v12, v11;
	v17 =	vld [tilespmem:s10+$0xFFFFFFE0];
	[tilespmem:s10+$0x0] =	vst v19  }
0x233: {  	v8 =	vmul.f32 $1.442695020e+00, v8;
	(erf) = vpow2.f32 v13;
	[tilespmem:s10+$0xFFFFFF80] =	vst v16;
	v13 =	vld [tilespmem:s10+$0xFFFFFFF0]  }
0x234: {  	[tilespmem:s10+$0xFFFFFF90] =	vst v10;
	v10 =	vmul.f32 v15, v21;
	v9 =	vmul.f32 v9, v21;
	v16 =	vld [tilespmem:s10+$0x10]  }
.Ltmp4:
0x235: {  	(erf) = vpow2.f32 v8;
	v8 =	vmul.f32 v14, v23;
	v11 =	vld [tilespmem:s10+$0x20];
	(pc) =	sbr.rel @p0 .LBB2_10-.Ltmp4, $4  }
0x236: {  	[tilespmem:s10+$0xFFFFFFA0] =	vst v10;
	v19 =	vmul.f32 v22, v23;
	v12 =	vld [tilespmem:s10+$0x30]  }
0x237: {  	[tilespmem:s10+$0xFFFFFFB0] =	vst v9;
	v14 =	vmul.f32 v17, v20;
	v10 =	vld [tilespmem:s10+$0x40]  }
0x238: {  	[tilespmem:s10+$0xFFFFFFC0] =	vst v8;
	v15 =	vmul.f32 v13, v20;
	v9 =	vld [tilespmem:s10+$0x50]  }
0x239: {  	s1 =	sadd.s32 $0x20, s1;
	[tilespmem:s10+$0xFFFFFFD0] =	vst v19;
	v13 =	vmul.f32 v16, v18;
	v8 =	vld [tilespmem:s10+$0x60]  }
0x23a: {  	_ = 	snop  }
0x23b: {  	[tilespmem:s10+$0xFFFFFFE0] =	vst v14  }
0x23c: {  	[tilespmem:s10+$0xFFFFFFF0] =	vst v15;
	s2 =	sadd.s32 $0x20, s13;
	v45 =	vpop (erf)  }
0x23d: {  	s1 =	sadd.s32 $0x100, s10;
	[tilespmem:s2+$0x0] =	vst v45  }
0x23e: {  	v11 =	vmul.f32 v11, v7;
	[tilespmem:s10+$0x10] =	vst v13;
	v46 =	vld [tilespmem:s1+$0x70];
	v47 =	vpop (erf)  }
0x23f: {  	v7 =	vmul.f32 v12, v7;
	v48 =	vld [tilespmem:s1+$0x0];
	[tilespmem:s2+$0xFFFFFFF0] =	vst v47  }
0x240: {  	v10 =	vmul.f32 v10, v6;
	[tilespmem:s15+$0x20] =	vst v11;
	v49 =	vld [tilespmem:s1+$0xFFFFFF80]  }
0x241: {  	v6 =	vmul.f32 v9, v6;
	[tilespmem:s15+$0x30] =	vst v7;
	v50 =	vperm.xlane v45, v4;
	v7 =	vld [tilespmem:s1+$0xFFFFFF90]  }
0x242: {  	v16 =	vperm.xlane v45, v1;
	[tilespmem:s15+$0x40] =	vst v10;
	v5 =	vmul.f32 v8, v5;
	v51 =	vld [tilespmem:s1+$0xFFFFFFA0]  }
0x243: {  	v52 =	vperm.xlane v47, v1;
	[tilespmem:s15+$0x50] =	vst v6;
	v6 =	vld [tilespmem:s1+$0xFFFFFFB0];
	v13 =	vmul.f32 v46, v50  }
0x244: {  	[tilespmem:s15+$0x60] =	vst v5;
	v5 =	vld [tilespmem:s1+$0xFFFFFFC0];
	v12 =	vmul.f32 v48, v16  }
0x245: {  	v17 =	vperm.xlane v47, v2;
	v18 =	vld [tilespmem:s1+$0xFFFFFFD0];
	v11 =	vmul.f32 v49, v52;
	[tilespmem:s1+$0x70] =	vst v13  }
0x246: {  	v53 =	vld [tilespmem:s1+$0xFFFFFFE0];
	v7 =	vmul.f32 v7, v52;
	[tilespmem:s1+$0x0] =	vst v12  }
0x247: {  	v54 =	vperm.xlane v47, v3;
	v55 =	vld [tilespmem:s1+$0xFFFFFFF0];
	v8 =	vmul.f32 v51, v17;
	[tilespmem:s1+$0xFFFFFF80] =	vst v11  }
0x248: {  	v57 =	vld [tilespmem:s1+$0x20];
	v6 =	vmul.f32 v6, v17;
	[tilespmem:s1+$0xFFFFFF90] =	vst v7  }
0x249: {  	v59 =	vld [tilespmem:s1+$0x30];
	v56 =	vperm.xlane v47, v4;
	v5 =	vmul.f32 v5, v54;
	[tilespmem:s1+$0xFFFFFFA0] =	vst v8  }
0x24a: {  	v58 =	vmul.f32 v18, v54;
	v7 =	vld [tilespmem:s1+$0x10];
	[tilespmem:s1+$0xFFFFFFB0] =	vst v6  }
0x24b: {  	v62 =	vld [tilespmem:s1+$0x60];
	v6 =	vmul.f32 v53, v56;
	[tilespmem:s1+$0xFFFFFFC0] =	vst v5;
	v5 =	vperm.xlane v45, v2  }
0x24c: {  	v60 =	vld [tilespmem:s1+$0x40];
	v11 =	vmul.f32 v55, v56;
	[tilespmem:s1+$0xFFFFFFD0] =	vst v58  }
0x24d: {  	v61 =	vld [tilespmem:s1+$0x50];
	[tilespmem:s1+$0xFFFFFFE0] =	vst v6;
	v63 =	vmul.f32 v57, v5  }
0x24e: {  	[tilespmem:s1+$0xFFFFFFF0] =	vst v11;
	v5 =	vmul.f32 v59, v5  }
0x24f: {  	v6 =	vperm.xlane v45, v3;
	[tilespmem:s1+$0x20] =	vst v63;
	v7 =	vmul.f32 v7, v16  }
0x250: {  	[tilespmem:s1+$0x30] =	vst v5;
	v5 =	vmul.f32 v62, v50  }
0x251: {  	[tilespmem:s1+$0x10] =	vst v7;
	v7 =	vmul.f32 v60, v6  }
0x252: {  	[tilespmem:s1+$0x60] =	vst v5;
	v6 =	vmul.f32 v61, v6  }
0x253: {  	[tilespmem:s1+$0x40] =	vst v7  }
0x254: {  	[tilespmem:s1+$0x50] =	vst v6  }
0x255: {  	[spmem:s9] =	stream.indirect.scatter.add.f32 [tilespmem:s22], [sflag:$0x9], $0x10, s31, s8, $0xb8;
	[tilespmem:$0x1D380] =	vst v63  }
0x256: {  	_ =	swait.ge [sflag:s21], $0x500  }
0x257: {  	[sflag:s21] =	ssyncset.done $0x0;
	s15 =	sld [smem:$0x7FD]  }
0x258: {  	s17 =	sld [smem:$0x7FC];
	[sflag:s21] =	ssyncadd.s32 $0xFFFFFB00  }
0x259: {  	[spmem:s3] =	stream.indirect.scatter.add.f32 [tilespmem:s30], [sflag:$0x8], $0x80, s31, s8, $0xb8;
	[tilespmem:$0x1D380] =	vst v63  }
0x25a: {  	_ = 	snop  }
0x25b: {  	[tilespmem:s8], [sflag:$0x2] =	stream.linear.gather [hbm4b:s15+s4], $0x50, $0x38;
	[tilespmem:$0x1D380] =	vst v63  }
0x25c: {  	s10 =	simm.s32 $0x1;
	s1 =	sadd.s32 s17, s28  }
0x25d: {  	[tilespmem:s11], [sflag:$0x2] =	stream.linear.gather [hbm4b:s1+s4], $0x50, $0x38;
	[tilespmem:$0x1D380] =	vst v63  }
.LBB2_12:
0x25e: {  	_ =	swait.ge [sflag:s18], $0x2800  }
0x25f: {  	[sflag:s18] =	ssyncset.done $0x0  }
0x260: {  	[sflag:s18] =	ssyncadd.s32 $0xFFFFD800  }
0x261: {  	_ =	swait.ge [sflag:s18], $0x500  }
0x262: {  	[sflag:s18] =	ssyncset.done $0x0  }
0x263: {  	[sflag:s18] =	ssyncadd.s32 $0xFFFFFB00  }
0x264: {  	_ =	swait.ge [sflag:s18], $0x500  }
0x265: {  	[sflag:s18] =	ssyncset.done $0x0  }
0x266: {  	[sflag:s18] =	ssyncadd.s32 $0xFFFFFB00  }
0x267: {  	_ =	swait.ge [sflag:s0], $0x2800  }
0x268: {  	[sflag:s0] =	ssyncset.done $0x0  }
0x269: {  	[sflag:s0] =	ssyncadd.s32 $0xFFFFD800  }
0x26a: {  	_ =	swait.ge [sflag:s19], $0x50  }
0x26b: {  	[sflag:s19] =	ssyncset.done $0x0  }
0x26c: {  	[sflag:s19] =	ssyncadd.s32 $0xFFFFFFB0  }
0x26d: {  	_ =	swait.ge [sflag:s19], $0x50  }
0x26e: {  	[sflag:s19] =	ssyncset.done $0x0  }
0x26f: {  	[sflag:s19] =	ssyncadd.s32 $0xFFFFFFB0  }
0x270: {  	s1 =	rddreg [dreg:$0x1]  }
0x271: {  	[tilespmem:s30], [sflag:$0x6] =	stream.indirect.gather [hbm4b:s1+s8], $0x80, s8, s8, $0xb8;
	[tilespmem:$0x1D380] =	vst v63  }
0x272: {  	s2 =	simm.s32 $0x780  }
0x273: {  	[tilespmem:s2], [sflag:$0x6] =	stream.indirect.gather [hbm4b:s25+s8], $0x10, s8, s8, $0xb8;
	[tilespmem:$0x1D380] =	vst v63  }
0x274: {  	s13 =	simm.s32 $0x1180;
	s14 =	simm.s32 $0x290  }
0x275: {  	[tilespmem:s13], [sflag:$0x6] =	stream.indirect.gather [hbm4b:s26+s8], $0x10, s11, s8, $0xb8;
	[tilespmem:$0x1D380] =	vst v63  }
0x276: {  	s2 =	simm.s32 $0xC90;
	v5 =	vld [tilespmem:s14+$0x0]  }
0x277: {  	v6 =	vld [tilespmem:s2+$0x0]  }
0x278: {  	v7 =	vld [tilespmem:s2+$0xFFFFFFF0]  }
0x279: {  	v8 =	vld [tilespmem:s14+$0xFFFFFFF0];
	_ =	sdelay $0x2  }
0x27a: {  	v5 =	vadd.f32 v6, v5;
	_ =	sdelay $0x1  }
0x27b: {  	v6 =	vadd.f32 v7, v8;
	v7 =	vmul.f32 $2.000000030e-01, v5;
	_ =	sdelay $0x1  }
0x27c: {  	v8 =	vmul.f32 $2.000000030e-01, v6;
	v5 =	vmax.f32 v5, v7  }
0x27d: {  	v5 =	vmul.f32 $1.442695020e+00, v5  }
0x27e: {  	v6 =	vmax.f32 v6, v8  }
0x27f: {  	v6 =	vmul.f32 $1.442695020e+00, v6;
	(erf) = vpow2.f32 v5;
	_ =	sdelay $0x1  }
0x280: {  	(erf) = vpow2.f32 v6;
	_ =	sdelay $0x4  }
0x281: {  	s17 =	simm.s32 $0xCB0  }
0x282: {  	v9 =	vld [tilespmem:s17+$0x0]  }
0x283: {  	s15 =	simm.s32 $0x2B0;
	s13 =	simm.s32 $0x6690;
	v10 =	vld [tilespmem:s17+$0xFFFFFFF0];
	v6 =	vpop (erf)  }
0x284: {  	s14 =	simm.s32 $0x1700;
	v8 =	vld [tilespmem:s15+$0x0];
	[tilespmem:s13+$0x0] =	vst v6  }
0x285: {  	v13 =	vpop (erf);
	v12 =	vld [tilespmem:s14+$0x70]  }
0x286: {  	v11 =	vld [tilespmem:s15+$0xFFFFFFF0];
	[tilespmem:s13+$0xFFFFFFF0] =	vst v13  }
0x287: {  	v15 =	vld [tilespmem:s14+$0xFFFFFF80]  }
0x288: {  	v5 =	vperm.xlane v6, v4;
	_ =	sdelay $0x1  }
0x289: {  	v8 =	vadd.f32 v9, v8;
	v14 =	vld [tilespmem:s14+$0x0];
	v19 =	vperm.xlane v13, v1;
	v12 =	vmul.f32 v12, v5  }
0x28a: {  	v16 =	vld [tilespmem:s14+$0xFFFFFF90]  }
0x28b: {  	v10 =	vadd.f32 v10, v11;
	v17 =	vld [tilespmem:s14+$0xFFFFFFA0];
	v9 =	vmul.f32 v15, v19;
	[tilespmem:s14+$0x70] =	vst v12;
	v12 =	vmul.f32 $2.000000030e-01, v8  }
0x28c: {  	v20 =	vld [tilespmem:s14+$0xFFFFFFB0]  }
0x28d: {  	v18 =	vperm.xlane v6, v1;
	v21 =	vld [tilespmem:s14+$0xFFFFFFC0];
	[tilespmem:s14+$0xFFFFFF80] =	vst v9;
	v9 =	vmul.f32 $2.000000030e-01, v10;
	v8 =	vmax.f32 v8, v12  }
0x28e: {  	v22 =	vperm.xlane v13, v2;
	v63 =	vld [tilespmem:s14+$0xFFFFFFF0];
	v8 =	vmul.f32 $1.442695020e+00, v8  }
0x28f: {  	v11 =	vmul.f32 v14, v18;
	v15 =	vld [tilespmem:s14+$0xFFFFFFD0];
	v16 =	vmul.f32 v16, v19;
	v9 =	vmax.f32 v10, v9  }
0x290: {  	v14 =	vld [tilespmem:s14+$0xFFFFFFE0];
	v9 =	vmul.f32 $1.442695020e+00, v9;
	(erf) = vpow2.f32 v8  }
0x291: {  	v23 =	vperm.xlane v13, v3;
	[tilespmem:s14+$0x0] =	vst v11;
	v11 =	vmul.f32 v17, v22;
	v17 =	vld [tilespmem:s14+$0x10]  }
0x292: {  	[tilespmem:s14+$0xFFFFFF90] =	vst v16;
	v12 =	vld [tilespmem:s14+$0x20];
	v10 =	vmul.f32 v20, v22;
	(erf) = vpow2.f32 v9  }
0x293: {  	v13 =	vperm.xlane v13, v4;
	v16 =	vmul.f32 v21, v23;
	[tilespmem:s14+$0xFFFFFFA0] =	vst v11;
	v11 =	vld [tilespmem:s14+$0x30]  }
0x294: {  	v7 =	vperm.xlane v6, v2;
	v8 =	vmul.f32 v15, v23;
	[tilespmem:s14+$0xFFFFFFB0] =	vst v10;
	v10 =	vld [tilespmem:s14+$0x40]  }
0x295: {  	v6 =	vperm.xlane v6, v3;
	v14 =	vmul.f32 v14, v13;
	[tilespmem:s14+$0xFFFFFFC0] =	vst v16;
	v9 =	vld [tilespmem:s14+$0x50]  }
0x296: {  	s30 =	simm.s32 $0x2;
	s1 =	simm.s32 $0x2D0;
	s15 =	simm.s32 $0x1700;
	v15 =	vmul.f32 v63, v13;
	v13 =	vmul.f32 v17, v18;
	[tilespmem:s14+$0xFFFFFFD0] =	vst v8;
	v8 =	vld [tilespmem:s14+$0x60]  }
.LBB2_13:
0x297: {  	v16 =	vld [tilespmem:s1+$0x0];
	s17 =	sadd.s32 $0x20, s17;
	[tilespmem:s14+$0xFFFFFFE0] =	vst v14;
	v12 =	vmul.f32 v12, v7  }
0x298: {  	s30 =	sadd.s32 $0x2, s30;
	v14 =	vld [tilespmem:s17+$0x0];
	[tilespmem:s14+$0xFFFFFFF0] =	vst v15;
	v11 =	vmul.f32 v11, v7  }
0x299: {  	s13 =	sadd.s32 $0x20, s13;
	p0 =	slt.u32 s30, $0x4E;
	v15 =	vld [tilespmem:s17+$0xFFFFFFF0];
	v17 =	vpop (erf);
	[tilespmem:s14+$0x10] =	vst v13;
	v10 =	vmul.f32 v10, v6  }
0x29a: {  	s14 =	sadd.s32 $0x100, s14;
	v13 =	vld [tilespmem:s1+$0xFFFFFFF0];
	[tilespmem:s13+$0x0] =	vst v17;
	v18 =	vperm.xlane v17, v1;
	v7 =	vperm.xlane v17, v2  }
0x29b: {  	v9 =	vmul.f32 v9, v6;
	v6 =	vperm.xlane v17, v3;
	v19 =	vld [tilespmem:s14+$0x70];
	v20 =	vpop (erf);
	[tilespmem:s15+$0x20] =	vst v12  }
0x29c: {  	[tilespmem:s13+$0xFFFFFFF0] =	vst v20;
	v12 =	vperm.xlane v20, v1;
	v21 =	vperm.xlane v20, v2;
	v22 =	vld [tilespmem:s14+$0x0]  }
0x29d: {  	v23 =	vperm.xlane v20, v3;
	v20 =	vperm.xlane v20, v4;
	v14 =	vadd.f32 v14, v16;
	v16 =	vld [tilespmem:s14+$0xFFFFFF80];
	[tilespmem:s15+$0x30] =	vst v11  }
0x29e: {  	v8 =	vmul.f32 v8, v5;
	v5 =	vperm.xlane v17, v4;
	v11 =	vld [tilespmem:s14+$0xFFFFFF90];
	[tilespmem:s15+$0x40] =	vst v10  }
0x29f: {  	v10 =	vadd.f32 v15, v13;
	v13 =	vmul.f32 $2.000000030e-01, v14;
	v15 =	vld [tilespmem:s14+$0xFFFFFFA0];
	[tilespmem:s15+$0x50] =	vst v9  }
0x2a0: {  	v9 =	vld [tilespmem:s14+$0xFFFFFFB0];
	v17 =	vmul.f32 v19, v5;
	[tilespmem:s15+$0x60] =	vst v8;
	s15 =	smov.u32 s14  }
0x2a1: {  	v8 =	vmul.f32 $2.000000030e-01, v10;
	v13 =	vmax.f32 v14, v13;
	v14 =	vld [tilespmem:s14+$0xFFFFFFC0];
	v19 =	vmul.f32 v22, v18  }
0x2a2: {  	v13 =	vmul.f32 $1.442695020e+00, v13;
	v16 =	vmul.f32 v16, v12;
	v22 =	vld [tilespmem:s14+$0xFFFFFFD0];
	[tilespmem:s14+$0x70] =	vst v17  }
0x2a3: {  	v8 =	vmax.f32 v10, v8;
	v10 =	vmul.f32 v11, v12;
	v17 =	vld [tilespmem:s14+$0xFFFFFFE0];
	[tilespmem:s14+$0x0] =	vst v19  }
0x2a4: {  	v8 =	vmul.f32 $1.442695020e+00, v8;
	(erf) = vpow2.f32 v13;
	[tilespmem:s14+$0xFFFFFF80] =	vst v16;
	v13 =	vld [tilespmem:s14+$0xFFFFFFF0]  }
0x2a5: {  	[tilespmem:s14+$0xFFFFFF90] =	vst v10;
	v10 =	vmul.f32 v15, v21;
	v9 =	vmul.f32 v9, v21;
	v16 =	vld [tilespmem:s14+$0x10]  }
.Ltmp5:
0x2a6: {  	(erf) = vpow2.f32 v8;
	v8 =	vmul.f32 v14, v23;
	v12 =	vld [tilespmem:s14+$0x20];
	(pc) =	sbr.rel @p0 .LBB2_13-.Ltmp5, $4  }
0x2a7: {  	[tilespmem:s14+$0xFFFFFFA0] =	vst v10;
	v19 =	vmul.f32 v22, v23;
	v11 =	vld [tilespmem:s14+$0x30]  }
0x2a8: {  	[tilespmem:s14+$0xFFFFFFB0] =	vst v9;
	v14 =	vmul.f32 v17, v20;
	v10 =	vld [tilespmem:s14+$0x40]  }
0x2a9: {  	[tilespmem:s14+$0xFFFFFFC0] =	vst v8;
	v15 =	vmul.f32 v13, v20;
	v9 =	vld [tilespmem:s14+$0x50]  }
0x2aa: {  	s1 =	sadd.s32 $0x20, s1;
	[tilespmem:s14+$0xFFFFFFD0] =	vst v19;
	v13 =	vmul.f32 v16, v18;
	v8 =	vld [tilespmem:s14+$0x60]  }
0x2ab: {  	_ = 	snop  }
0x2ac: {  	[tilespmem:s14+$0xFFFFFFE0] =	vst v14  }
0x2ad: {  	[tilespmem:s14+$0xFFFFFFF0] =	vst v15;
	s2 =	sadd.s32 $0x20, s13;
	v14 =	vpop (erf)  }
0x2ae: {  	s1 =	sadd.s32 $0x100, s14;
	[tilespmem:s2+$0x0] =	vst v14  }
0x2af: {  	v12 =	vmul.f32 v12, v7;
	[tilespmem:s14+$0x10] =	vst v13;
	v13 =	vld [tilespmem:s1+$0x70];
	v15 =	vpop (erf)  }
0x2b0: {  	v7 =	vmul.f32 v11, v7;
	v11 =	vld [tilespmem:s1+$0x0];
	[tilespmem:s2+$0xFFFFFFF0] =	vst v15  }
0x2b1: {  	v10 =	vmul.f32 v10, v6;
	[tilespmem:s15+$0x20] =	vst v12;
	v12 =	vld [tilespmem:s1+$0xFFFFFF80]  }
0x2b2: {  	v6 =	vmul.f32 v9, v6;
	[tilespmem:s15+$0x30] =	vst v7;
	v7 =	vld [tilespmem:s1+$0xFFFFFF90]  }
0x2b3: {  	v9 =	vperm.xlane v14, v4;
	[tilespmem:s15+$0x40] =	vst v10;
	v5 =	vmul.f32 v8, v5;
	v8 =	vld [tilespmem:s1+$0xFFFFFFA0]  }
0x2b4: {  	v16 =	vperm.xlane v14, v1;
	[tilespmem:s15+$0x50] =	vst v6;
	v6 =	vld [tilespmem:s1+$0xFFFFFFB0]  }
0x2b5: {  	v10 =	vperm.xlane v15, v1;
	[tilespmem:s15+$0x60] =	vst v5;
	v5 =	vld [tilespmem:s1+$0xFFFFFFC0];
	v13 =	vmul.f32 v13, v9  }
0x2b6: {  	v17 =	vperm.xlane v15, v2;
	v18 =	vld [tilespmem:s1+$0xFFFFFFD0];
	v11 =	vmul.f32 v11, v16  }
0x2b7: {  	v12 =	vmul.f32 v12, v10;
	[tilespmem:s1+$0x70] =	vst v13;
	v7 =	vmul.f32 v7, v10;
	v10 =	vld [tilespmem:s1+$0xFFFFFFE0]  }
0x2b8: {  	[tilespmem:s1+$0x0] =	vst v11;
	v11 =	vperm.xlane v15, v3;
	v13 =	vperm.xlane v15, v4;
	v15 =	vld [tilespmem:s1+$0x20]  }
0x2b9: {  	v8 =	vmul.f32 v8, v17;
	[tilespmem:s1+$0xFFFFFF80] =	vst v12;
	v12 =	vld [tilespmem:s1+$0xFFFFFFF0]  }
0x2ba: {  	v6 =	vmul.f32 v6, v17;
	[tilespmem:s1+$0xFFFFFF90] =	vst v7;
	v7 =	vld [tilespmem:s1+$0x10]  }
0x2bb: {  	v5 =	vmul.f32 v5, v11;
	[tilespmem:s1+$0xFFFFFFA0] =	vst v8;
	v8 =	vmul.f32 v18, v11;
	v11 =	vld [tilespmem:s1+$0x30]  }
0x2bc: {  	[tilespmem:s1+$0xFFFFFFB0] =	vst v6  }
0x2bd: {  	[tilespmem:s1+$0xFFFFFFD0] =	vst v8;
	v8 =	vld [tilespmem:s1+$0x60];
	v6 =	vmul.f32 v10, v13  }
0x2be: {  	[tilespmem:s1+$0xFFFFFFC0] =	vst v5;
	v5 =	vperm.xlane v14, v2;
	v10 =	vld [tilespmem:s1+$0x40];
	v12 =	vmul.f32 v12, v13  }
0x2bf: {  	v13 =	vld [tilespmem:s1+$0x50];
	v7 =	vmul.f32 v7, v16;
	[tilespmem:s1+$0xFFFFFFE0] =	vst v6;
	v6 =	vperm.xlane v14, v3  }
0x2c0: {  	v14 =	vmul.f32 v15, v5;
	v5 =	vmul.f32 v11, v5;
	[tilespmem:s1+$0xFFFFFFF0] =	vst v12  }
0x2c1: {  	[tilespmem:s1+$0x10] =	vst v7  }
0x2c2: {  	[tilespmem:s1+$0x30] =	vst v5;
	v5 =	vmul.f32 v8, v9  }
0x2c3: {  	[tilespmem:s1+$0x20] =	vst v14;
	v7 =	vmul.f32 v10, v6  }
0x2c4: {  	[tilespmem:s1+$0x60] =	vst v5;
	v6 =	vmul.f32 v13, v6  }
0x2c5: {  	[tilespmem:s1+$0x40] =	vst v7  }
0x2c6: {  	[tilespmem:s1+$0x50] =	vst v6  }
0x2c7: {  	[spmem:s9] =	stream.indirect.scatter.add.f32 [tilespmem:s22], [sflag:$0x9], $0x10, s23, s8, $0xb8;
	[tilespmem:$0x1D380] =	vst v63  }
0x2c8: {  	s14 =	smul.u32 $0x140, s10;
	_ =	swait.ge [sflag:s21], $0x500  }
0x2c9: {  	[sflag:s21] =	ssyncset.done $0x0;
	s2 =	rddreg [dreg:$0x18]  }
0x2ca: {  	[sflag:s21] =	ssyncadd.s32 $0xFFFFFB00;
	s1 =	sadd.s32 s14, s2  }
0x2cb: {  	[spmem:s3] =	stream.indirect.scatter.add.f32 [tilespmem:s20], [sflag:$0x7], $0x80, s23, s8, $0xb8;
	[tilespmem:$0x1D380] =	vst v63  }
0x2cc: {  	s1 =	sshrl.u32 s1, $0x3  }
0x2cd: {  	s15 =	simm.s32 $0xA0;
	s13 =	sadd.s32 s24, s1  }
0x2ce: {  	[tilespmem:s15], [sflag:$0x3] =	stream.linear.gather [hbm4b:s13+s4], $0x50, $0x38;
	[tilespmem:$0x1D380] =	vst v63  }
0x2cf: {  	s1 =	sadd.s32 s28, s1  }
0x2d0: {  	[tilespmem:s16], [sflag:$0x3] =	stream.linear.gather [hbm4b:s1+s4], $0x50, $0x38;
	[tilespmem:$0x1D380] =	vst v63  }
0x2d1: {  	_ =	swait.ge [sflag:s29], $0x2800  }
0x2d2: {  	[sflag:s29] =	ssyncset.done $0x0  }
0x2d3: {  	[sflag:s29] =	ssyncadd.s32 $0xFFFFD800  }
0x2d4: {  	_ =	swait.ge [sflag:s29], $0x500  }
0x2d5: {  	[sflag:s29] =	ssyncset.done $0x0  }
0x2d6: {  	[sflag:s29] =	ssyncadd.s32 $0xFFFFFB00  }
0x2d7: {  	_ =	swait.ge [sflag:s29], $0x500  }
0x2d8: {  	[sflag:s29] =	ssyncset.done $0x0  }
0x2d9: {  	[sflag:s29] =	ssyncadd.s32 $0xFFFFFB00  }
0x2da: {  	_ =	swait.ge [sflag:s6], $0x2800  }
0x2db: {  	[sflag:s6] =	ssyncset.done $0x0  }
0x2dc: {  	[sflag:s6] =	ssyncadd.s32 $0xFFFFD800  }
0x2dd: {  	_ =	swait.ge [sflag:s7], $0x50  }
0x2de: {  	[sflag:s7] =	ssyncset.done $0x0  }
0x2df: {  	[sflag:s7] =	ssyncadd.s32 $0xFFFFFFB0  }
0x2e0: {  	_ =	swait.ge [sflag:s7], $0x50  }
0x2e1: {  	[sflag:s7] =	ssyncset.done $0x0  }
0x2e2: {  	[sflag:s7] =	ssyncadd.s32 $0xFFFFFFB0  }
0x2e3: {  	s17 =	rddreg [dreg:$0x1]  }
0x2e4: {  	[tilespmem:s20], [sflag:$0x5] =	stream.indirect.gather [hbm4b:s17+s8], $0x80, s15, s8, $0xb8;
	[tilespmem:$0x1D380] =	vst v63  }
0x2e5: {  	s2 =	simm.s32 $0x280  }
0x2e6: {  	[tilespmem:s2], [sflag:$0x5] =	stream.indirect.gather [hbm4b:s25+s8], $0x10, s15, s8, $0xb8;
	[tilespmem:$0x1D380] =	vst v63  }
0x2e7: {  	s13 =	simm.s32 $0xC80;
	s15 =	simm.s32 $0x790  }
0x2e8: {  	[tilespmem:s13], [sflag:$0x5] =	stream.indirect.gather [hbm4b:s26+s8], $0x10, s16, s8, $0xb8;
	[tilespmem:$0x1D380] =	vst v63  }
0x2e9: {  	s17 =	simm.s32 $0x1190;
	v5 =	vld [tilespmem:s15+$0x0]  }
0x2ea: {  	v6 =	vld [tilespmem:s17+$0x0]  }
0x2eb: {  	v7 =	vld [tilespmem:s17+$0xFFFFFFF0]  }
0x2ec: {  	v8 =	vld [tilespmem:s15+$0xFFFFFFF0];
	_ =	sdelay $0x2  }
0x2ed: {  	v5 =	vadd.f32 v6, v5;
	_ =	sdelay $0x1  }
0x2ee: {  	v6 =	vadd.f32 v7, v8;
	v7 =	vmul.f32 $2.000000030e-01, v5;
	_ =	sdelay $0x1  }
0x2ef: {  	v8 =	vmul.f32 $2.000000030e-01, v6;
	v5 =	vmax.f32 v5, v7  }
0x2f0: {  	v5 =	vmul.f32 $1.442695020e+00, v5  }
0x2f1: {  	v6 =	vmax.f32 v6, v8  }
0x2f2: {  	v6 =	vmul.f32 $1.442695020e+00, v6;
	(erf) = vpow2.f32 v5;
	_ =	sdelay $0x1  }
0x2f3: {  	(erf) = vpow2.f32 v6;
	_ =	sdelay $0x4  }
0x2f4: {  	s2 =	simm.s32 $0x7B0  }
0x2f5: {  	s15 =	simm.s32 $0x11B0;
	v11 =	vld [tilespmem:s2+$0xFFFFFFF0]  }
0x2f6: {  	s17 =	simm.s32 $0x6690;
	v9 =	vld [tilespmem:s15+$0x0];
	v6 =	vpop (erf)  }
0x2f7: {  	s13 =	simm.s32 $0x3F00;
	v8 =	vld [tilespmem:s2+$0x0];
	[tilespmem:s17+$0x0] =	vst v6  }
0x2f8: {  	v13 =	vpop (erf);
	v12 =	vld [tilespmem:s13+$0x70]  }
0x2f9: {  	v10 =	vld [tilespmem:s15+$0xFFFFFFF0];
	[tilespmem:s17+$0xFFFFFFF0] =	vst v13  }
0x2fa: {  	v15 =	vld [tilespmem:s13+$0xFFFFFF80]  }
0x2fb: {  	v5 =	vperm.xlane v6, v4;
	_ =	sdelay $0x1  }
0x2fc: {  	v8 =	vadd.f32 v9, v8;
	v14 =	vld [tilespmem:s13+$0x0];
	v19 =	vperm.xlane v13, v1;
	v12 =	vmul.f32 v12, v5  }
0x2fd: {  	v16 =	vld [tilespmem:s13+$0xFFFFFF90]  }
0x2fe: {  	v10 =	vadd.f32 v10, v11;
	v17 =	vld [tilespmem:s13+$0xFFFFFFA0];
	v9 =	vmul.f32 v15, v19;
	[tilespmem:s13+$0x70] =	vst v12;
	v12 =	vmul.f32 $2.000000030e-01, v8  }
0x2ff: {  	v20 =	vld [tilespmem:s13+$0xFFFFFFB0]  }
0x300: {  	v62 =	vperm.xlane v6, v1;
	v21 =	vld [tilespmem:s13+$0xFFFFFFC0];
	[tilespmem:s13+$0xFFFFFF80] =	vst v9;
	v9 =	vmul.f32 $2.000000030e-01, v10;
	v8 =	vmax.f32 v8, v12  }
0x301: {  	v22 =	vperm.xlane v13, v2;
	v63 =	vld [tilespmem:s13+$0xFFFFFFF0];
	v8 =	vmul.f32 $1.442695020e+00, v8  }
0x302: {  	v11 =	vmul.f32 v14, v62;
	v15 =	vld [tilespmem:s13+$0xFFFFFFD0];
	v16 =	vmul.f32 v16, v19;
	v9 =	vmax.f32 v10, v9  }
0x303: {  	v14 =	vld [tilespmem:s13+$0xFFFFFFE0];
	v9 =	vmul.f32 $1.442695020e+00, v9;
	(erf) = vpow2.f32 v8  }
0x304: {  	v23 =	vperm.xlane v13, v3;
	[tilespmem:s13+$0x0] =	vst v11;
	v11 =	vmul.f32 v17, v22;
	v17 =	vld [tilespmem:s13+$0x10]  }
0x305: {  	[tilespmem:s13+$0xFFFFFF90] =	vst v16;
	v12 =	vld [tilespmem:s13+$0x20];
	v10 =	vmul.f32 v20, v22;
	(erf) = vpow2.f32 v9  }
0x306: {  	v13 =	vperm.xlane v13, v4;
	v16 =	vmul.f32 v21, v23;
	[tilespmem:s13+$0xFFFFFFA0] =	vst v11;
	v11 =	vld [tilespmem:s13+$0x30]  }
0x307: {  	v7 =	vperm.xlane v6, v2;
	v8 =	vmul.f32 v15, v23;
	[tilespmem:s13+$0xFFFFFFB0] =	vst v10;
	v10 =	vld [tilespmem:s13+$0x40]  }
0x308: {  	v6 =	vperm.xlane v6, v3;
	v14 =	vmul.f32 v14, v13;
	[tilespmem:s13+$0xFFFFFFC0] =	vst v16;
	v9 =	vld [tilespmem:s13+$0x50]  }
0x309: {  	s30 =	simm.s32 $0x3F00;
	s1 =	simm.s32 $0x2;
	s2 =	simm.s32 $0x7D0;
	v15 =	vmul.f32 v63, v13;
	v13 =	vmul.f32 v17, v62;
	[tilespmem:s13+$0xFFFFFFD0] =	vst v8;
	v8 =	vld [tilespmem:s13+$0x60]  }
.LBB2_15:
0x30a: {  	v16 =	vld [tilespmem:s2+$0x0];
	s15 =	sadd.s32 $0x20, s15;
	[tilespmem:s13+$0xFFFFFFE0] =	vst v14;
	v12 =	vmul.f32 v12, v7  }
0x30b: {  	s1 =	sadd.s32 $0x2, s1;
	v14 =	vld [tilespmem:s15+$0x0];
	[tilespmem:s13+$0xFFFFFFF0] =	vst v15;
	v11 =	vmul.f32 v11, v7  }
0x30c: {  	s17 =	sadd.s32 $0x20, s17;
	p0 =	slt.u32 s1, $0x4E;
	v15 =	vld [tilespmem:s15+$0xFFFFFFF0];
	v17 =	vpop (erf);
	[tilespmem:s13+$0x10] =	vst v13;
	v10 =	vmul.f32 v10, v6  }
0x30d: {  	s13 =	sadd.s32 $0x100, s13;
	v13 =	vld [tilespmem:s2+$0xFFFFFFF0];
	[tilespmem:s17+$0x0] =	vst v17;
	v18 =	vperm.xlane v17, v1;
	v7 =	vperm.xlane v17, v2  }
0x30e: {  	v9 =	vmul.f32 v9, v6;
	v6 =	vperm.xlane v17, v3;
	v19 =	vld [tilespmem:s13+$0x70];
	v20 =	vpop (erf);
	[tilespmem:s30+$0x20] =	vst v12  }
0x30f: {  	[tilespmem:s17+$0xFFFFFFF0] =	vst v20;
	v12 =	vperm.xlane v20, v1;
	v21 =	vperm.xlane v20, v2;
	v22 =	vld [tilespmem:s13+$0x0]  }
0x310: {  	v23 =	vperm.xlane v20, v3;
	v20 =	vperm.xlane v20, v4;
	v14 =	vadd.f32 v14, v16;
	v16 =	vld [tilespmem:s13+$0xFFFFFF80];
	[tilespmem:s30+$0x30] =	vst v11  }
0x311: {  	v8 =	vmul.f32 v8, v5;
	v5 =	vperm.xlane v17, v4;
	v11 =	vld [tilespmem:s13+$0xFFFFFF90];
	[tilespmem:s30+$0x40] =	vst v10  }
0x312: {  	v10 =	vadd.f32 v15, v13;
	v13 =	vmul.f32 $2.000000030e-01, v14;
	v15 =	vld [tilespmem:s13+$0xFFFFFFA0];
	[tilespmem:s30+$0x50] =	vst v9  }
0x313: {  	v9 =	vld [tilespmem:s13+$0xFFFFFFB0];
	v17 =	vmul.f32 v19, v5;
	[tilespmem:s30+$0x60] =	vst v8;
	s30 =	smov.u32 s13  }
0x314: {  	v8 =	vmul.f32 $2.000000030e-01, v10;
	v13 =	vmax.f32 v14, v13;
	v14 =	vld [tilespmem:s13+$0xFFFFFFC0];
	v19 =	vmul.f32 v22, v18  }
0x315: {  	v13 =	vmul.f32 $1.442695020e+00, v13;
	v16 =	vmul.f32 v16, v12;
	v22 =	vld [tilespmem:s13+$0xFFFFFFD0];
	[tilespmem:s13+$0x70] =	vst v17  }
0x316: {  	v8 =	vmax.f32 v10, v8;
	v10 =	vmul.f32 v11, v12;
	v17 =	vld [tilespmem:s13+$0xFFFFFFE0];
	[tilespmem:s13+$0x0] =	vst v19  }
0x317: {  	v8 =	vmul.f32 $1.442695020e+00, v8;
	(erf) = vpow2.f32 v13;
	[tilespmem:s13+$0xFFFFFF80] =	vst v16;
	v13 =	vld [tilespmem:s13+$0xFFFFFFF0]  }
0x318: {  	[tilespmem:s13+$0xFFFFFF90] =	vst v10;
	v10 =	vmul.f32 v15, v21;
	v9 =	vmul.f32 v9, v21;
	v16 =	vld [tilespmem:s13+$0x10]  }
.Ltmp6:
0x319: {  	(erf) = vpow2.f32 v8;
	v8 =	vmul.f32 v14, v23;
	v12 =	vld [tilespmem:s13+$0x20];
	(pc) =	sbr.rel @p0 .LBB2_15-.Ltmp6, $4  }
0x31a: {  	[tilespmem:s13+$0xFFFFFFA0] =	vst v10;
	v19 =	vmul.f32 v22, v23;
	v11 =	vld [tilespmem:s13+$0x30]  }
0x31b: {  	[tilespmem:s13+$0xFFFFFFB0] =	vst v9;
	v14 =	vmul.f32 v17, v20;
	v10 =	vld [tilespmem:s13+$0x40]  }
0x31c: {  	[tilespmem:s13+$0xFFFFFFC0] =	vst v8;
	v15 =	vmul.f32 v13, v20;
	v9 =	vld [tilespmem:s13+$0x50]  }
0x31d: {  	s2 =	sadd.s32 $0x20, s2;
	[tilespmem:s13+$0xFFFFFFD0] =	vst v19;
	v13 =	vmul.f32 v16, v18;
	v8 =	vld [tilespmem:s13+$0x60]  }
0x31e: {  	_ = 	snop  }
0x31f: {  	[tilespmem:s13+$0xFFFFFFE0] =	vst v14  }
0x320: {  	[tilespmem:s13+$0xFFFFFFF0] =	vst v15;
	s2 =	sadd.s32 $0x20, s17;
	v14 =	vpop (erf)  }
0x321: {  	s1 =	sadd.s32 $0x100, s13;
	[tilespmem:s2+$0x0] =	vst v14  }
0x322: {  	v12 =	vmul.f32 v12, v7;
	[tilespmem:s13+$0x10] =	vst v13;
	v13 =	vld [tilespmem:s1+$0x70];
	v15 =	vpop (erf)  }
0x323: {  	v7 =	vmul.f32 v11, v7;
	v11 =	vld [tilespmem:s1+$0x0];
	[tilespmem:s2+$0xFFFFFFF0] =	vst v15  }
0x324: {  	v10 =	vmul.f32 v10, v6;
	[tilespmem:s30+$0x20] =	vst v12;
	v12 =	vld [tilespmem:s1+$0xFFFFFF80]  }
0x325: {  	v6 =	vmul.f32 v9, v6;
	[tilespmem:s30+$0x30] =	vst v7;
	v7 =	vld [tilespmem:s1+$0xFFFFFF90]  }
0x326: {  	v9 =	vperm.xlane v14, v4;
	[tilespmem:s30+$0x40] =	vst v10;
	v5 =	vmul.f32 v8, v5;
	v8 =	vld [tilespmem:s1+$0xFFFFFFA0]  }
0x327: {  	v16 =	vperm.xlane v14, v1;
	[tilespmem:s30+$0x50] =	vst v6;
	v6 =	vld [tilespmem:s1+$0xFFFFFFB0]  }
0x328: {  	v10 =	vperm.xlane v15, v1;
	[tilespmem:s30+$0x60] =	vst v5;
	v5 =	vld [tilespmem:s1+$0xFFFFFFC0];
	v13 =	vmul.f32 v13, v9  }
0x329: {  	v17 =	vperm.xlane v15, v2;
	v18 =	vld [tilespmem:s1+$0xFFFFFFD0];
	v11 =	vmul.f32 v11, v16  }
0x32a: {  	v12 =	vmul.f32 v12, v10;
	[tilespmem:s1+$0x70] =	vst v13;
	v7 =	vmul.f32 v7, v10;
	v10 =	vld [tilespmem:s1+$0xFFFFFFE0]  }
0x32b: {  	[tilespmem:s1+$0x0] =	vst v11;
	v11 =	vperm.xlane v15, v3;
	v13 =	vperm.xlane v15, v4;
	v15 =	vld [tilespmem:s1+$0x20]  }
0x32c: {  	v8 =	vmul.f32 v8, v17;
	[tilespmem:s1+$0xFFFFFF80] =	vst v12;
	v12 =	vld [tilespmem:s1+$0xFFFFFFF0]  }
0x32d: {  	v6 =	vmul.f32 v6, v17;
	[tilespmem:s1+$0xFFFFFF90] =	vst v7;
	v7 =	vld [tilespmem:s1+$0x10]  }
0x32e: {  	v5 =	vmul.f32 v5, v11;
	[tilespmem:s1+$0xFFFFFFA0] =	vst v8;
	v8 =	vmul.f32 v18, v11;
	v11 =	vld [tilespmem:s1+$0x30]  }
0x32f: {  	[tilespmem:s1+$0xFFFFFFB0] =	vst v6  }
0x330: {  	[tilespmem:s1+$0xFFFFFFD0] =	vst v8;
	v8 =	vld [tilespmem:s1+$0x60];
	v6 =	vmul.f32 v10, v13  }
0x331: {  	[tilespmem:s1+$0xFFFFFFC0] =	vst v5;
	v5 =	vperm.xlane v14, v2;
	v10 =	vld [tilespmem:s1+$0x40];
	v12 =	vmul.f32 v12, v13  }
0x332: {  	v13 =	vld [tilespmem:s1+$0x50];
	v7 =	vmul.f32 v7, v16;
	[tilespmem:s1+$0xFFFFFFE0] =	vst v6;
	v6 =	vperm.xlane v14, v3  }
0x333: {  	v14 =	vmul.f32 v15, v5;
	v5 =	vmul.f32 v11, v5;
	[tilespmem:s1+$0xFFFFFFF0] =	vst v12  }
0x334: {  	[tilespmem:s1+$0x10] =	vst v7  }
0x335: {  	[tilespmem:s1+$0x30] =	vst v5;
	v5 =	vmul.f32 v8, v9  }
0x336: {  	[tilespmem:s1+$0x20] =	vst v14;
	v7 =	vmul.f32 v10, v6  }
0x337: {  	[tilespmem:s1+$0x60] =	vst v5;
	v6 =	vmul.f32 v13, v6  }
0x338: {  	[tilespmem:s1+$0x40] =	vst v7  }
0x339: {  	[tilespmem:s1+$0x50] =	vst v6  }
0x33a: {  	[spmem:s9] =	stream.indirect.scatter.add.f32 [tilespmem:s22], [sflag:$0x9], $0x10, s11, s8, $0xb8;
	[tilespmem:$0x1D380] =	vst v63  }
0x33b: {  	_ =	swait.ge [sflag:s21], $0x500  }
0x33c: {  	[sflag:s21] =	ssyncset.done $0x0;
	s15 =	rddreg [dreg:$0x19]  }
0x33d: {  	s13 =	simm.s32 $0x3E80;
	[sflag:s21] =	ssyncadd.s32 $0xFFFFFB00;
	s1 =	sadd.s32 s14, s15  }
0x33e: {  	[spmem:s3] =	stream.indirect.scatter.add.f32 [tilespmem:s13], [sflag:$0x8], $0x80, s11, s8, $0xb8;
	[tilespmem:$0x1D380] =	vst v63  }
0x33f: {  	s1 =	sshrl.u32 s1, $0x3  }
0x340: {  	s15 =	simm.s32 $0xF0;
	s17 =	sadd.s32 s24, s1  }
0x341: {  	[tilespmem:s15], [sflag:$0x4] =	stream.linear.gather [hbm4b:s17+s4], $0x50, $0x38;
	[tilespmem:$0x1D380] =	vst v63  }
0x342: {  	s1 =	sadd.s32 s28, s1  }
0x343: {  	[tilespmem:s31], [sflag:$0x4] =	stream.linear.gather [hbm4b:s1+s4], $0x50, $0x38;
	[tilespmem:$0x1D380] =	vst v63  }
0x344: {  	_ =	swait.ge [sflag:s18], $0x2800  }
0x345: {  	[sflag:s18] =	ssyncset.done $0x0  }
0x346: {  	[sflag:s18] =	ssyncadd.s32 $0xFFFFD800  }
0x347: {  	_ =	swait.ge [sflag:s18], $0x500  }
0x348: {  	[sflag:s18] =	ssyncset.done $0x0  }
0x349: {  	[sflag:s18] =	ssyncadd.s32 $0xFFFFFB00  }
0x34a: {  	_ =	swait.ge [sflag:s18], $0x500  }
0x34b: {  	[sflag:s18] =	ssyncset.done $0x0  }
0x34c: {  	[sflag:s18] =	ssyncadd.s32 $0xFFFFFB00  }
0x34d: {  	_ =	swait.ge [sflag:s0], $0x2800  }
0x34e: {  	[sflag:s0] =	ssyncset.done $0x0  }
0x34f: {  	[sflag:s0] =	ssyncadd.s32 $0xFFFFD800  }
0x350: {  	_ =	swait.ge [sflag:s5], $0x50  }
0x351: {  	[sflag:s5] =	ssyncset.done $0x0  }
0x352: {  	[sflag:s5] =	ssyncadd.s32 $0xFFFFFFB0  }
0x353: {  	_ =	swait.ge [sflag:s5], $0x50  }
0x354: {  	[sflag:s5] =	ssyncset.done $0x0  }
0x355: {  	[sflag:s5] =	ssyncadd.s32 $0xFFFFFFB0  }
0x356: {  	s17 =	rddreg [dreg:$0x1]  }
0x357: {  	[tilespmem:s13], [sflag:$0x6] =	stream.indirect.gather [hbm4b:s17+s8], $0x80, s15, s8, $0xb8;
	[tilespmem:$0x1D380] =	vst v63  }
0x358: {  	s2 =	simm.s32 $0x780  }
0x359: {  	[tilespmem:s2], [sflag:$0x6] =	stream.indirect.gather [hbm4b:s25+s8], $0x10, s15, s8, $0xb8;
	[tilespmem:$0x1D380] =	vst v63  }
0x35a: {  	s13 =	simm.s32 $0x1180;
	s15 =	simm.s32 $0x290  }
0x35b: {  	[tilespmem:s13], [sflag:$0x6] =	stream.indirect.gather [hbm4b:s26+s8], $0x10, s31, s8, $0xb8;
	[tilespmem:$0x1D380] =	vst v63  }
0x35c: {  	s17 =	simm.s32 $0xC90;
	v5 =	vld [tilespmem:s15+$0x0]  }
0x35d: {  	v6 =	vld [tilespmem:s17+$0x0]  }
0x35e: {  	v7 =	vld [tilespmem:s17+$0xFFFFFFF0]  }
0x35f: {  	v8 =	vld [tilespmem:s15+$0xFFFFFFF0];
	_ =	sdelay $0x2  }
0x360: {  	v5 =	vadd.f32 v6, v5;
	_ =	sdelay $0x1  }
0x361: {  	v6 =	vadd.f32 v7, v8;
	v7 =	vmul.f32 $2.000000030e-01, v5;
	_ =	sdelay $0x1  }
0x362: {  	v8 =	vmul.f32 $2.000000030e-01, v6;
	v5 =	vmax.f32 v5, v7  }
0x363: {  	v5 =	vmul.f32 $1.442695020e+00, v5  }
0x364: {  	v6 =	vmax.f32 v6, v8  }
0x365: {  	v6 =	vmul.f32 $1.442695020e+00, v6;
	(erf) = vpow2.f32 v5;
	_ =	sdelay $0x1  }
0x366: {  	(erf) = vpow2.f32 v6;
	_ =	sdelay $0x4  }
0x367: {  	s2 =	simm.s32 $0x2B0  }
0x368: {  	s15 =	simm.s32 $0xCB0;
	v11 =	vld [tilespmem:s2+$0xFFFFFFF0]  }
0x369: {  	s17 =	simm.s32 $0x6690;
	v9 =	vld [tilespmem:s15+$0x0];
	v6 =	vpop (erf)  }
0x36a: {  	s13 =	simm.s32 $0x1700;
	v8 =	vld [tilespmem:s2+$0x0];
	[tilespmem:s17+$0x0] =	vst v6  }
0x36b: {  	v13 =	vpop (erf);
	v12 =	vld [tilespmem:s13+$0x70]  }
0x36c: {  	v10 =	vld [tilespmem:s15+$0xFFFFFFF0];
	[tilespmem:s17+$0xFFFFFFF0] =	vst v13  }
0x36d: {  	v15 =	vld [tilespmem:s13+$0xFFFFFF80]  }
0x36e: {  	v5 =	vperm.xlane v6, v4;
	_ =	sdelay $0x1  }
0x36f: {  	v8 =	vadd.f32 v9, v8;
	v14 =	vld [tilespmem:s13+$0x0];
	v19 =	vperm.xlane v13, v1;
	v12 =	vmul.f32 v12, v5  }
0x370: {  	v16 =	vld [tilespmem:s13+$0xFFFFFF90]  }
0x371: {  	v10 =	vadd.f32 v10, v11;
	v17 =	vld [tilespmem:s13+$0xFFFFFFA0];
	v9 =	vmul.f32 v15, v19;
	[tilespmem:s13+$0x70] =	vst v12;
	v12 =	vmul.f32 $2.000000030e-01, v8  }
0x372: {  	v20 =	vld [tilespmem:s13+$0xFFFFFFB0]  }
0x373: {  	v62 =	vperm.xlane v6, v1;
	v21 =	vld [tilespmem:s13+$0xFFFFFFC0];
	[tilespmem:s13+$0xFFFFFF80] =	vst v9;
	v9 =	vmul.f32 $2.000000030e-01, v10;
	v8 =	vmax.f32 v8, v12  }
0x374: {  	v22 =	vperm.xlane v13, v2;
	v63 =	vld [tilespmem:s13+$0xFFFFFFF0];
	v8 =	vmul.f32 $1.442695020e+00, v8  }
0x375: {  	v11 =	vmul.f32 v14, v62;
	v15 =	vld [tilespmem:s13+$0xFFFFFFD0];
	v16 =	vmul.f32 v16, v19;
	v9 =	vmax.f32 v10, v9  }
0x376: {  	v14 =	vld [tilespmem:s13+$0xFFFFFFE0];
	v9 =	vmul.f32 $1.442695020e+00, v9;
	(erf) = vpow2.f32 v8  }
0x377: {  	v23 =	vperm.xlane v13, v3;
	[tilespmem:s13+$0x0] =	vst v11;
	v11 =	vmul.f32 v17, v22;
	v17 =	vld [tilespmem:s13+$0x10]  }
0x378: {  	[tilespmem:s13+$0xFFFFFF90] =	vst v16;
	v12 =	vld [tilespmem:s13+$0x20];
	v10 =	vmul.f32 v20, v22;
	(erf) = vpow2.f32 v9  }
0x379: {  	v13 =	vperm.xlane v13, v4;
	v16 =	vmul.f32 v21, v23;
	[tilespmem:s13+$0xFFFFFFA0] =	vst v11;
	v11 =	vld [tilespmem:s13+$0x30]  }
0x37a: {  	v7 =	vperm.xlane v6, v2;
	v8 =	vmul.f32 v15, v23;
	[tilespmem:s13+$0xFFFFFFB0] =	vst v10;
	v10 =	vld [tilespmem:s13+$0x40]  }
0x37b: {  	v6 =	vperm.xlane v6, v3;
	v14 =	vmul.f32 v14, v13;
	[tilespmem:s13+$0xFFFFFFC0] =	vst v16;
	v9 =	vld [tilespmem:s13+$0x50]  }
0x37c: {  	s30 =	simm.s32 $0x1700;
	s1 =	simm.s32 $0x2;
	s2 =	simm.s32 $0x2D0;
	v15 =	vmul.f32 v63, v13;
	v13 =	vmul.f32 v17, v62;
	[tilespmem:s13+$0xFFFFFFD0] =	vst v8;
	v8 =	vld [tilespmem:s13+$0x60]  }
.LBB2_17:
0x37d: {  	v16 =	vld [tilespmem:s2+$0x0];
	s15 =	sadd.s32 $0x20, s15;
	[tilespmem:s13+$0xFFFFFFE0] =	vst v14;
	v12 =	vmul.f32 v12, v7  }
0x37e: {  	s1 =	sadd.s32 $0x2, s1;
	v14 =	vld [tilespmem:s15+$0x0];
	[tilespmem:s13+$0xFFFFFFF0] =	vst v15;
	v11 =	vmul.f32 v11, v7  }
0x37f: {  	s17 =	sadd.s32 $0x20, s17;
	p0 =	slt.u32 s1, $0x4E;
	v15 =	vld [tilespmem:s15+$0xFFFFFFF0];
	v17 =	vpop (erf);
	[tilespmem:s13+$0x10] =	vst v13;
	v10 =	vmul.f32 v10, v6  }
0x380: {  	s13 =	sadd.s32 $0x100, s13;
	v13 =	vld [tilespmem:s2+$0xFFFFFFF0];
	[tilespmem:s17+$0x0] =	vst v17;
	v18 =	vperm.xlane v17, v1;
	v7 =	vperm.xlane v17, v2  }
0x381: {  	v9 =	vmul.f32 v9, v6;
	v6 =	vperm.xlane v17, v3;
	v19 =	vld [tilespmem:s13+$0x70];
	v20 =	vpop (erf);
	[tilespmem:s30+$0x20] =	vst v12  }
0x382: {  	[tilespmem:s17+$0xFFFFFFF0] =	vst v20;
	v12 =	vperm.xlane v20, v1;
	v21 =	vperm.xlane v20, v2;
	v22 =	vld [tilespmem:s13+$0x0]  }
0x383: {  	v23 =	vperm.xlane v20, v3;
	v20 =	vperm.xlane v20, v4;
	v14 =	vadd.f32 v14, v16;
	v16 =	vld [tilespmem:s13+$0xFFFFFF80];
	[tilespmem:s30+$0x30] =	vst v11  }
0x384: {  	v8 =	vmul.f32 v8, v5;
	v5 =	vperm.xlane v17, v4;
	v11 =	vld [tilespmem:s13+$0xFFFFFF90];
	[tilespmem:s30+$0x40] =	vst v10  }
0x385: {  	v10 =	vadd.f32 v15, v13;
	v13 =	vmul.f32 $2.000000030e-01, v14;
	v15 =	vld [tilespmem:s13+$0xFFFFFFA0];
	[tilespmem:s30+$0x50] =	vst v9  }
0x386: {  	v9 =	vld [tilespmem:s13+$0xFFFFFFB0];
	v17 =	vmul.f32 v19, v5;
	[tilespmem:s30+$0x60] =	vst v8;
	s30 =	smov.u32 s13  }
0x387: {  	v8 =	vmul.f32 $2.000000030e-01, v10;
	v13 =	vmax.f32 v14, v13;
	v14 =	vld [tilespmem:s13+$0xFFFFFFC0];
	v19 =	vmul.f32 v22, v18  }
0x388: {  	v13 =	vmul.f32 $1.442695020e+00, v13;
	v16 =	vmul.f32 v16, v12;
	v22 =	vld [tilespmem:s13+$0xFFFFFFD0];
	[tilespmem:s13+$0x70] =	vst v17  }
0x389: {  	v8 =	vmax.f32 v10, v8;
	v10 =	vmul.f32 v11, v12;
	v17 =	vld [tilespmem:s13+$0xFFFFFFE0];
	[tilespmem:s13+$0x0] =	vst v19  }
0x38a: {  	v8 =	vmul.f32 $1.442695020e+00, v8;
	(erf) = vpow2.f32 v13;
	[tilespmem:s13+$0xFFFFFF80] =	vst v16;
	v13 =	vld [tilespmem:s13+$0xFFFFFFF0]  }
0x38b: {  	[tilespmem:s13+$0xFFFFFF90] =	vst v10;
	v10 =	vmul.f32 v15, v21;
	v9 =	vmul.f32 v9, v21;
	v16 =	vld [tilespmem:s13+$0x10]  }
.Ltmp7:
0x38c: {  	(erf) = vpow2.f32 v8;
	v8 =	vmul.f32 v14, v23;
	v12 =	vld [tilespmem:s13+$0x20];
	(pc) =	sbr.rel @p0 .LBB2_17-.Ltmp7, $4  }
0x38d: {  	[tilespmem:s13+$0xFFFFFFA0] =	vst v10;
	v19 =	vmul.f32 v22, v23;
	v11 =	vld [tilespmem:s13+$0x30]  }
0x38e: {  	[tilespmem:s13+$0xFFFFFFB0] =	vst v9;
	v14 =	vmul.f32 v17, v20;
	v10 =	vld [tilespmem:s13+$0x40]  }
0x38f: {  	[tilespmem:s13+$0xFFFFFFC0] =	vst v8;
	v15 =	vmul.f32 v13, v20;
	v9 =	vld [tilespmem:s13+$0x50]  }
0x390: {  	s2 =	sadd.s32 $0x20, s2;
	[tilespmem:s13+$0xFFFFFFD0] =	vst v19;
	v13 =	vmul.f32 v16, v18;
	v8 =	vld [tilespmem:s13+$0x60]  }
0x391: {  	_ = 	snop  }
0x392: {  	[tilespmem:s13+$0xFFFFFFE0] =	vst v14  }
0x393: {  	[tilespmem:s13+$0xFFFFFFF0] =	vst v15;
	s2 =	sadd.s32 $0x20, s17;
	v14 =	vpop (erf)  }
0x394: {  	s1 =	sadd.s32 $0x100, s13;
	[tilespmem:s2+$0x0] =	vst v14  }
0x395: {  	v12 =	vmul.f32 v12, v7;
	[tilespmem:s13+$0x10] =	vst v13;
	v13 =	vld [tilespmem:s1+$0x70];
	v15 =	vpop (erf)  }
0x396: {  	v7 =	vmul.f32 v11, v7;
	v11 =	vld [tilespmem:s1+$0x0];
	[tilespmem:s2+$0xFFFFFFF0] =	vst v15  }
0x397: {  	v10 =	vmul.f32 v10, v6;
	[tilespmem:s30+$0x20] =	vst v12;
	v12 =	vld [tilespmem:s1+$0xFFFFFF80]  }
0x398: {  	v6 =	vmul.f32 v9, v6;
	[tilespmem:s30+$0x30] =	vst v7;
	v7 =	vld [tilespmem:s1+$0xFFFFFF90]  }
0x399: {  	v9 =	vperm.xlane v14, v4;
	[tilespmem:s30+$0x40] =	vst v10;
	v5 =	vmul.f32 v8, v5;
	v8 =	vld [tilespmem:s1+$0xFFFFFFA0]  }
0x39a: {  	v16 =	vperm.xlane v14, v1;
	[tilespmem:s30+$0x50] =	vst v6;
	v6 =	vld [tilespmem:s1+$0xFFFFFFB0]  }
0x39b: {  	v10 =	vperm.xlane v15, v1;
	[tilespmem:s30+$0x60] =	vst v5;
	v5 =	vld [tilespmem:s1+$0xFFFFFFC0];
	v13 =	vmul.f32 v13, v9  }
0x39c: {  	v17 =	vperm.xlane v15, v2;
	v18 =	vld [tilespmem:s1+$0xFFFFFFD0];
	v11 =	vmul.f32 v11, v16  }
0x39d: {  	v12 =	vmul.f32 v12, v10;
	[tilespmem:s1+$0x70] =	vst v13;
	v7 =	vmul.f32 v7, v10;
	v10 =	vld [tilespmem:s1+$0xFFFFFFE0]  }
0x39e: {  	[tilespmem:s1+$0x0] =	vst v11;
	v11 =	vperm.xlane v15, v3;
	v13 =	vperm.xlane v15, v4;
	v15 =	vld [tilespmem:s1+$0x20]  }
0x39f: {  	v8 =	vmul.f32 v8, v17;
	[tilespmem:s1+$0xFFFFFF80] =	vst v12;
	v12 =	vld [tilespmem:s1+$0xFFFFFFF0]  }
0x3a0: {  	v6 =	vmul.f32 v6, v17;
	[tilespmem:s1+$0xFFFFFF90] =	vst v7;
	v7 =	vld [tilespmem:s1+$0x10]  }
0x3a1: {  	v5 =	vmul.f32 v5, v11;
	[tilespmem:s1+$0xFFFFFFA0] =	vst v8;
	v8 =	vmul.f32 v18, v11;
	v11 =	vld [tilespmem:s1+$0x30]  }
0x3a2: {  	[tilespmem:s1+$0xFFFFFFB0] =	vst v6  }
0x3a3: {  	[tilespmem:s1+$0xFFFFFFD0] =	vst v8;
	v8 =	vld [tilespmem:s1+$0x60];
	v6 =	vmul.f32 v10, v13  }
0x3a4: {  	[tilespmem:s1+$0xFFFFFFC0] =	vst v5;
	v5 =	vperm.xlane v14, v2;
	v10 =	vld [tilespmem:s1+$0x40];
	v12 =	vmul.f32 v12, v13  }
0x3a5: {  	v13 =	vld [tilespmem:s1+$0x50];
	v7 =	vmul.f32 v7, v16;
	[tilespmem:s1+$0xFFFFFFE0] =	vst v6;
	v6 =	vperm.xlane v14, v3  }
0x3a6: {  	v14 =	vmul.f32 v15, v5;
	v5 =	vmul.f32 v11, v5;
	[tilespmem:s1+$0xFFFFFFF0] =	vst v12  }
0x3a7: {  	[tilespmem:s1+$0x10] =	vst v7  }
0x3a8: {  	[tilespmem:s1+$0x30] =	vst v5;
	v5 =	vmul.f32 v8, v9  }
0x3a9: {  	[tilespmem:s1+$0x20] =	vst v14;
	v7 =	vmul.f32 v10, v6  }
0x3aa: {  	[tilespmem:s1+$0x60] =	vst v5;
	v6 =	vmul.f32 v13, v6  }
0x3ab: {  	[tilespmem:s1+$0x40] =	vst v7  }
0x3ac: {  	[tilespmem:s1+$0x50] =	vst v6  }
0x3ad: {  	[spmem:s9] =	stream.indirect.scatter.add.f32 [tilespmem:s22], [sflag:$0x9], $0x10, s16, s8, $0xb8;
	[tilespmem:$0x1D380] =	vst v63  }
0x3ae: {  	_ =	swait.ge [sflag:s21], $0x500  }
0x3af: {  	[sflag:s21] =	ssyncset.done $0x0;
	s13 =	rddreg [dreg:$0x1a]  }
0x3b0: {  	[sflag:s21] =	ssyncadd.s32 $0xFFFFFB00;
	s1 =	sadd.s32 s14, s13  }
0x3b1: {  	[spmem:s3] =	stream.indirect.scatter.add.f32 [tilespmem:s20], [sflag:$0x7], $0x80, s16, s8, $0xb8;
	[tilespmem:$0x1D380] =	vst v63  }
0x3b2: {  	s1 =	sshrl.u32 s1, $0x3  }
0x3b3: {  	s15 =	sadd.s32 s24, s1  }
0x3b4: {  	[tilespmem:s4], [sflag:$0x1] =	stream.linear.gather [hbm4b:s15+s4], $0x50, $0x38;
	[tilespmem:$0x1D380] =	vst v63  }
0x3b5: {  	s1 =	sadd.s32 s28, s1  }
0x3b6: {  	[tilespmem:s23], [sflag:$0x1] =	stream.linear.gather [hbm4b:s1+s4], $0x50, $0x38;
	[tilespmem:$0x1D380] =	vst v63  }
0x3b7: {  	_ =	swait.ge [sflag:s29], $0x2800  }
0x3b8: {  	[sflag:s29] =	ssyncset.done $0x0  }
0x3b9: {  	[sflag:s29] =	ssyncadd.s32 $0xFFFFD800  }
0x3ba: {  	_ =	swait.ge [sflag:s29], $0x500  }
0x3bb: {  	[sflag:s29] =	ssyncset.done $0x0  }
0x3bc: {  	[sflag:s29] =	ssyncadd.s32 $0xFFFFFB00  }
0x3bd: {  	_ =	swait.ge [sflag:s29], $0x500  }
0x3be: {  	[sflag:s29] =	ssyncset.done $0x0  }
0x3bf: {  	[sflag:s29] =	ssyncadd.s32 $0xFFFFFB00  }
0x3c0: {  	_ =	swait.ge [sflag:s6], $0x2800  }
0x3c1: {  	[sflag:s6] =	ssyncset.done $0x0  }
0x3c2: {  	[sflag:s6] =	ssyncadd.s32 $0xFFFFD800  }
0x3c3: {  	_ =	swait.ge [sflag:s12], $0x50  }
0x3c4: {  	[sflag:s12] =	ssyncset.done $0x0  }
0x3c5: {  	[sflag:s12] =	ssyncadd.s32 $0xFFFFFFB0  }
0x3c6: {  	_ =	swait.ge [sflag:s12], $0x50  }
0x3c7: {  	[sflag:s12] =	ssyncset.done $0x0  }
0x3c8: {  	[sflag:s12] =	ssyncadd.s32 $0xFFFFFFB0  }
0x3c9: {  	s17 =	rddreg [dreg:$0x1]  }
0x3ca: {  	[tilespmem:s20], [sflag:$0x5] =	stream.indirect.gather [hbm4b:s17+s8], $0x80, s4, s8, $0xb8;
	[tilespmem:$0x1D380] =	vst v63  }
0x3cb: {  	s2 =	simm.s32 $0x280  }
0x3cc: {  	[tilespmem:s2], [sflag:$0x5] =	stream.indirect.gather [hbm4b:s25+s8], $0x10, s4, s8, $0xb8;
	[tilespmem:$0x1D380] =	vst v63  }
0x3cd: {  	s13 =	simm.s32 $0xC80;
	s15 =	simm.s32 $0x790  }
0x3ce: {  	[tilespmem:s13], [sflag:$0x5] =	stream.indirect.gather [hbm4b:s26+s8], $0x10, s23, s8, $0xb8;
	[tilespmem:$0x1D380] =	vst v63  }
0x3cf: {  	s17 =	simm.s32 $0x1190;
	v5 =	vld [tilespmem:s15+$0x0]  }
0x3d0: {  	v6 =	vld [tilespmem:s17+$0x0]  }
0x3d1: {  	v7 =	vld [tilespmem:s17+$0xFFFFFFF0]  }
0x3d2: {  	v8 =	vld [tilespmem:s15+$0xFFFFFFF0];
	_ =	sdelay $0x2  }
0x3d3: {  	v5 =	vadd.f32 v6, v5;
	_ =	sdelay $0x1  }
0x3d4: {  	v6 =	vadd.f32 v7, v8;
	v7 =	vmul.f32 $2.000000030e-01, v5;
	_ =	sdelay $0x1  }
0x3d5: {  	v8 =	vmul.f32 $2.000000030e-01, v6;
	v5 =	vmax.f32 v5, v7  }
0x3d6: {  	v5 =	vmul.f32 $1.442695020e+00, v5  }
0x3d7: {  	v6 =	vmax.f32 v6, v8  }
0x3d8: {  	v6 =	vmul.f32 $1.442695020e+00, v6;
	(erf) = vpow2.f32 v5;
	_ =	sdelay $0x1  }
0x3d9: {  	(erf) = vpow2.f32 v6;
	_ =	sdelay $0x4  }
0x3da: {  	s2 =	simm.s32 $0x7B0  }
0x3db: {  	s15 =	simm.s32 $0x11B0;
	v11 =	vld [tilespmem:s2+$0xFFFFFFF0]  }
0x3dc: {  	s17 =	simm.s32 $0x6690;
	v9 =	vld [tilespmem:s15+$0x0];
	v6 =	vpop (erf)  }
0x3dd: {  	s13 =	simm.s32 $0x3F00;
	v8 =	vld [tilespmem:s2+$0x0];
	[tilespmem:s17+$0x0] =	vst v6  }
0x3de: {  	v13 =	vpop (erf);
	v12 =	vld [tilespmem:s13+$0x70]  }
0x3df: {  	v10 =	vld [tilespmem:s15+$0xFFFFFFF0];
	[tilespmem:s17+$0xFFFFFFF0] =	vst v13  }
0x3e0: {  	v15 =	vld [tilespmem:s13+$0xFFFFFF80]  }
0x3e1: {  	v5 =	vperm.xlane v6, v4;
	_ =	sdelay $0x1  }
0x3e2: {  	v8 =	vadd.f32 v9, v8;
	v14 =	vld [tilespmem:s13+$0x0];
	v19 =	vperm.xlane v13, v1;
	v12 =	vmul.f32 v12, v5  }
0x3e3: {  	v16 =	vld [tilespmem:s13+$0xFFFFFF90]  }
0x3e4: {  	v10 =	vadd.f32 v10, v11;
	v17 =	vld [tilespmem:s13+$0xFFFFFFA0];
	v9 =	vmul.f32 v15, v19;
	[tilespmem:s13+$0x70] =	vst v12;
	v12 =	vmul.f32 $2.000000030e-01, v8  }
0x3e5: {  	v20 =	vld [tilespmem:s13+$0xFFFFFFB0]  }
0x3e6: {  	v62 =	vperm.xlane v6, v1;
	v21 =	vld [tilespmem:s13+$0xFFFFFFC0];
	[tilespmem:s13+$0xFFFFFF80] =	vst v9;
	v9 =	vmul.f32 $2.000000030e-01, v10;
	v8 =	vmax.f32 v8, v12  }
0x3e7: {  	v22 =	vperm.xlane v13, v2;
	v63 =	vld [tilespmem:s13+$0xFFFFFFF0];
	v8 =	vmul.f32 $1.442695020e+00, v8  }
0x3e8: {  	v11 =	vmul.f32 v14, v62;
	v15 =	vld [tilespmem:s13+$0xFFFFFFD0];
	v16 =	vmul.f32 v16, v19;
	v9 =	vmax.f32 v10, v9  }
0x3e9: {  	v14 =	vld [tilespmem:s13+$0xFFFFFFE0];
	v9 =	vmul.f32 $1.442695020e+00, v9;
	(erf) = vpow2.f32 v8  }
0x3ea: {  	v23 =	vperm.xlane v13, v3;
	[tilespmem:s13+$0x0] =	vst v11;
	v12 =	vmul.f32 v17, v22;
	v17 =	vld [tilespmem:s13+$0x10]  }
0x3eb: {  	v11 =	vld [tilespmem:s13+$0x20];
	[tilespmem:s13+$0xFFFFFF90] =	vst v16;
	v10 =	vmul.f32 v20, v22;
	(erf) = vpow2.f32 v9  }
0x3ec: {  	v13 =	vperm.xlane v13, v4;
	v16 =	vmul.f32 v21, v23;
	[tilespmem:s13+$0xFFFFFFA0] =	vst v12;
	v12 =	vld [tilespmem:s13+$0x30]  }
0x3ed: {  	v7 =	vperm.xlane v6, v2;
	v8 =	vmul.f32 v15, v23;
	[tilespmem:s13+$0xFFFFFFB0] =	vst v10;
	v10 =	vld [tilespmem:s13+$0x40]  }
0x3ee: {  	v6 =	vperm.xlane v6, v3;
	v14 =	vmul.f32 v14, v13;
	[tilespmem:s13+$0xFFFFFFC0] =	vst v16;
	v9 =	vld [tilespmem:s13+$0x50]  }
0x3ef: {  	s30 =	simm.s32 $0x3F00;
	s1 =	simm.s32 $0x2;
	s2 =	simm.s32 $0x7D0;
	v15 =	vmul.f32 v63, v13;
	[tilespmem:s13+$0xFFFFFFD0] =	vst v8;
	v13 =	vmul.f32 v17, v62;
	v8 =	vld [tilespmem:s13+$0x60]  }
.LBB2_19:
0x3f0: {  	v16 =	vld [tilespmem:s2+$0x0];
	s15 =	sadd.s32 $0x20, s15;
	[tilespmem:s13+$0xFFFFFFE0] =	vst v14;
	v11 =	vmul.f32 v11, v7  }
0x3f1: {  	s1 =	sadd.s32 $0x2, s1;
	v14 =	vld [tilespmem:s15+$0x0];
	[tilespmem:s13+$0xFFFFFFF0] =	vst v15;
	v12 =	vmul.f32 v12, v7  }
0x3f2: {  	s17 =	sadd.s32 $0x20, s17;
	p0 =	slt.u32 s1, $0x4E;
	v15 =	vld [tilespmem:s15+$0xFFFFFFF0];
	v17 =	vpop (erf);
	[tilespmem:s13+$0x10] =	vst v13;
	v10 =	vmul.f32 v10, v6  }
0x3f3: {  	s13 =	sadd.s32 $0x100, s13;
	v13 =	vld [tilespmem:s2+$0xFFFFFFF0];
	[tilespmem:s17+$0x0] =	vst v17;
	v18 =	vperm.xlane v17, v1;
	v7 =	vperm.xlane v17, v2  }
0x3f4: {  	v9 =	vmul.f32 v9, v6;
	v6 =	vperm.xlane v17, v3;
	v19 =	vld [tilespmem:s13+$0x70];
	v20 =	vpop (erf);
	[tilespmem:s30+$0x20] =	vst v11  }
0x3f5: {  	[tilespmem:s17+$0xFFFFFFF0] =	vst v20;
	v11 =	vperm.xlane v20, v1;
	v21 =	vperm.xlane v20, v2;
	v22 =	vld [tilespmem:s13+$0x0]  }
0x3f6: {  	v23 =	vperm.xlane v20, v3;
	v20 =	vperm.xlane v20, v4;
	v14 =	vadd.f32 v14, v16;
	v16 =	vld [tilespmem:s13+$0xFFFFFF80];
	[tilespmem:s30+$0x30] =	vst v12  }
0x3f7: {  	v8 =	vmul.f32 v8, v5;
	v5 =	vperm.xlane v17, v4;
	v12 =	vld [tilespmem:s13+$0xFFFFFF90];
	[tilespmem:s30+$0x40] =	vst v10  }
0x3f8: {  	v10 =	vadd.f32 v15, v13;
	v13 =	vmul.f32 $2.000000030e-01, v14;
	v15 =	vld [tilespmem:s13+$0xFFFFFFA0];
	[tilespmem:s30+$0x50] =	vst v9  }
0x3f9: {  	v9 =	vld [tilespmem:s13+$0xFFFFFFB0];
	v17 =	vmul.f32 v19, v5;
	[tilespmem:s30+$0x60] =	vst v8;
	s30 =	smov.u32 s13  }
0x3fa: {  	v8 =	vmul.f32 $2.000000030e-01, v10;
	v13 =	vmax.f32 v14, v13;
	v14 =	vld [tilespmem:s13+$0xFFFFFFC0];
	v19 =	vmul.f32 v22, v18  }
0x3fb: {  	v13 =	vmul.f32 $1.442695020e+00, v13;
	v16 =	vmul.f32 v16, v11;
	v22 =	vld [tilespmem:s13+$0xFFFFFFD0];
	[tilespmem:s13+$0x70] =	vst v17  }
0x3fc: {  	v8 =	vmax.f32 v10, v8;
	v10 =	vmul.f32 v12, v11;
	v17 =	vld [tilespmem:s13+$0xFFFFFFE0];
	[tilespmem:s13+$0x0] =	vst v19  }
0x3fd: {  	v8 =	vmul.f32 $1.442695020e+00, v8;
	(erf) = vpow2.f32 v13;
	[tilespmem:s13+$0xFFFFFF80] =	vst v16;
	v13 =	vld [tilespmem:s13+$0xFFFFFFF0]  }
0x3fe: {  	[tilespmem:s13+$0xFFFFFF90] =	vst v10;
	v10 =	vmul.f32 v15, v21;
	v9 =	vmul.f32 v9, v21;
	v16 =	vld [tilespmem:s13+$0x10]  }
.Ltmp8:
0x3ff: {  	(erf) = vpow2.f32 v8;
	v8 =	vmul.f32 v14, v23;
	v11 =	vld [tilespmem:s13+$0x20];
	(pc) =	sbr.rel @p0 .LBB2_19-.Ltmp8, $4  }
0x400: {  	[tilespmem:s13+$0xFFFFFFA0] =	vst v10;
	v19 =	vmul.f32 v22, v23;
	v12 =	vld [tilespmem:s13+$0x30]  }
0x401: {  	[tilespmem:s13+$0xFFFFFFB0] =	vst v9;
	v14 =	vmul.f32 v17, v20;
	v10 =	vld [tilespmem:s13+$0x40]  }
0x402: {  	[tilespmem:s13+$0xFFFFFFC0] =	vst v8;
	v15 =	vmul.f32 v13, v20;
	v9 =	vld [tilespmem:s13+$0x50]  }
0x403: {  	s2 =	sadd.s32 $0x20, s2;
	[tilespmem:s13+$0xFFFFFFD0] =	vst v19;
	v13 =	vmul.f32 v16, v18;
	v8 =	vld [tilespmem:s13+$0x60]  }
0x404: {  	_ = 	snop  }
0x405: {  	[tilespmem:s13+$0xFFFFFFE0] =	vst v14  }
0x406: {  	[tilespmem:s13+$0xFFFFFFF0] =	vst v15;
	s2 =	sadd.s32 $0x20, s17;
	v45 =	vpop (erf)  }
0x407: {  	s1 =	sadd.s32 $0x100, s13;
	[tilespmem:s2+$0x0] =	vst v45  }
0x408: {  	v11 =	vmul.f32 v11, v7;
	[tilespmem:s13+$0x10] =	vst v13;
	v46 =	vld [tilespmem:s1+$0x70];
	v47 =	vpop (erf)  }
0x409: {  	v7 =	vmul.f32 v12, v7;
	v48 =	vld [tilespmem:s1+$0x0];
	[tilespmem:s2+$0xFFFFFFF0] =	vst v47  }
0x40a: {  	v10 =	vmul.f32 v10, v6;
	[tilespmem:s30+$0x20] =	vst v11;
	v49 =	vld [tilespmem:s1+$0xFFFFFF80]  }
0x40b: {  	v6 =	vmul.f32 v9, v6;
	[tilespmem:s30+$0x30] =	vst v7;
	v50 =	vperm.xlane v45, v4;
	v7 =	vld [tilespmem:s1+$0xFFFFFF90]  }
0x40c: {  	v16 =	vperm.xlane v45, v1;
	[tilespmem:s30+$0x40] =	vst v10;
	v5 =	vmul.f32 v8, v5;
	v51 =	vld [tilespmem:s1+$0xFFFFFFA0]  }
0x40d: {  	v52 =	vperm.xlane v47, v1;
	[tilespmem:s30+$0x50] =	vst v6;
	v6 =	vld [tilespmem:s1+$0xFFFFFFB0];
	v13 =	vmul.f32 v46, v50  }
0x40e: {  	[tilespmem:s30+$0x60] =	vst v5;
	v5 =	vld [tilespmem:s1+$0xFFFFFFC0];
	v12 =	vmul.f32 v48, v16  }
0x40f: {  	v17 =	vperm.xlane v47, v2;
	v18 =	vld [tilespmem:s1+$0xFFFFFFD0];
	v11 =	vmul.f32 v49, v52;
	[tilespmem:s1+$0x70] =	vst v13  }
0x410: {  	v53 =	vld [tilespmem:s1+$0xFFFFFFE0];
	v7 =	vmul.f32 v7, v52;
	[tilespmem:s1+$0x0] =	vst v12  }
0x411: {  	v54 =	vperm.xlane v47, v3;
	v55 =	vld [tilespmem:s1+$0xFFFFFFF0];
	v8 =	vmul.f32 v51, v17;
	[tilespmem:s1+$0xFFFFFF80] =	vst v11  }
0x412: {  	v57 =	vld [tilespmem:s1+$0x20];
	v6 =	vmul.f32 v6, v17;
	[tilespmem:s1+$0xFFFFFF90] =	vst v7  }
0x413: {  	v59 =	vld [tilespmem:s1+$0x30];
	v56 =	vperm.xlane v47, v4;
	v5 =	vmul.f32 v5, v54;
	[tilespmem:s1+$0xFFFFFFA0] =	vst v8  }
0x414: {  	v58 =	vmul.f32 v18, v54;
	v7 =	vld [tilespmem:s1+$0x10];
	[tilespmem:s1+$0xFFFFFFB0] =	vst v6  }
0x415: {  	v62 =	vld [tilespmem:s1+$0x60];
	v6 =	vmul.f32 v53, v56;
	[tilespmem:s1+$0xFFFFFFC0] =	vst v5;
	v5 =	vperm.xlane v45, v2  }
0x416: {  	v60 =	vld [tilespmem:s1+$0x40];
	v11 =	vmul.f32 v55, v56;
	[tilespmem:s1+$0xFFFFFFD0] =	vst v58  }
0x417: {  	v61 =	vld [tilespmem:s1+$0x50];
	[tilespmem:s1+$0xFFFFFFE0] =	vst v6;
	v63 =	vmul.f32 v57, v5  }
0x418: {  	[tilespmem:s1+$0xFFFFFFF0] =	vst v11;
	v5 =	vmul.f32 v59, v5  }
0x419: {  	v6 =	vperm.xlane v45, v3;
	[tilespmem:s1+$0x20] =	vst v63;
	v7 =	vmul.f32 v7, v16  }
0x41a: {  	[tilespmem:s1+$0x30] =	vst v5;
	v5 =	vmul.f32 v62, v50  }
0x41b: {  	[tilespmem:s1+$0x10] =	vst v7;
	v7 =	vmul.f32 v60, v6  }
0x41c: {  	[tilespmem:s1+$0x60] =	vst v5;
	v6 =	vmul.f32 v61, v6  }
0x41d: {  	[tilespmem:s1+$0x40] =	vst v7  }
0x41e: {  	[tilespmem:s1+$0x50] =	vst v6  }
0x41f: {  	[spmem:s9] =	stream.indirect.scatter.add.f32 [tilespmem:s22], [sflag:$0x9], $0x10, s31, s8, $0xb8;
	[tilespmem:$0x1D380] =	vst v63  }
0x420: {  	s10 =	sadd.s32 $0x1, s10;
	_ =	swait.ge [sflag:s21], $0x500  }
0x421: {  	p0 =	sne.s32 s10, $0x1F;
	[sflag:s21] =	ssyncset.done $0x0;
	s15 =	rddreg [dreg:$0x1b]  }
0x422: {  	s30 =	simm.s32 $0x3E80;
	[sflag:s21] =	ssyncadd.s32 $0xFFFFFB00;
	s1 =	sadd.s32 s14, s15  }
0x423: {  	[spmem:s3] =	stream.indirect.scatter.add.f32 [tilespmem:s30], [sflag:$0x8], $0x80, s31, s8, $0xb8;
	[tilespmem:$0x1D380] =	vst v63  }
.Ltmp9:
0x424: {  	s1 =	sshrl.u32 s1, $0x3;
	(pc) =	sbr.rel @p0 .LBB2_12-.Ltmp9, $4  }
0x425: {  	s17 =	sadd.s32 s24, s1  }
0x426: {  	[tilespmem:s8], [sflag:$0x2] =	stream.linear.gather [hbm4b:s17+s4], $0x50, $0x38;
	[tilespmem:$0x1D380] =	vst v63  }
0x427: {  	s1 =	sadd.s32 s28, s1  }
0x428: {  	[tilespmem:s11], [sflag:$0x2] =	stream.linear.gather [hbm4b:s1+s4], $0x50, $0x38;
	[tilespmem:$0x1D380] =	vst v63  }
0x429: {  	_ =	swait.ge [sflag:s18], $0x2800  }
0x42a: {  	[sflag:s18] =	ssyncset.done $0x0  }
0x42b: {  	[sflag:s18] =	ssyncadd.s32 $0xFFFFD800  }
0x42c: {  	_ =	swait.ge [sflag:s18], $0x500  }
0x42d: {  	[sflag:s18] =	ssyncset.done $0x0  }
0x42e: {  	[sflag:s18] =	ssyncadd.s32 $0xFFFFFB00  }
0x42f: {  	_ =	swait.ge [sflag:s18], $0x500  }
0x430: {  	[sflag:s18] =	ssyncset.done $0x0  }
0x431: {  	[sflag:s18] =	ssyncadd.s32 $0xFFFFFB00  }
0x432: {  	_ =	swait.ge [sflag:s0], $0x2800  }
0x433: {  	[sflag:s0] =	ssyncset.done $0x0  }
0x434: {  	s1 =	simm.s32 $0x290;
	[sflag:s0] =	ssyncadd.s32 $0xFFFFD800  }
0x435: {  	s2 =	simm.s32 $0xC90;
	v5 =	vld [tilespmem:s1+$0x0]  }
0x436: {  	v6 =	vld [tilespmem:s2+$0x0]  }
0x437: {  	v7 =	vld [tilespmem:s2+$0xFFFFFFF0]  }
0x438: {  	v8 =	vld [tilespmem:s1+$0xFFFFFFF0];
	_ =	sdelay $0x2  }
0x439: {  	v5 =	vadd.f32 v6, v5;
	_ =	sdelay $0x1  }
0x43a: {  	v6 =	vadd.f32 v7, v8;
	v7 =	vmul.f32 $2.000000030e-01, v5;
	_ =	sdelay $0x1  }
0x43b: {  	v8 =	vmul.f32 $2.000000030e-01, v6;
	v5 =	vmax.f32 v5, v7  }
0x43c: {  	v5 =	vmul.f32 $1.442695020e+00, v5  }
0x43d: {  	v6 =	vmax.f32 v6, v8  }
0x43e: {  	v6 =	vmul.f32 $1.442695020e+00, v6;
	(erf) = vpow2.f32 v5;
	_ =	sdelay $0x1  }
0x43f: {  	(erf) = vpow2.f32 v6;
	_ =	sdelay $0x4  }
0x440: {  	s14 =	simm.s32 $0xCB0  }
0x441: {  	v9 =	vld [tilespmem:s14+$0x0]  }
0x442: {  	s17 =	simm.s32 $0x2B0;
	s13 =	simm.s32 $0x6690;
	v10 =	vld [tilespmem:s14+$0xFFFFFFF0];
	v6 =	vpop (erf)  }
0x443: {  	s10 =	simm.s32 $0x1700;
	v8 =	vld [tilespmem:s17+$0x0];
	[tilespmem:s13+$0x0] =	vst v6  }
0x444: {  	v13 =	vpop (erf);
	v12 =	vld [tilespmem:s10+$0x70]  }
0x445: {  	v11 =	vld [tilespmem:s17+$0xFFFFFFF0];
	[tilespmem:s13+$0xFFFFFFF0] =	vst v13  }
0x446: {  	v15 =	vld [tilespmem:s10+$0xFFFFFF80]  }
0x447: {  	v5 =	vperm.xlane v6, v4;
	_ =	sdelay $0x1  }
0x448: {  	v8 =	vadd.f32 v9, v8;
	v14 =	vld [tilespmem:s10+$0x0];
	v19 =	vperm.xlane v13, v1;
	v12 =	vmul.f32 v12, v5  }
0x449: {  	v16 =	vld [tilespmem:s10+$0xFFFFFF90]  }
0x44a: {  	v10 =	vadd.f32 v10, v11;
	v17 =	vld [tilespmem:s10+$0xFFFFFFA0];
	v9 =	vmul.f32 v15, v19;
	[tilespmem:s10+$0x70] =	vst v12;
	v12 =	vmul.f32 $2.000000030e-01, v8  }
0x44b: {  	v20 =	vld [tilespmem:s10+$0xFFFFFFB0]  }
0x44c: {  	v18 =	vperm.xlane v6, v1;
	v21 =	vld [tilespmem:s10+$0xFFFFFFC0];
	[tilespmem:s10+$0xFFFFFF80] =	vst v9;
	v9 =	vmul.f32 $2.000000030e-01, v10;
	v8 =	vmax.f32 v8, v12  }
0x44d: {  	v22 =	vperm.xlane v13, v2;
	v63 =	vld [tilespmem:s10+$0xFFFFFFF0];
	v8 =	vmul.f32 $1.442695020e+00, v8  }
0x44e: {  	v11 =	vmul.f32 v14, v18;
	v15 =	vld [tilespmem:s10+$0xFFFFFFD0];
	v16 =	vmul.f32 v16, v19;
	v9 =	vmax.f32 v10, v9  }
0x44f: {  	v14 =	vld [tilespmem:s10+$0xFFFFFFE0];
	v9 =	vmul.f32 $1.442695020e+00, v9;
	(erf) = vpow2.f32 v8  }
0x450: {  	v23 =	vperm.xlane v13, v3;
	[tilespmem:s10+$0x0] =	vst v11;
	v12 =	vmul.f32 v17, v22;
	v17 =	vld [tilespmem:s10+$0x10]  }
0x451: {  	v11 =	vld [tilespmem:s10+$0x20];
	[tilespmem:s10+$0xFFFFFF90] =	vst v16;
	v10 =	vmul.f32 v20, v22;
	(erf) = vpow2.f32 v9  }
0x452: {  	v13 =	vperm.xlane v13, v4;
	v16 =	vmul.f32 v21, v23;
	[tilespmem:s10+$0xFFFFFFA0] =	vst v12;
	v12 =	vld [tilespmem:s10+$0x30]  }
0x453: {  	v7 =	vperm.xlane v6, v2;
	v8 =	vmul.f32 v15, v23;
	[tilespmem:s10+$0xFFFFFFB0] =	vst v10;
	v10 =	vld [tilespmem:s10+$0x40]  }
0x454: {  	v6 =	vperm.xlane v6, v3;
	v14 =	vmul.f32 v14, v13;
	[tilespmem:s10+$0xFFFFFFC0] =	vst v16;
	v9 =	vld [tilespmem:s10+$0x50]  }
0x455: {  	s15 =	simm.s32 $0x1700;
	s1 =	simm.s32 $0x2;
	s2 =	simm.s32 $0x2D0;
	v15 =	vmul.f32 v63, v13;
	[tilespmem:s10+$0xFFFFFFD0] =	vst v8;
	v13 =	vmul.f32 v17, v18;
	v8 =	vld [tilespmem:s10+$0x60]  }
.LBB2_22:
0x456: {  	v16 =	vld [tilespmem:s2+$0x0];
	s14 =	sadd.s32 $0x20, s14;
	[tilespmem:s10+$0xFFFFFFE0] =	vst v14;
	v11 =	vmul.f32 v11, v7  }
0x457: {  	s1 =	sadd.s32 $0x2, s1;
	v14 =	vld [tilespmem:s14+$0x0];
	[tilespmem:s10+$0xFFFFFFF0] =	vst v15;
	v12 =	vmul.f32 v12, v7  }
0x458: {  	s13 =	sadd.s32 $0x20, s13;
	p0 =	slt.u32 s1, $0x4E;
	v15 =	vld [tilespmem:s14+$0xFFFFFFF0];
	v17 =	vpop (erf);
	[tilespmem:s10+$0x10] =	vst v13;
	v10 =	vmul.f32 v10, v6  }
0x459: {  	s10 =	sadd.s32 $0x100, s10;
	v13 =	vld [tilespmem:s2+$0xFFFFFFF0];
	[tilespmem:s13+$0x0] =	vst v17;
	v18 =	vperm.xlane v17, v1;
	v7 =	vperm.xlane v17, v2  }
0x45a: {  	v9 =	vmul.f32 v9, v6;
	v6 =	vperm.xlane v17, v3;
	v19 =	vld [tilespmem:s10+$0x70];
	v20 =	vpop (erf);
	[tilespmem:s15+$0x20] =	vst v11  }
0x45b: {  	[tilespmem:s13+$0xFFFFFFF0] =	vst v20;
	v11 =	vperm.xlane v20, v1;
	v21 =	vperm.xlane v20, v2;
	v22 =	vld [tilespmem:s10+$0x0]  }
0x45c: {  	v23 =	vperm.xlane v20, v3;
	v20 =	vperm.xlane v20, v4;
	v14 =	vadd.f32 v14, v16;
	v16 =	vld [tilespmem:s10+$0xFFFFFF80];
	[tilespmem:s15+$0x30] =	vst v12  }
0x45d: {  	v8 =	vmul.f32 v8, v5;
	v5 =	vperm.xlane v17, v4;
	v12 =	vld [tilespmem:s10+$0xFFFFFF90];
	[tilespmem:s15+$0x40] =	vst v10  }
0x45e: {  	v10 =	vadd.f32 v15, v13;
	v13 =	vmul.f32 $2.000000030e-01, v14;
	v15 =	vld [tilespmem:s10+$0xFFFFFFA0];
	[tilespmem:s15+$0x50] =	vst v9  }
0x45f: {  	v9 =	vld [tilespmem:s10+$0xFFFFFFB0];
	v17 =	vmul.f32 v19, v5;
	[tilespmem:s15+$0x60] =	vst v8;
	s15 =	smov.u32 s10  }
0x460: {  	v8 =	vmul.f32 $2.000000030e-01, v10;
	v13 =	vmax.f32 v14, v13;
	v14 =	vld [tilespmem:s10+$0xFFFFFFC0];
	v19 =	vmul.f32 v22, v18  }
0x461: {  	v13 =	vmul.f32 $1.442695020e+00, v13;
	v16 =	vmul.f32 v16, v11;
	v22 =	vld [tilespmem:s10+$0xFFFFFFD0];
	[tilespmem:s10+$0x70] =	vst v17  }
0x462: {  	v8 =	vmax.f32 v10, v8;
	v10 =	vmul.f32 v12, v11;
	v17 =	vld [tilespmem:s10+$0xFFFFFFE0];
	[tilespmem:s10+$0x0] =	vst v19  }
0x463: {  	v8 =	vmul.f32 $1.442695020e+00, v8;
	(erf) = vpow2.f32 v13;
	[tilespmem:s10+$0xFFFFFF80] =	vst v16;
	v13 =	vld [tilespmem:s10+$0xFFFFFFF0]  }
0x464: {  	[tilespmem:s10+$0xFFFFFF90] =	vst v10;
	v10 =	vmul.f32 v15, v21;
	v9 =	vmul.f32 v9, v21;
	v16 =	vld [tilespmem:s10+$0x10]  }
.Ltmp10:
0x465: {  	(erf) = vpow2.f32 v8;
	v8 =	vmul.f32 v14, v23;
	v11 =	vld [tilespmem:s10+$0x20];
	(pc) =	sbr.rel @p0 .LBB2_22-.Ltmp10, $4  }
0x466: {  	[tilespmem:s10+$0xFFFFFFA0] =	vst v10;
	v19 =	vmul.f32 v22, v23;
	v12 =	vld [tilespmem:s10+$0x30]  }
0x467: {  	[tilespmem:s10+$0xFFFFFFB0] =	vst v9;
	v14 =	vmul.f32 v17, v20;
	v10 =	vld [tilespmem:s10+$0x40]  }
0x468: {  	[tilespmem:s10+$0xFFFFFFC0] =	vst v8;
	v15 =	vmul.f32 v13, v20;
	v9 =	vld [tilespmem:s10+$0x50]  }
0x469: {  	s2 =	sadd.s32 $0x20, s2;
	[tilespmem:s10+$0xFFFFFFD0] =	vst v19;
	v13 =	vmul.f32 v16, v18;
	v8 =	vld [tilespmem:s10+$0x60]  }
0x46a: {  	_ = 	snop  }
0x46b: {  	[tilespmem:s10+$0xFFFFFFE0] =	vst v14  }
0x46c: {  	[tilespmem:s10+$0xFFFFFFF0] =	vst v15;
	s2 =	sadd.s32 $0x20, s13;
	v45 =	vpop (erf)  }
0x46d: {  	s1 =	sadd.s32 $0x100, s10;
	[tilespmem:s2+$0x0] =	vst v45  }
0x46e: {  	v11 =	vmul.f32 v11, v7;
	[tilespmem:s10+$0x10] =	vst v13;
	v46 =	vld [tilespmem:s1+$0x70];
	v47 =	vpop (erf)  }
0x46f: {  	v7 =	vmul.f32 v12, v7;
	v48 =	vld [tilespmem:s1+$0x0];
	[tilespmem:s2+$0xFFFFFFF0] =	vst v47  }
0x470: {  	v10 =	vmul.f32 v10, v6;
	[tilespmem:s15+$0x20] =	vst v11;
	v49 =	vld [tilespmem:s1+$0xFFFFFF80]  }
0x471: {  	v6 =	vmul.f32 v9, v6;
	[tilespmem:s15+$0x30] =	vst v7;
	v50 =	vperm.xlane v45, v4;
	v7 =	vld [tilespmem:s1+$0xFFFFFF90]  }
0x472: {  	v16 =	vperm.xlane v45, v1;
	[tilespmem:s15+$0x40] =	vst v10;
	v5 =	vmul.f32 v8, v5;
	v51 =	vld [tilespmem:s1+$0xFFFFFFA0]  }
0x473: {  	v52 =	vperm.xlane v47, v1;
	[tilespmem:s15+$0x50] =	vst v6;
	v6 =	vld [tilespmem:s1+$0xFFFFFFB0];
	v13 =	vmul.f32 v46, v50  }
0x474: {  	[tilespmem:s15+$0x60] =	vst v5;
	v5 =	vld [tilespmem:s1+$0xFFFFFFC0];
	v12 =	vmul.f32 v48, v16  }
0x475: {  	v17 =	vperm.xlane v47, v2;
	v18 =	vld [tilespmem:s1+$0xFFFFFFD0];
	v11 =	vmul.f32 v49, v52;
	[tilespmem:s1+$0x70] =	vst v13  }
0x476: {  	v53 =	vld [tilespmem:s1+$0xFFFFFFE0];
	v7 =	vmul.f32 v7, v52;
	[tilespmem:s1+$0x0] =	vst v12  }
0x477: {  	v54 =	vperm.xlane v47, v3;
	v55 =	vld [tilespmem:s1+$0xFFFFFFF0];
	v8 =	vmul.f32 v51, v17;
	[tilespmem:s1+$0xFFFFFF80] =	vst v11  }
0x478: {  	v57 =	vld [tilespmem:s1+$0x20];
	v6 =	vmul.f32 v6, v17;
	[tilespmem:s1+$0xFFFFFF90] =	vst v7  }
0x479: {  	v59 =	vld [tilespmem:s1+$0x30];
	v56 =	vperm.xlane v47, v4;
	v5 =	vmul.f32 v5, v54;
	[tilespmem:s1+$0xFFFFFFA0] =	vst v8  }
0x47a: {  	v58 =	vmul.f32 v18, v54;
	v7 =	vld [tilespmem:s1+$0x10];
	[tilespmem:s1+$0xFFFFFFB0] =	vst v6  }
0x47b: {  	v62 =	vld [tilespmem:s1+$0x60];
	v6 =	vmul.f32 v53, v56;
	[tilespmem:s1+$0xFFFFFFC0] =	vst v5;
	v5 =	vperm.xlane v45, v2  }
0x47c: {  	v60 =	vld [tilespmem:s1+$0x40];
	v11 =	vmul.f32 v55, v56;
	[tilespmem:s1+$0xFFFFFFD0] =	vst v58  }
0x47d: {  	v61 =	vld [tilespmem:s1+$0x50];
	[tilespmem:s1+$0xFFFFFFE0] =	vst v6;
	v63 =	vmul.f32 v57, v5  }
0x47e: {  	[tilespmem:s1+$0xFFFFFFF0] =	vst v11;
	v5 =	vmul.f32 v59, v5  }
0x47f: {  	v6 =	vperm.xlane v45, v3;
	[tilespmem:s1+$0x20] =	vst v63;
	v7 =	vmul.f32 v7, v16  }
0x480: {  	[tilespmem:s1+$0x30] =	vst v5;
	v5 =	vmul.f32 v62, v50  }
0x481: {  	[tilespmem:s1+$0x10] =	vst v7;
	v7 =	vmul.f32 v60, v6  }
0x482: {  	[tilespmem:s1+$0x60] =	vst v5;
	v6 =	vmul.f32 v61, v6  }
0x483: {  	[tilespmem:s1+$0x40] =	vst v7  }
0x484: {  	[tilespmem:s1+$0x50] =	vst v6  }
0x485: {  	[spmem:s9] =	stream.indirect.scatter.add.f32 [tilespmem:s22], [sflag:$0x9], $0x10, s23, s8, $0xb8;
	[tilespmem:$0x1D380] =	vst v63  }
0x486: {  	_ =	swait.ge [sflag:s21], $0x500  }
0x487: {  	[sflag:s21] =	ssyncset.done $0x0  }
0x488: {  	[sflag:s21] =	ssyncadd.s32 $0xFFFFFB00  }
0x489: {  	[spmem:s3] =	stream.indirect.scatter.add.f32 [tilespmem:s20], [sflag:$0x7], $0x80, s23, s8, $0xb8;
	[tilespmem:$0x1D380] =	vst v63  }
0x48a: {  	_ =	swait.ge [sflag:s6], $0x2800  }
0x48b: {  	[sflag:s6] =	ssyncset.done $0x0  }
0x48c: {  	[sflag:s6] =	ssyncadd.s32 $0xFFFFD800  }
0x48d: {  	s13 =	stileid.u32;
	[bflag:$0x0] =	sbarrier.arrive $0xFFFF  }
0x48e: {  	s1 =	sshll.u32 s13, $0x6;
	s15 =	rddreg [dreg:$0x5]  }
0x48f: {  	s1 =	sor.u32 $0x1C09, s1;
	s17 =	rddreg [dreg:$0x10];
	s14 =	sshrl.u32 s15, $0x3  }
0x490: {  	[hbm:s17], [sflag:s1] =	dma.local [spmem:s14], $0x2800  }
0x491: {  	_ =	swait.ge [sflag:s21], $0x2800  }
0x492: {  	[sflag:s21] =	ssyncset.done $0x0;
	s17 =	rddreg [dreg:$0x6]  }
0x493: {  	s14 =	rddreg [dreg:$0x12];
	[sflag:s21] =	ssyncadd.s32 $0xFFFFD800;
	s13 =	sshrl.u32 s17, $0x3  }
0x494: {  	[hbm:s14], [sflag:s1] =	dma.local [spmem:s13], $0x500  }
0x495: {  	_ =	swait.ge [sflag:s21], $0x500  }
0x496: {  	s13 =	sld [smem:$0x7F5];
	_ =	sdelay $0x2  }
0x497: {  	s14 =	rddreg [dreg:$0x1c];
	s2 =	sadd.s32 $0x1, s13  }
0x498: {  	p0 =	sne.s32 s2, s14  }
.Ltmp11:
0x499: {  	_ = 	snop;
	(pc) =	sbr.rel @p0 .LBB2_1-.Ltmp11, $3  }
0x49a: {  	_ =	sdelay $0x1  }
0x49b: {  	[sflag:s21] =	ssyncset.done $0x0  }
0x49c: {  	[sflag:s21] =	ssyncadd.s32 $0xFFFFFB00  }
0x49d: {  	_ =	sfence.sel $0x180000  }
0x49e: {  	[bflag:$0x0] =	sbarrier.arrive $0xFFFF  }
0x49f: {  	_ =	strace $0x90000047  }
0x4a0: {  	s0 =	stileid.u32;
	[bflag:$0x2] =	sbarrier.arrive $0xFFFF  }
0x4a1: {  	p0 =	sne.s32 s0, $0x0;
	s0 =	rddreg [dreg:$0x4]  }
0x4a2: {  	s0 =	sadd.s32 @!p0 $0x100000, s0  }
0x4a3: {  	[sflag:s0] =	ssyncadd.tile.s32 @!p0 $0x1;
	_ =	shalt  }
.Lfunc_end2:
_tile_overlayer_lowered:
.L_overlay_start_2:
0x4a4: {  	(tag) =	ssettag $0x2  }
0x4a5: {  	s0 =	rddreg [dreg:$0x0];
	s2 =	stileid.u32  }
0x4a6: {  	s1 =	rddreg [dreg:$0x1];
	p0 =	sne.s32 s2, $0x0  }
0x4a7: {  	s3 =	rddreg [dreg:$0x2];
	[bflag:$0x3] =	sbarrier.arrive $0xFFFF;
	s2 =	simm.s32 @!p0 $0x1C09  }
0x4a8: {  	[timem:s3], [sflag:s2] =	dma.local @!p0 [hbm:s0], s1  }
0x4a9: {  	s0 =	simm.s32 @!p0 $0x9  }
0x4aa: {  	_ =	swait.ge @!p0 [sflag:s0], s1  }
0x4ab: {  	s1 =	ssub.s32 @!p0 $0x0, s1;
	[sflag:s0] =	ssyncset.done @!p0 $0x0  }
0x4ac: {  	[sflag:s0] =	ssyncadd.s32 @!p0 s1  }
0x4ad: {  	[bflag:$0x3] =	sbarrier.arrive $0xFFFF  }
0x4ae: {  	_ =	shalt  }

</sc_bundles>
